<compile_context>
chip_gen: v7x
topology: tpu7x:2x2x1
jax: 0.10.2.dev20260603
libtpu: 0.0.44.dev20260713+nightly
codegen_flags: <defaults>
</compile_context>

<pallas_src>
import functools

import jax
import jax.numpy as jnp
import numpy as np
from jax import lax
from jax.experimental import pallas as pl
from jax.experimental.pallas import tpu as pltpu
from jax.experimental.pallas import tpu_sc as plsc

_B, _S, _H, _K = 4, 4096, 1024, 1024

_INTERPRET = False

_BS = 1024


def _h_body(x_ref, w1_ref, b1_ref, out_ref, chain):
    x = x_ref[0].astype(jnp.bfloat16)
    w1 = w1_ref[...]
    if chain == 'seq256':
        h = None
        for c in range(_H // 256):
            p = lax.dot_general(x[:, c * 256:(c + 1) * 256],
                                w1[:, c * 256:(c + 1) * 256],
                                (((1,), (1,)), ((), ())),
                                preferred_element_type=jnp.float32)
            h = p if h is None else h + p
    else:
        h = lax.dot_general(x, w1, (((1,), (1,)), ((), ())),
                            preferred_element_type=jnp.float32)
    out_ref[0] = h + b1_ref[...]


def _h_two(x2, W1, b1, chain):
    return pl.pallas_call(
        functools.partial(_h_body, chain=chain),
        grid=(2, _S // _BS),
        in_specs=[
            pl.BlockSpec((1, _BS, _H), lambda b, s: (b, s, 0)),
            pl.BlockSpec((_H, _H), lambda b, s: (0, 0)),
            pl.BlockSpec((1, _H), lambda b, s: (0, 0)),
        ],
        out_specs=pl.BlockSpec((1, _BS, _H), lambda b, s: (b, s, 0)),
        out_shape=jax.ShapeDtypeStruct((2, _S, _H), jnp.float32),
        interpret=_INTERPRET,
    )(x2, W1.astype(jnp.bfloat16), b1.reshape(1, _H))


def _mlp_h(x, W1, b1):
    h02 = _h_two(x[0::2], W1, b1, 'seq256')
    h13 = _h_two(x[1::2], W1, b1, 'single')
    return h02, h13


def _mv_body(g_ref, w2_ref, b2_ref, out_ref):
    g = g_ref[0].astype(jnp.bfloat16)
    w = w2_ref[...].astype(jnp.bfloat16)
    lg = lax.dot_general(g, w, (((1,), (1,)), ((), ())),
                         preferred_element_type=jnp.float32)
    out_ref[0] = lg[:, 0:1] + b2_ref[0, 0]


def _matvec(g, W2, b2):
    nb = g.shape[0]
    w2p = jnp.zeros((8, _H), jnp.float32).at[0].set(W2[0])
    return pl.pallas_call(
        _mv_body,
        grid=(nb, _S // _BS),
        in_specs=[
            pl.BlockSpec((1, _BS, _H), lambda b, s: (b, s, 0)),
            pl.BlockSpec((8, _H), lambda b, s: (0, 0)),
            pl.BlockSpec((1, 1), lambda b, s: (0, 0)),
        ],
        out_specs=pl.BlockSpec((1, _BS, 1), lambda b, s: (b, s, 0)),
        out_shape=jax.ShapeDtypeStruct((nb, _S, 1), jnp.float32),
        interpret=_INTERPRET,
    )(g, w2p, b2.reshape(1, 1))


_IB = 512
_JC = 1024


def _rank_body(a_ref, l_ref, out_ref):
    a = a_ref[0]
    i0 = pl.program_id(1) * _IB
    i_idx = lax.broadcasted_iota(jnp.int32, (_IB, 1), 0) + i0
    cnt = jnp.zeros((_IB, 1), jnp.float32)
    for c in range(_S // _JC):
        lj = l_ref[0, :, c * _JC:(c + 1) * _JC]
        gt = lj > a
        eq = lj == a
        j_idx = lax.broadcasted_iota(jnp.int32, (_IB, _JC), 1) + c * _JC
        pred = gt | (eq & (j_idx < i_idx))
        cnt = cnt + jnp.sum(pred.astype(jnp.float32), axis=1, keepdims=True)
    out_ref[0] = cnt


def _ranks(logits_col, logits_row):
    nb = logits_col.shape[0]
    return pl.pallas_call(
        _rank_body,
        grid=(nb, _S // _IB),
        in_specs=[
            pl.BlockSpec((1, _IB, 1), lambda b, i: (b, i, 0)),
            pl.BlockSpec((1, 1, _S), lambda b, i: (b, 0, 0)),
        ],
        out_specs=pl.BlockSpec((1, _IB, 1), lambda b, i: (b, i, 0)),
        out_shape=jax.ShapeDtypeStruct((nb, _S, 1), jnp.float32),
        interpret=_INTERPRET,
    )(logits_col, logits_row)


_KB = 512


def _extract_body(rk_ref, l_ref, out_ref, off):
    r_col = rk_ref[0]
    b = pl.program_id(0) * 2 + off
    rbase = pl.program_id(1) * _KB
    rvals = (lax.broadcasted_iota(jnp.int32, (_S, _KB), 1) + rbase).astype(jnp.float32)
    onehot = (r_col == rvals).astype(jnp.float32)
    tok = (lax.broadcasted_iota(jnp.int32, (1, _S), 1) + b * _S).astype(jnp.float32)
    A = jnp.concatenate([tok, l_ref[0]], axis=0)
    res = lax.dot_general(A, onehot, (((1,), (0,)), ((), ())),
                          precision=lax.Precision.HIGHEST,
                          preferred_element_type=jnp.float32)
    out_ref[0] = res


def _extract(ranks_col, logits_row, off):
    nb = ranks_col.shape[0]
    return pl.pallas_call(
        functools.partial(_extract_body, off=off),
        grid=(nb, _K // _KB),
        in_specs=[
            pl.BlockSpec((1, _S, 1), lambda b, r: (b, 0, 0)),
            pl.BlockSpec((1, 1, _S), lambda b, r: (b, 0, 0)),
        ],
        out_specs=pl.BlockSpec((1, 2, _KB), lambda b, r: (b, 0, r)),
        out_shape=jax.ShapeDtypeStruct((nb, 2, _K), jnp.float32),
        interpret=_INTERPRET,
    )(ranks_col, logits_row)


_NC, _NS = 2, 16
_NW = _NC * _NS
_RPW = _B * _K // _NW
_CH = 32


def _sc_gather_body(feat_hbm, sel_hbm, w_hbm, out_hbm, idx_v, w_v, rows_v, sem):
    c = lax.axis_index("c")
    s = lax.axis_index("s")
    wid = s * _NC + c
    base = wid * _RPW
    maxidx = _B * _S - 1
    for ci in range(_RPW // _CH):
        r0 = base + ci * _CH
        pltpu.sync_copy(sel_hbm.at[pl.ds(r0, _CH)], idx_v)
        pltpu.sync_copy(w_hbm.at[pl.ds(r0, _CH)], w_v)
        for t in range(_CH // 16):
            sl = pl.ds(t * 16, 16)
            idx_v[sl] = jnp.minimum(jnp.maximum(idx_v[sl], 0), maxidx)
        pltpu.async_copy(feat_hbm.at[idx_v], rows_v, sem).wait()

        def scale_row(r, carry):
            wv = w_v[r]
            for hh in range(_H // 16):
                sl = pl.ds(hh * 16, 16)
                rows_v[r, sl] = rows_v[r, sl] * wv
            return carry

        lax.fori_loop(0, _CH, scale_row, 0)
        pltpu.sync_copy(rows_v, out_hbm.at[pl.ds(r0, _CH)])


def _sc_gather(feat_flat, sel_flat, w_flat):
    mesh = plsc.VectorSubcoreMesh(core_axis_name="c", subcore_axis_name="s")
    w_flat = jnp.broadcast_to(w_flat[:, None], (_B * _K, 16))
    fn = functools.partial(
        pl.kernel,
        out_type=jax.ShapeDtypeStruct((_B * _K, _H), jnp.float32),
        mesh=mesh,
        scratch_types=[
            pltpu.VMEM((_CH,), jnp.int32),
            pltpu.VMEM((_CH, 16), jnp.float32),
            pltpu.VMEM((_CH, _H), jnp.float32),
            pltpu.SemaphoreType.DMA,
        ],
    )(_sc_gather_body)
    return fn(feat_flat, sel_flat, w_flat)


def _logits_all(image_features, W1, b1, W2, b2):
    h02, h13 = _mlp_h(image_features, W1, b1)
    outs = []
    for hh in (h02, h13):
        g = jax.nn.gelu(hh, approximate=False)
        outs.append(_matvec(g, W2, b2))
    return outs


def _selw_pair(logits_col, off):
    logits_row = logits_col.reshape(2, 1, _S)
    ranks_col = _ranks(logits_col, logits_row)
    return _extract(ranks_col, logits_row, off)


def kernel(image_features, W1, b1, W2, b2):
    lc02, lc13 = _logits_all(image_features, W1, b1, W2, b2)
    selw = jnp.stack([_selw_pair(lc02, 0), _selw_pair(lc13, 1)],
                     axis=1).reshape(_B, 2, _K)
    sel = selw[:, 0, :].reshape(_B * _K).astype(jnp.int32)
    w = selw[:, 1, :].reshape(_B * _K)
    feat_flat = image_features.reshape(_B * _S, _H)
    out = _sc_gather(feat_flat, sel, w)
    return out.reshape(_B, _K, _H)

# --- scband reference (transcript-rebuilt; emitter-appended) ---
"""Pipeline reference for scband-mlprouter-31963146617525 (READ-ONLY COPY).

The authoritative reference and input builder live on the scoring server;
editing this copy changes nothing except your own understanding.
"""

import jax, jax.numpy as jnp
import numpy as np

B, S, H = 4, 4096, 1024
TOPK = 1024

def setup_inputs(seed: int = 0) -> dict:
    key = jax.random.key(seed)
    k1, k2, k3, k4, k5 = jax.random.split(key, 5)
    image_features = jax.random.normal(k1, (B, S, H), dtype=jnp.float32)
    # router: Linear(H,H) -> GELU -> Linear(H,1)  (mlp_depth=2)
    W1 = jax.random.normal(k2, (H, H), dtype=jnp.float32) * (1.0 / np.sqrt(H))
    b1 = jax.random.normal(k3, (H,), dtype=jnp.float32) * 0.01
    W2 = jax.random.normal(k4, (1, H), dtype=jnp.float32) * (1.0 / np.sqrt(H))
    b2 = jax.random.normal(k5, (1,), dtype=jnp.float32) * 0.01
    return {"image_features": image_features, "W1": W1, "b1": b1, "W2": W2, "b2": b2}

def reference(image_features, W1, b1, W2, b2):
    # router MLP: x @ W1.T + b1 -> GELU (exact/erf, torch default) -> @ W2.T + b2
    h = jnp.einsum('bsh,oh->bso', image_features, W1) + b1
    h = jax.nn.gelu(h, approximate=False)
    router_logits = (jnp.einsum('bsh,oh->bso', h, W2) + b2).squeeze(-1)  # [B, S]
    routing_weights, selected_tokens = jax.lax.top_k(router_logits, TOPK)  # [B, TOPK]
    routed_output = jnp.take_along_axis(
        image_features, selected_tokens[:, :, None], axis=1)  # [B, TOPK, H]
    routed_output = routed_output * routing_weights[:, :, None]
    return routed_output

if __name__ == "__main__":
    import jax
    _d = setup_inputs()
    print(jax.jit(kernel)(*tuple(_d.values())))

</pallas_src>

<mosaic_0001>
#map = affine_map<(d0, d1) -> (0, 0)>
#map1 = affine_map<(d0, d1) -> (0)>
module attributes {stable_mosaic.version = 14 : i64} {
  func.func @_sc_gather_body(%arg0: i32, %arg1: i32, %arg2: memref<16384x1024xf32, #tpu.memory_space<hbm>>, %arg3: memref<4096xi32, #tpu.memory_space<hbm>>, %arg4: memref<4096x16xf32, #tpu.memory_space<hbm>>, %arg5: memref<4096x1024xf32, #tpu.memory_space<hbm>>, %arg6: memref<32xi32, #tpu.memory_space<vmem>>, %arg7: memref<32x16xf32, #tpu.memory_space<vmem>>, %arg8: memref<32x1024xf32, #tpu.memory_space<vmem>>, %arg9: memref<!tpu.dma_semaphore, #tpu.memory_space<semaphore_mem>>) attributes {dimension_semantics = [#tpu.dimension_semantics<core_parallel>, #tpu.dimension_semantics<subcore_parallel>], iteration_bounds = array<i64: 2, 16>, scalar_prefetch = 0 : i64, scratch_operands = 4 : i64, tpu.core_type = #tpu.core_type<sc_vector_subcore>, window_params = [{transform_indices = #map}, {transform_indices = #map1}, {transform_indices = #map}, {transform_indices = #map}]} {
    %mul3A = arith.constant 2 : i32
    %mul3A_0 = arith.muli %arg1, %mul3A : i32
    %add3A = arith.addi %mul3A_0, %arg0 : i32
    %mul3A_1 = arith.constant 128 : i32
    %mul3A_2 = arith.muli %add3A, %mul3A_1 : i32
    %add3A_3 = arith.constant 0 : i32
    %add3A_4 = arith.addi %mul3A_2, %add3A_3 : i32
    "tpu.region"() ({
      %run_scoped3A = tpu.sem_alloc : memref<!tpu.dma_semaphore, #tpu.memory_space<semaphore_mem>>
      %dma_start3A_156 = tpu.memref_slice %arg3[%add3A_4] : memref<4096xi32, #tpu.memory_space<hbm>> -> memref<32xi32, #tpu.memory_space<hbm>>
      %dma_start3A_157 = tpu.memref_slice %arg3[%add3A_4] : memref<4096xi32, #tpu.memory_space<hbm>> -> memref<32xi32, #tpu.memory_space<hbm>>
      tpu.enqueue_dma source(%dma_start3A_157 : memref<32xi32, #tpu.memory_space<hbm>>) target(%arg6 : memref<32xi32, #tpu.memory_space<vmem>>) target_semaphore(%run_scoped3A : memref<!tpu.dma_semaphore, #tpu.memory_space<semaphore_mem>>)
      %dma_wait3A_158 = tpu.memref_slice %arg3[%add3A_4] : memref<4096xi32, #tpu.memory_space<hbm>> -> memref<32xi32, #tpu.memory_space<hbm>>
      %dma_wait3A_159 = tpu.memref_slice %arg3[%add3A_4] : memref<4096xi32, #tpu.memory_space<hbm>> -> memref<32xi32, #tpu.memory_space<hbm>>
      tpu.wait_dma2 semaphore(%run_scoped3A : memref<!tpu.dma_semaphore, #tpu.memory_space<semaphore_mem>>) src(%dma_wait3A_159 : memref<32xi32, #tpu.memory_space<hbm>>) dst(%arg6 : memref<32xi32, #tpu.memory_space<vmem>>)
      tpu.yield
    }) : () -> ()
    "tpu.region"() ({
      %run_scoped3A = tpu.sem_alloc : memref<!tpu.dma_semaphore, #tpu.memory_space<semaphore_mem>>
      %dma_start3A_156 = arith.constant 0 : i32
      %dma_start3A_157 = tpu.memref_slice %arg4[%add3A_4, %dma_start3A_156] : memref<4096x16xf32, #tpu.memory_space<hbm>> -> memref<32x16xf32, #tpu.memory_space<hbm>>
      %dma_start3A_158 = arith.constant 0 : i32
      %dma_start3A_159 = tpu.memref_slice %arg4[%add3A_4, %dma_start3A_158] : memref<4096x16xf32, #tpu.memory_space<hbm>> -> memref<32x16xf32, #tpu.memory_space<hbm>>
      tpu.enqueue_dma source(%dma_start3A_159 : memref<32x16xf32, #tpu.memory_space<hbm>>) target(%arg7 : memref<32x16xf32, #tpu.memory_space<vmem>>) target_semaphore(%run_scoped3A : memref<!tpu.dma_semaphore, #tpu.memory_space<semaphore_mem>>)
      %dma_wait3A_160 = arith.constant 0 : i32
      %dma_wait3A_161 = tpu.memref_slice %arg4[%add3A_4, %dma_wait3A_160] : memref<4096x16xf32, #tpu.memory_space<hbm>> -> memref<32x16xf32, #tpu.memory_space<hbm>>
      %dma_wait3A_162 = arith.constant 0 : i32
      %dma_wait3A_163 = tpu.memref_slice %arg4[%add3A_4, %dma_wait3A_162] : memref<4096x16xf32, #tpu.memory_space<hbm>> -> memref<32x16xf32, #tpu.memory_space<hbm>>
      tpu.wait_dma2 semaphore(%run_scoped3A : memref<!tpu.dma_semaphore, #tpu.memory_space<semaphore_mem>>) src(%dma_wait3A_163 : memref<32x16xf32, #tpu.memory_space<hbm>>) dst(%arg7 : memref<32x16xf32, #tpu.memory_space<vmem>>)
      tpu.yield
    }) : () -> ()
    %get3A = arith.constant 0 : index
    %get3A_5 = tpu.vector_load %arg6[%get3A] {strides = array<i32>} : memref<32xi32, #tpu.memory_space<vmem>>, vector<16xi32>,
    %get3A_6 = vector.shape_cast %get3A_5 : vector<16xi32> to vector<16xi32>
    %max3A = arith.constant 0 : i32
    %max3A_7 = vector.broadcast %max3A : i32 to vector<16xi32>
    %max3A_8 = arith.maxsi %get3A_6, %max3A_7 : vector<16xi32>
    %min3A = arith.constant 16383 : i32
    %min3A_9 = vector.broadcast %min3A : i32 to vector<16xi32>
    %min3A_10 = arith.minsi %max3A_8, %min3A_9 : vector<16xi32>
    %swap3A = arith.constant 0 : index
    %swap3A_11 = tpu.vector_load %arg6[%swap3A] {strides = array<i32>} : memref<32xi32, #tpu.memory_space<vmem>>, vector<16xi32>,
    %swap3A_12 = vector.shape_cast %swap3A_11 : vector<16xi32> to vector<16xi32>
    %swap3A_13 = vector.shape_cast %min3A_10 : vector<16xi32> to vector<16xi32>
    tpu.vector_store %arg6[%swap3A], %swap3A_13 {strides = array<i32>} : memref<32xi32, #tpu.memory_space<vmem>>, vector<16xi32>,
    %get3A_14 = arith.constant 16 : index
    %get3A_15 = tpu.vector_load %arg6[%get3A_14] {strides = array<i32>} : memref<32xi32, #tpu.memory_space<vmem>>, vector<16xi32>,
    %get3A_16 = vector.shape_cast %get3A_15 : vector<16xi32> to vector<16xi32>
    %max3A_17 = arith.constant 0 : i32
    %max3A_18 = vector.broadcast %max3A_17 : i32 to vector<16xi32>
    %max3A_19 = arith.maxsi %get3A_16, %max3A_18 : vector<16xi32>
    %min3A_20 = arith.constant 16383 : i32
    %min3A_21 = vector.broadcast %min3A_20 : i32 to vector<16xi32>
    %min3A_22 = arith.minsi %max3A_19, %min3A_21 : vector<16xi32>
    %swap3A_23 = arith.constant 16 : index
    %swap3A_24 = tpu.vector_load %arg6[%swap3A_23] {strides = array<i32>} : memref<32xi32, #tpu.memory_space<vmem>>, vector<16xi32>,
    %swap3A_25 = vector.shape_cast %swap3A_24 : vector<16xi32> to vector<16xi32>
    %swap3A_26 = vector.shape_cast %min3A_22 : vector<16xi32> to vector<16xi32>
    tpu.vector_store %arg6[%swap3A_23], %swap3A_26 {strides = array<i32>} : memref<32xi32, #tpu.memory_space<vmem>>, vector<16xi32>,
    %dma_start3A = arith.constant 0 : i32
    %dma_start3A_27 = arith.constant 0 : i32
    %dma_start3A_28 = tpu.memref_slice %arg2[%dma_start3A, %dma_start3A_27] : memref<16384x1024xf32, #tpu.memory_space<hbm>> -> memref<16384x1024xf32, #tpu.memory_space<hbm>>
    tpu.enqueue_indirect_dma source(%dma_start3A_28 : memref<16384x1024xf32, #tpu.memory_space<hbm>>) target(%arg8 : memref<32x1024xf32, #tpu.memory_space<vmem>>) offsets(%arg6 : memref<32xi32, #tpu.memory_space<vmem>>) semaphore(%arg9 : memref<!tpu.dma_semaphore, #tpu.memory_space<semaphore_mem>>)
    %dma_wait3A = arith.constant 0 : i32
    %dma_wait3A_29 = arith.constant 0 : i32
    %dma_wait3A_30 = tpu.memref_slice %arg2[%dma_wait3A, %dma_wait3A_29] : memref<16384x1024xf32, #tpu.memory_space<hbm>> -> memref<16384x1024xf32, #tpu.memory_space<hbm>>
    tpu.wait_indirect_dma semaphore(%arg9 : memref<!tpu.dma_semaphore, #tpu.memory_space<semaphore_mem>>) src(%dma_wait3A_30 : memref<16384x1024xf32, #tpu.memory_space<hbm>>) dst(%arg8 : memref<32x1024xf32, #tpu.memory_space<vmem>>)
    %scan3A = arith.constant 0 : i32
    %scan3A_31 = arith.constant 0 : i32
    %scan3A_32 = arith.constant 32 : i32
    %scan3A_33 = arith.addi %scan3A_31, %scan3A_32 : i32
    %scan3A_34 = arith.constant 1 : i32
    scf.for %scan3A_156 = %scan3A_31 to %scan3A_33 step %scan3A_34  : i32 {
      %get3A_157 = arith.index_cast %scan3A_156 : i32 to index
      %get3A_158 = arith.constant 0 : index
      %get3A_159 = tpu.vector_load %arg7[%get3A_157, %get3A_158] {strides = array<i32>} : memref<32x16xf32, #tpu.memory_space<vmem>>, vector<1x16xf32>,
      %get3A_160 = vector.shape_cast %get3A_159 : vector<1x16xf32> to vector<16xf32>
      %get3A_161 = arith.index_cast %scan3A_156 : i32 to index
      %get3A_162 = arith.constant 0 : index
      %get3A_163 = tpu.vector_load %arg8[%get3A_161, %get3A_162] {strides = array<i32>} : memref<32x1024xf32, #tpu.memory_space<vmem>>, vector<1x16xf32>,
      %get3A_164 = vector.shape_cast %get3A_163 : vector<1x16xf32> to vector<16xf32>
      %mul3A_165 = arith.mulf %get3A_164, %get3A_160 : vector<16xf32>
      %swap3A_166 = arith.index_cast %scan3A_156 : i32 to index
      %swap3A_167 = arith.constant 0 : index
      %swap3A_168 = tpu.vector_load %arg8[%swap3A_166, %swap3A_167] {strides = array<i32>} : memref<32x1024xf32, #tpu.memory_space<vmem>>, vector<1x16xf32>,
      %swap3A_169 = vector.shape_cast %swap3A_168 : vector<1x16xf32> to vector<16xf32>
      %swap3A_170 = vector.shape_cast %mul3A_165 : vector<16xf32> to vector<1x16xf32>
      tpu.vector_store %arg8[%swap3A_166, %swap3A_167], %swap3A_170 {strides = array<i32>} : memref<32x1024xf32, #tpu.memory_space<vmem>>, vector<1x16xf32>,
      %get3A_171 = arith.index_cast %scan3A_156 : i32 to index
      %get3A_172 = arith.constant 16 : index
      %get3A_173 = tpu.vector_load %arg8[%get3A_171, %get3A_172] {strides = array<i32>} : memref<32x1024xf32, #tpu.memory_space<vmem>>, vector<1x16xf32>,
      %get3A_174 = vector.shape_cast %get3A_173 : vector<1x16xf32> to vector<16xf32>
      %mul3A_175 = arith.mulf %get3A_174, %get3A_160 : vector<16xf32>
      %swap3A_176 = arith.index_cast %scan3A_156 : i32 to index
      %swap3A_177 = arith.constant 16 : index
      %swap3A_178 = tpu.vector_load %arg8[%swap3A_176, %swap3A_177] {strides = array<i32>} : memref<32x1024xf32, #tpu.memory_space<vmem>>, vector<1x16xf32>,
      %swap3A_179 = vector.shape_cast %swap3A_178 : vector<1x16xf32> to vector<16xf32>
      %swap3A_180 = vector.shape_cast %mul3A_175 : vector<16xf32> to vector<1x16xf32>
      tpu.vector_store %arg8[%swap3A_176, %swap3A_177], %swap3A_180 {strides = array<i32>} : memref<32x1024xf32, #tpu.memory_space<vmem>>, vector<1x16xf32>,
      %get3A_181 = arith.index_cast %scan3A_156 : i32 to index
      %get3A_182 = arith.constant 32 : index
      %get3A_183 = tpu.vector_load %arg8[%get3A_181, %get3A_182] {strides = array<i32>} : memref<32x1024xf32, #tpu.memory_space<vmem>>, vector<1x16xf32>,
      %get3A_184 = vector.shape_cast %get3A_183 : vector<1x16xf32> to vector<16xf32>
      %mul3A_185 = arith.mulf %get3A_184, %get3A_160 : vector<16xf32>
      %swap3A_186 = arith.index_cast %scan3A_156 : i32 to index
      %swap3A_187 = arith.constant 32 : index
      %swap3A_188 = tpu.vector_load %arg8[%swap3A_186, %swap3A_187] {strides = array<i32>} : memref<32x1024xf32, #tpu.memory_space<vmem>>, vector<1x16xf32>,
      %swap3A_189 = vector.shape_cast %swap3A_188 : vector<1x16xf32> to vector<16xf32>
      %swap3A_190 = vector.shape_cast %mul3A_185 : vector<16xf32> to vector<1x16xf32>
      tpu.vector_store %arg8[%swap3A_186, %swap3A_187], %swap3A_190 {strides = array<i32>} : memref<32x1024xf32, #tpu.memory_space<vmem>>, vector<1x16xf32>,
      %get3A_191 = arith.index_cast %scan3A_156 : i32 to index
      %get3A_192 = arith.constant 48 : index
      %get3A_193 = tpu.vector_load %arg8[%get3A_191, %get3A_192] {strides = array<i32>} : memref<32x1024xf32, #tpu.memory_space<vmem>>, vector<1x16xf32>,
      %get3A_194 = vector.shape_cast %get3A_193 : vector<1x16xf32> to vector<16xf32>
      %mul3A_195 = arith.mulf %get3A_194, %get3A_160 : vector<16xf32>
      %swap3A_196 = arith.index_cast %scan3A_156 : i32 to index
      %swap3A_197 = arith.constant 48 : index
      %swap3A_198 = tpu.vector_load %arg8[%swap3A_196, %swap3A_197] {strides = array<i32>} : memref<32x1024xf32, #tpu.memory_space<vmem>>, vector<1x16xf32>,
      %swap3A_199 = vector.shape_cast %swap3A_198 : vector<1x16xf32> to vector<16xf32>
      %swap3A_200 = vector.shape_cast %mul3A_195 : vector<16xf32> to vector<1x16xf32>
      tpu.vector_store %arg8[%swap3A_196, %swap3A_197], %swap3A_200 {strides = array<i32>} : memref<32x1024xf32, #tpu.memory_space<vmem>>, vector<1x16xf32>,
      %get3A_201 = arith.index_cast %scan3A_156 : i32 to index
      %get3A_202 = arith.constant 64 : index
      %get3A_203 = tpu.vector_load %arg8[%get3A_201, %get3A_202] {strides = array<i32>} : memref<32x1024xf32, #tpu.memory_space<vmem>>, vector<1x16xf32>,
      %get3A_204 = vector.shape_cast %get3A_203 : vector<1x16xf32> to vector<16xf32>
      %mul3A_205 = arith.mulf %get3A_204, %get3A_160 : vector<16xf32>
      %swap3A_206 = arith.index_cast %scan3A_156 : i32 to index
      %swap3A_207 = arith.constant 64 : index
      %swap3A_208 = tpu.vector_load %arg8[%swap3A_206, %swap3A_207] {strides = array<i32>} : memref<32x1024xf32, #tpu.memory_space<vmem>>, vector<1x16xf32>,
      %swap3A_209 = vector.shape_cast %swap3A_208 : vector<1x16xf32> to vector<16xf32>
      %swap3A_210 = vector.shape_cast %mul3A_205 : vector<16xf32> to vector<1x16xf32>
      tpu.vector_store %arg8[%swap3A_206, %swap3A_207], %swap3A_210 {strides = array<i32>} : memref<32x1024xf32, #tpu.memory_space<vmem>>, vector<1x16xf32>,
      %get3A_211 = arith.index_cast %scan3A_156 : i32 to index
      %get3A_212 = arith.constant 80 : index
      %get3A_213 = tpu.vector_load %arg8[%get3A_211, %get3A_212] {strides = array<i32>} : memref<32x1024xf32, #tpu.memory_space<vmem>>, vector<1x16xf32>,
      %get3A_214 = vector.shape_cast %get3A_213 : vector<1x16xf32> to vector<16xf32>
      %mul3A_215 = arith.mulf %get3A_214, %get3A_160 : vector<16xf32>
      %swap3A_216 = arith.index_cast %scan3A_156 : i32 to index
      %swap3A_217 = arith.constant 80 : index
      %swap3A_218 = tpu.vector_load %arg8[%swap3A_216, %swap3A_217] {strides = array<i32>} : memref<32x1024xf32, #tpu.memory_space<vmem>>, vector<1x16xf32>,
      %swap3A_219 = vector.shape_cast %swap3A_218 : vector<1x16xf32> to vector<16xf32>
      %swap3A_220 = vector.shape_cast %mul3A_215 : vector<16xf32> to vector<1x16xf32>
      tpu.vector_store %arg8[%swap3A_216, %swap3A_217], %swap3A_220 {strides = array<i32>} : memref<32x1024xf32, #tpu.memory_space<vmem>>, vector<1x16xf32>,
      %get3A_221 = arith.index_cast %scan3A_156 : i32 to index
      %get3A_222 = arith.constant 96 : index
      %get3A_223 = tpu.vector_load %arg8[%get3A_221, %get3A_222] {strides = array<i32>} : memref<32x1024xf32, #tpu.memory_space<vmem>>, vector<1x16xf32>,
      %get3A_224 = vector.shape_cast %get3A_223 : vector<1x16xf32> to vector<16xf32>
      %mul3A_225 = arith.mulf %get3A_224, %get3A_160 : vector<16xf32>
      %swap3A_226 = arith.index_cast %scan3A_156 : i32 to index
      %swap3A_227 = arith.constant 96 : index
      %swap3A_228 = tpu.vector_load %arg8[%swap3A_226, %swap3A_227] {strides = array<i32>} : memref<32x1024xf32, #tpu.memory_space<vmem>>, vector<1x16xf32>,
      %swap3A_229 = vector.shape_cast %swap3A_228 : vector<1x16xf32> to vector<16xf32>
      %swap3A_230 = vector.shape_cast %mul3A_225 : vector<16xf32> to vector<1x16xf32>
      tpu.vector_store %arg8[%swap3A_226, %swap3A_227], %swap3A_230 {strides = array<i32>} : memref<32x1024xf32, #tpu.memory_space<vmem>>, vector<1x16xf32>,
      %get3A_231 = arith.index_cast %scan3A_156 : i32 to index
      %get3A_232 = arith.constant 112 : index
      %get3A_233 = tpu.vector_load %arg8[%get3A_231, %get3A_232] {strides = array<i32>} : memref<32x1024xf32, #tpu.memory_space<vmem>>, vector<1x16xf32>,
      %get3A_234 = vector.shape_cast %get3A_233 : vector<1x16xf32> to vector<16xf32>
      %mul3A_235 = arith.mulf %get3A_234, %get3A_160 : vector<16xf32>
      %swap3A_236 = arith.index_cast %scan3A_156 : i32 to index
      %swap3A_237 = arith.constant 112 : index
      %swap3A_238 = tpu.vector_load %arg8[%swap3A_236, %swap3A_237] {strides = array<i32>} : memref<32x1024xf32, #tpu.memory_space<vmem>>, vector<1x16xf32>,
      %swap3A_239 = vector.shape_cast %swap3A_238 : vector<1x16xf32> to vector<16xf32>
      %swap3A_240 = vector.shape_cast %mul3A_235 : vector<16xf32> to vector<1x16xf32>
      tpu.vector_store %arg8[%swap3A_236, %swap3A_237], %swap3A_240 {strides = array<i32>} : memref<32x1024xf32, #tpu.memory_space<vmem>>, vector<1x16xf32>,
      %get3A_241 = arith.index_cast %scan3A_156 : i32 to index
      %get3A_242 = arith.constant 128 : index
      %get3A_243 = tpu.vector_load %arg8[%get3A_241, %get3A_242] {strides = array<i32>} : memref<32x1024xf32, #tpu.memory_space<vmem>>, vector<1x16xf32>,
      %get3A_244 = vector.shape_cast %get3A_243 : vector<1x16xf32> to vector<16xf32>
      %mul3A_245 = arith.mulf %get3A_244, %get3A_160 : vector<16xf32>
      %swap3A_246 = arith.index_cast %scan3A_156 : i32 to index
      %swap3A_247 = arith.constant 128 : index
      %swap3A_248 = tpu.vector_load %arg8[%swap3A_246, %swap3A_247] {strides = array<i32>} : memref<32x1024xf32, #tpu.memory_space<vmem>>, vector<1x16xf32>,
      %swap3A_249 = vector.shape_cast %swap3A_248 : vector<1x16xf32> to vector<16xf32>
      %swap3A_250 = vector.shape_cast %mul3A_245 : vector<16xf32> to vector<1x16xf32>
      tpu.vector_store %arg8[%swap3A_246, %swap3A_247], %swap3A_250 {strides = array<i32>} : memref<32x1024xf32, #tpu.memory_space<vmem>>, vector<1x16xf32>,
      %get3A_251 = arith.index_cast %scan3A_156 : i32 to index
      %get3A_252 = arith.constant 144 : index
      %get3A_253 = tpu.vector_load %arg8[%get3A_251, %get3A_252] {strides = array<i32>} : memref<32x1024xf32, #tpu.memory_space<vmem>>, vector<1x16xf32>,
      %get3A_254 = vector.shape_cast %get3A_253 : vector<1x16xf32> to vector<16xf32>
      %mul3A_255 = arith.mulf %get3A_254, %get3A_160 : vector<16xf32>
      %swap3A_256 = arith.index_cast %scan3A_156 : i32 to index
      %swap3A_257 = arith.constant 144 : index
      %swap3A_258 = tpu.vector_load %arg8[%swap3A_256, %swap3A_257] {strides = array<i32>} : memref<32x1024xf32, #tpu.memory_space<vmem>>, vector<1x16xf32>,
      %swap3A_259 = vector.shape_cast %swap3A_258 : vector<1x16xf32> to vector<16xf32>
      %swap3A_260 = vector.shape_cast %mul3A_255 : vector<16xf32> to vector<1x16xf32>
      tpu.vector_store %arg8[%swap3A_256, %swap3A_257], %swap3A_260 {strides = array<i32>} : memref<32x1024xf32, #tpu.memory_space<vmem>>, vector<1x16xf32>,
      %get3A_261 = arith.index_cast %scan3A_156 : i32 to index
      %get3A_262 = arith.constant 160 : index
      %get3A_263 = tpu.vector_load %arg8[%get3A_261, %get3A_262] {strides = array<i32>} : memref<32x1024xf32, #tpu.memory_space<vmem>>, vector<1x16xf32>,
      %get3A_264 = vector.shape_cast %get3A_263 : vector<1x16xf32> to vector<16xf32>
      %mul3A_265 = arith.mulf %get3A_264, %get3A_160 : vector<16xf32>
      %swap3A_266 = arith.index_cast %scan3A_156 : i32 to index
      %swap3A_267 = arith.constant 160 : index
      %swap3A_268 = tpu.vector_load %arg8[%swap3A_266, %swap3A_267] {strides = array<i32>} : memref<32x1024xf32, #tpu.memory_space<vmem>>, vector<1x16xf32>,
      %swap3A_269 = vector.shape_cast %swap3A_268 : vector<1x16xf32> to vector<16xf32>
      %swap3A_270 = vector.shape_cast %mul3A_265 : vector<16xf32> to vector<1x16xf32>
      tpu.vector_store %arg8[%swap3A_266, %swap3A_267], %swap3A_270 {strides = array<i32>} : memref<32x1024xf32, #tpu.memory_space<vmem>>, vector<1x16xf32>,
      %get3A_271 = arith.index_cast %scan3A_156 : i32 to index
      %get3A_272 = arith.constant 176 : index
      %get3A_273 = tpu.vector_load %arg8[%get3A_271, %get3A_272] {strides = array<i32>} : memref<32x1024xf32, #tpu.memory_space<vmem>>, vector<1x16xf32>,
      %get3A_274 = vector.shape_cast %get3A_273 : vector<1x16xf32> to vector<16xf32>
      %mul3A_275 = arith.mulf %get3A_274, %get3A_160 : vector<16xf32>
      %swap3A_276 = arith.index_cast %scan3A_156 : i32 to index
      %swap3A_277 = arith.constant 176 : index
      %swap3A_278 = tpu.vector_load %arg8[%swap3A_276, %swap3A_277] {strides = array<i32>} : memref<32x1024xf32, #tpu.memory_space<vmem>>, vector<1x16xf32>,
      %swap3A_279 = vector.shape_cast %swap3A_278 : vector<1x16xf32> to vector<16xf32>
      %swap3A_280 = vector.shape_cast %mul3A_275 : vector<16xf32> to vector<1x16xf32>
      tpu.vector_store %arg8[%swap3A_276, %swap3A_277], %swap3A_280 {strides = array<i32>} : memref<32x1024xf32, #tpu.memory_space<vmem>>, vector<1x16xf32>,
      %get3A_281 = arith.index_cast %scan3A_156 : i32 to index
      %get3A_282 = arith.constant 192 : index
      %get3A_283 = tpu.vector_load %arg8[%get3A_281, %get3A_282] {strides = array<i32>} : memref<32x1024xf32, #tpu.memory_space<vmem>>, vector<1x16xf32>,
      %get3A_284 = vector.shape_cast %get3A_283 : vector<1x16xf32> to vector<16xf32>
      %mul3A_285 = arith.mulf %get3A_284, %get3A_160 : vector<16xf32>
      %swap3A_286 = arith.index_cast %scan3A_156 : i32 to index
      %swap3A_287 = arith.constant 192 : index
      %swap3A_288 = tpu.vector_load %arg8[%swap3A_286, %swap3A_287] {strides = array<i32>} : memref<32x1024xf32, #tpu.memory_space<vmem>>, vector<1x16xf32>,
      %swap3A_289 = vector.shape_cast %swap3A_288 : vector<1x16xf32> to vector<16xf32>
      %swap3A_290 = vector.shape_cast %mul3A_285 : vector<16xf32> to vector<1x16xf32>
      tpu.vector_store %arg8[%swap3A_286, %swap3A_287], %swap3A_290 {strides = array<i32>} : memref<32x1024xf32, #tpu.memory_space<vmem>>, vector<1x16xf32>,
      %get3A_291 = arith.index_cast %scan3A_156 : i32 to index
      %get3A_292 = arith.constant 208 : index
      %get3A_293 = tpu.vector_load %arg8[%get3A_291, %get3A_292] {strides = array<i32>} : memref<32x1024xf32, #tpu.memory_space<vmem>>, vector<1x16xf32>,
      %get3A_294 = vector.shape_cast %get3A_293 : vector<1x16xf32> to vector<16xf32>
      %mul3A_295 = arith.mulf %get3A_294, %get3A_160 : vector<16xf32>
      %swap3A_296 = arith.index_cast %scan3A_156 : i32 to index
      %swap3A_297 = arith.constant 208 : index
      %swap3A_298 = tpu.vector_load %arg8[%swap3A_296, %swap3A_297] {strides = array<i32>} : memref<32x1024xf32, #tpu.memory_space<vmem>>, vector<1x16xf32>,
      %swap3A_299 = vector.shape_cast %swap3A_298 : vector<1x16xf32> to vector<16xf32>
      %swap3A_300 = vector.shape_cast %mul3A_295 : vector<16xf32> to vector<1x16xf32>
      tpu.vector_store %arg8[%swap3A_296, %swap3A_297], %swap3A_300 {strides = array<i32>} : memref<32x1024xf32, #tpu.memory_space<vmem>>, vector<1x16xf32>,
      %get3A_301 = arith.index_cast %scan3A_156 : i32 to index
      %get3A_302 = arith.constant 224 : index
      %get3A_303 = tpu.vector_load %arg8[%get3A_301, %get3A_302] {strides = array<i32>} : memref<32x1024xf32, #tpu.memory_space<vmem>>, vector<1x16xf32>,
      %get3A_304 = vector.shape_cast %get3A_303 : vector<1x16xf32> to vector<16xf32>
      %mul3A_305 = arith.mulf %get3A_304, %get3A_160 : vector<16xf32>
      %swap3A_306 = arith.index_cast %scan3A_156 : i32 to index
      %swap3A_307 = arith.constant 224 : index
      %swap3A_308 = tpu.vector_load %arg8[%swap3A_306, %swap3A_307] {strides = array<i32>} : memref<32x1024xf32, #tpu.memory_space<vmem>>, vector<1x16xf32>,
      %swap3A_309 = vector.shape_cast %swap3A_308 : vector<1x16xf32> to vector<16xf32>
      %swap3A_310 = vector.shape_cast %mul3A_305 : vector<16xf32> to vector<1x16xf32>
      tpu.vector_store %arg8[%swap3A_306, %swap3A_307], %swap3A_310 {strides = array<i32>} : memref<32x1024xf32, #tpu.memory_space<vmem>>, vector<1x16xf32>,
      %get3A_311 = arith.index_cast %scan3A_156 : i32 to index
      %get3A_312 = arith.constant 240 : index
      %get3A_313 = tpu.vector_load %arg8[%get3A_311, %get3A_312] {strides = array<i32>} : memref<32x1024xf32, #tpu.memory_space<vmem>>, vector<1x16xf32>,
      %get3A_314 = vector.shape_cast %get3A_313 : vector<1x16xf32> to vector<16xf32>
      %mul3A_315 = arith.mulf %get3A_314, %get3A_160 : vector<16xf32>
      %swap3A_316 = arith.index_cast %scan3A_156 : i32 to index
      %swap3A_317 = arith.constant 240 : index
      %swap3A_318 = tpu.vector_load %arg8[%swap3A_316, %swap3A_317] {strides = array<i32>} : memref<32x1024xf32, #tpu.memory_space<vmem>>, vector<1x16xf32>,
      %swap3A_319 = vector.shape_cast %swap3A_318 : vector<1x16xf32> to vector<16xf32>
      %swap3A_320 = vector.shape_cast %mul3A_315 : vector<16xf32> to vector<1x16xf32>
      tpu.vector_store %arg8[%swap3A_316, %swap3A_317], %swap3A_320 {strides = array<i32>} : memref<32x1024xf32, #tpu.memory_space<vmem>>, vector<1x16xf32>,
      %get3A_321 = arith.index_cast %scan3A_156 : i32 to index
      %get3A_322 = arith.constant 256 : index
      %get3A_323 = tpu.vector_load %arg8[%get3A_321, %get3A_322] {strides = array<i32>} : memref<32x1024xf32, #tpu.memory_space<vmem>>, vector<1x16xf32>,
      %get3A_324 = vector.shape_cast %get3A_323 : vector<1x16xf32> to vector<16xf32>
      %mul3A_325 = arith.mulf %get3A_324, %get3A_160 : vector<16xf32>
      %swap3A_326 = arith.index_cast %scan3A_156 : i32 to index
      %swap3A_327 = arith.constant 256 : index
      %swap3A_328 = tpu.vector_load %arg8[%swap3A_326, %swap3A_327] {strides = array<i32>} : memref<32x1024xf32, #tpu.memory_space<vmem>>, vector<1x16xf32>,
      %swap3A_329 = vector.shape_cast %swap3A_328 : vector<1x16xf32> to vector<16xf32>
      %swap3A_330 = vector.shape_cast %mul3A_325 : vector<16xf32> to vector<1x16xf32>
      tpu.vector_store %arg8[%swap3A_326, %swap3A_327], %swap3A_330 {strides = array<i32>} : memref<32x1024xf32, #tpu.memory_space<vmem>>, vector<1x16xf32>,
      %get3A_331 = arith.index_cast %scan3A_156 : i32 to index
      %get3A_332 = arith.constant 272 : index
      %get3A_333 = tpu.vector_load %arg8[%get3A_331, %get3A_332] {strides = array<i32>} : memref<32x1024xf32, #tpu.memory_space<vmem>>, vector<1x16xf32>,
      %get3A_334 = vector.shape_cast %get3A_333 : vector<1x16xf32> to vector<16xf32>
      %mul3A_335 = arith.mulf %get3A_334, %get3A_160 : vector<16xf32>
      %swap3A_336 = arith.index_cast %scan3A_156 : i32 to index
      %swap3A_337 = arith.constant 272 : index
      %swap3A_338 = tpu.vector_load %arg8[%swap3A_336, %swap3A_337] {strides = array<i32>} : memref<32x1024xf32, #tpu.memory_space<vmem>>, vector<1x16xf32>,
      %swap3A_339 = vector.shape_cast %swap3A_338 : vector<1x16xf32> to vector<16xf32>
      %swap3A_340 = vector.shape_cast %mul3A_335 : vector<16xf32> to vector<1x16xf32>
      tpu.vector_store %arg8[%swap3A_336, %swap3A_337], %swap3A_340 {strides = array<i32>} : memref<32x1024xf32, #tpu.memory_space<vmem>>, vector<1x16xf32>,
      %get3A_341 = arith.index_cast %scan3A_156 : i32 to index
      %get3A_342 = arith.constant 288 : index
      %get3A_343 = tpu.vector_load %arg8[%get3A_341, %get3A_342] {strides = array<i32>} : memref<32x1024xf32, #tpu.memory_space<vmem>>, vector<1x16xf32>,
      %get3A_344 = vector.shape_cast %get3A_343 : vector<1x16xf32> to vector<16xf32>
      %mul3A_345 = arith.mulf %get3A_344, %get3A_160 : vector<16xf32>
      %swap3A_346 = arith.index_cast %scan3A_156 : i32 to index
      %swap3A_347 = arith.constant 288 : index
      %swap3A_348 = tpu.vector_load %arg8[%swap3A_346, %swap3A_347] {strides = array<i32>} : memref<32x1024xf32, #tpu.memory_space<vmem>>, vector<1x16xf32>,
      %swap3A_349 = vector.shape_cast %swap3A_348 : vector<1x16xf32> to vector<16xf32>
      %swap3A_350 = vector.shape_cast %mul3A_345 : vector<16xf32> to vector<1x16xf32>
      tpu.vector_store %arg8[%swap3A_346, %swap3A_347], %swap3A_350 {strides = array<i32>} : memref<32x1024xf32, #tpu.memory_space<vmem>>, vector<1x16xf32>,
      %get3A_351 = arith.index_cast %scan3A_156 : i32 to index
      %get3A_352 = arith.constant 304 : index
      %get3A_353 = tpu.vector_load %arg8[%get3A_351, %get3A_352] {strides = array<i32>} : memref<32x1024xf32, #tpu.memory_space<vmem>>, vector<1x16xf32>,
      %get3A_354 = vector.shape_cast %get3A_353 : vector<1x16xf32> to vector<16xf32>
      %mul3A_355 = arith.mulf %get3A_354, %get3A_160 : vector<16xf32>
      %swap3A_356 = arith.index_cast %scan3A_156 : i32 to index
      %swap3A_357 = arith.constant 304 : index
      %swap3A_358 = tpu.vector_load %arg8[%swap3A_356, %swap3A_357] {strides = array<i32>} : memref<32x1024xf32, #tpu.memory_space<vmem>>, vector<1x16xf32>,
      %swap3A_359 = vector.shape_cast %swap3A_358 : vector<1x16xf32> to vector<16xf32>
      %swap3A_360 = vector.shape_cast %mul3A_355 : vector<16xf32> to vector<1x16xf32>
      tpu.vector_store %arg8[%swap3A_356, %swap3A_357], %swap3A_360 {strides = array<i32>} : memref<32x1024xf32, #tpu.memory_space<vmem>>, vector<1x16xf32>,
      %get3A_361 = arith.index_cast %scan3A_156 : i32 to index
      %get3A_362 = arith.constant 320 : index
      %get3A_363 = tpu.vector_load %arg8[%get3A_361, %get3A_362] {strides = array<i32>} : memref<32x1024xf32, #tpu.memory_space<vmem>>, vector<1x16xf32>,
      %get3A_364 = vector.shape_cast %get3A_363 : vector<1x16xf32> to vector<16xf32>
      %mul3A_365 = arith.mulf %get3A_364, %get3A_160 : vector<16xf32>
      %swap3A_366 = arith.index_cast %scan3A_156 : i32 to index
      %swap3A_367 = arith.constant 320 : index
      %swap3A_368 = tpu.vector_load %arg8[%swap3A_366, %swap3A_367] {strides = array<i32>} : memref<32x1024xf32, #tpu.memory_space<vmem>>, vector<1x16xf32>,
      %swap3A_369 = vector.shape_cast %swap3A_368 : vector<1x16xf32> to vector<16xf32>
      %swap3A_370 = vector.shape_cast %mul3A_365 : vector<16xf32> to vector<1x16xf32>
      tpu.vector_store %arg8[%swap3A_366, %swap3A_367], %swap3A_370 {strides = array<i32>} : memref<32x1024xf32, #tpu.memory_space<vmem>>, vector<1x16xf32>,
      %get3A_371 = arith.index_cast %scan3A_156 : i32 to index
      %get3A_372 = arith.constant 336 : index
      %get3A_373 = tpu.vector_load %arg8[%get3A_371, %get3A_372] {strides = array<i32>} : memref<32x1024xf32, #tpu.memory_space<vmem>>, vector<1x16xf32>,
      %get3A_374 = vector.shape_cast %get3A_373 : vector<1x16xf32> to vector<16xf32>
      %mul3A_375 = arith.mulf %get3A_374, %get3A_160 : vector<16xf32>
      %swap3A_376 = arith.index_cast %scan3A_156 : i32 to index
      %swap3A_377 = arith.constant 336 : index
      %swap3A_378 = tpu.vector_load %arg8[%swap3A_376, %swap3A_377] {strides = array<i32>} : memref<32x1024xf32, #tpu.memory_space<vmem>>, vector<1x16xf32>,
      %swap3A_379 = vector.shape_cast %swap3A_378 : vector<1x16xf32> to vector<16xf32>
      %swap3A_380 = vector.shape_cast %mul3A_375 : vector<16xf32> to vector<1x16xf32>
      tpu.vector_store %arg8[%swap3A_376, %swap3A_377], %swap3A_380 {strides = array<i32>} : memref<32x1024xf32, #tpu.memory_space<vmem>>, vector<1x16xf32>,
      %get3A_381 = arith.index_cast %scan3A_156 : i32 to index
      %get3A_382 = arith.constant 352 : index
      %get3A_383 = tpu.vector_load %arg8[%get3A_381, %get3A_382] {strides = array<i32>} : memref<32x1024xf32, #tpu.memory_space<vmem>>, vector<1x16xf32>,
      %get3A_384 = vector.shape_cast %get3A_383 : vector<1x16xf32> to vector<16xf32>
      %mul3A_385 = arith.mulf %get3A_384, %get3A_160 : vector<16xf32>
      %swap3A_386 = arith.index_cast %scan3A_156 : i32 to index
      %swap3A_387 = arith.constant 352 : index
      %swap3A_388 = tpu.vector_load %arg8[%swap3A_386, %swap3A_387] {strides = array<i32>} : memref<32x1024xf32, #tpu.memory_space<vmem>>, vector<1x16xf32>,
      %swap3A_389 = vector.shape_cast %swap3A_388 : vector<1x16xf32> to vector<16xf32>
      %swap3A_390 = vector.shape_cast %mul3A_385 : vector<16xf32> to vector<1x16xf32>
      tpu.vector_store %arg8[%swap3A_386, %swap3A_387], %swap3A_390 {strides = array<i32>} : memref<32x1024xf32, #tpu.memory_space<vmem>>, vector<1x16xf32>,
      %get3A_391 = arith.index_cast %scan3A_156 : i32 to index
      %get3A_392 = arith.constant 368 : index
      %get3A_393 = tpu.vector_load %arg8[%get3A_391, %get3A_392] {strides = array<i32>} : memref<32x1024xf32, #tpu.memory_space<vmem>>, vector<1x16xf32>,
      %get3A_394 = vector.shape_cast %get3A_393 : vector<1x16xf32> to vector<16xf32>
      %mul3A_395 = arith.mulf %get3A_394, %get3A_160 : vector<16xf32>
      %swap3A_396 = arith.index_cast %scan3A_156 : i32 to index
      %swap3A_397 = arith.constant 368 : index
      %swap3A_398 = tpu.vector_load %arg8[%swap3A_396, %swap3A_397] {strides = array<i32>} : memref<32x1024xf32, #tpu.memory_space<vmem>>, vector<1x16xf32>,
      %swap3A_399 = vector.shape_cast %swap3A_398 : vector<1x16xf32> to vector<16xf32>
      %swap3A_400 = vector.shape_cast %mul3A_395 : vector<16xf32> to vector<1x16xf32>
      tpu.vector_store %arg8[%swap3A_396, %swap3A_397], %swap3A_400 {strides = array<i32>} : memref<32x1024xf32, #tpu.memory_space<vmem>>, vector<1x16xf32>,
      %get3A_401 = arith.index_cast %scan3A_156 : i32 to index
      %get3A_402 = arith.constant 384 : index
      %get3A_403 = tpu.vector_load %arg8[%get3A_401, %get3A_402] {strides = array<i32>} : memref<32x1024xf32, #tpu.memory_space<vmem>>, vector<1x16xf32>,
      %get3A_404 = vector.shape_cast %get3A_403 : vector<1x16xf32> to vector<16xf32>
      %mul3A_405 = arith.mulf %get3A_404, %get3A_160 : vector<16xf32>
      %swap3A_406 = arith.index_cast %scan3A_156 : i32 to index
      %swap3A_407 = arith.constant 384 : index
      %swap3A_408 = tpu.vector_load %arg8[%swap3A_406, %swap3A_407] {strides = array<i32>} : memref<32x1024xf32, #tpu.memory_space<vmem>>, vector<1x16xf32>,
      %swap3A_409 = vector.shape_cast %swap3A_408 : vector<1x16xf32> to vector<16xf32>
      %swap3A_410 = vector.shape_cast %mul3A_405 : vector<16xf32> to vector<1x16xf32>
      tpu.vector_store %arg8[%swap3A_406, %swap3A_407], %swap3A_410 {strides = array<i32>} : memref<32x1024xf32, #tpu.memory_space<vmem>>, vector<1x16xf32>,
      %get3A_411 = arith.index_cast %scan3A_156 : i32 to index
      %get3A_412 = arith.constant 400 : index
      %get3A_413 = tpu.vector_load %arg8[%get3A_411, %get3A_412] {strides = array<i32>} : memref<32x1024xf32, #tpu.memory_space<vmem>>, vector<1x16xf32>,
      %get3A_414 = vector.shape_cast %get3A_413 : vector<1x16xf32> to vector<16xf32>
      %mul3A_415 = arith.mulf %get3A_414, %get3A_160 : vector<16xf32>
      %swap3A_416 = arith.index_cast %scan3A_156 : i32 to index
      %swap3A_417 = arith.constant 400 : index
      %swap3A_418 = tpu.vector_load %arg8[%swap3A_416, %swap3A_417] {strides = array<i32>} : memref<32x1024xf32, #tpu.memory_space<vmem>>, vector<1x16xf32>,
      %swap3A_419 = vector.shape_cast %swap3A_418 : vector<1x16xf32> to vector<16xf32>
      %swap3A_420 = vector.shape_cast %mul3A_415 : vector<16xf32> to vector<1x16xf32>
      tpu.vector_store %arg8[%swap3A_416, %swap3A_417], %swap3A_420 {strides = array<i32>} : memref<32x1024xf32, #tpu.memory_space<vmem>>, vector<1x16xf32>,
      %get3A_421 = arith.index_cast %scan3A_156 : i32 to index
      %get3A_422 = arith.constant 416 : index
      %get3A_423 = tpu.vector_load %arg8[%get3A_421, %get3A_422] {strides = array<i32>} : memref<32x1024xf32, #tpu.memory_space<vmem>>, vector<1x16xf32>,
      %get3A_424 = vector.shape_cast %get3A_423 : vector<1x16xf32> to vector<16xf32>
      %mul3A_425 = arith.mulf %get3A_424, %get3A_160 : vector<16xf32>
      %swap3A_426 = arith.index_cast %scan3A_156 : i32 to index
      %swap3A_427 = arith.constant 416 : index
      %swap3A_428 = tpu.vector_load %arg8[%swap3A_426, %swap3A_427] {strides = array<i32>} : memref<32x1024xf32, #tpu.memory_space<vmem>>, vector<1x16xf32>,
      %swap3A_429 = vector.shape_cast %swap3A_428 : vector<1x16xf32> to vector<16xf32>
      %swap3A_430 = vector.shape_cast %mul3A_425 : vector<16xf32> to vector<1x16xf32>
      tpu.vector_store %arg8[%swap3A_426, %swap3A_427], %swap3A_430 {strides = array<i32>} : memref<32x1024xf32, #tpu.memory_space<vmem>>, vector<1x16xf32>,
      %get3A_431 = arith.index_cast %scan3A_156 : i32 to index
      %get3A_432 = arith.constant 432 : index
      %get3A_433 = tpu.vector_load %arg8[%get3A_431, %get3A_432] {strides = array<i32>} : memref<32x1024xf32, #tpu.memory_space<vmem>>, vector<1x16xf32>,
      %get3A_434 = vector.shape_cast %get3A_433 : vector<1x16xf32> to vector<16xf32>
      %mul3A_435 = arith.mulf %get3A_434, %get3A_160 : vector<16xf32>
      %swap3A_436 = arith.index_cast %scan3A_156 : i32 to index
      %swap3A_437 = arith.constant 432 : index
      %swap3A_438 = tpu.vector_load %arg8[%swap3A_436, %swap3A_437] {strides = array<i32>} : memref<32x1024xf32, #tpu.memory_space<vmem>>, vector<1x16xf32>,
      %swap3A_439 = vector.shape_cast %swap3A_438 : vector<1x16xf32> to vector<16xf32>
      %swap3A_440 = vector.shape_cast %mul3A_435 : vector<16xf32> to vector<1x16xf32>
      tpu.vector_store %arg8[%swap3A_436, %swap3A_437], %swap3A_440 {strides = array<i32>} : memref<32x1024xf32, #tpu.memory_space<vmem>>, vector<1x16xf32>,
      %get3A_441 = arith.index_cast %scan3A_156 : i32 to index
      %get3A_442 = arith.constant 448 : index
      %get3A_443 = tpu.vector_load %arg8[%get3A_441, %get3A_442] {strides = array<i32>} : memref<32x1024xf32, #tpu.memory_space<vmem>>, vector<1x16xf32>,
      %get3A_444 = vector.shape_cast %get3A_443 : vector<1x16xf32> to vector<16xf32>
      %mul3A_445 = arith.mulf %get3A_444, %get3A_160 : vector<16xf32>
      %swap3A_446 = arith.index_cast %scan3A_156 : i32 to index
      %swap3A_447 = arith.constant 448 : index
      %swap3A_448 = tpu.vector_load %arg8[%swap3A_446, %swap3A_447] {strides = array<i32>} : memref<32x1024xf32, #tpu.memory_space<vmem>>, vector<1x16xf32>,
      %swap3A_449 = vector.shape_cast %swap3A_448 : vector<1x16xf32> to vector<16xf32>
      %swap3A_450 = vector.shape_cast %mul3A_445 : vector<16xf32> to vector<1x16xf32>
      tpu.vector_store %arg8[%swap3A_446, %swap3A_447], %swap3A_450 {strides = array<i32>} : memref<32x1024xf32, #tpu.memory_space<vmem>>, vector<1x16xf32>,
      %get3A_451 = arith.index_cast %scan3A_156 : i32 to index
      %get3A_452 = arith.constant 464 : index
      %get3A_453 = tpu.vector_load %arg8[%get3A_451, %get3A_452] {strides = array<i32>} : memref<32x1024xf32, #tpu.memory_space<vmem>>, vector<1x16xf32>,
      %get3A_454 = vector.shape_cast %get3A_453 : vector<1x16xf32> to vector<16xf32>
      %mul3A_455 = arith.mulf %get3A_454, %get3A_160 : vector<16xf32>
      %swap3A_456 = arith.index_cast %scan3A_156 : i32 to index
      %swap3A_457 = arith.constant 464 : index
      %swap3A_458 = tpu.vector_load %arg8[%swap3A_456, %swap3A_457] {strides = array<i32>} : memref<32x1024xf32, #tpu.memory_space<vmem>>, vector<1x16xf32>,
      %swap3A_459 = vector.shape_cast %swap3A_458 : vector<1x16xf32> to vector<16xf32>
      %swap3A_460 = vector.shape_cast %mul3A_455 : vector<16xf32> to vector<1x16xf32>
      tpu.vector_store %arg8[%swap3A_456, %swap3A_457], %swap3A_460 {strides = array<i32>} : memref<32x1024xf32, #tpu.memory_space<vmem>>, vector<1x16xf32>,
      %get3A_461 = arith.index_cast %scan3A_156 : i32 to index
      %get3A_462 = arith.constant 480 : index
      %get3A_463 = tpu.vector_load %arg8[%get3A_461, %get3A_462] {strides = array<i32>} : memref<32x1024xf32, #tpu.memory_space<vmem>>, vector<1x16xf32>,
      %get3A_464 = vector.shape_cast %get3A_463 : vector<1x16xf32> to vector<16xf32>
      %mul3A_465 = arith.mulf %get3A_464, %get3A_160 : vector<16xf32>
      %swap3A_466 = arith.index_cast %scan3A_156 : i32 to index
      %swap3A_467 = arith.constant 480 : index
      %swap3A_468 = tpu.vector_load %arg8[%swap3A_466, %swap3A_467] {strides = array<i32>} : memref<32x1024xf32, #tpu.memory_space<vmem>>, vector<1x16xf32>,
      %swap3A_469 = vector.shape_cast %swap3A_468 : vector<1x16xf32> to vector<16xf32>
      %swap3A_470 = vector.shape_cast %mul3A_465 : vector<16xf32> to vector<1x16xf32>
      tpu.vector_store %arg8[%swap3A_466, %swap3A_467], %swap3A_470 {strides = array<i32>} : memref<32x1024xf32, #tpu.memory_space<vmem>>, vector<1x16xf32>,
      %get3A_471 = arith.index_cast %scan3A_156 : i32 to index
      %get3A_472 = arith.constant 496 : index
      %get3A_473 = tpu.vector_load %arg8[%get3A_471, %get3A_472] {strides = array<i32>} : memref<32x1024xf32, #tpu.memory_space<vmem>>, vector<1x16xf32>,
      %get3A_474 = vector.shape_cast %get3A_473 : vector<1x16xf32> to vector<16xf32>
      %mul3A_475 = arith.mulf %get3A_474, %get3A_160 : vector<16xf32>
      %swap3A_476 = arith.index_cast %scan3A_156 : i32 to index
      %swap3A_477 = arith.constant 496 : index
      %swap3A_478 = tpu.vector_load %arg8[%swap3A_476, %swap3A_477] {strides = array<i32>} : memref<32x1024xf32, #tpu.memory_space<vmem>>, vector<1x16xf32>,
      %swap3A_479 = vector.shape_cast %swap3A_478 : vector<1x16xf32> to vector<16xf32>
      %swap3A_480 = vector.shape_cast %mul3A_475 : vector<16xf32> to vector<1x16xf32>
      tpu.vector_store %arg8[%swap3A_476, %swap3A_477], %swap3A_480 {strides = array<i32>} : memref<32x1024xf32, #tpu.memory_space<vmem>>, vector<1x16xf32>,
      %get3A_481 = arith.index_cast %scan3A_156 : i32 to index
      %get3A_482 = arith.constant 512 : index
      %get3A_483 = tpu.vector_load %arg8[%get3A_481, %get3A_482] {strides = array<i32>} : memref<32x1024xf32, #tpu.memory_space<vmem>>, vector<1x16xf32>,
      %get3A_484 = vector.shape_cast %get3A_483 : vector<1x16xf32> to vector<16xf32>
      %mul3A_485 = arith.mulf %get3A_484, %get3A_160 : vector<16xf32>
      %swap3A_486 = arith.index_cast %scan3A_156 : i32 to index
      %swap3A_487 = arith.constant 512 : index
      %swap3A_488 = tpu.vector_load %arg8[%swap3A_486, %swap3A_487] {strides = array<i32>} : memref<32x1024xf32, #tpu.memory_space<vmem>>, vector<1x16xf32>,
      %swap3A_489 = vector.shape_cast %swap3A_488 : vector<1x16xf32> to vector<16xf32>
      %swap3A_490 = vector.shape_cast %mul3A_485 : vector<16xf32> to vector<1x16xf32>
      tpu.vector_store %arg8[%swap3A_486, %swap3A_487], %swap3A_490 {strides = array<i32>} : memref<32x1024xf32, #tpu.memory_space<vmem>>, vector<1x16xf32>,
      %get3A_491 = arith.index_cast %scan3A_156 : i32 to index
      %get3A_492 = arith.constant 528 : index
      %get3A_493 = tpu.vector_load %arg8[%get3A_491, %get3A_492] {strides = array<i32>} : memref<32x1024xf32, #tpu.memory_space<vmem>>, vector<1x16xf32>,
      %get3A_494 = vector.shape_cast %get3A_493 : vector<1x16xf32> to vector<16xf32>
      %mul3A_495 = arith.mulf %get3A_494, %get3A_160 : vector<16xf32>
      %swap3A_496 = arith.index_cast %scan3A_156 : i32 to index
      %swap3A_497 = arith.constant 528 : index
      %swap3A_498 = tpu.vector_load %arg8[%swap3A_496, %swap3A_497] {strides = array<i32>} : memref<32x1024xf32, #tpu.memory_space<vmem>>, vector<1x16xf32>,
      %swap3A_499 = vector.shape_cast %swap3A_498 : vector<1x16xf32> to vector<16xf32>
      %swap3A_500 = vector.shape_cast %mul3A_495 : vector<16xf32> to vector<1x16xf32>
      tpu.vector_store %arg8[%swap3A_496, %swap3A_497], %swap3A_500 {strides = array<i32>} : memref<32x1024xf32, #tpu.memory_space<vmem>>, vector<1x16xf32>,
      %get3A_501 = arith.index_cast %scan3A_156 : i32 to index
      %get3A_502 = arith.constant 544 : index
      %get3A_503 = tpu.vector_load %arg8[%get3A_501, %get3A_502] {strides = array<i32>} : memref<32x1024xf32, #tpu.memory_space<vmem>>, vector<1x16xf32>,
      %get3A_504 = vector.shape_cast %get3A_503 : vector<1x16xf32> to vector<16xf32>
      %mul3A_505 = arith.mulf %get3A_504, %get3A_160 : vector<16xf32>
      %swap3A_506 = arith.index_cast %scan3A_156 : i32 to index
      %swap3A_507 = arith.constant 544 : index
      %swap3A_508 = tpu.vector_load %arg8[%swap3A_506, %swap3A_507] {strides = array<i32>} : memref<32x1024xf32, #tpu.memory_space<vmem>>, vector<1x16xf32>,
      %swap3A_509 = vector.shape_cast %swap3A_508 : vector<1x16xf32> to vector<16xf32>
      %swap3A_510 = vector.shape_cast %mul3A_505 : vector<16xf32> to vector<1x16xf32>
      tpu.vector_store %arg8[%swap3A_506, %swap3A_507], %swap3A_510 {strides = array<i32>} : memref<32x1024xf32, #tpu.memory_space<vmem>>, vector<1x16xf32>,
      %get3A_511 = arith.index_cast %scan3A_156 : i32 to index
      %get3A_512 = arith.constant 560 : index
      %get3A_513 = tpu.vector_load %arg8[%get3A_511, %get3A_512] {strides = array<i32>} : memref<32x1024xf32, #tpu.memory_space<vmem>>, vector<1x16xf32>,
      %get3A_514 = vector.shape_cast %get3A_513 : vector<1x16xf32> to vector<16xf32>
      %mul3A_515 = arith.mulf %get3A_514, %get3A_160 : vector<16xf32>
      %swap3A_516 = arith.index_cast %scan3A_156 : i32 to index
      %swap3A_517 = arith.constant 560 : index
      %swap3A_518 = tpu.vector_load %arg8[%swap3A_516, %swap3A_517] {strides = array<i32>} : memref<32x1024xf32, #tpu.memory_space<vmem>>, vector<1x16xf32>,
      %swap3A_519 = vector.shape_cast %swap3A_518 : vector<1x16xf32> to vector<16xf32>
      %swap3A_520 = vector.shape_cast %mul3A_515 : vector<16xf32> to vector<1x16xf32>
      tpu.vector_store %arg8[%swap3A_516, %swap3A_517], %swap3A_520 {strides = array<i32>} : memref<32x1024xf32, #tpu.memory_space<vmem>>, vector<1x16xf32>,
      %get3A_521 = arith.index_cast %scan3A_156 : i32 to index
      %get3A_522 = arith.constant 576 : index
      %get3A_523 = tpu.vector_load %arg8[%get3A_521, %get3A_522] {strides = array<i32>} : memref<32x1024xf32, #tpu.memory_space<vmem>>, vector<1x16xf32>,
      %get3A_524 = vector.shape_cast %get3A_523 : vector<1x16xf32> to vector<16xf32>
      %mul3A_525 = arith.mulf %get3A_524, %get3A_160 : vector<16xf32>
      %swap3A_526 = arith.index_cast %scan3A_156 : i32 to index
      %swap3A_527 = arith.constant 576 : index
      %swap3A_528 = tpu.vector_load %arg8[%swap3A_526, %swap3A_527] {strides = array<i32>} : memref<32x1024xf32, #tpu.memory_space<vmem>>, vector<1x16xf32>,
      %swap3A_529 = vector.shape_cast %swap3A_528 : vector<1x16xf32> to vector<16xf32>
      %swap3A_530 = vector.shape_cast %mul3A_525 : vector<16xf32> to vector<1x16xf32>
      tpu.vector_store %arg8[%swap3A_526, %swap3A_527], %swap3A_530 {strides = array<i32>} : memref<32x1024xf32, #tpu.memory_space<vmem>>, vector<1x16xf32>,
      %get3A_531 = arith.index_cast %scan3A_156 : i32 to index
      %get3A_532 = arith.constant 592 : index
      %get3A_533 = tpu.vector_load %arg8[%get3A_531, %get3A_532] {strides = array<i32>} : memref<32x1024xf32, #tpu.memory_space<vmem>>, vector<1x16xf32>,
      %get3A_534 = vector.shape_cast %get3A_533 : vector<1x16xf32> to vector<16xf32>
      %mul3A_535 = arith.mulf %get3A_534, %get3A_160 : vector<16xf32>
      %swap3A_536 = arith.index_cast %scan3A_156 : i32 to index
      %swap3A_537 = arith.constant 592 : index
      %swap3A_538 = tpu.vector_load %arg8[%swap3A_536, %swap3A_537] {strides = array<i32>} : memref<32x1024xf32, #tpu.memory_space<vmem>>, vector<1x16xf32>,
      %swap3A_539 = vector.shape_cast %swap3A_538 : vector<1x16xf32> to vector<16xf32>
      %swap3A_540 = vector.shape_cast %mul3A_535 : vector<16xf32> to vector<1x16xf32>
      tpu.vector_store %arg8[%swap3A_536, %swap3A_537], %swap3A_540 {strides = array<i32>} : memref<32x1024xf32, #tpu.memory_space<vmem>>, vector<1x16xf32>,
      %get3A_541 = arith.index_cast %scan3A_156 : i32 to index
      %get3A_542 = arith.constant 608 : index
      %get3A_543 = tpu.vector_load %arg8[%get3A_541, %get3A_542] {strides = array<i32>} : memref<32x1024xf32, #tpu.memory_space<vmem>>, vector<1x16xf32>,
      %get3A_544 = vector.shape_cast %get3A_543 : vector<1x16xf32> to vector<16xf32>
      %mul3A_545 = arith.mulf %get3A_544, %get3A_160 : vector<16xf32>
      %swap3A_546 = arith.index_cast %scan3A_156 : i32 to index
      %swap3A_547 = arith.constant 608 : index
      %swap3A_548 = tpu.vector_load %arg8[%swap3A_546, %swap3A_547] {strides = array<i32>} : memref<32x1024xf32, #tpu.memory_space<vmem>>, vector<1x16xf32>,
      %swap3A_549 = vector.shape_cast %swap3A_548 : vector<1x16xf32> to vector<16xf32>
      %swap3A_550 = vector.shape_cast %mul3A_545 : vector<16xf32> to vector<1x16xf32>
      tpu.vector_store %arg8[%swap3A_546, %swap3A_547], %swap3A_550 {strides = array<i32>} : memref<32x1024xf32, #tpu.memory_space<vmem>>, vector<1x16xf32>,
      %get3A_551 = arith.index_cast %scan3A_156 : i32 to index
      %get3A_552 = arith.constant 624 : index
      %get3A_553 = tpu.vector_load %arg8[%get3A_551, %get3A_552] {strides = array<i32>} : memref<32x1024xf32, #tpu.memory_space<vmem>>, vector<1x16xf32>,
      %get3A_554 = vector.shape_cast %get3A_553 : vector<1x16xf32> to vector<16xf32>
      %mul3A_555 = arith.mulf %get3A_554, %get3A_160 : vector<16xf32>
      %swap3A_556 = arith.index_cast %scan3A_156 : i32 to index
      %swap3A_557 = arith.constant 624 : index
      %swap3A_558 = tpu.vector_load %arg8[%swap3A_556, %swap3A_557] {strides = array<i32>} : memref<32x1024xf32, #tpu.memory_space<vmem>>, vector<1x16xf32>,
      %swap3A_559 = vector.shape_cast %swap3A_558 : vector<1x16xf32> to vector<16xf32>
      %swap3A_560 = vector.shape_cast %mul3A_555 : vector<16xf32> to vector<1x16xf32>
      tpu.vector_store %arg8[%swap3A_556, %swap3A_557], %swap3A_560 {strides = array<i32>} : memref<32x1024xf32, #tpu.memory_space<vmem>>, vector<1x16xf32>,
      %get3A_561 = arith.index_cast %scan3A_156 : i32 to index
      %get3A_562 = arith.constant 640 : index
      %get3A_563 = tpu.vector_load %arg8[%get3A_561, %get3A_562] {strides = array<i32>} : memref<32x1024xf32, #tpu.memory_space<vmem>>, vector<1x16xf32>,
      %get3A_564 = vector.shape_cast %get3A_563 : vector<1x16xf32> to vector<16xf32>
      %mul3A_565 = arith.mulf %get3A_564, %get3A_160 : vector<16xf32>
      %swap3A_566 = arith.index_cast %scan3A_156 : i32 to index
      %swap3A_567 = arith.constant 640 : index
      %swap3A_568 = tpu.vector_load %arg8[%swap3A_566, %swap3A_567] {strides = array<i32>} : memref<32x1024xf32, #tpu.memory_space<vmem>>, vector<1x16xf32>,
      %swap3A_569 = vector.shape_cast %swap3A_568 : vector<1x16xf32> to vector<16xf32>
      %swap3A_570 = vector.shape_cast %mul3A_565 : vector<16xf32> to vector<1x16xf32>
      tpu.vector_store %arg8[%swap3A_566, %swap3A_567], %swap3A_570 {strides = array<i32>} : memref<32x1024xf32, #tpu.memory_space<vmem>>, vector<1x16xf32>,
      %get3A_571 = arith.index_cast %scan3A_156 : i32 to index
      %get3A_572 = arith.constant 656 : index
      %get3A_573 = tpu.vector_load %arg8[%get3A_571, %get3A_572] {strides = array<i32>} : memref<32x1024xf32, #tpu.memory_space<vmem>>, vector<1x16xf32>,
      %get3A_574 = vector.shape_cast %get3A_573 : vector<1x16xf32> to vector<16xf32>
      %mul3A_575 = arith.mulf %get3A_574, %get3A_160 : vector<16xf32>
      %swap3A_576 = arith.index_cast %scan3A_156 : i32 to index
      %swap3A_577 = arith.constant 656 : index
      %swap3A_578 = tpu.vector_load %arg8[%swap3A_576, %swap3A_577] {strides = array<i32>} : memref<32x1024xf32, #tpu.memory_space<vmem>>, vector<1x16xf32>,
      %swap3A_579 = vector.shape_cast %swap3A_578 : vector<1x16xf32> to vector<16xf32>
      %swap3A_580 = vector.shape_cast %mul3A_575 : vector<16xf32> to vector<1x16xf32>
      tpu.vector_store %arg8[%swap3A_576, %swap3A_577], %swap3A_580 {strides = array<i32>} : memref<32x1024xf32, #tpu.memory_space<vmem>>, vector<1x16xf32>,
      %get3A_581 = arith.index_cast %scan3A_156 : i32 to index
      %get3A_582 = arith.constant 672 : index
      %get3A_583 = tpu.vector_load %arg8[%get3A_581, %get3A_582] {strides = array<i32>} : memref<32x1024xf32, #tpu.memory_space<vmem>>, vector<1x16xf32>,
      %get3A_584 = vector.shape_cast %get3A_583 : vector<1x16xf32> to vector<16xf32>
      %mul3A_585 = arith.mulf %get3A_584, %get3A_160 : vector<16xf32>
      %swap3A_586 = arith.index_cast %scan3A_156 : i32 to index
      %swap3A_587 = arith.constant 672 : index
      %swap3A_588 = tpu.vector_load %arg8[%swap3A_586, %swap3A_587] {strides = array<i32>} : memref<32x1024xf32, #tpu.memory_space<vmem>>, vector<1x16xf32>,
      %swap3A_589 = vector.shape_cast %swap3A_588 : vector<1x16xf32> to vector<16xf32>
      %swap3A_590 = vector.shape_cast %mul3A_585 : vector<16xf32> to vector<1x16xf32>
      tpu.vector_store %arg8[%swap3A_586, %swap3A_587], %swap3A_590 {strides = array<i32>} : memref<32x1024xf32, #tpu.memory_space<vmem>>, vector<1x16xf32>,
      %get3A_591 = arith.index_cast %scan3A_156 : i32 to index
      %get3A_592 = arith.constant 688 : index
      %get3A_593 = tpu.vector_load %arg8[%get3A_591, %get3A_592] {strides = array<i32>} : memref<32x1024xf32, #tpu.memory_space<vmem>>, vector<1x16xf32>,
      %get3A_594 = vector.shape_cast %get3A_593 : vector<1x16xf32> to vector<16xf32>
      %mul3A_595 = arith.mulf %get3A_594, %get3A_160 : vector<16xf32>
      %swap3A_596 = arith.index_cast %scan3A_156 : i32 to index
      %swap3A_597 = arith.constant 688 : index
      %swap3A_598 = tpu.vector_load %arg8[%swap3A_596, %swap3A_597] {strides = array<i32>} : memref<32x1024xf32, #tpu.memory_space<vmem>>, vector<1x16xf32>,
      %swap3A_599 = vector.shape_cast %swap3A_598 : vector<1x16xf32> to vector<16xf32>
      %swap3A_600 = vector.shape_cast %mul3A_595 : vector<16xf32> to vector<1x16xf32>
      tpu.vector_store %arg8[%swap3A_596, %swap3A_597], %swap3A_600 {strides = array<i32>} : memref<32x1024xf32, #tpu.memory_space<vmem>>, vector<1x16xf32>,
      %get3A_601 = arith.index_cast %scan3A_156 : i32 to index
      %get3A_602 = arith.constant 704 : index
      %get3A_603 = tpu.vector_load %arg8[%get3A_601, %get3A_602] {strides = array<i32>} : memref<32x1024xf32, #tpu.memory_space<vmem>>, vector<1x16xf32>,
      %get3A_604 = vector.shape_cast %get3A_603 : vector<1x16xf32> to vector<16xf32>
      %mul3A_605 = arith.mulf %get3A_604, %get3A_160 : vector<16xf32>
      %swap3A_606 = arith.index_cast %scan3A_156 : i32 to index
      %swap3A_607 = arith.constant 704 : index
      %swap3A_608 = tpu.vector_load %arg8[%swap3A_606, %swap3A_607] {strides = array<i32>} : memref<32x1024xf32, #tpu.memory_space<vmem>>, vector<1x16xf32>,
      %swap3A_609 = vector.shape_cast %swap3A_608 : vector<1x16xf32> to vector<16xf32>
      %swap3A_610 = vector.shape_cast %mul3A_605 : vector<16xf32> to vector<1x16xf32>
      tpu.vector_store %arg8[%swap3A_606, %swap3A_607], %swap3A_610 {strides = array<i32>} : memref<32x1024xf32, #tpu.memory_space<vmem>>, vector<1x16xf32>,
      %get3A_611 = arith.index_cast %scan3A_156 : i32 to index
      %get3A_612 = arith.constant 720 : index
      %get3A_613 = tpu.vector_load %arg8[%get3A_611, %get3A_612] {strides = array<i32>} : memref<32x1024xf32, #tpu.memory_space<vmem>>, vector<1x16xf32>,
      %get3A_614 = vector.shape_cast %get3A_613 : vector<1x16xf32> to vector<16xf32>
      %mul3A_615 = arith.mulf %get3A_614, %get3A_160 : vector<16xf32>
      %swap3A_616 = arith.index_cast %scan3A_156 : i32 to index
      %swap3A_617 = arith.constant 720 : index
      %swap3A_618 = tpu.vector_load %arg8[%swap3A_616, %swap3A_617] {strides = array<i32>} : memref<32x1024xf32, #tpu.memory_space<vmem>>, vector<1x16xf32>,
      %swap3A_619 = vector.shape_cast %swap3A_618 : vector<1x16xf32> to vector<16xf32>
      %swap3A_620 = vector.shape_cast %mul3A_615 : vector<16xf32> to vector<1x16xf32>
      tpu.vector_store %arg8[%swap3A_616, %swap3A_617], %swap3A_620 {strides = array<i32>} : memref<32x1024xf32, #tpu.memory_space<vmem>>, vector<1x16xf32>,
      %get3A_621 = arith.index_cast %scan3A_156 : i32 to index
      %get3A_622 = arith.constant 736 : index
      %get3A_623 = tpu.vector_load %arg8[%get3A_621, %get3A_622] {strides = array<i32>} : memref<32x1024xf32, #tpu.memory_space<vmem>>, vector<1x16xf32>,
      %get3A_624 = vector.shape_cast %get3A_623 : vector<1x16xf32> to vector<16xf32>
      %mul3A_625 = arith.mulf %get3A_624, %get3A_160 : vector<16xf32>
      %swap3A_626 = arith.index_cast %scan3A_156 : i32 to index
      %swap3A_627 = arith.constant 736 : index
      %swap3A_628 = tpu.vector_load %arg8[%swap3A_626, %swap3A_627] {strides = array<i32>} : memref<32x1024xf32, #tpu.memory_space<vmem>>, vector<1x16xf32>,
      %swap3A_629 = vector.shape_cast %swap3A_628 : vector<1x16xf32> to vector<16xf32>
      %swap3A_630 = vector.shape_cast %mul3A_625 : vector<16xf32> to vector<1x16xf32>
      tpu.vector_store %arg8[%swap3A_626, %swap3A_627], %swap3A_630 {strides = array<i32>} : memref<32x1024xf32, #tpu.memory_space<vmem>>, vector<1x16xf32>,
      %get3A_631 = arith.index_cast %scan3A_156 : i32 to index
      %get3A_632 = arith.constant 752 : index
      %get3A_633 = tpu.vector_load %arg8[%get3A_631, %get3A_632] {strides = array<i32>} : memref<32x1024xf32, #tpu.memory_space<vmem>>, vector<1x16xf32>,
      %get3A_634 = vector.shape_cast %get3A_633 : vector<1x16xf32> to vector<16xf32>
      %mul3A_635 = arith.mulf %get3A_634, %get3A_160 : vector<16xf32>
      %swap3A_636 = arith.index_cast %scan3A_156 : i32 to index
      %swap3A_637 = arith.constant 752 : index
      %swap3A_638 = tpu.vector_load %arg8[%swap3A_636, %swap3A_637] {strides = array<i32>} : memref<32x1024xf32, #tpu.memory_space<vmem>>, vector<1x16xf32>,
      %swap3A_639 = vector.shape_cast %swap3A_638 : vector<1x16xf32> to vector<16xf32>
      %swap3A_640 = vector.shape_cast %mul3A_635 : vector<16xf32> to vector<1x16xf32>
      tpu.vector_store %arg8[%swap3A_636, %swap3A_637], %swap3A_640 {strides = array<i32>} : memref<32x1024xf32, #tpu.memory_space<vmem>>, vector<1x16xf32>,
      %get3A_641 = arith.index_cast %scan3A_156 : i32 to index
      %get3A_642 = arith.constant 768 : index
      %get3A_643 = tpu.vector_load %arg8[%get3A_641, %get3A_642] {strides = array<i32>} : memref<32x1024xf32, #tpu.memory_space<vmem>>, vector<1x16xf32>,
      %get3A_644 = vector.shape_cast %get3A_643 : vector<1x16xf32> to vector<16xf32>
      %mul3A_645 = arith.mulf %get3A_644, %get3A_160 : vector<16xf32>
      %swap3A_646 = arith.index_cast %scan3A_156 : i32 to index
      %swap3A_647 = arith.constant 768 : index
      %swap3A_648 = tpu.vector_load %arg8[%swap3A_646, %swap3A_647] {strides = array<i32>} : memref<32x1024xf32, #tpu.memory_space<vmem>>, vector<1x16xf32>,
      %swap3A_649 = vector.shape_cast %swap3A_648 : vector<1x16xf32> to vector<16xf32>
      %swap3A_650 = vector.shape_cast %mul3A_645 : vector<16xf32> to vector<1x16xf32>
      tpu.vector_store %arg8[%swap3A_646, %swap3A_647], %swap3A_650 {strides = array<i32>} : memref<32x1024xf32, #tpu.memory_space<vmem>>, vector<1x16xf32>,
      %get3A_651 = arith.index_cast %scan3A_156 : i32 to index
      %get3A_652 = arith.constant 784 : index
      %get3A_653 = tpu.vector_load %arg8[%get3A_651, %get3A_652] {strides = array<i32>} : memref<32x1024xf32, #tpu.memory_space<vmem>>, vector<1x16xf32>,
      %get3A_654 = vector.shape_cast %get3A_653 : vector<1x16xf32> to vector<16xf32>
      %mul3A_655 = arith.mulf %get3A_654, %get3A_160 : vector<16xf32>
      %swap3A_656 = arith.index_cast %scan3A_156 : i32 to index
      %swap3A_657 = arith.constant 784 : index
      %swap3A_658 = tpu.vector_load %arg8[%swap3A_656, %swap3A_657] {strides = array<i32>} : memref<32x1024xf32, #tpu.memory_space<vmem>>, vector<1x16xf32>,
      %swap3A_659 = vector.shape_cast %swap3A_658 : vector<1x16xf32> to vector<16xf32>
      %swap3A_660 = vector.shape_cast %mul3A_655 : vector<16xf32> to vector<1x16xf32>
      tpu.vector_store %arg8[%swap3A_656, %swap3A_657], %swap3A_660 {strides = array<i32>} : memref<32x1024xf32, #tpu.memory_space<vmem>>, vector<1x16xf32>,
      %get3A_661 = arith.index_cast %scan3A_156 : i32 to index
      %get3A_662 = arith.constant 800 : index
      %get3A_663 = tpu.vector_load %arg8[%get3A_661, %get3A_662] {strides = array<i32>} : memref<32x1024xf32, #tpu.memory_space<vmem>>, vector<1x16xf32>,
      %get3A_664 = vector.shape_cast %get3A_663 : vector<1x16xf32> to vector<16xf32>
      %mul3A_665 = arith.mulf %get3A_664, %get3A_160 : vector<16xf32>
      %swap3A_666 = arith.index_cast %scan3A_156 : i32 to index
      %swap3A_667 = arith.constant 800 : index
      %swap3A_668 = tpu.vector_load %arg8[%swap3A_666, %swap3A_667] {strides = array<i32>} : memref<32x1024xf32, #tpu.memory_space<vmem>>, vector<1x16xf32>,
      %swap3A_669 = vector.shape_cast %swap3A_668 : vector<1x16xf32> to vector<16xf32>
      %swap3A_670 = vector.shape_cast %mul3A_665 : vector<16xf32> to vector<1x16xf32>
      tpu.vector_store %arg8[%swap3A_666, %swap3A_667], %swap3A_670 {strides = array<i32>} : memref<32x1024xf32, #tpu.memory_space<vmem>>, vector<1x16xf32>,
      %get3A_671 = arith.index_cast %scan3A_156 : i32 to index
      %get3A_672 = arith.constant 816 : index
      %get3A_673 = tpu.vector_load %arg8[%get3A_671, %get3A_672] {strides = array<i32>} : memref<32x1024xf32, #tpu.memory_space<vmem>>, vector<1x16xf32>,
      %get3A_674 = vector.shape_cast %get3A_673 : vector<1x16xf32> to vector<16xf32>
      %mul3A_675 = arith.mulf %get3A_674, %get3A_160 : vector<16xf32>
      %swap3A_676 = arith.index_cast %scan3A_156 : i32 to index
      %swap3A_677 = arith.constant 816 : index
      %swap3A_678 = tpu.vector_load %arg8[%swap3A_676, %swap3A_677] {strides = array<i32>} : memref<32x1024xf32, #tpu.memory_space<vmem>>, vector<1x16xf32>,
      %swap3A_679 = vector.shape_cast %swap3A_678 : vector<1x16xf32> to vector<16xf32>
      %swap3A_680 = vector.shape_cast %mul3A_675 : vector<16xf32> to vector<1x16xf32>
      tpu.vector_store %arg8[%swap3A_676, %swap3A_677], %swap3A_680 {strides = array<i32>} : memref<32x1024xf32, #tpu.memory_space<vmem>>, vector<1x16xf32>,
      %get3A_681 = arith.index_cast %scan3A_156 : i32 to index
      %get3A_682 = arith.constant 832 : index
      %get3A_683 = tpu.vector_load %arg8[%get3A_681, %get3A_682] {strides = array<i32>} : memref<32x1024xf32, #tpu.memory_space<vmem>>, vector<1x16xf32>,
      %get3A_684 = vector.shape_cast %get3A_683 : vector<1x16xf32> to vector<16xf32>
      %mul3A_685 = arith.mulf %get3A_684, %get3A_160 : vector<16xf32>
      %swap3A_686 = arith.index_cast %scan3A_156 : i32 to index
      %swap3A_687 = arith.constant 832 : index
      %swap3A_688 = tpu.vector_load %arg8[%swap3A_686, %swap3A_687] {strides = array<i32>} : memref<32x1024xf32, #tpu.memory_space<vmem>>, vector<1x16xf32>,
      %swap3A_689 = vector.shape_cast %swap3A_688 : vector<1x16xf32> to vector<16xf32>
      %swap3A_690 = vector.shape_cast %mul3A_685 : vector<16xf32> to vector<1x16xf32>
      tpu.vector_store %arg8[%swap3A_686, %swap3A_687], %swap3A_690 {strides = array<i32>} : memref<32x1024xf32, #tpu.memory_space<vmem>>, vector<1x16xf32>,
      %get3A_691 = arith.index_cast %scan3A_156 : i32 to index
      %get3A_692 = arith.constant 848 : index
      %get3A_693 = tpu.vector_load %arg8[%get3A_691, %get3A_692] {strides = array<i32>} : memref<32x1024xf32, #tpu.memory_space<vmem>>, vector<1x16xf32>,
      %get3A_694 = vector.shape_cast %get3A_693 : vector<1x16xf32> to vector<16xf32>
      %mul3A_695 = arith.mulf %get3A_694, %get3A_160 : vector<16xf32>
      %swap3A_696 = arith.index_cast %scan3A_156 : i32 to index
      %swap3A_697 = arith.constant 848 : index
      %swap3A_698 = tpu.vector_load %arg8[%swap3A_696, %swap3A_697] {strides = array<i32>} : memref<32x1024xf32, #tpu.memory_space<vmem>>, vector<1x16xf32>,
      %swap3A_699 = vector.shape_cast %swap3A_698 : vector<1x16xf32> to vector<16xf32>
      %swap3A_700 = vector.shape_cast %mul3A_695 : vector<16xf32> to vector<1x16xf32>
      tpu.vector_store %arg8[%swap3A_696, %swap3A_697], %swap3A_700 {strides = array<i32>} : memref<32x1024xf32, #tpu.memory_space<vmem>>, vector<1x16xf32>,
      %get3A_701 = arith.index_cast %scan3A_156 : i32 to index
      %get3A_702 = arith.constant 864 : index
      %get3A_703 = tpu.vector_load %arg8[%get3A_701, %get3A_702] {strides = array<i32>} : memref<32x1024xf32, #tpu.memory_space<vmem>>, vector<1x16xf32>,
      %get3A_704 = vector.shape_cast %get3A_703 : vector<1x16xf32> to vector<16xf32>
      %mul3A_705 = arith.mulf %get3A_704, %get3A_160 : vector<16xf32>
      %swap3A_706 = arith.index_cast %scan3A_156 : i32 to index
      %swap3A_707 = arith.constant 864 : index
      %swap3A_708 = tpu.vector_load %arg8[%swap3A_706, %swap3A_707] {strides = array<i32>} : memref<32x1024xf32, #tpu.memory_space<vmem>>, vector<1x16xf32>,
      %swap3A_709 = vector.shape_cast %swap3A_708 : vector<1x16xf32> to vector<16xf32>
      %swap3A_710 = vector.shape_cast %mul3A_705 : vector<16xf32> to vector<1x16xf32>
      tpu.vector_store %arg8[%swap3A_706, %swap3A_707], %swap3A_710 {strides = array<i32>} : memref<32x1024xf32, #tpu.memory_space<vmem>>, vector<1x16xf32>,
      %get3A_711 = arith.index_cast %scan3A_156 : i32 to index
      %get3A_712 = arith.constant 880 : index
      %get3A_713 = tpu.vector_load %arg8[%get3A_711, %get3A_712] {strides = array<i32>} : memref<32x1024xf32, #tpu.memory_space<vmem>>, vector<1x16xf32>,
      %get3A_714 = vector.shape_cast %get3A_713 : vector<1x16xf32> to vector<16xf32>
      %mul3A_715 = arith.mulf %get3A_714, %get3A_160 : vector<16xf32>
      %swap3A_716 = arith.index_cast %scan3A_156 : i32 to index
      %swap3A_717 = arith.constant 880 : index
      %swap3A_718 = tpu.vector_load %arg8[%swap3A_716, %swap3A_717] {strides = array<i32>} : memref<32x1024xf32, #tpu.memory_space<vmem>>, vector<1x16xf32>,
      %swap3A_719 = vector.shape_cast %swap3A_718 : vector<1x16xf32> to vector<16xf32>
      %swap3A_720 = vector.shape_cast %mul3A_715 : vector<16xf32> to vector<1x16xf32>
      tpu.vector_store %arg8[%swap3A_716, %swap3A_717], %swap3A_720 {strides = array<i32>} : memref<32x1024xf32, #tpu.memory_space<vmem>>, vector<1x16xf32>,
      %get3A_721 = arith.index_cast %scan3A_156 : i32 to index
      %get3A_722 = arith.constant 896 : index
      %get3A_723 = tpu.vector_load %arg8[%get3A_721, %get3A_722] {strides = array<i32>} : memref<32x1024xf32, #tpu.memory_space<vmem>>, vector<1x16xf32>,
      %get3A_724 = vector.shape_cast %get3A_723 : vector<1x16xf32> to vector<16xf32>
      %mul3A_725 = arith.mulf %get3A_724, %get3A_160 : vector<16xf32>
      %swap3A_726 = arith.index_cast %scan3A_156 : i32 to index
      %swap3A_727 = arith.constant 896 : index
      %swap3A_728 = tpu.vector_load %arg8[%swap3A_726, %swap3A_727] {strides = array<i32>} : memref<32x1024xf32, #tpu.memory_space<vmem>>, vector<1x16xf32>,
      %swap3A_729 = vector.shape_cast %swap3A_728 : vector<1x16xf32> to vector<16xf32>
      %swap3A_730 = vector.shape_cast %mul3A_725 : vector<16xf32> to vector<1x16xf32>
      tpu.vector_store %arg8[%swap3A_726, %swap3A_727], %swap3A_730 {strides = array<i32>} : memref<32x1024xf32, #tpu.memory_space<vmem>>, vector<1x16xf32>,
      %get3A_731 = arith.index_cast %scan3A_156 : i32 to index
      %get3A_732 = arith.constant 912 : index
      %get3A_733 = tpu.vector_load %arg8[%get3A_731, %get3A_732] {strides = array<i32>} : memref<32x1024xf32, #tpu.memory_space<vmem>>, vector<1x16xf32>,
      %get3A_734 = vector.shape_cast %get3A_733 : vector<1x16xf32> to vector<16xf32>
      %mul3A_735 = arith.mulf %get3A_734, %get3A_160 : vector<16xf32>
      %swap3A_736 = arith.index_cast %scan3A_156 : i32 to index
      %swap3A_737 = arith.constant 912 : index
      %swap3A_738 = tpu.vector_load %arg8[%swap3A_736, %swap3A_737] {strides = array<i32>} : memref<32x1024xf32, #tpu.memory_space<vmem>>, vector<1x16xf32>,
      %swap3A_739 = vector.shape_cast %swap3A_738 : vector<1x16xf32> to vector<16xf32>
      %swap3A_740 = vector.shape_cast %mul3A_735 : vector<16xf32> to vector<1x16xf32>
      tpu.vector_store %arg8[%swap3A_736, %swap3A_737], %swap3A_740 {strides = array<i32>} : memref<32x1024xf32, #tpu.memory_space<vmem>>, vector<1x16xf32>,
      %get3A_741 = arith.index_cast %scan3A_156 : i32 to index
      %get3A_742 = arith.constant 928 : index
      %get3A_743 = tpu.vector_load %arg8[%get3A_741, %get3A_742] {strides = array<i32>} : memref<32x1024xf32, #tpu.memory_space<vmem>>, vector<1x16xf32>,
      %get3A_744 = vector.shape_cast %get3A_743 : vector<1x16xf32> to vector<16xf32>
      %mul3A_745 = arith.mulf %get3A_744, %get3A_160 : vector<16xf32>
      %swap3A_746 = arith.index_cast %scan3A_156 : i32 to index
      %swap3A_747 = arith.constant 928 : index
      %swap3A_748 = tpu.vector_load %arg8[%swap3A_746, %swap3A_747] {strides = array<i32>} : memref<32x1024xf32, #tpu.memory_space<vmem>>, vector<1x16xf32>,
      %swap3A_749 = vector.shape_cast %swap3A_748 : vector<1x16xf32> to vector<16xf32>
      %swap3A_750 = vector.shape_cast %mul3A_745 : vector<16xf32> to vector<1x16xf32>
      tpu.vector_store %arg8[%swap3A_746, %swap3A_747], %swap3A_750 {strides = array<i32>} : memref<32x1024xf32, #tpu.memory_space<vmem>>, vector<1x16xf32>,
      %get3A_751 = arith.index_cast %scan3A_156 : i32 to index
      %get3A_752 = arith.constant 944 : index
      %get3A_753 = tpu.vector_load %arg8[%get3A_751, %get3A_752] {strides = array<i32>} : memref<32x1024xf32, #tpu.memory_space<vmem>>, vector<1x16xf32>,
      %get3A_754 = vector.shape_cast %get3A_753 : vector<1x16xf32> to vector<16xf32>
      %mul3A_755 = arith.mulf %get3A_754, %get3A_160 : vector<16xf32>
      %swap3A_756 = arith.index_cast %scan3A_156 : i32 to index
      %swap3A_757 = arith.constant 944 : index
      %swap3A_758 = tpu.vector_load %arg8[%swap3A_756, %swap3A_757] {strides = array<i32>} : memref<32x1024xf32, #tpu.memory_space<vmem>>, vector<1x16xf32>,
      %swap3A_759 = vector.shape_cast %swap3A_758 : vector<1x16xf32> to vector<16xf32>
      %swap3A_760 = vector.shape_cast %mul3A_755 : vector<16xf32> to vector<1x16xf32>
      tpu.vector_store %arg8[%swap3A_756, %swap3A_757], %swap3A_760 {strides = array<i32>} : memref<32x1024xf32, #tpu.memory_space<vmem>>, vector<1x16xf32>,
      %get3A_761 = arith.index_cast %scan3A_156 : i32 to index
      %get3A_762 = arith.constant 960 : index
      %get3A_763 = tpu.vector_load %arg8[%get3A_761, %get3A_762] {strides = array<i32>} : memref<32x1024xf32, #tpu.memory_space<vmem>>, vector<1x16xf32>,
      %get3A_764 = vector.shape_cast %get3A_763 : vector<1x16xf32> to vector<16xf32>
      %mul3A_765 = arith.mulf %get3A_764, %get3A_160 : vector<16xf32>
      %swap3A_766 = arith.index_cast %scan3A_156 : i32 to index
      %swap3A_767 = arith.constant 960 : index
      %swap3A_768 = tpu.vector_load %arg8[%swap3A_766, %swap3A_767] {strides = array<i32>} : memref<32x1024xf32, #tpu.memory_space<vmem>>, vector<1x16xf32>,
      %swap3A_769 = vector.shape_cast %swap3A_768 : vector<1x16xf32> to vector<16xf32>
      %swap3A_770 = vector.shape_cast %mul3A_765 : vector<16xf32> to vector<1x16xf32>
      tpu.vector_store %arg8[%swap3A_766, %swap3A_767], %swap3A_770 {strides = array<i32>} : memref<32x1024xf32, #tpu.memory_space<vmem>>, vector<1x16xf32>,
      %get3A_771 = arith.index_cast %scan3A_156 : i32 to index
      %get3A_772 = arith.constant 976 : index
      %get3A_773 = tpu.vector_load %arg8[%get3A_771, %get3A_772] {strides = array<i32>} : memref<32x1024xf32, #tpu.memory_space<vmem>>, vector<1x16xf32>,
      %get3A_774 = vector.shape_cast %get3A_773 : vector<1x16xf32> to vector<16xf32>
      %mul3A_775 = arith.mulf %get3A_774, %get3A_160 : vector<16xf32>
      %swap3A_776 = arith.index_cast %scan3A_156 : i32 to index
      %swap3A_777 = arith.constant 976 : index
      %swap3A_778 = tpu.vector_load %arg8[%swap3A_776, %swap3A_777] {strides = array<i32>} : memref<32x1024xf32, #tpu.memory_space<vmem>>, vector<1x16xf32>,
      %swap3A_779 = vector.shape_cast %swap3A_778 : vector<1x16xf32> to vector<16xf32>
      %swap3A_780 = vector.shape_cast %mul3A_775 : vector<16xf32> to vector<1x16xf32>
      tpu.vector_store %arg8[%swap3A_776, %swap3A_777], %swap3A_780 {strides = array<i32>} : memref<32x1024xf32, #tpu.memory_space<vmem>>, vector<1x16xf32>,
      %get3A_781 = arith.index_cast %scan3A_156 : i32 to index
      %get3A_782 = arith.constant 992 : index
      %get3A_783 = tpu.vector_load %arg8[%get3A_781, %get3A_782] {strides = array<i32>} : memref<32x1024xf32, #tpu.memory_space<vmem>>, vector<1x16xf32>,
      %get3A_784 = vector.shape_cast %get3A_783 : vector<1x16xf32> to vector<16xf32>
      %mul3A_785 = arith.mulf %get3A_784, %get3A_160 : vector<16xf32>
      %swap3A_786 = arith.index_cast %scan3A_156 : i32 to index
      %swap3A_787 = arith.constant 992 : index
      %swap3A_788 = tpu.vector_load %arg8[%swap3A_786, %swap3A_787] {strides = array<i32>} : memref<32x1024xf32, #tpu.memory_space<vmem>>, vector<1x16xf32>,
      %swap3A_789 = vector.shape_cast %swap3A_788 : vector<1x16xf32> to vector<16xf32>
      %swap3A_790 = vector.shape_cast %mul3A_785 : vector<16xf32> to vector<1x16xf32>
      tpu.vector_store %arg8[%swap3A_786, %swap3A_787], %swap3A_790 {strides = array<i32>} : memref<32x1024xf32, #tpu.memory_space<vmem>>, vector<1x16xf32>,
      %get3A_791 = arith.index_cast %scan3A_156 : i32 to index
      %get3A_792 = arith.constant 1008 : index
      %get3A_793 = tpu.vector_load %arg8[%get3A_791, %get3A_792] {strides = array<i32>} : memref<32x1024xf32, #tpu.memory_space<vmem>>, vector<1x16xf32>,
      %get3A_794 = vector.shape_cast %get3A_793 : vector<1x16xf32> to vector<16xf32>
      %mul3A_795 = arith.mulf %get3A_794, %get3A_160 : vector<16xf32>
      %swap3A_796 = arith.index_cast %scan3A_156 : i32 to index
      %swap3A_797 = arith.constant 1008 : index
      %swap3A_798 = tpu.vector_load %arg8[%swap3A_796, %swap3A_797] {strides = array<i32>} : memref<32x1024xf32, #tpu.memory_space<vmem>>, vector<1x16xf32>,
      %swap3A_799 = vector.shape_cast %swap3A_798 : vector<1x16xf32> to vector<16xf32>
      %swap3A_800 = vector.shape_cast %mul3A_795 : vector<16xf32> to vector<1x16xf32>
      tpu.vector_store %arg8[%swap3A_796, %swap3A_797], %swap3A_800 {strides = array<i32>} : memref<32x1024xf32, #tpu.memory_space<vmem>>, vector<1x16xf32>,
    }
    %scan3A_35 = arith.constant 32 : i32
    "tpu.region"() ({
      %run_scoped3A = tpu.sem_alloc : memref<!tpu.dma_semaphore, #tpu.memory_space<semaphore_mem>>
      %dma_start3A_156 = arith.constant 0 : i32
      %dma_start3A_157 = tpu.memref_slice %arg5[%add3A_4, %dma_start3A_156] : memref<4096x1024xf32, #tpu.memory_space<hbm>> -> memref<32x1024xf32, #tpu.memory_space<hbm>>
      %dma_start3A_158 = arith.constant 0 : i32
      %dma_start3A_159 = tpu.memref_slice %arg5[%add3A_4, %dma_start3A_158] : memref<4096x1024xf32, #tpu.memory_space<hbm>> -> memref<32x1024xf32, #tpu.memory_space<hbm>>
      tpu.enqueue_dma source(%arg8 : memref<32x1024xf32, #tpu.memory_space<vmem>>) target(%dma_start3A_159 : memref<32x1024xf32, #tpu.memory_space<hbm>>) target_semaphore(%run_scoped3A : memref<!tpu.dma_semaphore, #tpu.memory_space<semaphore_mem>>)
      %dma_wait3A_160 = arith.constant 0 : i32
      %dma_wait3A_161 = tpu.memref_slice %arg5[%add3A_4, %dma_wait3A_160] : memref<4096x1024xf32, #tpu.memory_space<hbm>> -> memref<32x1024xf32, #tpu.memory_space<hbm>>
      %dma_wait3A_162 = arith.constant 0 : i32
      %dma_wait3A_163 = tpu.memref_slice %arg5[%add3A_4, %dma_wait3A_162] : memref<4096x1024xf32, #tpu.memory_space<hbm>> -> memref<32x1024xf32, #tpu.memory_space<hbm>>
      tpu.wait_dma2 semaphore(%run_scoped3A : memref<!tpu.dma_semaphore, #tpu.memory_space<semaphore_mem>>) src(%arg8 : memref<32x1024xf32, #tpu.memory_space<vmem>>) dst(%dma_wait3A_163 : memref<32x1024xf32, #tpu.memory_space<hbm>>)
      tpu.yield
    }) : () -> ()
    %add3A_36 = arith.constant 32 : i32
    %add3A_37 = arith.addi %mul3A_2, %add3A_36 : i32
    "tpu.region"() ({
      %run_scoped3A = tpu.sem_alloc : memref<!tpu.dma_semaphore, #tpu.memory_space<semaphore_mem>>
      %dma_start3A_156 = tpu.memref_slice %arg3[%add3A_37] : memref<4096xi32, #tpu.memory_space<hbm>> -> memref<32xi32, #tpu.memory_space<hbm>>
      %dma_start3A_157 = tpu.memref_slice %arg3[%add3A_37] : memref<4096xi32, #tpu.memory_space<hbm>> -> memref<32xi32, #tpu.memory_space<hbm>>
      tpu.enqueue_dma source(%dma_start3A_157 : memref<32xi32, #tpu.memory_space<hbm>>) target(%arg6 : memref<32xi32, #tpu.memory_space<vmem>>) target_semaphore(%run_scoped3A : memref<!tpu.dma_semaphore, #tpu.memory_space<semaphore_mem>>)
      %dma_wait3A_158 = tpu.memref_slice %arg3[%add3A_37] : memref<4096xi32, #tpu.memory_space<hbm>> -> memref<32xi32, #tpu.memory_space<hbm>>
      %dma_wait3A_159 = tpu.memref_slice %arg3[%add3A_37] : memref<4096xi32, #tpu.memory_space<hbm>> -> memref<32xi32, #tpu.memory_space<hbm>>
      tpu.wait_dma2 semaphore(%run_scoped3A : memref<!tpu.dma_semaphore, #tpu.memory_space<semaphore_mem>>) src(%dma_wait3A_159 : memref<32xi32, #tpu.memory_space<hbm>>) dst(%arg6 : memref<32xi32, #tpu.memory_space<vmem>>)
      tpu.yield
    }) : () -> ()
    "tpu.region"() ({
      %run_scoped3A = tpu.sem_alloc : memref<!tpu.dma_semaphore, #tpu.memory_space<semaphore_mem>>
      %dma_start3A_156 = arith.constant 0 : i32
      %dma_start3A_157 = tpu.memref_slice %arg4[%add3A_37, %dma_start3A_156] : memref<4096x16xf32, #tpu.memory_space<hbm>> -> memref<32x16xf32, #tpu.memory_space<hbm>>
      %dma_start3A_158 = arith.constant 0 : i32
      %dma_start3A_159 = tpu.memref_slice %arg4[%add3A_37, %dma_start3A_158] : memref<4096x16xf32, #tpu.memory_space<hbm>> -> memref<32x16xf32, #tpu.memory_space<hbm>>
      tpu.enqueue_dma source(%dma_start3A_159 : memref<32x16xf32, #tpu.memory_space<hbm>>) target(%arg7 : memref<32x16xf32, #tpu.memory_space<vmem>>) target_semaphore(%run_scoped3A : memref<!tpu.dma_semaphore, #tpu.memory_space<semaphore_mem>>)
      %dma_wait3A_160 = arith.constant 0 : i32
      %dma_wait3A_161 = tpu.memref_slice %arg4[%add3A_37, %dma_wait3A_160] : memref<4096x16xf32, #tpu.memory_space<hbm>> -> memref<32x16xf32, #tpu.memory_space<hbm>>
      %dma_wait3A_162 = arith.constant 0 : i32
      %dma_wait3A_163 = tpu.memref_slice %arg4[%add3A_37, %dma_wait3A_162] : memref<4096x16xf32, #tpu.memory_space<hbm>> -> memref<32x16xf32, #tpu.memory_space<hbm>>
      tpu.wait_dma2 semaphore(%run_scoped3A : memref<!tpu.dma_semaphore, #tpu.memory_space<semaphore_mem>>) src(%dma_wait3A_163 : memref<32x16xf32, #tpu.memory_space<hbm>>) dst(%arg7 : memref<32x16xf32, #tpu.memory_space<vmem>>)
      tpu.yield
    }) : () -> ()
    %get3A_38 = arith.constant 0 : index
    %get3A_39 = tpu.vector_load %arg6[%get3A_38] {strides = array<i32>} : memref<32xi32, #tpu.memory_space<vmem>>, vector<16xi32>,
    %get3A_40 = vector.shape_cast %get3A_39 : vector<16xi32> to vector<16xi32>
    %max3A_41 = arith.constant 0 : i32
    %max3A_42 = vector.broadcast %max3A_41 : i32 to vector<16xi32>
    %max3A_43 = arith.maxsi %get3A_40, %max3A_42 : vector<16xi32>
    %min3A_44 = arith.constant 16383 : i32
    %min3A_45 = vector.broadcast %min3A_44 : i32 to vector<16xi32>
    %min3A_46 = arith.minsi %max3A_43, %min3A_45 : vector<16xi32>
    %swap3A_47 = arith.constant 0 : index
    %swap3A_48 = tpu.vector_load %arg6[%swap3A_47] {strides = array<i32>} : memref<32xi32, #tpu.memory_space<vmem>>, vector<16xi32>,
    %swap3A_49 = vector.shape_cast %swap3A_48 : vector<16xi32> to vector<16xi32>
    %swap3A_50 = vector.shape_cast %min3A_46 : vector<16xi32> to vector<16xi32>
    tpu.vector_store %arg6[%swap3A_47], %swap3A_50 {strides = array<i32>} : memref<32xi32, #tpu.memory_space<vmem>>, vector<16xi32>,
    %get3A_51 = arith.constant 16 : index
    %get3A_52 = tpu.vector_load %arg6[%get3A_51] {strides = array<i32>} : memref<32xi32, #tpu.memory_space<vmem>>, vector<16xi32>,
    %get3A_53 = vector.shape_cast %get3A_52 : vector<16xi32> to vector<16xi32>
    %max3A_54 = arith.constant 0 : i32
    %max3A_55 = vector.broadcast %max3A_54 : i32 to vector<16xi32>
    %max3A_56 = arith.maxsi %get3A_53, %max3A_55 : vector<16xi32>
    %min3A_57 = arith.constant 16383 : i32
    %min3A_58 = vector.broadcast %min3A_57 : i32 to vector<16xi32>
    %min3A_59 = arith.minsi %max3A_56, %min3A_58 : vector<16xi32>
    %swap3A_60 = arith.constant 16 : index
    %swap3A_61 = tpu.vector_load %arg6[%swap3A_60] {strides = array<i32>} : memref<32xi32, #tpu.memory_space<vmem>>, vector<16xi32>,
    %swap3A_62 = vector.shape_cast %swap3A_61 : vector<16xi32> to vector<16xi32>
    %swap3A_63 = vector.shape_cast %min3A_59 : vector<16xi32> to vector<16xi32>
    tpu.vector_store %arg6[%swap3A_60], %swap3A_63 {strides = array<i32>} : memref<32xi32, #tpu.memory_space<vmem>>, vector<16xi32>,
    %dma_start3A_64 = arith.constant 0 : i32
    %dma_start3A_65 = arith.constant 0 : i32
    %dma_start3A_66 = tpu.memref_slice %arg2[%dma_start3A_64, %dma_start3A_65] : memref<16384x1024xf32, #tpu.memory_space<hbm>> -> memref<16384x1024xf32, #tpu.memory_space<hbm>>
    tpu.enqueue_indirect_dma source(%dma_start3A_66 : memref<16384x1024xf32, #tpu.memory_space<hbm>>) target(%arg8 : memref<32x1024xf32, #tpu.memory_space<vmem>>) offsets(%arg6 : memref<32xi32, #tpu.memory_space<vmem>>) semaphore(%arg9 : memref<!tpu.dma_semaphore, #tpu.memory_space<semaphore_mem>>)
    %dma_wait3A_67 = arith.constant 0 : i32
    %dma_wait3A_68 = arith.constant 0 : i32
    %dma_wait3A_69 = tpu.memref_slice %arg2[%dma_wait3A_67, %dma_wait3A_68] : memref<16384x1024xf32, #tpu.memory_space<hbm>> -> memref<16384x1024xf32, #tpu.memory_space<hbm>>
    tpu.wait_indirect_dma semaphore(%arg9 : memref<!tpu.dma_semaphore, #tpu.memory_space<semaphore_mem>>) src(%dma_wait3A_69 : memref<16384x1024xf32, #tpu.memory_space<hbm>>) dst(%arg8 : memref<32x1024xf32, #tpu.memory_space<vmem>>)
    %scan3A_70 = arith.constant 0 : i32
    %scan3A_71 = arith.constant 0 : i32
    %scan3A_72 = arith.constant 32 : i32
    %scan3A_73 = arith.addi %scan3A_71, %scan3A_72 : i32
    %scan3A_74 = arith.constant 1 : i32
    scf.for %scan3A_156 = %scan3A_71 to %scan3A_73 step %scan3A_74  : i32 {
      %get3A_157 = arith.index_cast %scan3A_156 : i32 to index
      %get3A_158 = arith.constant 0 : index
      %get3A_159 = tpu.vector_load %arg7[%get3A_157, %get3A_158] {strides = array<i32>} : memref<32x16xf32, #tpu.memory_space<vmem>>, vector<1x16xf32>,
      %get3A_160 = vector.shape_cast %get3A_159 : vector<1x16xf32> to vector<16xf32>
      %get3A_161 = arith.index_cast %scan3A_156 : i32 to index
      %get3A_162 = arith.constant 0 : index
      %get3A_163 = tpu.vector_load %arg8[%get3A_161, %get3A_162] {strides = array<i32>} : memref<32x1024xf32, #tpu.memory_space<vmem>>, vector<1x16xf32>,
      %get3A_164 = vector.shape_cast %get3A_163 : vector<1x16xf32> to vector<16xf32>
      %mul3A_165 = arith.mulf %get3A_164, %get3A_160 : vector<16xf32>
      %swap3A_166 = arith.index_cast %scan3A_156 : i32 to index
      %swap3A_167 = arith.constant 0 : index
      %swap3A_168 = tpu.vector_load %arg8[%swap3A_166, %swap3A_167] {strides = array<i32>} : memref<32x1024xf32, #tpu.memory_space<vmem>>, vector<1x16xf32>,
      %swap3A_169 = vector.shape_cast %swap3A_168 : vector<1x16xf32> to vector<16xf32>
      %swap3A_170 = vector.shape_cast %mul3A_165 : vector<16xf32> to vector<1x16xf32>
      tpu.vector_store %arg8[%swap3A_166, %swap3A_167], %swap3A_170 {strides = array<i32>} : memref<32x1024xf32, #tpu.memory_space<vmem>>, vector<1x16xf32>,
      %get3A_171 = arith.index_cast %scan3A_156 : i32 to index
      %get3A_172 = arith.constant 16 : index
      %get3A_173 = tpu.vector_load %arg8[%get3A_171, %get3A_172] {strides = array<i32>} : memref<32x1024xf32, #tpu.memory_space<vmem>>, vector<1x16xf32>,
      %get3A_174 = vector.shape_cast %get3A_173 : vector<1x16xf32> to vector<16xf32>
      %mul3A_175 = arith.mulf %get3A_174, %get3A_160 : vector<16xf32>
      %swap3A_176 = arith.index_cast %scan3A_156 : i32 to index
      %swap3A_177 = arith.constant 16 : index
      %swap3A_178 = tpu.vector_load %arg8[%swap3A_176, %swap3A_177] {strides = array<i32>} : memref<32x1024xf32, #tpu.memory_space<vmem>>, vector<1x16xf32>,
      %swap3A_179 = vector.shape_cast %swap3A_178 : vector<1x16xf32> to vector<16xf32>
      %swap3A_180 = vector.shape_cast %mul3A_175 : vector<16xf32> to vector<1x16xf32>
      tpu.vector_store %arg8[%swap3A_176, %swap3A_177], %swap3A_180 {strides = array<i32>} : memref<32x1024xf32, #tpu.memory_space<vmem>>, vector<1x16xf32>,
      %get3A_181 = arith.index_cast %scan3A_156 : i32 to index
      %get3A_182 = arith.constant 32 : index
      %get3A_183 = tpu.vector_load %arg8[%get3A_181, %get3A_182] {strides = array<i32>} : memref<32x1024xf32, #tpu.memory_space<vmem>>, vector<1x16xf32>,
      %get3A_184 = vector.shape_cast %get3A_183 : vector<1x16xf32> to vector<16xf32>
      %mul3A_185 = arith.mulf %get3A_184, %get3A_160 : vector<16xf32>
      %swap3A_186 = arith.index_cast %scan3A_156 : i32 to index
      %swap3A_187 = arith.constant 32 : index
      %swap3A_188 = tpu.vector_load %arg8[%swap3A_186, %swap3A_187] {strides = array<i32>} : memref<32x1024xf32, #tpu.memory_space<vmem>>, vector<1x16xf32>,
      %swap3A_189 = vector.shape_cast %swap3A_188 : vector<1x16xf32> to vector<16xf32>
      %swap3A_190 = vector.shape_cast %mul3A_185 : vector<16xf32> to vector<1x16xf32>
      tpu.vector_store %arg8[%swap3A_186, %swap3A_187], %swap3A_190 {strides = array<i32>} : memref<32x1024xf32, #tpu.memory_space<vmem>>, vector<1x16xf32>,
      %get3A_191 = arith.index_cast %scan3A_156 : i32 to index
      %get3A_192 = arith.constant 48 : index
      %get3A_193 = tpu.vector_load %arg8[%get3A_191, %get3A_192] {strides = array<i32>} : memref<32x1024xf32, #tpu.memory_space<vmem>>, vector<1x16xf32>,
      %get3A_194 = vector.shape_cast %get3A_193 : vector<1x16xf32> to vector<16xf32>
      %mul3A_195 = arith.mulf %get3A_194, %get3A_160 : vector<16xf32>
      %swap3A_196 = arith.index_cast %scan3A_156 : i32 to index
      %swap3A_197 = arith.constant 48 : index
      %swap3A_198 = tpu.vector_load %arg8[%swap3A_196, %swap3A_197] {strides = array<i32>} : memref<32x1024xf32, #tpu.memory_space<vmem>>, vector<1x16xf32>,
      %swap3A_199 = vector.shape_cast %swap3A_198 : vector<1x16xf32> to vector<16xf32>
      %swap3A_200 = vector.shape_cast %mul3A_195 : vector<16xf32> to vector<1x16xf32>
      tpu.vector_store %arg8[%swap3A_196, %swap3A_197], %swap3A_200 {strides = array<i32>} : memref<32x1024xf32, #tpu.memory_space<vmem>>, vector<1x16xf32>,
      %get3A_201 = arith.index_cast %scan3A_156 : i32 to index
      %get3A_202 = arith.constant 64 : index
      %get3A_203 = tpu.vector_load %arg8[%get3A_201, %get3A_202] {strides = array<i32>} : memref<32x1024xf32, #tpu.memory_space<vmem>>, vector<1x16xf32>,
      %get3A_204 = vector.shape_cast %get3A_203 : vector<1x16xf32> to vector<16xf32>
      %mul3A_205 = arith.mulf %get3A_204, %get3A_160 : vector<16xf32>
      %swap3A_206 = arith.index_cast %scan3A_156 : i32 to index
      %swap3A_207 = arith.constant 64 : index
      %swap3A_208 = tpu.vector_load %arg8[%swap3A_206, %swap3A_207] {strides = array<i32>} : memref<32x1024xf32, #tpu.memory_space<vmem>>, vector<1x16xf32>,
      %swap3A_209 = vector.shape_cast %swap3A_208 : vector<1x16xf32> to vector<16xf32>
      %swap3A_210 = vector.shape_cast %mul3A_205 : vector<16xf32> to vector<1x16xf32>
      tpu.vector_store %arg8[%swap3A_206, %swap3A_207], %swap3A_210 {strides = array<i32>} : memref<32x1024xf32, #tpu.memory_space<vmem>>, vector<1x16xf32>,
      %get3A_211 = arith.index_cast %scan3A_156 : i32 to index
      %get3A_212 = arith.constant 80 : index
      %get3A_213 = tpu.vector_load %arg8[%get3A_211, %get3A_212] {strides = array<i32>} : memref<32x1024xf32, #tpu.memory_space<vmem>>, vector<1x16xf32>,
      %get3A_214 = vector.shape_cast %get3A_213 : vector<1x16xf32> to vector<16xf32>
      %mul3A_215 = arith.mulf %get3A_214, %get3A_160 : vector<16xf32>
      %swap3A_216 = arith.index_cast %scan3A_156 : i32 to index
      %swap3A_217 = arith.constant 80 : index
      %swap3A_218 = tpu.vector_load %arg8[%swap3A_216, %swap3A_217] {strides = array<i32>} : memref<32x1024xf32, #tpu.memory_space<vmem>>, vector<1x16xf32>,
      %swap3A_219 = vector.shape_cast %swap3A_218 : vector<1x16xf32> to vector<16xf32>
      %swap3A_220 = vector.shape_cast %mul3A_215 : vector<16xf32> to vector<1x16xf32>
      tpu.vector_store %arg8[%swap3A_216, %swap3A_217], %swap3A_220 {strides = array<i32>} : memref<32x1024xf32, #tpu.memory_space<vmem>>, vector<1x16xf32>,
      %get3A_221 = arith.index_cast %scan3A_156 : i32 to index
      %get3A_222 = arith.constant 96 : index
      %get3A_223 = tpu.vector_load %arg8[%get3A_221, %get3A_222] {strides = array<i32>} : memref<32x1024xf32, #tpu.memory_space<vmem>>, vector<1x16xf32>,
      %get3A_224 = vector.shape_cast %get3A_223 : vector<1x16xf32> to vector<16xf32>
      %mul3A_225 = arith.mulf %get3A_224, %get3A_160 : vector<16xf32>
      %swap3A_226 = arith.index_cast %scan3A_156 : i32 to index
      %swap3A_227 = arith.constant 96 : index
      %swap3A_228 = tpu.vector_load %arg8[%swap3A_226, %swap3A_227] {strides = array<i32>} : memref<32x1024xf32, #tpu.memory_space<vmem>>, vector<1x16xf32>,
      %swap3A_229 = vector.shape_cast %swap3A_228 : vector<1x16xf32> to vector<16xf32>
      %swap3A_230 = vector.shape_cast %mul3A_225 : vector<16xf32> to vector<1x16xf32>
      tpu.vector_store %arg8[%swap3A_226, %swap3A_227], %swap3A_230 {strides = array<i32>} : memref<32x1024xf32, #tpu.memory_space<vmem>>, vector<1x16xf32>,
      %get3A_231 = arith.index_cast %scan3A_156 : i32 to index
      %get3A_232 = arith.constant 112 : index
      %get3A_233 = tpu.vector_load %arg8[%get3A_231, %get3A_232] {strides = array<i32>} : memref<32x1024xf32, #tpu.memory_space<vmem>>, vector<1x16xf32>,
      %get3A_234 = vector.shape_cast %get3A_233 : vector<1x16xf32> to vector<16xf32>
      %mul3A_235 = arith.mulf %get3A_234, %get3A_160 : vector<16xf32>
      %swap3A_236 = arith.index_cast %scan3A_156 : i32 to index
      %swap3A_237 = arith.constant 112 : index
      %swap3A_238 = tpu.vector_load %arg8[%swap3A_236, %swap3A_237] {strides = array<i32>} : memref<32x1024xf32, #tpu.memory_space<vmem>>, vector<1x16xf32>,
      %swap3A_239 = vector.shape_cast %swap3A_238 : vector<1x16xf32> to vector<16xf32>
      %swap3A_240 = vector.shape_cast %mul3A_235 : vector<16xf32> to vector<1x16xf32>
      tpu.vector_store %arg8[%swap3A_236, %swap3A_237], %swap3A_240 {strides = array<i32>} : memref<32x1024xf32, #tpu.memory_space<vmem>>, vector<1x16xf32>,
      %get3A_241 = arith.index_cast %scan3A_156 : i32 to index
      %get3A_242 = arith.constant 128 : index
      %get3A_243 = tpu.vector_load %arg8[%get3A_241, %get3A_242] {strides = array<i32>} : memref<32x1024xf32, #tpu.memory_space<vmem>>, vector<1x16xf32>,
      %get3A_244 = vector.shape_cast %get3A_243 : vector<1x16xf32> to vector<16xf32>
      %mul3A_245 = arith.mulf %get3A_244, %get3A_160 : vector<16xf32>
      %swap3A_246 = arith.index_cast %scan3A_156 : i32 to index
      %swap3A_247 = arith.constant 128 : index
      %swap3A_248 = tpu.vector_load %arg8[%swap3A_246, %swap3A_247] {strides = array<i32>} : memref<32x1024xf32, #tpu.memory_space<vmem>>, vector<1x16xf32>,
      %swap3A_249 = vector.shape_cast %swap3A_248 : vector<1x16xf32> to vector<16xf32>
      %swap3A_250 = vector.shape_cast %mul3A_245 : vector<16xf32> to vector<1x16xf32>
      tpu.vector_store %arg8[%swap3A_246, %swap3A_247], %swap3A_250 {strides = array<i32>} : memref<32x1024xf32, #tpu.memory_space<vmem>>, vector<1x16xf32>,
      %get3A_251 = arith.index_cast %scan3A_156 : i32 to index
      %get3A_252 = arith.constant 144 : index
      %get3A_253 = tpu.vector_load %arg8[%get3A_251, %get3A_252] {strides = array<i32>} : memref<32x1024xf32, #tpu.memory_space<vmem>>, vector<1x16xf32>,
      %get3A_254 = vector.shape_cast %get3A_253 : vector<1x16xf32> to vector<16xf32>
      %mul3A_255 = arith.mulf %get3A_254, %get3A_160 : vector<16xf32>
      %swap3A_256 = arith.index_cast %scan3A_156 : i32 to index
      %swap3A_257 = arith.constant 144 : index
      %swap3A_258 = tpu.vector_load %arg8[%swap3A_256, %swap3A_257] {strides = array<i32>} : memref<32x1024xf32, #tpu.memory_space<vmem>>, vector<1x16xf32>,
      %swap3A_259 = vector.shape_cast %swap3A_258 : vector<1x16xf32> to vector<16xf32>
      %swap3A_260 = vector.shape_cast %mul3A_255 : vector<16xf32> to vector<1x16xf32>
      tpu.vector_store %arg8[%swap3A_256, %swap3A_257], %swap3A_260 {strides = array<i32>} : memref<32x1024xf32, #tpu.memory_space<vmem>>, vector<1x16xf32>,
      %get3A_261 = arith.index_cast %scan3A_156 : i32 to index
      %get3A_262 = arith.constant 160 : index
      %get3A_263 = tpu.vector_load %arg8[%get3A_261, %get3A_262] {strides = array<i32>} : memref<32x1024xf32, #tpu.memory_space<vmem>>, vector<1x16xf32>,
      %get3A_264 = vector.shape_cast %get3A_263 : vector<1x16xf32> to vector<16xf32>
      %mul3A_265 = arith.mulf %get3A_264, %get3A_160 : vector<16xf32>
      %swap3A_266 = arith.index_cast %scan3A_156 : i32 to index
      %swap3A_267 = arith.constant 160 : index
      %swap3A_268 = tpu.vector_load %arg8[%swap3A_266, %swap3A_267] {strides = array<i32>} : memref<32x1024xf32, #tpu.memory_space<vmem>>, vector<1x16xf32>,
      %swap3A_269 = vector.shape_cast %swap3A_268 : vector<1x16xf32> to vector<16xf32>
      %swap3A_270 = vector.shape_cast %mul3A_265 : vector<16xf32> to vector<1x16xf32>
      tpu.vector_store %arg8[%swap3A_266, %swap3A_267], %swap3A_270 {strides = array<i32>} : memref<32x1024xf32, #tpu.memory_space<vmem>>, vector<1x16xf32>,
      %get3A_271 = arith.index_cast %scan3A_156 : i32 to index
      %get3A_272 = arith.constant 176 : index
      %get3A_273 = tpu.vector_load %arg8[%get3A_271, %get3A_272] {strides = array<i32>} : memref<32x1024xf32, #tpu.memory_space<vmem>>, vector<1x16xf32>,
      %get3A_274 = vector.shape_cast %get3A_273 : vector<1x16xf32> to vector<16xf32>
      %mul3A_275 = arith.mulf %get3A_274, %get3A_160 : vector<16xf32>
      %swap3A_276 = arith.index_cast %scan3A_156 : i32 to index
      %swap3A_277 = arith.constant 176 : index
      %swap3A_278 = tpu.vector_load %arg8[%swap3A_276, %swap3A_277] {strides = array<i32>} : memref<32x1024xf32, #tpu.memory_space<vmem>>, vector<1x16xf32>,
      %swap3A_279 = vector.shape_cast %swap3A_278 : vector<1x16xf32> to vector<16xf32>
      %swap3A_280 = vector.shape_cast %mul3A_275 : vector<16xf32> to vector<1x16xf32>
      tpu.vector_store %arg8[%swap3A_276, %swap3A_277], %swap3A_280 {strides = array<i32>} : memref<32x1024xf32, #tpu.memory_space<vmem>>, vector<1x16xf32>,
      %get3A_281 = arith.index_cast %scan3A_156 : i32 to index
      %get3A_282 = arith.constant 192 : index
      %get3A_283 = tpu.vector_load %arg8[%get3A_281, %get3A_282] {strides = array<i32>} : memref<32x1024xf32, #tpu.memory_space<vmem>>, vector<1x16xf32>,
      %get3A_284 = vector.shape_cast %get3A_283 : vector<1x16xf32> to vector<16xf32>
      %mul3A_285 = arith.mulf %get3A_284, %get3A_160 : vector<16xf32>
      %swap3A_286 = arith.index_cast %scan3A_156 : i32 to index
      %swap3A_287 = arith.constant 192 : index
      %swap3A_288 = tpu.vector_load %arg8[%swap3A_286, %swap3A_287] {strides = array<i32>} : memref<32x1024xf32, #tpu.memory_space<vmem>>, vector<1x16xf32>,
      %swap3A_289 = vector.shape_cast %swap3A_288 : vector<1x16xf32> to vector<16xf32>
      %swap3A_290 = vector.shape_cast %mul3A_285 : vector<16xf32> to vector<1x16xf32>
      tpu.vector_store %arg8[%swap3A_286, %swap3A_287], %swap3A_290 {strides = array<i32>} : memref<32x1024xf32, #tpu.memory_space<vmem>>, vector<1x16xf32>,
      %get3A_291 = arith.index_cast %scan3A_156 : i32 to index
      %get3A_292 = arith.constant 208 : index
      %get3A_293 = tpu.vector_load %arg8[%get3A_291, %get3A_292] {strides = array<i32>} : memref<32x1024xf32, #tpu.memory_space<vmem>>, vector<1x16xf32>,
      %get3A_294 = vector.shape_cast %get3A_293 : vector<1x16xf32> to vector<16xf32>
      %mul3A_295 = arith.mulf %get3A_294, %get3A_160 : vector<16xf32>
      %swap3A_296 = arith.index_cast %scan3A_156 : i32 to index
      %swap3A_297 = arith.constant 208 : index
      %swap3A_298 = tpu.vector_load %arg8[%swap3A_296, %swap3A_297] {strides = array<i32>} : memref<32x1024xf32, #tpu.memory_space<vmem>>, vector<1x16xf32>,
      %swap3A_299 = vector.shape_cast %swap3A_298 : vector<1x16xf32> to vector<16xf32>
      %swap3A_300 = vector.shape_cast %mul3A_295 : vector<16xf32> to vector<1x16xf32>
      tpu.vector_store %arg8[%swap3A_296, %swap3A_297], %swap3A_300 {strides = array<i32>} : memref<32x1024xf32, #tpu.memory_space<vmem>>, vector<1x16xf32>,
      %get3A_301 = arith.index_cast %scan3A_156 : i32 to index
      %get3A_302 = arith.constant 224 : index
      %get3A_303 = tpu.vector_load %arg8[%get3A_301, %get3A_302] {strides = array<i32>} : memref<32x1024xf32, #tpu.memory_space<vmem>>, vector<1x16xf32>,
      %get3A_304 = vector.shape_cast %get3A_303 : vector<1x16xf32> to vector<16xf32>
      %mul3A_305 = arith.mulf %get3A_304, %get3A_160 : vector<16xf32>
      %swap3A_306 = arith.index_cast %scan3A_156 : i32 to index
      %swap3A_307 = arith.constant 224 : index
      %swap3A_308 = tpu.vector_load %arg8[%swap3A_306, %swap3A_307] {strides = array<i32>} : memref<32x1024xf32, #tpu.memory_space<vmem>>, vector<1x16xf32>,
      %swap3A_309 = vector.shape_cast %swap3A_308 : vector<1x16xf32> to vector<16xf32>
      %swap3A_310 = vector.shape_cast %mul3A_305 : vector<16xf32> to vector<1x16xf32>
      tpu.vector_store %arg8[%swap3A_306, %swap3A_307], %swap3A_310 {strides = array<i32>} : memref<32x1024xf32, #tpu.memory_space<vmem>>, vector<1x16xf32>,
      %get3A_311 = arith.index_cast %scan3A_156 : i32 to index
      %get3A_312 = arith.constant 240 : index
      %get3A_313 = tpu.vector_load %arg8[%get3A_311, %get3A_312] {strides = array<i32>} : memref<32x1024xf32, #tpu.memory_space<vmem>>, vector<1x16xf32>,
      %get3A_314 = vector.shape_cast %get3A_313 : vector<1x16xf32> to vector<16xf32>
      %mul3A_315 = arith.mulf %get3A_314, %get3A_160 : vector<16xf32>
      %swap3A_316 = arith.index_cast %scan3A_156 : i32 to index
      %swap3A_317 = arith.constant 240 : index
      %swap3A_318 = tpu.vector_load %arg8[%swap3A_316, %swap3A_317] {strides = array<i32>} : memref<32x1024xf32, #tpu.memory_space<vmem>>, vector<1x16xf32>,
      %swap3A_319 = vector.shape_cast %swap3A_318 : vector<1x16xf32> to vector<16xf32>
      %swap3A_320 = vector.shape_cast %mul3A_315 : vector<16xf32> to vector<1x16xf32>
      tpu.vector_store %arg8[%swap3A_316, %swap3A_317], %swap3A_320 {strides = array<i32>} : memref<32x1024xf32, #tpu.memory_space<vmem>>, vector<1x16xf32>,
      %get3A_321 = arith.index_cast %scan3A_156 : i32 to index
      %get3A_322 = arith.constant 256 : index
      %get3A_323 = tpu.vector_load %arg8[%get3A_321, %get3A_322] {strides = array<i32>} : memref<32x1024xf32, #tpu.memory_space<vmem>>, vector<1x16xf32>,
      %get3A_324 = vector.shape_cast %get3A_323 : vector<1x16xf32> to vector<16xf32>
      %mul3A_325 = arith.mulf %get3A_324, %get3A_160 : vector<16xf32>
      %swap3A_326 = arith.index_cast %scan3A_156 : i32 to index
      %swap3A_327 = arith.constant 256 : index
      %swap3A_328 = tpu.vector_load %arg8[%swap3A_326, %swap3A_327] {strides = array<i32>} : memref<32x1024xf32, #tpu.memory_space<vmem>>, vector<1x16xf32>,
      %swap3A_329 = vector.shape_cast %swap3A_328 : vector<1x16xf32> to vector<16xf32>
      %swap3A_330 = vector.shape_cast %mul3A_325 : vector<16xf32> to vector<1x16xf32>
      tpu.vector_store %arg8[%swap3A_326, %swap3A_327], %swap3A_330 {strides = array<i32>} : memref<32x1024xf32, #tpu.memory_space<vmem>>, vector<1x16xf32>,
      %get3A_331 = arith.index_cast %scan3A_156 : i32 to index
      %get3A_332 = arith.constant 272 : index
      %get3A_333 = tpu.vector_load %arg8[%get3A_331, %get3A_332] {strides = array<i32>} : memref<32x1024xf32, #tpu.memory_space<vmem>>, vector<1x16xf32>,
      %get3A_334 = vector.shape_cast %get3A_333 : vector<1x16xf32> to vector<16xf32>
      %mul3A_335 = arith.mulf %get3A_334, %get3A_160 : vector<16xf32>
      %swap3A_336 = arith.index_cast %scan3A_156 : i32 to index
      %swap3A_337 = arith.constant 272 : index
      %swap3A_338 = tpu.vector_load %arg8[%swap3A_336, %swap3A_337] {strides = array<i32>} : memref<32x1024xf32, #tpu.memory_space<vmem>>, vector<1x16xf32>,
      %swap3A_339 = vector.shape_cast %swap3A_338 : vector<1x16xf32> to vector<16xf32>
      %swap3A_340 = vector.shape_cast %mul3A_335 : vector<16xf32> to vector<1x16xf32>
      tpu.vector_store %arg8[%swap3A_336, %swap3A_337], %swap3A_340 {strides = array<i32>} : memref<32x1024xf32, #tpu.memory_space<vmem>>, vector<1x16xf32>,
      %get3A_341 = arith.index_cast %scan3A_156 : i32 to index
      %get3A_342 = arith.constant 288 : index
      %get3A_343 = tpu.vector_load %arg8[%get3A_341, %get3A_342] {strides = array<i32>} : memref<32x1024xf32, #tpu.memory_space<vmem>>, vector<1x16xf32>,
      %get3A_344 = vector.shape_cast %get3A_343 : vector<1x16xf32> to vector<16xf32>
      %mul3A_345 = arith.mulf %get3A_344, %get3A_160 : vector<16xf32>
      %swap3A_346 = arith.index_cast %scan3A_156 : i32 to index
      %swap3A_347 = arith.constant 288 : index
      %swap3A_348 = tpu.vector_load %arg8[%swap3A_346, %swap3A_347] {strides = array<i32>} : memref<32x1024xf32, #tpu.memory_space<vmem>>, vector<1x16xf32>,
      %swap3A_349 = vector.shape_cast %swap3A_348 : vector<1x16xf32> to vector<16xf32>
      %swap3A_350 = vector.shape_cast %mul3A_345 : vector<16xf32> to vector<1x16xf32>
      tpu.vector_store %arg8[%swap3A_346, %swap3A_347], %swap3A_350 {strides = array<i32>} : memref<32x1024xf32, #tpu.memory_space<vmem>>, vector<1x16xf32>,
      %get3A_351 = arith.index_cast %scan3A_156 : i32 to index
      %get3A_352 = arith.constant 304 : index
      %get3A_353 = tpu.vector_load %arg8[%get3A_351, %get3A_352] {strides = array<i32>} : memref<32x1024xf32, #tpu.memory_space<vmem>>, vector<1x16xf32>,
      %get3A_354 = vector.shape_cast %get3A_353 : vector<1x16xf32> to vector<16xf32>
      %mul3A_355 = arith.mulf %get3A_354, %get3A_160 : vector<16xf32>
      %swap3A_356 = arith.index_cast %scan3A_156 : i32 to index
      %swap3A_357 = arith.constant 304 : index
      %swap3A_358 = tpu.vector_load %arg8[%swap3A_356, %swap3A_357] {strides = array<i32>} : memref<32x1024xf32, #tpu.memory_space<vmem>>, vector<1x16xf32>,
      %swap3A_359 = vector.shape_cast %swap3A_358 : vector<1x16xf32> to vector<16xf32>
      %swap3A_360 = vector.shape_cast %mul3A_355 : vector<16xf32> to vector<1x16xf32>
      tpu.vector_store %arg8[%swap3A_356, %swap3A_357], %swap3A_360 {strides = array<i32>} : memref<32x1024xf32, #tpu.memory_space<vmem>>, vector<1x16xf32>,
      %get3A_361 = arith.index_cast %scan3A_156 : i32 to index
      %get3A_362 = arith.constant 320 : index
      %get3A_363 = tpu.vector_load %arg8[%get3A_361, %get3A_362] {strides = array<i32>} : memref<32x1024xf32, #tpu.memory_space<vmem>>, vector<1x16xf32>,
      %get3A_364 = vector.shape_cast %get3A_363 : vector<1x16xf32> to vector<16xf32>
      %mul3A_365 = arith.mulf %get3A_364, %get3A_160 : vector<16xf32>
      %swap3A_366 = arith.index_cast %scan3A_156 : i32 to index
      %swap3A_367 = arith.constant 320 : index
      %swap3A_368 = tpu.vector_load %arg8[%swap3A_366, %swap3A_367] {strides = array<i32>} : memref<32x1024xf32, #tpu.memory_space<vmem>>, vector<1x16xf32>,
      %swap3A_369 = vector.shape_cast %swap3A_368 : vector<1x16xf32> to vector<16xf32>
      %swap3A_370 = vector.shape_cast %mul3A_365 : vector<16xf32> to vector<1x16xf32>
      tpu.vector_store %arg8[%swap3A_366, %swap3A_367], %swap3A_370 {strides = array<i32>} : memref<32x1024xf32, #tpu.memory_space<vmem>>, vector<1x16xf32>,
      %get3A_371 = arith.index_cast %scan3A_156 : i32 to index
      %get3A_372 = arith.constant 336 : index
      %get3A_373 = tpu.vector_load %arg8[%get3A_371, %get3A_372] {strides = array<i32>} : memref<32x1024xf32, #tpu.memory_space<vmem>>, vector<1x16xf32>,
      %get3A_374 = vector.shape_cast %get3A_373 : vector<1x16xf32> to vector<16xf32>
      %mul3A_375 = arith.mulf %get3A_374, %get3A_160 : vector<16xf32>
      %swap3A_376 = arith.index_cast %scan3A_156 : i32 to index
      %swap3A_377 = arith.constant 336 : index
      %swap3A_378 = tpu.vector_load %arg8[%swap3A_376, %swap3A_377] {strides = array<i32>} : memref<32x1024xf32, #tpu.memory_space<vmem>>, vector<1x16xf32>,
      %swap3A_379 = vector.shape_cast %swap3A_378 : vector<1x16xf32> to vector<16xf32>
      %swap3A_380 = vector.shape_cast %mul3A_375 : vector<16xf32> to vector<1x16xf32>
      tpu.vector_store %arg8[%swap3A_376, %swap3A_377], %swap3A_380 {strides = array<i32>} : memref<32x1024xf32, #tpu.memory_space<vmem>>, vector<1x16xf32>,
      %get3A_381 = arith.index_cast %scan3A_156 : i32 to index
      %get3A_382 = arith.constant 352 : index
      %get3A_383 = tpu.vector_load %arg8[%get3A_381, %get3A_382] {strides = array<i32>} : memref<32x1024xf32, #tpu.memory_space<vmem>>, vector<1x16xf32>,
      %get3A_384 = vector.shape_cast %get3A_383 : vector<1x16xf32> to vector<16xf32>
      %mul3A_385 = arith.mulf %get3A_384, %get3A_160 : vector<16xf32>
      %swap3A_386 = arith.index_cast %scan3A_156 : i32 to index
      %swap3A_387 = arith.constant 352 : index
      %swap3A_388 = tpu.vector_load %arg8[%swap3A_386, %swap3A_387] {strides = array<i32>} : memref<32x1024xf32, #tpu.memory_space<vmem>>, vector<1x16xf32>,
      %swap3A_389 = vector.shape_cast %swap3A_388 : vector<1x16xf32> to vector<16xf32>
      %swap3A_390 = vector.shape_cast %mul3A_385 : vector<16xf32> to vector<1x16xf32>
      tpu.vector_store %arg8[%swap3A_386, %swap3A_387], %swap3A_390 {strides = array<i32>} : memref<32x1024xf32, #tpu.memory_space<vmem>>, vector<1x16xf32>,
      %get3A_391 = arith.index_cast %scan3A_156 : i32 to index
      %get3A_392 = arith.constant 368 : index
      %get3A_393 = tpu.vector_load %arg8[%get3A_391, %get3A_392] {strides = array<i32>} : memref<32x1024xf32, #tpu.memory_space<vmem>>, vector<1x16xf32>,
      %get3A_394 = vector.shape_cast %get3A_393 : vector<1x16xf32> to vector<16xf32>
      %mul3A_395 = arith.mulf %get3A_394, %get3A_160 : vector<16xf32>
      %swap3A_396 = arith.index_cast %scan3A_156 : i32 to index
      %swap3A_397 = arith.constant 368 : index
      %swap3A_398 = tpu.vector_load %arg8[%swap3A_396, %swap3A_397] {strides = array<i32>} : memref<32x1024xf32, #tpu.memory_space<vmem>>, vector<1x16xf32>,
      %swap3A_399 = vector.shape_cast %swap3A_398 : vector<1x16xf32> to vector<16xf32>
      %swap3A_400 = vector.shape_cast %mul3A_395 : vector<16xf32> to vector<1x16xf32>
      tpu.vector_store %arg8[%swap3A_396, %swap3A_397], %swap3A_400 {strides = array<i32>} : memref<32x1024xf32, #tpu.memory_space<vmem>>, vector<1x16xf32>,
      %get3A_401 = arith.index_cast %scan3A_156 : i32 to index
      %get3A_402 = arith.constant 384 : index
      %get3A_403 = tpu.vector_load %arg8[%get3A_401, %get3A_402] {strides = array<i32>} : memref<32x1024xf32, #tpu.memory_space<vmem>>, vector<1x16xf32>,
      %get3A_404 = vector.shape_cast %get3A_403 : vector<1x16xf32> to vector<16xf32>
      %mul3A_405 = arith.mulf %get3A_404, %get3A_160 : vector<16xf32>
      %swap3A_406 = arith.index_cast %scan3A_156 : i32 to index
      %swap3A_407 = arith.constant 384 : index
      %swap3A_408 = tpu.vector_load %arg8[%swap3A_406, %swap3A_407] {strides = array<i32>} : memref<32x1024xf32, #tpu.memory_space<vmem>>, vector<1x16xf32>,
      %swap3A_409 = vector.shape_cast %swap3A_408 : vector<1x16xf32> to vector<16xf32>
      %swap3A_410 = vector.shape_cast %mul3A_405 : vector<16xf32> to vector<1x16xf32>
      tpu.vector_store %arg8[%swap3A_406, %swap3A_407], %swap3A_410 {strides = array<i32>} : memref<32x1024xf32, #tpu.memory_space<vmem>>, vector<1x16xf32>,
      %get3A_411 = arith.index_cast %scan3A_156 : i32 to index
      %get3A_412 = arith.constant 400 : index
      %get3A_413 = tpu.vector_load %arg8[%get3A_411, %get3A_412] {strides = array<i32>} : memref<32x1024xf32, #tpu.memory_space<vmem>>, vector<1x16xf32>,
      %get3A_414 = vector.shape_cast %get3A_413 : vector<1x16xf32> to vector<16xf32>
      %mul3A_415 = arith.mulf %get3A_414, %get3A_160 : vector<16xf32>
      %swap3A_416 = arith.index_cast %scan3A_156 : i32 to index
      %swap3A_417 = arith.constant 400 : index
      %swap3A_418 = tpu.vector_load %arg8[%swap3A_416, %swap3A_417] {strides = array<i32>} : memref<32x1024xf32, #tpu.memory_space<vmem>>, vector<1x16xf32>,
      %swap3A_419 = vector.shape_cast %swap3A_418 : vector<1x16xf32> to vector<16xf32>
      %swap3A_420 = vector.shape_cast %mul3A_415 : vector<16xf32> to vector<1x16xf32>
      tpu.vector_store %arg8[%swap3A_416, %swap3A_417], %swap3A_420 {strides = array<i32>} : memref<32x1024xf32, #tpu.memory_space<vmem>>, vector<1x16xf32>,
      %get3A_421 = arith.index_cast %scan3A_156 : i32 to index
      %get3A_422 = arith.constant 416 : index
      %get3A_423 = tpu.vector_load %arg8[%get3A_421, %get3A_422] {strides = array<i32>} : memref<32x1024xf32, #tpu.memory_space<vmem>>, vector<1x16xf32>,
      %get3A_424 = vector.shape_cast %get3A_423 : vector<1x16xf32> to vector<16xf32>
      %mul3A_425 = arith.mulf %get3A_424, %get3A_160 : vector<16xf32>
      %swap3A_426 = arith.index_cast %scan3A_156 : i32 to index
      %swap3A_427 = arith.constant 416 : index
      %swap3A_428 = tpu.vector_load %arg8[%swap3A_426, %swap3A_427] {strides = array<i32>} : memref<32x1024xf32, #tpu.memory_space<vmem>>, vector<1x16xf32>,
      %swap3A_429 = vector.shape_cast %swap3A_428 : vector<1x16xf32> to vector<16xf32>
      %swap3A_430 = vector.shape_cast %mul3A_425 : vector<16xf32> to vector<1x16xf32>
      tpu.vector_store %arg8[%swap3A_426, %swap3A_427], %swap3A_430 {strides = array<i32>} : memref<32x1024xf32, #tpu.memory_space<vmem>>, vector<1x16xf32>,
      %get3A_431 = arith.index_cast %scan3A_156 : i32 to index
      %get3A_432 = arith.constant 432 : index
      %get3A_433 = tpu.vector_load %arg8[%get3A_431, %get3A_432] {strides = array<i32>} : memref<32x1024xf32, #tpu.memory_space<vmem>>, vector<1x16xf32>,
      %get3A_434 = vector.shape_cast %get3A_433 : vector<1x16xf32> to vector<16xf32>
      %mul3A_435 = arith.mulf %get3A_434, %get3A_160 : vector<16xf32>
      %swap3A_436 = arith.index_cast %scan3A_156 : i32 to index
      %swap3A_437 = arith.constant 432 : index
      %swap3A_438 = tpu.vector_load %arg8[%swap3A_436, %swap3A_437] {strides = array<i32>} : memref<32x1024xf32, #tpu.memory_space<vmem>>, vector<1x16xf32>,
      %swap3A_439 = vector.shape_cast %swap3A_438 : vector<1x16xf32> to vector<16xf32>
      %swap3A_440 = vector.shape_cast %mul3A_435 : vector<16xf32> to vector<1x16xf32>
      tpu.vector_store %arg8[%swap3A_436, %swap3A_437], %swap3A_440 {strides = array<i32>} : memref<32x1024xf32, #tpu.memory_space<vmem>>, vector<1x16xf32>,
      %get3A_441 = arith.index_cast %scan3A_156 : i32 to index
      %get3A_442 = arith.constant 448 : index
      %get3A_443 = tpu.vector_load %arg8[%get3A_441, %get3A_442] {strides = array<i32>} : memref<32x1024xf32, #tpu.memory_space<vmem>>, vector<1x16xf32>,
      %get3A_444 = vector.shape_cast %get3A_443 : vector<1x16xf32> to vector<16xf32>
      %mul3A_445 = arith.mulf %get3A_444, %get3A_160 : vector<16xf32>
      %swap3A_446 = arith.index_cast %scan3A_156 : i32 to index
      %swap3A_447 = arith.constant 448 : index
      %swap3A_448 = tpu.vector_load %arg8[%swap3A_446, %swap3A_447] {strides = array<i32>} : memref<32x1024xf32, #tpu.memory_space<vmem>>, vector<1x16xf32>,
      %swap3A_449 = vector.shape_cast %swap3A_448 : vector<1x16xf32> to vector<16xf32>
      %swap3A_450 = vector.shape_cast %mul3A_445 : vector<16xf32> to vector<1x16xf32>
      tpu.vector_store %arg8[%swap3A_446, %swap3A_447], %swap3A_450 {strides = array<i32>} : memref<32x1024xf32, #tpu.memory_space<vmem>>, vector<1x16xf32>,
      %get3A_451 = arith.index_cast %scan3A_156 : i32 to index
      %get3A_452 = arith.constant 464 : index
      %get3A_453 = tpu.vector_load %arg8[%get3A_451, %get3A_452] {strides = array<i32>} : memref<32x1024xf32, #tpu.memory_space<vmem>>, vector<1x16xf32>,
      %get3A_454 = vector.shape_cast %get3A_453 : vector<1x16xf32> to vector<16xf32>
      %mul3A_455 = arith.mulf %get3A_454, %get3A_160 : vector<16xf32>
      %swap3A_456 = arith.index_cast %scan3A_156 : i32 to index
      %swap3A_457 = arith.constant 464 : index
      %swap3A_458 = tpu.vector_load %arg8[%swap3A_456, %swap3A_457] {strides = array<i32>} : memref<32x1024xf32, #tpu.memory_space<vmem>>, vector<1x16xf32>,
      %swap3A_459 = vector.shape_cast %swap3A_458 : vector<1x16xf32> to vector<16xf32>
      %swap3A_460 = vector.shape_cast %mul3A_455 : vector<16xf32> to vector<1x16xf32>
      tpu.vector_store %arg8[%swap3A_456, %swap3A_457], %swap3A_460 {strides = array<i32>} : memref<32x1024xf32, #tpu.memory_space<vmem>>, vector<1x16xf32>,
      %get3A_461 = arith.index_cast %scan3A_156 : i32 to index
      %get3A_462 = arith.constant 480 : index
      %get3A_463 = tpu.vector_load %arg8[%get3A_461, %get3A_462] {strides = array<i32>} : memref<32x1024xf32, #tpu.memory_space<vmem>>, vector<1x16xf32>,
      %get3A_464 = vector.shape_cast %get3A_463 : vector<1x16xf32> to vector<16xf32>
      %mul3A_465 = arith.mulf %get3A_464, %get3A_160 : vector<16xf32>
      %swap3A_466 = arith.index_cast %scan3A_156 : i32 to index
      %swap3A_467 = arith.constant 480 : index
      %swap3A_468 = tpu.vector_load %arg8[%swap3A_466, %swap3A_467] {strides = array<i32>} : memref<32x1024xf32, #tpu.memory_space<vmem>>, vector<1x16xf32>,
      %swap3A_469 = vector.shape_cast %swap3A_468 : vector<1x16xf32> to vector<16xf32>
      %swap3A_470 = vector.shape_cast %mul3A_465 : vector<16xf32> to vector<1x16xf32>
      tpu.vector_store %arg8[%swap3A_466, %swap3A_467], %swap3A_470 {strides = array<i32>} : memref<32x1024xf32, #tpu.memory_space<vmem>>, vector<1x16xf32>,
      %get3A_471 = arith.index_cast %scan3A_156 : i32 to index
      %get3A_472 = arith.constant 496 : index
      %get3A_473 = tpu.vector_load %arg8[%get3A_471, %get3A_472] {strides = array<i32>} : memref<32x1024xf32, #tpu.memory_space<vmem>>, vector<1x16xf32>,
      %get3A_474 = vector.shape_cast %get3A_473 : vector<1x16xf32> to vector<16xf32>
      %mul3A_475 = arith.mulf %get3A_474, %get3A_160 : vector<16xf32>
      %swap3A_476 = arith.index_cast %scan3A_156 : i32 to index
      %swap3A_477 = arith.constant 496 : index
      %swap3A_478 = tpu.vector_load %arg8[%swap3A_476, %swap3A_477] {strides = array<i32>} : memref<32x1024xf32, #tpu.memory_space<vmem>>, vector<1x16xf32>,
      %swap3A_479 = vector.shape_cast %swap3A_478 : vector<1x16xf32> to vector<16xf32>
      %swap3A_480 = vector.shape_cast %mul3A_475 : vector<16xf32> to vector<1x16xf32>
      tpu.vector_store %arg8[%swap3A_476, %swap3A_477], %swap3A_480 {strides = array<i32>} : memref<32x1024xf32, #tpu.memory_space<vmem>>, vector<1x16xf32>,
      %get3A_481 = arith.index_cast %scan3A_156 : i32 to index
      %get3A_482 = arith.constant 512 : index
      %get3A_483 = tpu.vector_load %arg8[%get3A_481, %get3A_482] {strides = array<i32>} : memref<32x1024xf32, #tpu.memory_space<vmem>>, vector<1x16xf32>,
      %get3A_484 = vector.shape_cast %get3A_483 : vector<1x16xf32> to vector<16xf32>
      %mul3A_485 = arith.mulf %get3A_484, %get3A_160 : vector<16xf32>
      %swap3A_486 = arith.index_cast %scan3A_156 : i32 to index
      %swap3A_487 = arith.constant 512 : index
      %swap3A_488 = tpu.vector_load %arg8[%swap3A_486, %swap3A_487] {strides = array<i32>} : memref<32x1024xf32, #tpu.memory_space<vmem>>, vector<1x16xf32>,
      %swap3A_489 = vector.shape_cast %swap3A_488 : vector<1x16xf32> to vector<16xf32>
      %swap3A_490 = vector.shape_cast %mul3A_485 : vector<16xf32> to vector<1x16xf32>
      tpu.vector_store %arg8[%swap3A_486, %swap3A_487], %swap3A_490 {strides = array<i32>} : memref<32x1024xf32, #tpu.memory_space<vmem>>, vector<1x16xf32>,
      %get3A_491 = arith.index_cast %scan3A_156 : i32 to index
      %get3A_492 = arith.constant 528 : index
      %get3A_493 = tpu.vector_load %arg8[%get3A_491, %get3A_492] {strides = array<i32>} : memref<32x1024xf32, #tpu.memory_space<vmem>>, vector<1x16xf32>,
      %get3A_494 = vector.shape_cast %get3A_493 : vector<1x16xf32> to vector<16xf32>
      %mul3A_495 = arith.mulf %get3A_494, %get3A_160 : vector<16xf32>
      %swap3A_496 = arith.index_cast %scan3A_156 : i32 to index
      %swap3A_497 = arith.constant 528 : index
      %swap3A_498 = tpu.vector_load %arg8[%swap3A_496, %swap3A_497] {strides = array<i32>} : memref<32x1024xf32, #tpu.memory_space<vmem>>, vector<1x16xf32>,
      %swap3A_499 = vector.shape_cast %swap3A_498 : vector<1x16xf32> to vector<16xf32>
      %swap3A_500 = vector.shape_cast %mul3A_495 : vector<16xf32> to vector<1x16xf32>
      tpu.vector_store %arg8[%swap3A_496, %swap3A_497], %swap3A_500 {strides = array<i32>} : memref<32x1024xf32, #tpu.memory_space<vmem>>, vector<1x16xf32>,
      %get3A_501 = arith.index_cast %scan3A_156 : i32 to index
      %get3A_502 = arith.constant 544 : index
      %get3A_503 = tpu.vector_load %arg8[%get3A_501, %get3A_502] {strides = array<i32>} : memref<32x1024xf32, #tpu.memory_space<vmem>>, vector<1x16xf32>,
      %get3A_504 = vector.shape_cast %get3A_503 : vector<1x16xf32> to vector<16xf32>
      %mul3A_505 = arith.mulf %get3A_504, %get3A_160 : vector<16xf32>
      %swap3A_506 = arith.index_cast %scan3A_156 : i32 to index
      %swap3A_507 = arith.constant 544 : index
      %swap3A_508 = tpu.vector_load %arg8[%swap3A_506, %swap3A_507] {strides = array<i32>} : memref<32x1024xf32, #tpu.memory_space<vmem>>, vector<1x16xf32>,
      %swap3A_509 = vector.shape_cast %swap3A_508 : vector<1x16xf32> to vector<16xf32>
      %swap3A_510 = vector.shape_cast %mul3A_505 : vector<16xf32> to vector<1x16xf32>
      tpu.vector_store %arg8[%swap3A_506, %swap3A_507], %swap3A_510 {strides = array<i32>} : memref<32x1024xf32, #tpu.memory_space<vmem>>, vector<1x16xf32>,
      %get3A_511 = arith.index_cast %scan3A_156 : i32 to index
      %get3A_512 = arith.constant 560 : index
      %get3A_513 = tpu.vector_load %arg8[%get3A_511, %get3A_512] {strides = array<i32>} : memref<32x1024xf32, #tpu.memory_space<vmem>>, vector<1x16xf32>,
      %get3A_514 = vector.shape_cast %get3A_513 : vector<1x16xf32> to vector<16xf32>
      %mul3A_515 = arith.mulf %get3A_514, %get3A_160 : vector<16xf32>
      %swap3A_516 = arith.index_cast %scan3A_156 : i32 to index
      %swap3A_517 = arith.constant 560 : index
      %swap3A_518 = tpu.vector_load %arg8[%swap3A_516, %swap3A_517] {strides = array<i32>} : memref<32x1024xf32, #tpu.memory_space<vmem>>, vector<1x16xf32>,
      %swap3A_519 = vector.shape_cast %swap3A_518 : vector<1x16xf32> to vector<16xf32>
      %swap3A_520 = vector.shape_cast %mul3A_515 : vector<16xf32> to vector<1x16xf32>
      tpu.vector_store %arg8[%swap3A_516, %swap3A_517], %swap3A_520 {strides = array<i32>} : memref<32x1024xf32, #tpu.memory_space<vmem>>, vector<1x16xf32>,
      %get3A_521 = arith.index_cast %scan3A_156 : i32 to index
      %get3A_522 = arith.constant 576 : index
      %get3A_523 = tpu.vector_load %arg8[%get3A_521, %get3A_522] {strides = array<i32>} : memref<32x1024xf32, #tpu.memory_space<vmem>>, vector<1x16xf32>,
      %get3A_524 = vector.shape_cast %get3A_523 : vector<1x16xf32> to vector<16xf32>
      %mul3A_525 = arith.mulf %get3A_524, %get3A_160 : vector<16xf32>
      %swap3A_526 = arith.index_cast %scan3A_156 : i32 to index
      %swap3A_527 = arith.constant 576 : index
      %swap3A_528 = tpu.vector_load %arg8[%swap3A_526, %swap3A_527] {strides = array<i32>} : memref<32x1024xf32, #tpu.memory_space<vmem>>, vector<1x16xf32>,
      %swap3A_529 = vector.shape_cast %swap3A_528 : vector<1x16xf32> to vector<16xf32>
      %swap3A_530 = vector.shape_cast %mul3A_525 : vector<16xf32> to vector<1x16xf32>
      tpu.vector_store %arg8[%swap3A_526, %swap3A_527], %swap3A_530 {strides = array<i32>} : memref<32x1024xf32, #tpu.memory_space<vmem>>, vector<1x16xf32>,
      %get3A_531 = arith.index_cast %scan3A_156 : i32 to index
      %get3A_532 = arith.constant 592 : index
      %get3A_533 = tpu.vector_load %arg8[%get3A_531, %get3A_532] {strides = array<i32>} : memref<32x1024xf32, #tpu.memory_space<vmem>>, vector<1x16xf32>,
      %get3A_534 = vector.shape_cast %get3A_533 : vector<1x16xf32> to vector<16xf32>
      %mul3A_535 = arith.mulf %get3A_534, %get3A_160 : vector<16xf32>
      %swap3A_536 = arith.index_cast %scan3A_156 : i32 to index
      %swap3A_537 = arith.constant 592 : index
      %swap3A_538 = tpu.vector_load %arg8[%swap3A_536, %swap3A_537] {strides = array<i32>} : memref<32x1024xf32, #tpu.memory_space<vmem>>, vector<1x16xf32>,
      %swap3A_539 = vector.shape_cast %swap3A_538 : vector<1x16xf32> to vector<16xf32>
      %swap3A_540 = vector.shape_cast %mul3A_535 : vector<16xf32> to vector<1x16xf32>
      tpu.vector_store %arg8[%swap3A_536, %swap3A_537], %swap3A_540 {strides = array<i32>} : memref<32x1024xf32, #tpu.memory_space<vmem>>, vector<1x16xf32>,
      %get3A_541 = arith.index_cast %scan3A_156 : i32 to index
      %get3A_542 = arith.constant 608 : index
      %get3A_543 = tpu.vector_load %arg8[%get3A_541, %get3A_542] {strides = array<i32>} : memref<32x1024xf32, #tpu.memory_space<vmem>>, vector<1x16xf32>,
      %get3A_544 = vector.shape_cast %get3A_543 : vector<1x16xf32> to vector<16xf32>
      %mul3A_545 = arith.mulf %get3A_544, %get3A_160 : vector<16xf32>
      %swap3A_546 = arith.index_cast %scan3A_156 : i32 to index
      %swap3A_547 = arith.constant 608 : index
      %swap3A_548 = tpu.vector_load %arg8[%swap3A_546, %swap3A_547] {strides = array<i32>} : memref<32x1024xf32, #tpu.memory_space<vmem>>, vector<1x16xf32>,
      %swap3A_549 = vector.shape_cast %swap3A_548 : vector<1x16xf32> to vector<16xf32>
      %swap3A_550 = vector.shape_cast %mul3A_545 : vector<16xf32> to vector<1x16xf32>
      tpu.vector_store %arg8[%swap3A_546, %swap3A_547], %swap3A_550 {strides = array<i32>} : memref<32x1024xf32, #tpu.memory_space<vmem>>, vector<1x16xf32>,
      %get3A_551 = arith.index_cast %scan3A_156 : i32 to index
      %get3A_552 = arith.constant 624 : index
      %get3A_553 = tpu.vector_load %arg8[%get3A_551, %get3A_552] {strides = array<i32>} : memref<32x1024xf32, #tpu.memory_space<vmem>>, vector<1x16xf32>,
      %get3A_554 = vector.shape_cast %get3A_553 : vector<1x16xf32> to vector<16xf32>
      %mul3A_555 = arith.mulf %get3A_554, %get3A_160 : vector<16xf32>
      %swap3A_556 = arith.index_cast %scan3A_156 : i32 to index
      %swap3A_557 = arith.constant 624 : index
      %swap3A_558 = tpu.vector_load %arg8[%swap3A_556, %swap3A_557] {strides = array<i32>} : memref<32x1024xf32, #tpu.memory_space<vmem>>, vector<1x16xf32>,
      %swap3A_559 = vector.shape_cast %swap3A_558 : vector<1x16xf32> to vector<16xf32>
      %swap3A_560 = vector.shape_cast %mul3A_555 : vector<16xf32> to vector<1x16xf32>
      tpu.vector_store %arg8[%swap3A_556, %swap3A_557], %swap3A_560 {strides = array<i32>} : memref<32x1024xf32, #tpu.memory_space<vmem>>, vector<1x16xf32>,
      %get3A_561 = arith.index_cast %scan3A_156 : i32 to index
      %get3A_562 = arith.constant 640 : index
      %get3A_563 = tpu.vector_load %arg8[%get3A_561, %get3A_562] {strides = array<i32>} : memref<32x1024xf32, #tpu.memory_space<vmem>>, vector<1x16xf32>,
      %get3A_564 = vector.shape_cast %get3A_563 : vector<1x16xf32> to vector<16xf32>
      %mul3A_565 = arith.mulf %get3A_564, %get3A_160 : vector<16xf32>
      %swap3A_566 = arith.index_cast %scan3A_156 : i32 to index
      %swap3A_567 = arith.constant 640 : index
      %swap3A_568 = tpu.vector_load %arg8[%swap3A_566, %swap3A_567] {strides = array<i32>} : memref<32x1024xf32, #tpu.memory_space<vmem>>, vector<1x16xf32>,
      %swap3A_569 = vector.shape_cast %swap3A_568 : vector<1x16xf32> to vector<16xf32>
      %swap3A_570 = vector.shape_cast %mul3A_565 : vector<16xf32> to vector<1x16xf32>
      tpu.vector_store %arg8[%swap3A_566, %swap3A_567], %swap3A_570 {strides = array<i32>} : memref<32x1024xf32, #tpu.memory_space<vmem>>, vector<1x16xf32>,
      %get3A_571 = arith.index_cast %scan3A_156 : i32 to index
      %get3A_572 = arith.constant 656 : index
      %get3A_573 = tpu.vector_load %arg8[%get3A_571, %get3A_572] {strides = array<i32>} : memref<32x1024xf32, #tpu.memory_space<vmem>>, vector<1x16xf32>,
      %get3A_574 = vector.shape_cast %get3A_573 : vector<1x16xf32> to vector<16xf32>
      %mul3A_575 = arith.mulf %get3A_574, %get3A_160 : vector<16xf32>
      %swap3A_576 = arith.index_cast %scan3A_156 : i32 to index
      %swap3A_577 = arith.constant 656 : index
      %swap3A_578 = tpu.vector_load %arg8[%swap3A_576, %swap3A_577] {strides = array<i32>} : memref<32x1024xf32, #tpu.memory_space<vmem>>, vector<1x16xf32>,
      %swap3A_579 = vector.shape_cast %swap3A_578 : vector<1x16xf32> to vector<16xf32>
      %swap3A_580 = vector.shape_cast %mul3A_575 : vector<16xf32> to vector<1x16xf32>
      tpu.vector_store %arg8[%swap3A_576, %swap3A_577], %swap3A_580 {strides = array<i32>} : memref<32x1024xf32, #tpu.memory_space<vmem>>, vector<1x16xf32>,
      %get3A_581 = arith.index_cast %scan3A_156 : i32 to index
      %get3A_582 = arith.constant 672 : index
      %get3A_583 = tpu.vector_load %arg8[%get3A_581, %get3A_582] {strides = array<i32>} : memref<32x1024xf32, #tpu.memory_space<vmem>>, vector<1x16xf32>,
      %get3A_584 = vector.shape_cast %get3A_583 : vector<1x16xf32> to vector<16xf32>
      %mul3A_585 = arith.mulf %get3A_584, %get3A_160 : vector<16xf32>
      %swap3A_586 = arith.index_cast %scan3A_156 : i32 to index
      %swap3A_587 = arith.constant 672 : index
      %swap3A_588 = tpu.vector_load %arg8[%swap3A_586, %swap3A_587] {strides = array<i32>} : memref<32x1024xf32, #tpu.memory_space<vmem>>, vector<1x16xf32>,
      %swap3A_589 = vector.shape_cast %swap3A_588 : vector<1x16xf32> to vector<16xf32>
      %swap3A_590 = vector.shape_cast %mul3A_585 : vector<16xf32> to vector<1x16xf32>
      tpu.vector_store %arg8[%swap3A_586, %swap3A_587], %swap3A_590 {strides = array<i32>} : memref<32x1024xf32, #tpu.memory_space<vmem>>, vector<1x16xf32>,
      %get3A_591 = arith.index_cast %scan3A_156 : i32 to index
      %get3A_592 = arith.constant 688 : index
      %get3A_593 = tpu.vector_load %arg8[%get3A_591, %get3A_592] {strides = array<i32>} : memref<32x1024xf32, #tpu.memory_space<vmem>>, vector<1x16xf32>,
      %get3A_594 = vector.shape_cast %get3A_593 : vector<1x16xf32> to vector<16xf32>
      %mul3A_595 = arith.mulf %get3A_594, %get3A_160 : vector<16xf32>
      %swap3A_596 = arith.index_cast %scan3A_156 : i32 to index
      %swap3A_597 = arith.constant 688 : index
      %swap3A_598 = tpu.vector_load %arg8[%swap3A_596, %swap3A_597] {strides = array<i32>} : memref<32x1024xf32, #tpu.memory_space<vmem>>, vector<1x16xf32>,
      %swap3A_599 = vector.shape_cast %swap3A_598 : vector<1x16xf32> to vector<16xf32>
      %swap3A_600 = vector.shape_cast %mul3A_595 : vector<16xf32> to vector<1x16xf32>
      tpu.vector_store %arg8[%swap3A_596, %swap3A_597], %swap3A_600 {strides = array<i32>} : memref<32x1024xf32, #tpu.memory_space<vmem>>, vector<1x16xf32>,
      %get3A_601 = arith.index_cast %scan3A_156 : i32 to index
      %get3A_602 = arith.constant 704 : index
      %get3A_603 = tpu.vector_load %arg8[%get3A_601, %get3A_602] {strides = array<i32>} : memref<32x1024xf32, #tpu.memory_space<vmem>>, vector<1x16xf32>,
      %get3A_604 = vector.shape_cast %get3A_603 : vector<1x16xf32> to vector<16xf32>
      %mul3A_605 = arith.mulf %get3A_604, %get3A_160 : vector<16xf32>
      %swap3A_606 = arith.index_cast %scan3A_156 : i32 to index
      %swap3A_607 = arith.constant 704 : index
      %swap3A_608 = tpu.vector_load %arg8[%swap3A_606, %swap3A_607] {strides = array<i32>} : memref<32x1024xf32, #tpu.memory_space<vmem>>, vector<1x16xf32>,
      %swap3A_609 = vector.shape_cast %swap3A_608 : vector<1x16xf32> to vector<16xf32>
      %swap3A_610 = vector.shape_cast %mul3A_605 : vector<16xf32> to vector<1x16xf32>
      tpu.vector_store %arg8[%swap3A_606, %swap3A_607], %swap3A_610 {strides = array<i32>} : memref<32x1024xf32, #tpu.memory_space<vmem>>, vector<1x16xf32>,
      %get3A_611 = arith.index_cast %scan3A_156 : i32 to index
      %get3A_612 = arith.constant 720 : index
      %get3A_613 = tpu.vector_load %arg8[%get3A_611, %get3A_612] {strides = array<i32>} : memref<32x1024xf32, #tpu.memory_space<vmem>>, vector<1x16xf32>,
      %get3A_614 = vector.shape_cast %get3A_613 : vector<1x16xf32> to vector<16xf32>
      %mul3A_615 = arith.mulf %get3A_614, %get3A_160 : vector<16xf32>
      %swap3A_616 = arith.index_cast %scan3A_156 : i32 to index
      %swap3A_617 = arith.constant 720 : index
      %swap3A_618 = tpu.vector_load %arg8[%swap3A_616, %swap3A_617] {strides = array<i32>} : memref<32x1024xf32, #tpu.memory_space<vmem>>, vector<1x16xf32>,
      %swap3A_619 = vector.shape_cast %swap3A_618 : vector<1x16xf32> to vector<16xf32>
      %swap3A_620 = vector.shape_cast %mul3A_615 : vector<16xf32> to vector<1x16xf32>
      tpu.vector_store %arg8[%swap3A_616, %swap3A_617], %swap3A_620 {strides = array<i32>} : memref<32x1024xf32, #tpu.memory_space<vmem>>, vector<1x16xf32>,
      %get3A_621 = arith.index_cast %scan3A_156 : i32 to index
      %get3A_622 = arith.constant 736 : index
      %get3A_623 = tpu.vector_load %arg8[%get3A_621, %get3A_622] {strides = array<i32>} : memref<32x1024xf32, #tpu.memory_space<vmem>>, vector<1x16xf32>,
      %get3A_624 = vector.shape_cast %get3A_623 : vector<1x16xf32> to vector<16xf32>
      %mul3A_625 = arith.mulf %get3A_624, %get3A_160 : vector<16xf32>
      %swap3A_626 = arith.index_cast %scan3A_156 : i32 to index
      %swap3A_627 = arith.constant 736 : index
      %swap3A_628 = tpu.vector_load %arg8[%swap3A_626, %swap3A_627] {strides = array<i32>} : memref<32x1024xf32, #tpu.memory_space<vmem>>, vector<1x16xf32>,
      %swap3A_629 = vector.shape_cast %swap3A_628 : vector<1x16xf32> to vector<16xf32>
      %swap3A_630 = vector.shape_cast %mul3A_625 : vector<16xf32> to vector<1x16xf32>
      tpu.vector_store %arg8[%swap3A_626, %swap3A_627], %swap3A_630 {strides = array<i32>} : memref<32x1024xf32, #tpu.memory_space<vmem>>, vector<1x16xf32>,
      %get3A_631 = arith.index_cast %scan3A_156 : i32 to index
      %get3A_632 = arith.constant 752 : index
      %get3A_633 = tpu.vector_load %arg8[%get3A_631, %get3A_632] {strides = array<i32>} : memref<32x1024xf32, #tpu.memory_space<vmem>>, vector<1x16xf32>,
      %get3A_634 = vector.shape_cast %get3A_633 : vector<1x16xf32> to vector<16xf32>
      %mul3A_635 = arith.mulf %get3A_634, %get3A_160 : vector<16xf32>
      %swap3A_636 = arith.index_cast %scan3A_156 : i32 to index
      %swap3A_637 = arith.constant 752 : index
      %swap3A_638 = tpu.vector_load %arg8[%swap3A_636, %swap3A_637] {strides = array<i32>} : memref<32x1024xf32, #tpu.memory_space<vmem>>, vector<1x16xf32>,
      %swap3A_639 = vector.shape_cast %swap3A_638 : vector<1x16xf32> to vector<16xf32>
      %swap3A_640 = vector.shape_cast %mul3A_635 : vector<16xf32> to vector<1x16xf32>
      tpu.vector_store %arg8[%swap3A_636, %swap3A_637], %swap3A_640 {strides = array<i32>} : memref<32x1024xf32, #tpu.memory_space<vmem>>, vector<1x16xf32>,
      %get3A_641 = arith.index_cast %scan3A_156 : i32 to index
      %get3A_642 = arith.constant 768 : index
      %get3A_643 = tpu.vector_load %arg8[%get3A_641, %get3A_642] {strides = array<i32>} : memref<32x1024xf32, #tpu.memory_space<vmem>>, vector<1x16xf32>,
      %get3A_644 = vector.shape_cast %get3A_643 : vector<1x16xf32> to vector<16xf32>
      %mul3A_645 = arith.mulf %get3A_644, %get3A_160 : vector<16xf32>
      %swap3A_646 = arith.index_cast %scan3A_156 : i32 to index
      %swap3A_647 = arith.constant 768 : index
      %swap3A_648 = tpu.vector_load %arg8[%swap3A_646, %swap3A_647] {strides = array<i32>} : memref<32x1024xf32, #tpu.memory_space<vmem>>, vector<1x16xf32>,
      %swap3A_649 = vector.shape_cast %swap3A_648 : vector<1x16xf32> to vector<16xf32>
      %swap3A_650 = vector.shape_cast %mul3A_645 : vector<16xf32> to vector<1x16xf32>
      tpu.vector_store %arg8[%swap3A_646, %swap3A_647], %swap3A_650 {strides = array<i32>} : memref<32x1024xf32, #tpu.memory_space<vmem>>, vector<1x16xf32>,
      %get3A_651 = arith.index_cast %scan3A_156 : i32 to index
      %get3A_652 = arith.constant 784 : index
      %get3A_653 = tpu.vector_load %arg8[%get3A_651, %get3A_652] {strides = array<i32>} : memref<32x1024xf32, #tpu.memory_space<vmem>>, vector<1x16xf32>,
      %get3A_654 = vector.shape_cast %get3A_653 : vector<1x16xf32> to vector<16xf32>
      %mul3A_655 = arith.mulf %get3A_654, %get3A_160 : vector<16xf32>
      %swap3A_656 = arith.index_cast %scan3A_156 : i32 to index
      %swap3A_657 = arith.constant 784 : index
      %swap3A_658 = tpu.vector_load %arg8[%swap3A_656, %swap3A_657] {strides = array<i32>} : memref<32x1024xf32, #tpu.memory_space<vmem>>, vector<1x16xf32>,
      %swap3A_659 = vector.shape_cast %swap3A_658 : vector<1x16xf32> to vector<16xf32>
      %swap3A_660 = vector.shape_cast %mul3A_655 : vector<16xf32> to vector<1x16xf32>
      tpu.vector_store %arg8[%swap3A_656, %swap3A_657], %swap3A_660 {strides = array<i32>} : memref<32x1024xf32, #tpu.memory_space<vmem>>, vector<1x16xf32>,
      %get3A_661 = arith.index_cast %scan3A_156 : i32 to index
      %get3A_662 = arith.constant 800 : index
      %get3A_663 = tpu.vector_load %arg8[%get3A_661, %get3A_662] {strides = array<i32>} : memref<32x1024xf32, #tpu.memory_space<vmem>>, vector<1x16xf32>,
      %get3A_664 = vector.shape_cast %get3A_663 : vector<1x16xf32> to vector<16xf32>
      %mul3A_665 = arith.mulf %get3A_664, %get3A_160 : vector<16xf32>
      %swap3A_666 = arith.index_cast %scan3A_156 : i32 to index
      %swap3A_667 = arith.constant 800 : index
      %swap3A_668 = tpu.vector_load %arg8[%swap3A_666, %swap3A_667] {strides = array<i32>} : memref<32x1024xf32, #tpu.memory_space<vmem>>, vector<1x16xf32>,
      %swap3A_669 = vector.shape_cast %swap3A_668 : vector<1x16xf32> to vector<16xf32>
      %swap3A_670 = vector.shape_cast %mul3A_665 : vector<16xf32> to vector<1x16xf32>
      tpu.vector_store %arg8[%swap3A_666, %swap3A_667], %swap3A_670 {strides = array<i32>} : memref<32x1024xf32, #tpu.memory_space<vmem>>, vector<1x16xf32>,
      %get3A_671 = arith.index_cast %scan3A_156 : i32 to index
      %get3A_672 = arith.constant 816 : index
      %get3A_673 = tpu.vector_load %arg8[%get3A_671, %get3A_672] {strides = array<i32>} : memref<32x1024xf32, #tpu.memory_space<vmem>>, vector<1x16xf32>,
      %get3A_674 = vector.shape_cast %get3A_673 : vector<1x16xf32> to vector<16xf32>
      %mul3A_675 = arith.mulf %get3A_674, %get3A_160 : vector<16xf32>
      %swap3A_676 = arith.index_cast %scan3A_156 : i32 to index
      %swap3A_677 = arith.constant 816 : index
      %swap3A_678 = tpu.vector_load %arg8[%swap3A_676, %swap3A_677] {strides = array<i32>} : memref<32x1024xf32, #tpu.memory_space<vmem>>, vector<1x16xf32>,
      %swap3A_679 = vector.shape_cast %swap3A_678 : vector<1x16xf32> to vector<16xf32>
      %swap3A_680 = vector.shape_cast %mul3A_675 : vector<16xf32> to vector<1x16xf32>
      tpu.vector_store %arg8[%swap3A_676, %swap3A_677], %swap3A_680 {strides = array<i32>} : memref<32x1024xf32, #tpu.memory_space<vmem>>, vector<1x16xf32>,
      %get3A_681 = arith.index_cast %scan3A_156 : i32 to index
      %get3A_682 = arith.constant 832 : index
      %get3A_683 = tpu.vector_load %arg8[%get3A_681, %get3A_682] {strides = array<i32>} : memref<32x1024xf32, #tpu.memory_space<vmem>>, vector<1x16xf32>,
      %get3A_684 = vector.shape_cast %get3A_683 : vector<1x16xf32> to vector<16xf32>
      %mul3A_685 = arith.mulf %get3A_684, %get3A_160 : vector<16xf32>
      %swap3A_686 = arith.index_cast %scan3A_156 : i32 to index
      %swap3A_687 = arith.constant 832 : index
      %swap3A_688 = tpu.vector_load %arg8[%swap3A_686, %swap3A_687] {strides = array<i32>} : memref<32x1024xf32, #tpu.memory_space<vmem>>, vector<1x16xf32>,
      %swap3A_689 = vector.shape_cast %swap3A_688 : vector<1x16xf32> to vector<16xf32>
      %swap3A_690 = vector.shape_cast %mul3A_685 : vector<16xf32> to vector<1x16xf32>
      tpu.vector_store %arg8[%swap3A_686, %swap3A_687], %swap3A_690 {strides = array<i32>} : memref<32x1024xf32, #tpu.memory_space<vmem>>, vector<1x16xf32>,
      %get3A_691 = arith.index_cast %scan3A_156 : i32 to index
      %get3A_692 = arith.constant 848 : index
      %get3A_693 = tpu.vector_load %arg8[%get3A_691, %get3A_692] {strides = array<i32>} : memref<32x1024xf32, #tpu.memory_space<vmem>>, vector<1x16xf32>,
      %get3A_694 = vector.shape_cast %get3A_693 : vector<1x16xf32> to vector<16xf32>
      %mul3A_695 = arith.mulf %get3A_694, %get3A_160 : vector<16xf32>
      %swap3A_696 = arith.index_cast %scan3A_156 : i32 to index
      %swap3A_697 = arith.constant 848 : index
      %swap3A_698 = tpu.vector_load %arg8[%swap3A_696, %swap3A_697] {strides = array<i32>} : memref<32x1024xf32, #tpu.memory_space<vmem>>, vector<1x16xf32>,
      %swap3A_699 = vector.shape_cast %swap3A_698 : vector<1x16xf32> to vector<16xf32>
      %swap3A_700 = vector.shape_cast %mul3A_695 : vector<16xf32> to vector<1x16xf32>
      tpu.vector_store %arg8[%swap3A_696, %swap3A_697], %swap3A_700 {strides = array<i32>} : memref<32x1024xf32, #tpu.memory_space<vmem>>, vector<1x16xf32>,
      %get3A_701 = arith.index_cast %scan3A_156 : i32 to index
      %get3A_702 = arith.constant 864 : index
      %get3A_703 = tpu.vector_load %arg8[%get3A_701, %get3A_702] {strides = array<i32>} : memref<32x1024xf32, #tpu.memory_space<vmem>>, vector<1x16xf32>,
      %get3A_704 = vector.shape_cast %get3A_703 : vector<1x16xf32> to vector<16xf32>
      %mul3A_705 = arith.mulf %get3A_704, %get3A_160 : vector<16xf32>
      %swap3A_706 = arith.index_cast %scan3A_156 : i32 to index
      %swap3A_707 = arith.constant 864 : index
      %swap3A_708 = tpu.vector_load %arg8[%swap3A_706, %swap3A_707] {strides = array<i32>} : memref<32x1024xf32, #tpu.memory_space<vmem>>, vector<1x16xf32>,
      %swap3A_709 = vector.shape_cast %swap3A_708 : vector<1x16xf32> to vector<16xf32>
      %swap3A_710 = vector.shape_cast %mul3A_705 : vector<16xf32> to vector<1x16xf32>
      tpu.vector_store %arg8[%swap3A_706, %swap3A_707], %swap3A_710 {strides = array<i32>} : memref<32x1024xf32, #tpu.memory_space<vmem>>, vector<1x16xf32>,
      %get3A_711 = arith.index_cast %scan3A_156 : i32 to index
      %get3A_712 = arith.constant 880 : index
      %get3A_713 = tpu.vector_load %arg8[%get3A_711, %get3A_712] {strides = array<i32>} : memref<32x1024xf32, #tpu.memory_space<vmem>>, vector<1x16xf32>,
      %get3A_714 = vector.shape_cast %get3A_713 : vector<1x16xf32> to vector<16xf32>
      %mul3A_715 = arith.mulf %get3A_714, %get3A_160 : vector<16xf32>
      %swap3A_716 = arith.index_cast %scan3A_156 : i32 to index
      %swap3A_717 = arith.constant 880 : index
      %swap3A_718 = tpu.vector_load %arg8[%swap3A_716, %swap3A_717] {strides = array<i32>} : memref<32x1024xf32, #tpu.memory_space<vmem>>, vector<1x16xf32>,
      %swap3A_719 = vector.shape_cast %swap3A_718 : vector<1x16xf32> to vector<16xf32>
      %swap3A_720 = vector.shape_cast %mul3A_715 : vector<16xf32> to vector<1x16xf32>
      tpu.vector_store %arg8[%swap3A_716, %swap3A_717], %swap3A_720 {strides = array<i32>} : memref<32x1024xf32, #tpu.memory_space<vmem>>, vector<1x16xf32>,
      %get3A_721 = arith.index_cast %scan3A_156 : i32 to index
      %get3A_722 = arith.constant 896 : index
      %get3A_723 = tpu.vector_load %arg8[%get3A_721, %get3A_722] {strides = array<i32>} : memref<32x1024xf32, #tpu.memory_space<vmem>>, vector<1x16xf32>,
      %get3A_724 = vector.shape_cast %get3A_723 : vector<1x16xf32> to vector<16xf32>
      %mul3A_725 = arith.mulf %get3A_724, %get3A_160 : vector<16xf32>
      %swap3A_726 = arith.index_cast %scan3A_156 : i32 to index
      %swap3A_727 = arith.constant 896 : index
      %swap3A_728 = tpu.vector_load %arg8[%swap3A_726, %swap3A_727] {strides = array<i32>} : memref<32x1024xf32, #tpu.memory_space<vmem>>, vector<1x16xf32>,
      %swap3A_729 = vector.shape_cast %swap3A_728 : vector<1x16xf32> to vector<16xf32>
      %swap3A_730 = vector.shape_cast %mul3A_725 : vector<16xf32> to vector<1x16xf32>
      tpu.vector_store %arg8[%swap3A_726, %swap3A_727], %swap3A_730 {strides = array<i32>} : memref<32x1024xf32, #tpu.memory_space<vmem>>, vector<1x16xf32>,
      %get3A_731 = arith.index_cast %scan3A_156 : i32 to index
      %get3A_732 = arith.constant 912 : index
      %get3A_733 = tpu.vector_load %arg8[%get3A_731, %get3A_732] {strides = array<i32>} : memref<32x1024xf32, #tpu.memory_space<vmem>>, vector<1x16xf32>,
      %get3A_734 = vector.shape_cast %get3A_733 : vector<1x16xf32> to vector<16xf32>
      %mul3A_735 = arith.mulf %get3A_734, %get3A_160 : vector<16xf32>
      %swap3A_736 = arith.index_cast %scan3A_156 : i32 to index
      %swap3A_737 = arith.constant 912 : index
      %swap3A_738 = tpu.vector_load %arg8[%swap3A_736, %swap3A_737] {strides = array<i32>} : memref<32x1024xf32, #tpu.memory_space<vmem>>, vector<1x16xf32>,
      %swap3A_739 = vector.shape_cast %swap3A_738 : vector<1x16xf32> to vector<16xf32>
      %swap3A_740 = vector.shape_cast %mul3A_735 : vector<16xf32> to vector<1x16xf32>
      tpu.vector_store %arg8[%swap3A_736, %swap3A_737], %swap3A_740 {strides = array<i32>} : memref<32x1024xf32, #tpu.memory_space<vmem>>, vector<1x16xf32>,
      %get3A_741 = arith.index_cast %scan3A_156 : i32 to index
      %get3A_742 = arith.constant 928 : index
      %get3A_743 = tpu.vector_load %arg8[%get3A_741, %get3A_742] {strides = array<i32>} : memref<32x1024xf32, #tpu.memory_space<vmem>>, vector<1x16xf32>,
      %get3A_744 = vector.shape_cast %get3A_743 : vector<1x16xf32> to vector<16xf32>
      %mul3A_745 = arith.mulf %get3A_744, %get3A_160 : vector<16xf32>
      %swap3A_746 = arith.index_cast %scan3A_156 : i32 to index
      %swap3A_747 = arith.constant 928 : index
      %swap3A_748 = tpu.vector_load %arg8[%swap3A_746, %swap3A_747] {strides = array<i32>} : memref<32x1024xf32, #tpu.memory_space<vmem>>, vector<1x16xf32>,
      %swap3A_749 = vector.shape_cast %swap3A_748 : vector<1x16xf32> to vector<16xf32>
      %swap3A_750 = vector.shape_cast %mul3A_745 : vector<16xf32> to vector<1x16xf32>
      tpu.vector_store %arg8[%swap3A_746, %swap3A_747], %swap3A_750 {strides = array<i32>} : memref<32x1024xf32, #tpu.memory_space<vmem>>, vector<1x16xf32>,
      %get3A_751 = arith.index_cast %scan3A_156 : i32 to index
      %get3A_752 = arith.constant 944 : index
      %get3A_753 = tpu.vector_load %arg8[%get3A_751, %get3A_752] {strides = array<i32>} : memref<32x1024xf32, #tpu.memory_space<vmem>>, vector<1x16xf32>,
      %get3A_754 = vector.shape_cast %get3A_753 : vector<1x16xf32> to vector<16xf32>
      %mul3A_755 = arith.mulf %get3A_754, %get3A_160 : vector<16xf32>
      %swap3A_756 = arith.index_cast %scan3A_156 : i32 to index
      %swap3A_757 = arith.constant 944 : index
      %swap3A_758 = tpu.vector_load %arg8[%swap3A_756, %swap3A_757] {strides = array<i32>} : memref<32x1024xf32, #tpu.memory_space<vmem>>, vector<1x16xf32>,
      %swap3A_759 = vector.shape_cast %swap3A_758 : vector<1x16xf32> to vector<16xf32>
      %swap3A_760 = vector.shape_cast %mul3A_755 : vector<16xf32> to vector<1x16xf32>
      tpu.vector_store %arg8[%swap3A_756, %swap3A_757], %swap3A_760 {strides = array<i32>} : memref<32x1024xf32, #tpu.memory_space<vmem>>, vector<1x16xf32>,
      %get3A_761 = arith.index_cast %scan3A_156 : i32 to index
      %get3A_762 = arith.constant 960 : index
      %get3A_763 = tpu.vector_load %arg8[%get3A_761, %get3A_762] {strides = array<i32>} : memref<32x1024xf32, #tpu.memory_space<vmem>>, vector<1x16xf32>,
      %get3A_764 = vector.shape_cast %get3A_763 : vector<1x16xf32> to vector<16xf32>
      %mul3A_765 = arith.mulf %get3A_764, %get3A_160 : vector<16xf32>
      %swap3A_766 = arith.index_cast %scan3A_156 : i32 to index
      %swap3A_767 = arith.constant 960 : index
      %swap3A_768 = tpu.vector_load %arg8[%swap3A_766, %swap3A_767] {strides = array<i32>} : memref<32x1024xf32, #tpu.memory_space<vmem>>, vector<1x16xf32>,
      %swap3A_769 = vector.shape_cast %swap3A_768 : vector<1x16xf32> to vector<16xf32>
      %swap3A_770 = vector.shape_cast %mul3A_765 : vector<16xf32> to vector<1x16xf32>
      tpu.vector_store %arg8[%swap3A_766, %swap3A_767], %swap3A_770 {strides = array<i32>} : memref<32x1024xf32, #tpu.memory_space<vmem>>, vector<1x16xf32>,
      %get3A_771 = arith.index_cast %scan3A_156 : i32 to index
      %get3A_772 = arith.constant 976 : index
      %get3A_773 = tpu.vector_load %arg8[%get3A_771, %get3A_772] {strides = array<i32>} : memref<32x1024xf32, #tpu.memory_space<vmem>>, vector<1x16xf32>,
      %get3A_774 = vector.shape_cast %get3A_773 : vector<1x16xf32> to vector<16xf32>
      %mul3A_775 = arith.mulf %get3A_774, %get3A_160 : vector<16xf32>
      %swap3A_776 = arith.index_cast %scan3A_156 : i32 to index
      %swap3A_777 = arith.constant 976 : index
      %swap3A_778 = tpu.vector_load %arg8[%swap3A_776, %swap3A_777] {strides = array<i32>} : memref<32x1024xf32, #tpu.memory_space<vmem>>, vector<1x16xf32>,
      %swap3A_779 = vector.shape_cast %swap3A_778 : vector<1x16xf32> to vector<16xf32>
      %swap3A_780 = vector.shape_cast %mul3A_775 : vector<16xf32> to vector<1x16xf32>
      tpu.vector_store %arg8[%swap3A_776, %swap3A_777], %swap3A_780 {strides = array<i32>} : memref<32x1024xf32, #tpu.memory_space<vmem>>, vector<1x16xf32>,
      %get3A_781 = arith.index_cast %scan3A_156 : i32 to index
      %get3A_782 = arith.constant 992 : index
      %get3A_783 = tpu.vector_load %arg8[%get3A_781, %get3A_782] {strides = array<i32>} : memref<32x1024xf32, #tpu.memory_space<vmem>>, vector<1x16xf32>,
      %get3A_784 = vector.shape_cast %get3A_783 : vector<1x16xf32> to vector<16xf32>
      %mul3A_785 = arith.mulf %get3A_784, %get3A_160 : vector<16xf32>
      %swap3A_786 = arith.index_cast %scan3A_156 : i32 to index
      %swap3A_787 = arith.constant 992 : index
      %swap3A_788 = tpu.vector_load %arg8[%swap3A_786, %swap3A_787] {strides = array<i32>} : memref<32x1024xf32, #tpu.memory_space<vmem>>, vector<1x16xf32>,
      %swap3A_789 = vector.shape_cast %swap3A_788 : vector<1x16xf32> to vector<16xf32>
      %swap3A_790 = vector.shape_cast %mul3A_785 : vector<16xf32> to vector<1x16xf32>
      tpu.vector_store %arg8[%swap3A_786, %swap3A_787], %swap3A_790 {strides = array<i32>} : memref<32x1024xf32, #tpu.memory_space<vmem>>, vector<1x16xf32>,
      %get3A_791 = arith.index_cast %scan3A_156 : i32 to index
      %get3A_792 = arith.constant 1008 : index
      %get3A_793 = tpu.vector_load %arg8[%get3A_791, %get3A_792] {strides = array<i32>} : memref<32x1024xf32, #tpu.memory_space<vmem>>, vector<1x16xf32>,
      %get3A_794 = vector.shape_cast %get3A_793 : vector<1x16xf32> to vector<16xf32>
      %mul3A_795 = arith.mulf %get3A_794, %get3A_160 : vector<16xf32>
      %swap3A_796 = arith.index_cast %scan3A_156 : i32 to index
      %swap3A_797 = arith.constant 1008 : index
      %swap3A_798 = tpu.vector_load %arg8[%swap3A_796, %swap3A_797] {strides = array<i32>} : memref<32x1024xf32, #tpu.memory_space<vmem>>, vector<1x16xf32>,
      %swap3A_799 = vector.shape_cast %swap3A_798 : vector<1x16xf32> to vector<16xf32>
      %swap3A_800 = vector.shape_cast %mul3A_795 : vector<16xf32> to vector<1x16xf32>
      tpu.vector_store %arg8[%swap3A_796, %swap3A_797], %swap3A_800 {strides = array<i32>} : memref<32x1024xf32, #tpu.memory_space<vmem>>, vector<1x16xf32>,
    }
    %scan3A_75 = arith.constant 32 : i32
    "tpu.region"() ({
      %run_scoped3A = tpu.sem_alloc : memref<!tpu.dma_semaphore, #tpu.memory_space<semaphore_mem>>
      %dma_start3A_156 = arith.constant 0 : i32
      %dma_start3A_157 = tpu.memref_slice %arg5[%add3A_37, %dma_start3A_156] : memref<4096x1024xf32, #tpu.memory_space<hbm>> -> memref<32x1024xf32, #tpu.memory_space<hbm>>
      %dma_start3A_158 = arith.constant 0 : i32
      %dma_start3A_159 = tpu.memref_slice %arg5[%add3A_37, %dma_start3A_158] : memref<4096x1024xf32, #tpu.memory_space<hbm>> -> memref<32x1024xf32, #tpu.memory_space<hbm>>
      tpu.enqueue_dma source(%arg8 : memref<32x1024xf32, #tpu.memory_space<vmem>>) target(%dma_start3A_159 : memref<32x1024xf32, #tpu.memory_space<hbm>>) target_semaphore(%run_scoped3A : memref<!tpu.dma_semaphore, #tpu.memory_space<semaphore_mem>>)
      %dma_wait3A_160 = arith.constant 0 : i32
      %dma_wait3A_161 = tpu.memref_slice %arg5[%add3A_37, %dma_wait3A_160] : memref<4096x1024xf32, #tpu.memory_space<hbm>> -> memref<32x1024xf32, #tpu.memory_space<hbm>>
      %dma_wait3A_162 = arith.constant 0 : i32
      %dma_wait3A_163 = tpu.memref_slice %arg5[%add3A_37, %dma_wait3A_162] : memref<4096x1024xf32, #tpu.memory_space<hbm>> -> memref<32x1024xf32, #tpu.memory_space<hbm>>
      tpu.wait_dma2 semaphore(%run_scoped3A : memref<!tpu.dma_semaphore, #tpu.memory_space<semaphore_mem>>) src(%arg8 : memref<32x1024xf32, #tpu.memory_space<vmem>>) dst(%dma_wait3A_163 : memref<32x1024xf32, #tpu.memory_space<hbm>>)
      tpu.yield
    }) : () -> ()
    %add3A_76 = arith.constant 64 : i32
    %add3A_77 = arith.addi %mul3A_2, %add3A_76 : i32
    "tpu.region"() ({
      %run_scoped3A = tpu.sem_alloc : memref<!tpu.dma_semaphore, #tpu.memory_space<semaphore_mem>>
      %dma_start3A_156 = tpu.memref_slice %arg3[%add3A_77] : memref<4096xi32, #tpu.memory_space<hbm>> -> memref<32xi32, #tpu.memory_space<hbm>>
      %dma_start3A_157 = tpu.memref_slice %arg3[%add3A_77] : memref<4096xi32, #tpu.memory_space<hbm>> -> memref<32xi32, #tpu.memory_space<hbm>>
      tpu.enqueue_dma source(%dma_start3A_157 : memref<32xi32, #tpu.memory_space<hbm>>) target(%arg6 : memref<32xi32, #tpu.memory_space<vmem>>) target_semaphore(%run_scoped3A : memref<!tpu.dma_semaphore, #tpu.memory_space<semaphore_mem>>)
      %dma_wait3A_158 = tpu.memref_slice %arg3[%add3A_77] : memref<4096xi32, #tpu.memory_space<hbm>> -> memref<32xi32, #tpu.memory_space<hbm>>
      %dma_wait3A_159 = tpu.memref_slice %arg3[%add3A_77] : memref<4096xi32, #tpu.memory_space<hbm>> -> memref<32xi32, #tpu.memory_space<hbm>>
      tpu.wait_dma2 semaphore(%run_scoped3A : memref<!tpu.dma_semaphore, #tpu.memory_space<semaphore_mem>>) src(%dma_wait3A_159 : memref<32xi32, #tpu.memory_space<hbm>>) dst(%arg6 : memref<32xi32, #tpu.memory_space<vmem>>)
      tpu.yield
    }) : () -> ()
    "tpu.region"() ({
      %run_scoped3A = tpu.sem_alloc : memref<!tpu.dma_semaphore, #tpu.memory_space<semaphore_mem>>
      %dma_start3A_156 = arith.constant 0 : i32
      %dma_start3A_157 = tpu.memref_slice %arg4[%add3A_77, %dma_start3A_156] : memref<4096x16xf32, #tpu.memory_space<hbm>> -> memref<32x16xf32, #tpu.memory_space<hbm>>
      %dma_start3A_158 = arith.constant 0 : i32
      %dma_start3A_159 = tpu.memref_slice %arg4[%add3A_77, %dma_start3A_158] : memref<4096x16xf32, #tpu.memory_space<hbm>> -> memref<32x16xf32, #tpu.memory_space<hbm>>
      tpu.enqueue_dma source(%dma_start3A_159 : memref<32x16xf32, #tpu.memory_space<hbm>>) target(%arg7 : memref<32x16xf32, #tpu.memory_space<vmem>>) target_semaphore(%run_scoped3A : memref<!tpu.dma_semaphore, #tpu.memory_space<semaphore_mem>>)
      %dma_wait3A_160 = arith.constant 0 : i32
      %dma_wait3A_161 = tpu.memref_slice %arg4[%add3A_77, %dma_wait3A_160] : memref<4096x16xf32, #tpu.memory_space<hbm>> -> memref<32x16xf32, #tpu.memory_space<hbm>>
      %dma_wait3A_162 = arith.constant 0 : i32
      %dma_wait3A_163 = tpu.memref_slice %arg4[%add3A_77, %dma_wait3A_162] : memref<4096x16xf32, #tpu.memory_space<hbm>> -> memref<32x16xf32, #tpu.memory_space<hbm>>
      tpu.wait_dma2 semaphore(%run_scoped3A : memref<!tpu.dma_semaphore, #tpu.memory_space<semaphore_mem>>) src(%dma_wait3A_163 : memref<32x16xf32, #tpu.memory_space<hbm>>) dst(%arg7 : memref<32x16xf32, #tpu.memory_space<vmem>>)
      tpu.yield
    }) : () -> ()
    %get3A_78 = arith.constant 0 : index
    %get3A_79 = tpu.vector_load %arg6[%get3A_78] {strides = array<i32>} : memref<32xi32, #tpu.memory_space<vmem>>, vector<16xi32>,
    %get3A_80 = vector.shape_cast %get3A_79 : vector<16xi32> to vector<16xi32>
    %max3A_81 = arith.constant 0 : i32
    %max3A_82 = vector.broadcast %max3A_81 : i32 to vector<16xi32>
    %max3A_83 = arith.maxsi %get3A_80, %max3A_82 : vector<16xi32>
    %min3A_84 = arith.constant 16383 : i32
    %min3A_85 = vector.broadcast %min3A_84 : i32 to vector<16xi32>
    %min3A_86 = arith.minsi %max3A_83, %min3A_85 : vector<16xi32>
    %swap3A_87 = arith.constant 0 : index
    %swap3A_88 = tpu.vector_load %arg6[%swap3A_87] {strides = array<i32>} : memref<32xi32, #tpu.memory_space<vmem>>, vector<16xi32>,
    %swap3A_89 = vector.shape_cast %swap3A_88 : vector<16xi32> to vector<16xi32>
    %swap3A_90 = vector.shape_cast %min3A_86 : vector<16xi32> to vector<16xi32>
    tpu.vector_store %arg6[%swap3A_87], %swap3A_90 {strides = array<i32>} : memref<32xi32, #tpu.memory_space<vmem>>, vector<16xi32>,
    %get3A_91 = arith.constant 16 : index
    %get3A_92 = tpu.vector_load %arg6[%get3A_91] {strides = array<i32>} : memref<32xi32, #tpu.memory_space<vmem>>, vector<16xi32>,
    %get3A_93 = vector.shape_cast %get3A_92 : vector<16xi32> to vector<16xi32>
    %max3A_94 = arith.constant 0 : i32
    %max3A_95 = vector.broadcast %max3A_94 : i32 to vector<16xi32>
    %max3A_96 = arith.maxsi %get3A_93, %max3A_95 : vector<16xi32>
    %min3A_97 = arith.constant 16383 : i32
    %min3A_98 = vector.broadcast %min3A_97 : i32 to vector<16xi32>
    %min3A_99 = arith.minsi %max3A_96, %min3A_98 : vector<16xi32>
    %swap3A_100 = arith.constant 16 : index
    %swap3A_101 = tpu.vector_load %arg6[%swap3A_100] {strides = array<i32>} : memref<32xi32, #tpu.memory_space<vmem>>, vector<16xi32>,
    %swap3A_102 = vector.shape_cast %swap3A_101 : vector<16xi32> to vector<16xi32>
    %swap3A_103 = vector.shape_cast %min3A_99 : vector<16xi32> to vector<16xi32>
    tpu.vector_store %arg6[%swap3A_100], %swap3A_103 {strides = array<i32>} : memref<32xi32, #tpu.memory_space<vmem>>, vector<16xi32>,
    %dma_start3A_104 = arith.constant 0 : i32
    %dma_start3A_105 = arith.constant 0 : i32
    %dma_start3A_106 = tpu.memref_slice %arg2[%dma_start3A_104, %dma_start3A_105] : memref<16384x1024xf32, #tpu.memory_space<hbm>> -> memref<16384x1024xf32, #tpu.memory_space<hbm>>
    tpu.enqueue_indirect_dma source(%dma_start3A_106 : memref<16384x1024xf32, #tpu.memory_space<hbm>>) target(%arg8 : memref<32x1024xf32, #tpu.memory_space<vmem>>) offsets(%arg6 : memref<32xi32, #tpu.memory_space<vmem>>) semaphore(%arg9 : memref<!tpu.dma_semaphore, #tpu.memory_space<semaphore_mem>>)
    %dma_wait3A_107 = arith.constant 0 : i32
    %dma_wait3A_108 = arith.constant 0 : i32
    %dma_wait3A_109 = tpu.memref_slice %arg2[%dma_wait3A_107, %dma_wait3A_108] : memref<16384x1024xf32, #tpu.memory_space<hbm>> -> memref<16384x1024xf32, #tpu.memory_space<hbm>>
    tpu.wait_indirect_dma semaphore(%arg9 : memref<!tpu.dma_semaphore, #tpu.memory_space<semaphore_mem>>) src(%dma_wait3A_109 : memref<16384x1024xf32, #tpu.memory_space<hbm>>) dst(%arg8 : memref<32x1024xf32, #tpu.memory_space<vmem>>)
    %scan3A_110 = arith.constant 0 : i32
    %scan3A_111 = arith.constant 0 : i32
    %scan3A_112 = arith.constant 32 : i32
    %scan3A_113 = arith.addi %scan3A_111, %scan3A_112 : i32
    %scan3A_114 = arith.constant 1 : i32
    scf.for %scan3A_156 = %scan3A_111 to %scan3A_113 step %scan3A_114  : i32 {
      %get3A_157 = arith.index_cast %scan3A_156 : i32 to index
      %get3A_158 = arith.constant 0 : index
      %get3A_159 = tpu.vector_load %arg7[%get3A_157, %get3A_158] {strides = array<i32>} : memref<32x16xf32, #tpu.memory_space<vmem>>, vector<1x16xf32>,
      %get3A_160 = vector.shape_cast %get3A_159 : vector<1x16xf32> to vector<16xf32>
      %get3A_161 = arith.index_cast %scan3A_156 : i32 to index
      %get3A_162 = arith.constant 0 : index
      %get3A_163 = tpu.vector_load %arg8[%get3A_161, %get3A_162] {strides = array<i32>} : memref<32x1024xf32, #tpu.memory_space<vmem>>, vector<1x16xf32>,
      %get3A_164 = vector.shape_cast %get3A_163 : vector<1x16xf32> to vector<16xf32>
      %mul3A_165 = arith.mulf %get3A_164, %get3A_160 : vector<16xf32>
      %swap3A_166 = arith.index_cast %scan3A_156 : i32 to index
      %swap3A_167 = arith.constant 0 : index
      %swap3A_168 = tpu.vector_load %arg8[%swap3A_166, %swap3A_167] {strides = array<i32>} : memref<32x1024xf32, #tpu.memory_space<vmem>>, vector<1x16xf32>,
      %swap3A_169 = vector.shape_cast %swap3A_168 : vector<1x16xf32> to vector<16xf32>
      %swap3A_170 = vector.shape_cast %mul3A_165 : vector<16xf32> to vector<1x16xf32>
      tpu.vector_store %arg8[%swap3A_166, %swap3A_167], %swap3A_170 {strides = array<i32>} : memref<32x1024xf32, #tpu.memory_space<vmem>>, vector<1x16xf32>,
      %get3A_171 = arith.index_cast %scan3A_156 : i32 to index
      %get3A_172 = arith.constant 16 : index
      %get3A_173 = tpu.vector_load %arg8[%get3A_171, %get3A_172] {strides = array<i32>} : memref<32x1024xf32, #tpu.memory_space<vmem>>, vector<1x16xf32>,
      %get3A_174 = vector.shape_cast %get3A_173 : vector<1x16xf32> to vector<16xf32>
      %mul3A_175 = arith.mulf %get3A_174, %get3A_160 : vector<16xf32>
      %swap3A_176 = arith.index_cast %scan3A_156 : i32 to index
      %swap3A_177 = arith.constant 16 : index
      %swap3A_178 = tpu.vector_load %arg8[%swap3A_176, %swap3A_177] {strides = array<i32>} : memref<32x1024xf32, #tpu.memory_space<vmem>>, vector<1x16xf32>,
      %swap3A_179 = vector.shape_cast %swap3A_178 : vector<1x16xf32> to vector<16xf32>
      %swap3A_180 = vector.shape_cast %mul3A_175 : vector<16xf32> to vector<1x16xf32>
      tpu.vector_store %arg8[%swap3A_176, %swap3A_177], %swap3A_180 {strides = array<i32>} : memref<32x1024xf32, #tpu.memory_space<vmem>>, vector<1x16xf32>,
      %get3A_181 = arith.index_cast %scan3A_156 : i32 to index
      %get3A_182 = arith.constant 32 : index
      %get3A_183 = tpu.vector_load %arg8[%get3A_181, %get3A_182] {strides = array<i32>} : memref<32x1024xf32, #tpu.memory_space<vmem>>, vector<1x16xf32>,
      %get3A_184 = vector.shape_cast %get3A_183 : vector<1x16xf32> to vector<16xf32>
      %mul3A_185 = arith.mulf %get3A_184, %get3A_160 : vector<16xf32>
      %swap3A_186 = arith.index_cast %scan3A_156 : i32 to index
      %swap3A_187 = arith.constant 32 : index
      %swap3A_188 = tpu.vector_load %arg8[%swap3A_186, %swap3A_187] {strides = array<i32>} : memref<32x1024xf32, #tpu.memory_space<vmem>>, vector<1x16xf32>,
      %swap3A_189 = vector.shape_cast %swap3A_188 : vector<1x16xf32> to vector<16xf32>
      %swap3A_190 = vector.shape_cast %mul3A_185 : vector<16xf32> to vector<1x16xf32>
      tpu.vector_store %arg8[%swap3A_186, %swap3A_187], %swap3A_190 {strides = array<i32>} : memref<32x1024xf32, #tpu.memory_space<vmem>>, vector<1x16xf32>,
      %get3A_191 = arith.index_cast %scan3A_156 : i32 to index
      %get3A_192 = arith.constant 48 : index
      %get3A_193 = tpu.vector_load %arg8[%get3A_191, %get3A_192] {strides = array<i32>} : memref<32x1024xf32, #tpu.memory_space<vmem>>, vector<1x16xf32>,
      %get3A_194 = vector.shape_cast %get3A_193 : vector<1x16xf32> to vector<16xf32>
      %mul3A_195 = arith.mulf %get3A_194, %get3A_160 : vector<16xf32>
      %swap3A_196 = arith.index_cast %scan3A_156 : i32 to index
      %swap3A_197 = arith.constant 48 : index
      %swap3A_198 = tpu.vector_load %arg8[%swap3A_196, %swap3A_197] {strides = array<i32>} : memref<32x1024xf32, #tpu.memory_space<vmem>>, vector<1x16xf32>,
      %swap3A_199 = vector.shape_cast %swap3A_198 : vector<1x16xf32> to vector<16xf32>
      %swap3A_200 = vector.shape_cast %mul3A_195 : vector<16xf32> to vector<1x16xf32>
      tpu.vector_store %arg8[%swap3A_196, %swap3A_197], %swap3A_200 {strides = array<i32>} : memref<32x1024xf32, #tpu.memory_space<vmem>>, vector<1x16xf32>,
      %get3A_201 = arith.index_cast %scan3A_156 : i32 to index
      %get3A_202 = arith.constant 64 : index
      %get3A_203 = tpu.vector_load %arg8[%get3A_201, %get3A_202] {strides = array<i32>} : memref<32x1024xf32, #tpu.memory_space<vmem>>, vector<1x16xf32>,
      %get3A_204 = vector.shape_cast %get3A_203 : vector<1x16xf32> to vector<16xf32>
      %mul3A_205 = arith.mulf %get3A_204, %get3A_160 : vector<16xf32>
      %swap3A_206 = arith.index_cast %scan3A_156 : i32 to index
      %swap3A_207 = arith.constant 64 : index
      %swap3A_208 = tpu.vector_load %arg8[%swap3A_206, %swap3A_207] {strides = array<i32>} : memref<32x1024xf32, #tpu.memory_space<vmem>>, vector<1x16xf32>,
      %swap3A_209 = vector.shape_cast %swap3A_208 : vector<1x16xf32> to vector<16xf32>
      %swap3A_210 = vector.shape_cast %mul3A_205 : vector<16xf32> to vector<1x16xf32>
      tpu.vector_store %arg8[%swap3A_206, %swap3A_207], %swap3A_210 {strides = array<i32>} : memref<32x1024xf32, #tpu.memory_space<vmem>>, vector<1x16xf32>,
      %get3A_211 = arith.index_cast %scan3A_156 : i32 to index
      %get3A_212 = arith.constant 80 : index
      %get3A_213 = tpu.vector_load %arg8[%get3A_211, %get3A_212] {strides = array<i32>} : memref<32x1024xf32, #tpu.memory_space<vmem>>, vector<1x16xf32>,
      %get3A_214 = vector.shape_cast %get3A_213 : vector<1x16xf32> to vector<16xf32>
      %mul3A_215 = arith.mulf %get3A_214, %get3A_160 : vector<16xf32>
      %swap3A_216 = arith.index_cast %scan3A_156 : i32 to index
      %swap3A_217 = arith.constant 80 : index
      %swap3A_218 = tpu.vector_load %arg8[%swap3A_216, %swap3A_217] {strides = array<i32>} : memref<32x1024xf32, #tpu.memory_space<vmem>>, vector<1x16xf32>,
      %swap3A_219 = vector.shape_cast %swap3A_218 : vector<1x16xf32> to vector<16xf32>
      %swap3A_220 = vector.shape_cast %mul3A_215 : vector<16xf32> to vector<1x16xf32>
      tpu.vector_store %arg8[%swap3A_216, %swap3A_217], %swap3A_220 {strides = array<i32>} : memref<32x1024xf32, #tpu.memory_space<vmem>>, vector<1x16xf32>,
      %get3A_221 = arith.index_cast %scan3A_156 : i32 to index
      %get3A_222 = arith.constant 96 : index
      %get3A_223 = tpu.vector_load %arg8[%get3A_221, %get3A_222] {strides = array<i32>} : memref<32x1024xf32, #tpu.memory_space<vmem>>, vector<1x16xf32>,
      %get3A_224 = vector.shape_cast %get3A_223 : vector<1x16xf32> to vector<16xf32>
      %mul3A_225 = arith.mulf %get3A_224, %get3A_160 : vector<16xf32>
      %swap3A_226 = arith.index_cast %scan3A_156 : i32 to index
      %swap3A_227 = arith.constant 96 : index
      %swap3A_228 = tpu.vector_load %arg8[%swap3A_226, %swap3A_227] {strides = array<i32>} : memref<32x1024xf32, #tpu.memory_space<vmem>>, vector<1x16xf32>,
      %swap3A_229 = vector.shape_cast %swap3A_228 : vector<1x16xf32> to vector<16xf32>
      %swap3A_230 = vector.shape_cast %mul3A_225 : vector<16xf32> to vector<1x16xf32>
      tpu.vector_store %arg8[%swap3A_226, %swap3A_227], %swap3A_230 {strides = array<i32>} : memref<32x1024xf32, #tpu.memory_space<vmem>>, vector<1x16xf32>,
      %get3A_231 = arith.index_cast %scan3A_156 : i32 to index
      %get3A_232 = arith.constant 112 : index
      %get3A_233 = tpu.vector_load %arg8[%get3A_231, %get3A_232] {strides = array<i32>} : memref<32x1024xf32, #tpu.memory_space<vmem>>, vector<1x16xf32>,
      %get3A_234 = vector.shape_cast %get3A_233 : vector<1x16xf32> to vector<16xf32>
      %mul3A_235 = arith.mulf %get3A_234, %get3A_160 : vector<16xf32>
      %swap3A_236 = arith.index_cast %scan3A_156 : i32 to index
      %swap3A_237 = arith.constant 112 : index
      %swap3A_238 = tpu.vector_load %arg8[%swap3A_236, %swap3A_237] {strides = array<i32>} : memref<32x1024xf32, #tpu.memory_space<vmem>>, vector<1x16xf32>,
      %swap3A_239 = vector.shape_cast %swap3A_238 : vector<1x16xf32> to vector<16xf32>
      %swap3A_240 = vector.shape_cast %mul3A_235 : vector<16xf32> to vector<1x16xf32>
      tpu.vector_store %arg8[%swap3A_236, %swap3A_237], %swap3A_240 {strides = array<i32>} : memref<32x1024xf32, #tpu.memory_space<vmem>>, vector<1x16xf32>,
      %get3A_241 = arith.index_cast %scan3A_156 : i32 to index
      %get3A_242 = arith.constant 128 : index
      %get3A_243 = tpu.vector_load %arg8[%get3A_241, %get3A_242] {strides = array<i32>} : memref<32x1024xf32, #tpu.memory_space<vmem>>, vector<1x16xf32>,
      %get3A_244 = vector.shape_cast %get3A_243 : vector<1x16xf32> to vector<16xf32>
      %mul3A_245 = arith.mulf %get3A_244, %get3A_160 : vector<16xf32>
      %swap3A_246 = arith.index_cast %scan3A_156 : i32 to index
      %swap3A_247 = arith.constant 128 : index
      %swap3A_248 = tpu.vector_load %arg8[%swap3A_246, %swap3A_247] {strides = array<i32>} : memref<32x1024xf32, #tpu.memory_space<vmem>>, vector<1x16xf32>,
      %swap3A_249 = vector.shape_cast %swap3A_248 : vector<1x16xf32> to vector<16xf32>
      %swap3A_250 = vector.shape_cast %mul3A_245 : vector<16xf32> to vector<1x16xf32>
      tpu.vector_store %arg8[%swap3A_246, %swap3A_247], %swap3A_250 {strides = array<i32>} : memref<32x1024xf32, #tpu.memory_space<vmem>>, vector<1x16xf32>,
      %get3A_251 = arith.index_cast %scan3A_156 : i32 to index
      %get3A_252 = arith.constant 144 : index
      %get3A_253 = tpu.vector_load %arg8[%get3A_251, %get3A_252] {strides = array<i32>} : memref<32x1024xf32, #tpu.memory_space<vmem>>, vector<1x16xf32>,
      %get3A_254 = vector.shape_cast %get3A_253 : vector<1x16xf32> to vector<16xf32>
      %mul3A_255 = arith.mulf %get3A_254, %get3A_160 : vector<16xf32>
      %swap3A_256 = arith.index_cast %scan3A_156 : i32 to index
      %swap3A_257 = arith.constant 144 : index
      %swap3A_258 = tpu.vector_load %arg8[%swap3A_256, %swap3A_257] {strides = array<i32>} : memref<32x1024xf32, #tpu.memory_space<vmem>>, vector<1x16xf32>,
      %swap3A_259 = vector.shape_cast %swap3A_258 : vector<1x16xf32> to vector<16xf32>
      %swap3A_260 = vector.shape_cast %mul3A_255 : vector<16xf32> to vector<1x16xf32>
      tpu.vector_store %arg8[%swap3A_256, %swap3A_257], %swap3A_260 {strides = array<i32>} : memref<32x1024xf32, #tpu.memory_space<vmem>>, vector<1x16xf32>,
      %get3A_261 = arith.index_cast %scan3A_156 : i32 to index
      %get3A_262 = arith.constant 160 : index
      %get3A_263 = tpu.vector_load %arg8[%get3A_261, %get3A_262] {strides = array<i32>} : memref<32x1024xf32, #tpu.memory_space<vmem>>, vector<1x16xf32>,
      %get3A_264 = vector.shape_cast %get3A_263 : vector<1x16xf32> to vector<16xf32>
      %mul3A_265 = arith.mulf %get3A_264, %get3A_160 : vector<16xf32>
      %swap3A_266 = arith.index_cast %scan3A_156 : i32 to index
      %swap3A_267 = arith.constant 160 : index
      %swap3A_268 = tpu.vector_load %arg8[%swap3A_266, %swap3A_267] {strides = array<i32>} : memref<32x1024xf32, #tpu.memory_space<vmem>>, vector<1x16xf32>,
      %swap3A_269 = vector.shape_cast %swap3A_268 : vector<1x16xf32> to vector<16xf32>
      %swap3A_270 = vector.shape_cast %mul3A_265 : vector<16xf32> to vector<1x16xf32>
      tpu.vector_store %arg8[%swap3A_266, %swap3A_267], %swap3A_270 {strides = array<i32>} : memref<32x1024xf32, #tpu.memory_space<vmem>>, vector<1x16xf32>,
      %get3A_271 = arith.index_cast %scan3A_156 : i32 to index
      %get3A_272 = arith.constant 176 : index
      %get3A_273 = tpu.vector_load %arg8[%get3A_271, %get3A_272] {strides = array<i32>} : memref<32x1024xf32, #tpu.memory_space<vmem>>, vector<1x16xf32>,
      %get3A_274 = vector.shape_cast %get3A_273 : vector<1x16xf32> to vector<16xf32>
      %mul3A_275 = arith.mulf %get3A_274, %get3A_160 : vector<16xf32>
      %swap3A_276 = arith.index_cast %scan3A_156 : i32 to index
      %swap3A_277 = arith.constant 176 : index
      %swap3A_278 = tpu.vector_load %arg8[%swap3A_276, %swap3A_277] {strides = array<i32>} : memref<32x1024xf32, #tpu.memory_space<vmem>>, vector<1x16xf32>,
      %swap3A_279 = vector.shape_cast %swap3A_278 : vector<1x16xf32> to vector<16xf32>
      %swap3A_280 = vector.shape_cast %mul3A_275 : vector<16xf32> to vector<1x16xf32>
      tpu.vector_store %arg8[%swap3A_276, %swap3A_277], %swap3A_280 {strides = array<i32>} : memref<32x1024xf32, #tpu.memory_space<vmem>>, vector<1x16xf32>,
      %get3A_281 = arith.index_cast %scan3A_156 : i32 to index
      %get3A_282 = arith.constant 192 : index
      %get3A_283 = tpu.vector_load %arg8[%get3A_281, %get3A_282] {strides = array<i32>} : memref<32x1024xf32, #tpu.memory_space<vmem>>, vector<1x16xf32>,
      %get3A_284 = vector.shape_cast %get3A_283 : vector<1x16xf32> to vector<16xf32>
      %mul3A_285 = arith.mulf %get3A_284, %get3A_160 : vector<16xf32>
      %swap3A_286 = arith.index_cast %scan3A_156 : i32 to index
      %swap3A_287 = arith.constant 192 : index
      %swap3A_288 = tpu.vector_load %arg8[%swap3A_286, %swap3A_287] {strides = array<i32>} : memref<32x1024xf32, #tpu.memory_space<vmem>>, vector<1x16xf32>,
      %swap3A_289 = vector.shape_cast %swap3A_288 : vector<1x16xf32> to vector<16xf32>
      %swap3A_290 = vector.shape_cast %mul3A_285 : vector<16xf32> to vector<1x16xf32>
      tpu.vector_store %arg8[%swap3A_286, %swap3A_287], %swap3A_290 {strides = array<i32>} : memref<32x1024xf32, #tpu.memory_space<vmem>>, vector<1x16xf32>,
      %get3A_291 = arith.index_cast %scan3A_156 : i32 to index
      %get3A_292 = arith.constant 208 : index
      %get3A_293 = tpu.vector_load %arg8[%get3A_291, %get3A_292] {strides = array<i32>} : memref<32x1024xf32, #tpu.memory_space<vmem>>, vector<1x16xf32>,
      %get3A_294 = vector.shape_cast %get3A_293 : vector<1x16xf32> to vector<16xf32>
      %mul3A_295 = arith.mulf %get3A_294, %get3A_160 : vector<16xf32>
      %swap3A_296 = arith.index_cast %scan3A_156 : i32 to index
      %swap3A_297 = arith.constant 208 : index
      %swap3A_298 = tpu.vector_load %arg8[%swap3A_296, %swap3A_297] {strides = array<i32>} : memref<32x1024xf32, #tpu.memory_space<vmem>>, vector<1x16xf32>,
      %swap3A_299 = vector.shape_cast %swap3A_298 : vector<1x16xf32> to vector<16xf32>
      %swap3A_300 = vector.shape_cast %mul3A_295 : vector<16xf32> to vector<1x16xf32>
      tpu.vector_store %arg8[%swap3A_296, %swap3A_297], %swap3A_300 {strides = array<i32>} : memref<32x1024xf32, #tpu.memory_space<vmem>>, vector<1x16xf32>,
      %get3A_301 = arith.index_cast %scan3A_156 : i32 to index
      %get3A_302 = arith.constant 224 : index
      %get3A_303 = tpu.vector_load %arg8[%get3A_301, %get3A_302] {strides = array<i32>} : memref<32x1024xf32, #tpu.memory_space<vmem>>, vector<1x16xf32>,
      %get3A_304 = vector.shape_cast %get3A_303 : vector<1x16xf32> to vector<16xf32>
      %mul3A_305 = arith.mulf %get3A_304, %get3A_160 : vector<16xf32>
      %swap3A_306 = arith.index_cast %scan3A_156 : i32 to index
      %swap3A_307 = arith.constant 224 : index
      %swap3A_308 = tpu.vector_load %arg8[%swap3A_306, %swap3A_307] {strides = array<i32>} : memref<32x1024xf32, #tpu.memory_space<vmem>>, vector<1x16xf32>,
      %swap3A_309 = vector.shape_cast %swap3A_308 : vector<1x16xf32> to vector<16xf32>
      %swap3A_310 = vector.shape_cast %mul3A_305 : vector<16xf32> to vector<1x16xf32>
      tpu.vector_store %arg8[%swap3A_306, %swap3A_307], %swap3A_310 {strides = array<i32>} : memref<32x1024xf32, #tpu.memory_space<vmem>>, vector<1x16xf32>,
      %get3A_311 = arith.index_cast %scan3A_156 : i32 to index
      %get3A_312 = arith.constant 240 : index
      %get3A_313 = tpu.vector_load %arg8[%get3A_311, %get3A_312] {strides = array<i32>} : memref<32x1024xf32, #tpu.memory_space<vmem>>, vector<1x16xf32>,
      %get3A_314 = vector.shape_cast %get3A_313 : vector<1x16xf32> to vector<16xf32>
      %mul3A_315 = arith.mulf %get3A_314, %get3A_160 : vector<16xf32>
      %swap3A_316 = arith.index_cast %scan3A_156 : i32 to index
      %swap3A_317 = arith.constant 240 : index
      %swap3A_318 = tpu.vector_load %arg8[%swap3A_316, %swap3A_317] {strides = array<i32>} : memref<32x1024xf32, #tpu.memory_space<vmem>>, vector<1x16xf32>,
      %swap3A_319 = vector.shape_cast %swap3A_318 : vector<1x16xf32> to vector<16xf32>
      %swap3A_320 = vector.shape_cast %mul3A_315 : vector<16xf32> to vector<1x16xf32>
      tpu.vector_store %arg8[%swap3A_316, %swap3A_317], %swap3A_320 {strides = array<i32>} : memref<32x1024xf32, #tpu.memory_space<vmem>>, vector<1x16xf32>,
      %get3A_321 = arith.index_cast %scan3A_156 : i32 to index
      %get3A_322 = arith.constant 256 : index
      %get3A_323 = tpu.vector_load %arg8[%get3A_321, %get3A_322] {strides = array<i32>} : memref<32x1024xf32, #tpu.memory_space<vmem>>, vector<1x16xf32>,
      %get3A_324 = vector.shape_cast %get3A_323 : vector<1x16xf32> to vector<16xf32>
      %mul3A_325 = arith.mulf %get3A_324, %get3A_160 : vector<16xf32>
      %swap3A_326 = arith.index_cast %scan3A_156 : i32 to index
      %swap3A_327 = arith.constant 256 : index
      %swap3A_328 = tpu.vector_load %arg8[%swap3A_326, %swap3A_327] {strides = array<i32>} : memref<32x1024xf32, #tpu.memory_space<vmem>>, vector<1x16xf32>,
      %swap3A_329 = vector.shape_cast %swap3A_328 : vector<1x16xf32> to vector<16xf32>
      %swap3A_330 = vector.shape_cast %mul3A_325 : vector<16xf32> to vector<1x16xf32>
      tpu.vector_store %arg8[%swap3A_326, %swap3A_327], %swap3A_330 {strides = array<i32>} : memref<32x1024xf32, #tpu.memory_space<vmem>>, vector<1x16xf32>,
      %get3A_331 = arith.index_cast %scan3A_156 : i32 to index
      %get3A_332 = arith.constant 272 : index
      %get3A_333 = tpu.vector_load %arg8[%get3A_331, %get3A_332] {strides = array<i32>} : memref<32x1024xf32, #tpu.memory_space<vmem>>, vector<1x16xf32>,
      %get3A_334 = vector.shape_cast %get3A_333 : vector<1x16xf32> to vector<16xf32>
      %mul3A_335 = arith.mulf %get3A_334, %get3A_160 : vector<16xf32>
      %swap3A_336 = arith.index_cast %scan3A_156 : i32 to index
      %swap3A_337 = arith.constant 272 : index
      %swap3A_338 = tpu.vector_load %arg8[%swap3A_336, %swap3A_337] {strides = array<i32>} : memref<32x1024xf32, #tpu.memory_space<vmem>>, vector<1x16xf32>,
      %swap3A_339 = vector.shape_cast %swap3A_338 : vector<1x16xf32> to vector<16xf32>
      %swap3A_340 = vector.shape_cast %mul3A_335 : vector<16xf32> to vector<1x16xf32>
      tpu.vector_store %arg8[%swap3A_336, %swap3A_337], %swap3A_340 {strides = array<i32>} : memref<32x1024xf32, #tpu.memory_space<vmem>>, vector<1x16xf32>,
      %get3A_341 = arith.index_cast %scan3A_156 : i32 to index
      %get3A_342 = arith.constant 288 : index
      %get3A_343 = tpu.vector_load %arg8[%get3A_341, %get3A_342] {strides = array<i32>} : memref<32x1024xf32, #tpu.memory_space<vmem>>, vector<1x16xf32>,
      %get3A_344 = vector.shape_cast %get3A_343 : vector<1x16xf32> to vector<16xf32>
      %mul3A_345 = arith.mulf %get3A_344, %get3A_160 : vector<16xf32>
      %swap3A_346 = arith.index_cast %scan3A_156 : i32 to index
      %swap3A_347 = arith.constant 288 : index
      %swap3A_348 = tpu.vector_load %arg8[%swap3A_346, %swap3A_347] {strides = array<i32>} : memref<32x1024xf32, #tpu.memory_space<vmem>>, vector<1x16xf32>,
      %swap3A_349 = vector.shape_cast %swap3A_348 : vector<1x16xf32> to vector<16xf32>
      %swap3A_350 = vector.shape_cast %mul3A_345 : vector<16xf32> to vector<1x16xf32>
      tpu.vector_store %arg8[%swap3A_346, %swap3A_347], %swap3A_350 {strides = array<i32>} : memref<32x1024xf32, #tpu.memory_space<vmem>>, vector<1x16xf32>,
      %get3A_351 = arith.index_cast %scan3A_156 : i32 to index
      %get3A_352 = arith.constant 304 : index
      %get3A_353 = tpu.vector_load %arg8[%get3A_351, %get3A_352] {strides = array<i32>} : memref<32x1024xf32, #tpu.memory_space<vmem>>, vector<1x16xf32>,
      %get3A_354 = vector.shape_cast %get3A_353 : vector<1x16xf32> to vector<16xf32>
      %mul3A_355 = arith.mulf %get3A_354, %get3A_160 : vector<16xf32>
      %swap3A_356 = arith.index_cast %scan3A_156 : i32 to index
      %swap3A_357 = arith.constant 304 : index
      %swap3A_358 = tpu.vector_load %arg8[%swap3A_356, %swap3A_357] {strides = array<i32>} : memref<32x1024xf32, #tpu.memory_space<vmem>>, vector<1x16xf32>,
      %swap3A_359 = vector.shape_cast %swap3A_358 : vector<1x16xf32> to vector<16xf32>
      %swap3A_360 = vector.shape_cast %mul3A_355 : vector<16xf32> to vector<1x16xf32>
      tpu.vector_store %arg8[%swap3A_356, %swap3A_357], %swap3A_360 {strides = array<i32>} : memref<32x1024xf32, #tpu.memory_space<vmem>>, vector<1x16xf32>,
      %get3A_361 = arith.index_cast %scan3A_156 : i32 to index
      %get3A_362 = arith.constant 320 : index
      %get3A_363 = tpu.vector_load %arg8[%get3A_361, %get3A_362] {strides = array<i32>} : memref<32x1024xf32, #tpu.memory_space<vmem>>, vector<1x16xf32>,
      %get3A_364 = vector.shape_cast %get3A_363 : vector<1x16xf32> to vector<16xf32>
      %mul3A_365 = arith.mulf %get3A_364, %get3A_160 : vector<16xf32>
      %swap3A_366 = arith.index_cast %scan3A_156 : i32 to index
      %swap3A_367 = arith.constant 320 : index
      %swap3A_368 = tpu.vector_load %arg8[%swap3A_366, %swap3A_367] {strides = array<i32>} : memref<32x1024xf32, #tpu.memory_space<vmem>>, vector<1x16xf32>,
      %swap3A_369 = vector.shape_cast %swap3A_368 : vector<1x16xf32> to vector<16xf32>
      %swap3A_370 = vector.shape_cast %mul3A_365 : vector<16xf32> to vector<1x16xf32>
      tpu.vector_store %arg8[%swap3A_366, %swap3A_367], %swap3A_370 {strides = array<i32>} : memref<32x1024xf32, #tpu.memory_space<vmem>>, vector<1x16xf32>,
      %get3A_371 = arith.index_cast %scan3A_156 : i32 to index
      %get3A_372 = arith.constant 336 : index
      %get3A_373 = tpu.vector_load %arg8[%get3A_371, %get3A_372] {strides = array<i32>} : memref<32x1024xf32, #tpu.memory_space<vmem>>, vector<1x16xf32>,
      %get3A_374 = vector.shape_cast %get3A_373 : vector<1x16xf32> to vector<16xf32>
      %mul3A_375 = arith.mulf %get3A_374, %get3A_160 : vector<16xf32>
      %swap3A_376 = arith.index_cast %scan3A_156 : i32 to index
      %swap3A_377 = arith.constant 336 : index
      %swap3A_378 = tpu.vector_load %arg8[%swap3A_376, %swap3A_377] {strides = array<i32>} : memref<32x1024xf32, #tpu.memory_space<vmem>>, vector<1x16xf32>,
      %swap3A_379 = vector.shape_cast %swap3A_378 : vector<1x16xf32> to vector<16xf32>
      %swap3A_380 = vector.shape_cast %mul3A_375 : vector<16xf32> to vector<1x16xf32>
      tpu.vector_store %arg8[%swap3A_376, %swap3A_377], %swap3A_380 {strides = array<i32>} : memref<32x1024xf32, #tpu.memory_space<vmem>>, vector<1x16xf32>,
      %get3A_381 = arith.index_cast %scan3A_156 : i32 to index
      %get3A_382 = arith.constant 352 : index
      %get3A_383 = tpu.vector_load %arg8[%get3A_381, %get3A_382] {strides = array<i32>} : memref<32x1024xf32, #tpu.memory_space<vmem>>, vector<1x16xf32>,
      %get3A_384 = vector.shape_cast %get3A_383 : vector<1x16xf32> to vector<16xf32>
      %mul3A_385 = arith.mulf %get3A_384, %get3A_160 : vector<16xf32>
      %swap3A_386 = arith.index_cast %scan3A_156 : i32 to index
      %swap3A_387 = arith.constant 352 : index
      %swap3A_388 = tpu.vector_load %arg8[%swap3A_386, %swap3A_387] {strides = array<i32>} : memref<32x1024xf32, #tpu.memory_space<vmem>>, vector<1x16xf32>,
      %swap3A_389 = vector.shape_cast %swap3A_388 : vector<1x16xf32> to vector<16xf32>
      %swap3A_390 = vector.shape_cast %mul3A_385 : vector<16xf32> to vector<1x16xf32>
      tpu.vector_store %arg8[%swap3A_386, %swap3A_387], %swap3A_390 {strides = array<i32>} : memref<32x1024xf32, #tpu.memory_space<vmem>>, vector<1x16xf32>,
      %get3A_391 = arith.index_cast %scan3A_156 : i32 to index
      %get3A_392 = arith.constant 368 : index
      %get3A_393 = tpu.vector_load %arg8[%get3A_391, %get3A_392] {strides = array<i32>} : memref<32x1024xf32, #tpu.memory_space<vmem>>, vector<1x16xf32>,
      %get3A_394 = vector.shape_cast %get3A_393 : vector<1x16xf32> to vector<16xf32>
      %mul3A_395 = arith.mulf %get3A_394, %get3A_160 : vector<16xf32>
      %swap3A_396 = arith.index_cast %scan3A_156 : i32 to index
      %swap3A_397 = arith.constant 368 : index
      %swap3A_398 = tpu.vector_load %arg8[%swap3A_396, %swap3A_397] {strides = array<i32>} : memref<32x1024xf32, #tpu.memory_space<vmem>>, vector<1x16xf32>,
      %swap3A_399 = vector.shape_cast %swap3A_398 : vector<1x16xf32> to vector<16xf32>
      %swap3A_400 = vector.shape_cast %mul3A_395 : vector<16xf32> to vector<1x16xf32>
      tpu.vector_store %arg8[%swap3A_396, %swap3A_397], %swap3A_400 {strides = array<i32>} : memref<32x1024xf32, #tpu.memory_space<vmem>>, vector<1x16xf32>,
      %get3A_401 = arith.index_cast %scan3A_156 : i32 to index
      %get3A_402 = arith.constant 384 : index
      %get3A_403 = tpu.vector_load %arg8[%get3A_401, %get3A_402] {strides = array<i32>} : memref<32x1024xf32, #tpu.memory_space<vmem>>, vector<1x16xf32>,
      %get3A_404 = vector.shape_cast %get3A_403 : vector<1x16xf32> to vector<16xf32>
      %mul3A_405 = arith.mulf %get3A_404, %get3A_160 : vector<16xf32>
      %swap3A_406 = arith.index_cast %scan3A_156 : i32 to index
      %swap3A_407 = arith.constant 384 : index
      %swap3A_408 = tpu.vector_load %arg8[%swap3A_406, %swap3A_407] {strides = array<i32>} : memref<32x1024xf32, #tpu.memory_space<vmem>>, vector<1x16xf32>,
      %swap3A_409 = vector.shape_cast %swap3A_408 : vector<1x16xf32> to vector<16xf32>
      %swap3A_410 = vector.shape_cast %mul3A_405 : vector<16xf32> to vector<1x16xf32>
      tpu.vector_store %arg8[%swap3A_406, %swap3A_407], %swap3A_410 {strides = array<i32>} : memref<32x1024xf32, #tpu.memory_space<vmem>>, vector<1x16xf32>,
      %get3A_411 = arith.index_cast %scan3A_156 : i32 to index
      %get3A_412 = arith.constant 400 : index
      %get3A_413 = tpu.vector_load %arg8[%get3A_411, %get3A_412] {strides = array<i32>} : memref<32x1024xf32, #tpu.memory_space<vmem>>, vector<1x16xf32>,
      %get3A_414 = vector.shape_cast %get3A_413 : vector<1x16xf32> to vector<16xf32>
      %mul3A_415 = arith.mulf %get3A_414, %get3A_160 : vector<16xf32>
      %swap3A_416 = arith.index_cast %scan3A_156 : i32 to index
      %swap3A_417 = arith.constant 400 : index
      %swap3A_418 = tpu.vector_load %arg8[%swap3A_416, %swap3A_417] {strides = array<i32>} : memref<32x1024xf32, #tpu.memory_space<vmem>>, vector<1x16xf32>,
      %swap3A_419 = vector.shape_cast %swap3A_418 : vector<1x16xf32> to vector<16xf32>
      %swap3A_420 = vector.shape_cast %mul3A_415 : vector<16xf32> to vector<1x16xf32>
      tpu.vector_store %arg8[%swap3A_416, %swap3A_417], %swap3A_420 {strides = array<i32>} : memref<32x1024xf32, #tpu.memory_space<vmem>>, vector<1x16xf32>,
      %get3A_421 = arith.index_cast %scan3A_156 : i32 to index
      %get3A_422 = arith.constant 416 : index
      %get3A_423 = tpu.vector_load %arg8[%get3A_421, %get3A_422] {strides = array<i32>} : memref<32x1024xf32, #tpu.memory_space<vmem>>, vector<1x16xf32>,
      %get3A_424 = vector.shape_cast %get3A_423 : vector<1x16xf32> to vector<16xf32>
      %mul3A_425 = arith.mulf %get3A_424, %get3A_160 : vector<16xf32>
      %swap3A_426 = arith.index_cast %scan3A_156 : i32 to index
      %swap3A_427 = arith.constant 416 : index
      %swap3A_428 = tpu.vector_load %arg8[%swap3A_426, %swap3A_427] {strides = array<i32>} : memref<32x1024xf32, #tpu.memory_space<vmem>>, vector<1x16xf32>,
      %swap3A_429 = vector.shape_cast %swap3A_428 : vector<1x16xf32> to vector<16xf32>
      %swap3A_430 = vector.shape_cast %mul3A_425 : vector<16xf32> to vector<1x16xf32>
      tpu.vector_store %arg8[%swap3A_426, %swap3A_427], %swap3A_430 {strides = array<i32>} : memref<32x1024xf32, #tpu.memory_space<vmem>>, vector<1x16xf32>,
      %get3A_431 = arith.index_cast %scan3A_156 : i32 to index
      %get3A_432 = arith.constant 432 : index
      %get3A_433 = tpu.vector_load %arg8[%get3A_431, %get3A_432] {strides = array<i32>} : memref<32x1024xf32, #tpu.memory_space<vmem>>, vector<1x16xf32>,
      %get3A_434 = vector.shape_cast %get3A_433 : vector<1x16xf32> to vector<16xf32>
      %mul3A_435 = arith.mulf %get3A_434, %get3A_160 : vector<16xf32>
      %swap3A_436 = arith.index_cast %scan3A_156 : i32 to index
      %swap3A_437 = arith.constant 432 : index
      %swap3A_438 = tpu.vector_load %arg8[%swap3A_436, %swap3A_437] {strides = array<i32>} : memref<32x1024xf32, #tpu.memory_space<vmem>>, vector<1x16xf32>,
      %swap3A_439 = vector.shape_cast %swap3A_438 : vector<1x16xf32> to vector<16xf32>
      %swap3A_440 = vector.shape_cast %mul3A_435 : vector<16xf32> to vector<1x16xf32>
      tpu.vector_store %arg8[%swap3A_436, %swap3A_437], %swap3A_440 {strides = array<i32>} : memref<32x1024xf32, #tpu.memory_space<vmem>>, vector<1x16xf32>,
      %get3A_441 = arith.index_cast %scan3A_156 : i32 to index
      %get3A_442 = arith.constant 448 : index
      %get3A_443 = tpu.vector_load %arg8[%get3A_441, %get3A_442] {strides = array<i32>} : memref<32x1024xf32, #tpu.memory_space<vmem>>, vector<1x16xf32>,
      %get3A_444 = vector.shape_cast %get3A_443 : vector<1x16xf32> to vector<16xf32>
      %mul3A_445 = arith.mulf %get3A_444, %get3A_160 : vector<16xf32>
      %swap3A_446 = arith.index_cast %scan3A_156 : i32 to index
      %swap3A_447 = arith.constant 448 : index
      %swap3A_448 = tpu.vector_load %arg8[%swap3A_446, %swap3A_447] {strides = array<i32>} : memref<32x1024xf32, #tpu.memory_space<vmem>>, vector<1x16xf32>,
      %swap3A_449 = vector.shape_cast %swap3A_448 : vector<1x16xf32> to vector<16xf32>
      %swap3A_450 = vector.shape_cast %mul3A_445 : vector<16xf32> to vector<1x16xf32>
      tpu.vector_store %arg8[%swap3A_446, %swap3A_447], %swap3A_450 {strides = array<i32>} : memref<32x1024xf32, #tpu.memory_space<vmem>>, vector<1x16xf32>,
      %get3A_451 = arith.index_cast %scan3A_156 : i32 to index
      %get3A_452 = arith.constant 464 : index
      %get3A_453 = tpu.vector_load %arg8[%get3A_451, %get3A_452] {strides = array<i32>} : memref<32x1024xf32, #tpu.memory_space<vmem>>, vector<1x16xf32>,
      %get3A_454 = vector.shape_cast %get3A_453 : vector<1x16xf32> to vector<16xf32>
      %mul3A_455 = arith.mulf %get3A_454, %get3A_160 : vector<16xf32>
      %swap3A_456 = arith.index_cast %scan3A_156 : i32 to index
      %swap3A_457 = arith.constant 464 : index
      %swap3A_458 = tpu.vector_load %arg8[%swap3A_456, %swap3A_457] {strides = array<i32>} : memref<32x1024xf32, #tpu.memory_space<vmem>>, vector<1x16xf32>,
      %swap3A_459 = vector.shape_cast %swap3A_458 : vector<1x16xf32> to vector<16xf32>
      %swap3A_460 = vector.shape_cast %mul3A_455 : vector<16xf32> to vector<1x16xf32>
      tpu.vector_store %arg8[%swap3A_456, %swap3A_457], %swap3A_460 {strides = array<i32>} : memref<32x1024xf32, #tpu.memory_space<vmem>>, vector<1x16xf32>,
      %get3A_461 = arith.index_cast %scan3A_156 : i32 to index
      %get3A_462 = arith.constant 480 : index
      %get3A_463 = tpu.vector_load %arg8[%get3A_461, %get3A_462] {strides = array<i32>} : memref<32x1024xf32, #tpu.memory_space<vmem>>, vector<1x16xf32>,
      %get3A_464 = vector.shape_cast %get3A_463 : vector<1x16xf32> to vector<16xf32>
      %mul3A_465 = arith.mulf %get3A_464, %get3A_160 : vector<16xf32>
      %swap3A_466 = arith.index_cast %scan3A_156 : i32 to index
      %swap3A_467 = arith.constant 480 : index
      %swap3A_468 = tpu.vector_load %arg8[%swap3A_466, %swap3A_467] {strides = array<i32>} : memref<32x1024xf32, #tpu.memory_space<vmem>>, vector<1x16xf32>,
      %swap3A_469 = vector.shape_cast %swap3A_468 : vector<1x16xf32> to vector<16xf32>
      %swap3A_470 = vector.shape_cast %mul3A_465 : vector<16xf32> to vector<1x16xf32>
      tpu.vector_store %arg8[%swap3A_466, %swap3A_467], %swap3A_470 {strides = array<i32>} : memref<32x1024xf32, #tpu.memory_space<vmem>>, vector<1x16xf32>,
      %get3A_471 = arith.index_cast %scan3A_156 : i32 to index
      %get3A_472 = arith.constant 496 : index
      %get3A_473 = tpu.vector_load %arg8[%get3A_471, %get3A_472] {strides = array<i32>} : memref<32x1024xf32, #tpu.memory_space<vmem>>, vector<1x16xf32>,
      %get3A_474 = vector.shape_cast %get3A_473 : vector<1x16xf32> to vector<16xf32>
      %mul3A_475 = arith.mulf %get3A_474, %get3A_160 : vector<16xf32>
      %swap3A_476 = arith.index_cast %scan3A_156 : i32 to index
      %swap3A_477 = arith.constant 496 : index
      %swap3A_478 = tpu.vector_load %arg8[%swap3A_476, %swap3A_477] {strides = array<i32>} : memref<32x1024xf32, #tpu.memory_space<vmem>>, vector<1x16xf32>,
      %swap3A_479 = vector.shape_cast %swap3A_478 : vector<1x16xf32> to vector<16xf32>
      %swap3A_480 = vector.shape_cast %mul3A_475 : vector<16xf32> to vector<1x16xf32>
      tpu.vector_store %arg8[%swap3A_476, %swap3A_477], %swap3A_480 {strides = array<i32>} : memref<32x1024xf32, #tpu.memory_space<vmem>>, vector<1x16xf32>,
      %get3A_481 = arith.index_cast %scan3A_156 : i32 to index
      %get3A_482 = arith.constant 512 : index
      %get3A_483 = tpu.vector_load %arg8[%get3A_481, %get3A_482] {strides = array<i32>} : memref<32x1024xf32, #tpu.memory_space<vmem>>, vector<1x16xf32>,
      %get3A_484 = vector.shape_cast %get3A_483 : vector<1x16xf32> to vector<16xf32>
      %mul3A_485 = arith.mulf %get3A_484, %get3A_160 : vector<16xf32>
      %swap3A_486 = arith.index_cast %scan3A_156 : i32 to index
      %swap3A_487 = arith.constant 512 : index
      %swap3A_488 = tpu.vector_load %arg8[%swap3A_486, %swap3A_487] {strides = array<i32>} : memref<32x1024xf32, #tpu.memory_space<vmem>>, vector<1x16xf32>,
      %swap3A_489 = vector.shape_cast %swap3A_488 : vector<1x16xf32> to vector<16xf32>
      %swap3A_490 = vector.shape_cast %mul3A_485 : vector<16xf32> to vector<1x16xf32>
      tpu.vector_store %arg8[%swap3A_486, %swap3A_487], %swap3A_490 {strides = array<i32>} : memref<32x1024xf32, #tpu.memory_space<vmem>>, vector<1x16xf32>,
      %get3A_491 = arith.index_cast %scan3A_156 : i32 to index
      %get3A_492 = arith.constant 528 : index
      %get3A_493 = tpu.vector_load %arg8[%get3A_491, %get3A_492] {strides = array<i32>} : memref<32x1024xf32, #tpu.memory_space<vmem>>, vector<1x16xf32>,
      %get3A_494 = vector.shape_cast %get3A_493 : vector<1x16xf32> to vector<16xf32>
      %mul3A_495 = arith.mulf %get3A_494, %get3A_160 : vector<16xf32>
      %swap3A_496 = arith.index_cast %scan3A_156 : i32 to index
      %swap3A_497 = arith.constant 528 : index
      %swap3A_498 = tpu.vector_load %arg8[%swap3A_496, %swap3A_497] {strides = array<i32>} : memref<32x1024xf32, #tpu.memory_space<vmem>>, vector<1x16xf32>,
      %swap3A_499 = vector.shape_cast %swap3A_498 : vector<1x16xf32> to vector<16xf32>
      %swap3A_500 = vector.shape_cast %mul3A_495 : vector<16xf32> to vector<1x16xf32>
      tpu.vector_store %arg8[%swap3A_496, %swap3A_497], %swap3A_500 {strides = array<i32>} : memref<32x1024xf32, #tpu.memory_space<vmem>>, vector<1x16xf32>,
      %get3A_501 = arith.index_cast %scan3A_156 : i32 to index
      %get3A_502 = arith.constant 544 : index
      %get3A_503 = tpu.vector_load %arg8[%get3A_501, %get3A_502] {strides = array<i32>} : memref<32x1024xf32, #tpu.memory_space<vmem>>, vector<1x16xf32>,
      %get3A_504 = vector.shape_cast %get3A_503 : vector<1x16xf32> to vector<16xf32>
      %mul3A_505 = arith.mulf %get3A_504, %get3A_160 : vector<16xf32>
      %swap3A_506 = arith.index_cast %scan3A_156 : i32 to index
      %swap3A_507 = arith.constant 544 : index
      %swap3A_508 = tpu.vector_load %arg8[%swap3A_506, %swap3A_507] {strides = array<i32>} : memref<32x1024xf32, #tpu.memory_space<vmem>>, vector<1x16xf32>,
      %swap3A_509 = vector.shape_cast %swap3A_508 : vector<1x16xf32> to vector<16xf32>
      %swap3A_510 = vector.shape_cast %mul3A_505 : vector<16xf32> to vector<1x16xf32>
      tpu.vector_store %arg8[%swap3A_506, %swap3A_507], %swap3A_510 {strides = array<i32>} : memref<32x1024xf32, #tpu.memory_space<vmem>>, vector<1x16xf32>,
      %get3A_511 = arith.index_cast %scan3A_156 : i32 to index
      %get3A_512 = arith.constant 560 : index
      %get3A_513 = tpu.vector_load %arg8[%get3A_511, %get3A_512] {strides = array<i32>} : memref<32x1024xf32, #tpu.memory_space<vmem>>, vector<1x16xf32>,
      %get3A_514 = vector.shape_cast %get3A_513 : vector<1x16xf32> to vector<16xf32>
      %mul3A_515 = arith.mulf %get3A_514, %get3A_160 : vector<16xf32>
      %swap3A_516 = arith.index_cast %scan3A_156 : i32 to index
      %swap3A_517 = arith.constant 560 : index
      %swap3A_518 = tpu.vector_load %arg8[%swap3A_516, %swap3A_517] {strides = array<i32>} : memref<32x1024xf32, #tpu.memory_space<vmem>>, vector<1x16xf32>,
      %swap3A_519 = vector.shape_cast %swap3A_518 : vector<1x16xf32> to vector<16xf32>
      %swap3A_520 = vector.shape_cast %mul3A_515 : vector<16xf32> to vector<1x16xf32>
      tpu.vector_store %arg8[%swap3A_516, %swap3A_517], %swap3A_520 {strides = array<i32>} : memref<32x1024xf32, #tpu.memory_space<vmem>>, vector<1x16xf32>,
      %get3A_521 = arith.index_cast %scan3A_156 : i32 to index
      %get3A_522 = arith.constant 576 : index
      %get3A_523 = tpu.vector_load %arg8[%get3A_521, %get3A_522] {strides = array<i32>} : memref<32x1024xf32, #tpu.memory_space<vmem>>, vector<1x16xf32>,
      %get3A_524 = vector.shape_cast %get3A_523 : vector<1x16xf32> to vector<16xf32>
      %mul3A_525 = arith.mulf %get3A_524, %get3A_160 : vector<16xf32>
      %swap3A_526 = arith.index_cast %scan3A_156 : i32 to index
      %swap3A_527 = arith.constant 576 : index
      %swap3A_528 = tpu.vector_load %arg8[%swap3A_526, %swap3A_527] {strides = array<i32>} : memref<32x1024xf32, #tpu.memory_space<vmem>>, vector<1x16xf32>,
      %swap3A_529 = vector.shape_cast %swap3A_528 : vector<1x16xf32> to vector<16xf32>
      %swap3A_530 = vector.shape_cast %mul3A_525 : vector<16xf32> to vector<1x16xf32>
      tpu.vector_store %arg8[%swap3A_526, %swap3A_527], %swap3A_530 {strides = array<i32>} : memref<32x1024xf32, #tpu.memory_space<vmem>>, vector<1x16xf32>,
      %get3A_531 = arith.index_cast %scan3A_156 : i32 to index
      %get3A_532 = arith.constant 592 : index
      %get3A_533 = tpu.vector_load %arg8[%get3A_531, %get3A_532] {strides = array<i32>} : memref<32x1024xf32, #tpu.memory_space<vmem>>, vector<1x16xf32>,
      %get3A_534 = vector.shape_cast %get3A_533 : vector<1x16xf32> to vector<16xf32>
      %mul3A_535 = arith.mulf %get3A_534, %get3A_160 : vector<16xf32>
      %swap3A_536 = arith.index_cast %scan3A_156 : i32 to index
      %swap3A_537 = arith.constant 592 : index
      %swap3A_538 = tpu.vector_load %arg8[%swap3A_536, %swap3A_537] {strides = array<i32>} : memref<32x1024xf32, #tpu.memory_space<vmem>>, vector<1x16xf32>,
      %swap3A_539 = vector.shape_cast %swap3A_538 : vector<1x16xf32> to vector<16xf32>
      %swap3A_540 = vector.shape_cast %mul3A_535 : vector<16xf32> to vector<1x16xf32>
      tpu.vector_store %arg8[%swap3A_536, %swap3A_537], %swap3A_540 {strides = array<i32>} : memref<32x1024xf32, #tpu.memory_space<vmem>>, vector<1x16xf32>,
      %get3A_541 = arith.index_cast %scan3A_156 : i32 to index
      %get3A_542 = arith.constant 608 : index
      %get3A_543 = tpu.vector_load %arg8[%get3A_541, %get3A_542] {strides = array<i32>} : memref<32x1024xf32, #tpu.memory_space<vmem>>, vector<1x16xf32>,
      %get3A_544 = vector.shape_cast %get3A_543 : vector<1x16xf32> to vector<16xf32>
      %mul3A_545 = arith.mulf %get3A_544, %get3A_160 : vector<16xf32>
      %swap3A_546 = arith.index_cast %scan3A_156 : i32 to index
      %swap3A_547 = arith.constant 608 : index
      %swap3A_548 = tpu.vector_load %arg8[%swap3A_546, %swap3A_547] {strides = array<i32>} : memref<32x1024xf32, #tpu.memory_space<vmem>>, vector<1x16xf32>,
      %swap3A_549 = vector.shape_cast %swap3A_548 : vector<1x16xf32> to vector<16xf32>
      %swap3A_550 = vector.shape_cast %mul3A_545 : vector<16xf32> to vector<1x16xf32>
      tpu.vector_store %arg8[%swap3A_546, %swap3A_547], %swap3A_550 {strides = array<i32>} : memref<32x1024xf32, #tpu.memory_space<vmem>>, vector<1x16xf32>,
      %get3A_551 = arith.index_cast %scan3A_156 : i32 to index
      %get3A_552 = arith.constant 624 : index
      %get3A_553 = tpu.vector_load %arg8[%get3A_551, %get3A_552] {strides = array<i32>} : memref<32x1024xf32, #tpu.memory_space<vmem>>, vector<1x16xf32>,
      %get3A_554 = vector.shape_cast %get3A_553 : vector<1x16xf32> to vector<16xf32>
      %mul3A_555 = arith.mulf %get3A_554, %get3A_160 : vector<16xf32>
      %swap3A_556 = arith.index_cast %scan3A_156 : i32 to index
      %swap3A_557 = arith.constant 624 : index
      %swap3A_558 = tpu.vector_load %arg8[%swap3A_556, %swap3A_557] {strides = array<i32>} : memref<32x1024xf32, #tpu.memory_space<vmem>>, vector<1x16xf32>,
      %swap3A_559 = vector.shape_cast %swap3A_558 : vector<1x16xf32> to vector<16xf32>
      %swap3A_560 = vector.shape_cast %mul3A_555 : vector<16xf32> to vector<1x16xf32>
      tpu.vector_store %arg8[%swap3A_556, %swap3A_557], %swap3A_560 {strides = array<i32>} : memref<32x1024xf32, #tpu.memory_space<vmem>>, vector<1x16xf32>,
      %get3A_561 = arith.index_cast %scan3A_156 : i32 to index
      %get3A_562 = arith.constant 640 : index
      %get3A_563 = tpu.vector_load %arg8[%get3A_561, %get3A_562] {strides = array<i32>} : memref<32x1024xf32, #tpu.memory_space<vmem>>, vector<1x16xf32>,
      %get3A_564 = vector.shape_cast %get3A_563 : vector<1x16xf32> to vector<16xf32>
      %mul3A_565 = arith.mulf %get3A_564, %get3A_160 : vector<16xf32>
      %swap3A_566 = arith.index_cast %scan3A_156 : i32 to index
      %swap3A_567 = arith.constant 640 : index
      %swap3A_568 = tpu.vector_load %arg8[%swap3A_566, %swap3A_567] {strides = array<i32>} : memref<32x1024xf32, #tpu.memory_space<vmem>>, vector<1x16xf32>,
      %swap3A_569 = vector.shape_cast %swap3A_568 : vector<1x16xf32> to vector<16xf32>
      %swap3A_570 = vector.shape_cast %mul3A_565 : vector<16xf32> to vector<1x16xf32>
      tpu.vector_store %arg8[%swap3A_566, %swap3A_567], %swap3A_570 {strides = array<i32>} : memref<32x1024xf32, #tpu.memory_space<vmem>>, vector<1x16xf32>,
      %get3A_571 = arith.index_cast %scan3A_156 : i32 to index
      %get3A_572 = arith.constant 656 : index
      %get3A_573 = tpu.vector_load %arg8[%get3A_571, %get3A_572] {strides = array<i32>} : memref<32x1024xf32, #tpu.memory_space<vmem>>, vector<1x16xf32>,
      %get3A_574 = vector.shape_cast %get3A_573 : vector<1x16xf32> to vector<16xf32>
      %mul3A_575 = arith.mulf %get3A_574, %get3A_160 : vector<16xf32>
      %swap3A_576 = arith.index_cast %scan3A_156 : i32 to index
      %swap3A_577 = arith.constant 656 : index
      %swap3A_578 = tpu.vector_load %arg8[%swap3A_576, %swap3A_577] {strides = array<i32>} : memref<32x1024xf32, #tpu.memory_space<vmem>>, vector<1x16xf32>,
      %swap3A_579 = vector.shape_cast %swap3A_578 : vector<1x16xf32> to vector<16xf32>
      %swap3A_580 = vector.shape_cast %mul3A_575 : vector<16xf32> to vector<1x16xf32>
      tpu.vector_store %arg8[%swap3A_576, %swap3A_577], %swap3A_580 {strides = array<i32>} : memref<32x1024xf32, #tpu.memory_space<vmem>>, vector<1x16xf32>,
      %get3A_581 = arith.index_cast %scan3A_156 : i32 to index
      %get3A_582 = arith.constant 672 : index
      %get3A_583 = tpu.vector_load %arg8[%get3A_581, %get3A_582] {strides = array<i32>} : memref<32x1024xf32, #tpu.memory_space<vmem>>, vector<1x16xf32>,
      %get3A_584 = vector.shape_cast %get3A_583 : vector<1x16xf32> to vector<16xf32>
      %mul3A_585 = arith.mulf %get3A_584, %get3A_160 : vector<16xf32>
      %swap3A_586 = arith.index_cast %scan3A_156 : i32 to index
      %swap3A_587 = arith.constant 672 : index
      %swap3A_588 = tpu.vector_load %arg8[%swap3A_586, %swap3A_587] {strides = array<i32>} : memref<32x1024xf32, #tpu.memory_space<vmem>>, vector<1x16xf32>,
      %swap3A_589 = vector.shape_cast %swap3A_588 : vector<1x16xf32> to vector<16xf32>
      %swap3A_590 = vector.shape_cast %mul3A_585 : vector<16xf32> to vector<1x16xf32>
      tpu.vector_store %arg8[%swap3A_586, %swap3A_587], %swap3A_590 {strides = array<i32>} : memref<32x1024xf32, #tpu.memory_space<vmem>>, vector<1x16xf32>,
      %get3A_591 = arith.index_cast %scan3A_156 : i32 to index
      %get3A_592 = arith.constant 688 : index
      %get3A_593 = tpu.vector_load %arg8[%get3A_591, %get3A_592] {strides = array<i32>} : memref<32x1024xf32, #tpu.memory_space<vmem>>, vector<1x16xf32>,
      %get3A_594 = vector.shape_cast %get3A_593 : vector<1x16xf32> to vector<16xf32>
      %mul3A_595 = arith.mulf %get3A_594, %get3A_160 : vector<16xf32>
      %swap3A_596 = arith.index_cast %scan3A_156 : i32 to index
      %swap3A_597 = arith.constant 688 : index
      %swap3A_598 = tpu.vector_load %arg8[%swap3A_596, %swap3A_597] {strides = array<i32>} : memref<32x1024xf32, #tpu.memory_space<vmem>>, vector<1x16xf32>,
      %swap3A_599 = vector.shape_cast %swap3A_598 : vector<1x16xf32> to vector<16xf32>
      %swap3A_600 = vector.shape_cast %mul3A_595 : vector<16xf32> to vector<1x16xf32>
      tpu.vector_store %arg8[%swap3A_596, %swap3A_597], %swap3A_600 {strides = array<i32>} : memref<32x1024xf32, #tpu.memory_space<vmem>>, vector<1x16xf32>,
      %get3A_601 = arith.index_cast %scan3A_156 : i32 to index
      %get3A_602 = arith.constant 704 : index
      %get3A_603 = tpu.vector_load %arg8[%get3A_601, %get3A_602] {strides = array<i32>} : memref<32x1024xf32, #tpu.memory_space<vmem>>, vector<1x16xf32>,
      %get3A_604 = vector.shape_cast %get3A_603 : vector<1x16xf32> to vector<16xf32>
      %mul3A_605 = arith.mulf %get3A_604, %get3A_160 : vector<16xf32>
      %swap3A_606 = arith.index_cast %scan3A_156 : i32 to index
      %swap3A_607 = arith.constant 704 : index
      %swap3A_608 = tpu.vector_load %arg8[%swap3A_606, %swap3A_607] {strides = array<i32>} : memref<32x1024xf32, #tpu.memory_space<vmem>>, vector<1x16xf32>,
      %swap3A_609 = vector.shape_cast %swap3A_608 : vector<1x16xf32> to vector<16xf32>
      %swap3A_610 = vector.shape_cast %mul3A_605 : vector<16xf32> to vector<1x16xf32>
      tpu.vector_store %arg8[%swap3A_606, %swap3A_607], %swap3A_610 {strides = array<i32>} : memref<32x1024xf32, #tpu.memory_space<vmem>>, vector<1x16xf32>,
      %get3A_611 = arith.index_cast %scan3A_156 : i32 to index
      %get3A_612 = arith.constant 720 : index
      %get3A_613 = tpu.vector_load %arg8[%get3A_611, %get3A_612] {strides = array<i32>} : memref<32x1024xf32, #tpu.memory_space<vmem>>, vector<1x16xf32>,
      %get3A_614 = vector.shape_cast %get3A_613 : vector<1x16xf32> to vector<16xf32>
      %mul3A_615 = arith.mulf %get3A_614, %get3A_160 : vector<16xf32>
      %swap3A_616 = arith.index_cast %scan3A_156 : i32 to index
      %swap3A_617 = arith.constant 720 : index
      %swap3A_618 = tpu.vector_load %arg8[%swap3A_616, %swap3A_617] {strides = array<i32>} : memref<32x1024xf32, #tpu.memory_space<vmem>>, vector<1x16xf32>,
      %swap3A_619 = vector.shape_cast %swap3A_618 : vector<1x16xf32> to vector<16xf32>
      %swap3A_620 = vector.shape_cast %mul3A_615 : vector<16xf32> to vector<1x16xf32>
      tpu.vector_store %arg8[%swap3A_616, %swap3A_617], %swap3A_620 {strides = array<i32>} : memref<32x1024xf32, #tpu.memory_space<vmem>>, vector<1x16xf32>,
      %get3A_621 = arith.index_cast %scan3A_156 : i32 to index
      %get3A_622 = arith.constant 736 : index
      %get3A_623 = tpu.vector_load %arg8[%get3A_621, %get3A_622] {strides = array<i32>} : memref<32x1024xf32, #tpu.memory_space<vmem>>, vector<1x16xf32>,
      %get3A_624 = vector.shape_cast %get3A_623 : vector<1x16xf32> to vector<16xf32>
      %mul3A_625 = arith.mulf %get3A_624, %get3A_160 : vector<16xf32>
      %swap3A_626 = arith.index_cast %scan3A_156 : i32 to index
      %swap3A_627 = arith.constant 736 : index
      %swap3A_628 = tpu.vector_load %arg8[%swap3A_626, %swap3A_627] {strides = array<i32>} : memref<32x1024xf32, #tpu.memory_space<vmem>>, vector<1x16xf32>,
      %swap3A_629 = vector.shape_cast %swap3A_628 : vector<1x16xf32> to vector<16xf32>
      %swap3A_630 = vector.shape_cast %mul3A_625 : vector<16xf32> to vector<1x16xf32>
      tpu.vector_store %arg8[%swap3A_626, %swap3A_627], %swap3A_630 {strides = array<i32>} : memref<32x1024xf32, #tpu.memory_space<vmem>>, vector<1x16xf32>,
      %get3A_631 = arith.index_cast %scan3A_156 : i32 to index
      %get3A_632 = arith.constant 752 : index
      %get3A_633 = tpu.vector_load %arg8[%get3A_631, %get3A_632] {strides = array<i32>} : memref<32x1024xf32, #tpu.memory_space<vmem>>, vector<1x16xf32>,
      %get3A_634 = vector.shape_cast %get3A_633 : vector<1x16xf32> to vector<16xf32>
      %mul3A_635 = arith.mulf %get3A_634, %get3A_160 : vector<16xf32>
      %swap3A_636 = arith.index_cast %scan3A_156 : i32 to index
      %swap3A_637 = arith.constant 752 : index
      %swap3A_638 = tpu.vector_load %arg8[%swap3A_636, %swap3A_637] {strides = array<i32>} : memref<32x1024xf32, #tpu.memory_space<vmem>>, vector<1x16xf32>,
      %swap3A_639 = vector.shape_cast %swap3A_638 : vector<1x16xf32> to vector<16xf32>
      %swap3A_640 = vector.shape_cast %mul3A_635 : vector<16xf32> to vector<1x16xf32>
      tpu.vector_store %arg8[%swap3A_636, %swap3A_637], %swap3A_640 {strides = array<i32>} : memref<32x1024xf32, #tpu.memory_space<vmem>>, vector<1x16xf32>,
      %get3A_641 = arith.index_cast %scan3A_156 : i32 to index
      %get3A_642 = arith.constant 768 : index
      %get3A_643 = tpu.vector_load %arg8[%get3A_641, %get3A_642] {strides = array<i32>} : memref<32x1024xf32, #tpu.memory_space<vmem>>, vector<1x16xf32>,
      %get3A_644 = vector.shape_cast %get3A_643 : vector<1x16xf32> to vector<16xf32>
      %mul3A_645 = arith.mulf %get3A_644, %get3A_160 : vector<16xf32>
      %swap3A_646 = arith.index_cast %scan3A_156 : i32 to index
      %swap3A_647 = arith.constant 768 : index
      %swap3A_648 = tpu.vector_load %arg8[%swap3A_646, %swap3A_647] {strides = array<i32>} : memref<32x1024xf32, #tpu.memory_space<vmem>>, vector<1x16xf32>,
      %swap3A_649 = vector.shape_cast %swap3A_648 : vector<1x16xf32> to vector<16xf32>
      %swap3A_650 = vector.shape_cast %mul3A_645 : vector<16xf32> to vector<1x16xf32>
      tpu.vector_store %arg8[%swap3A_646, %swap3A_647], %swap3A_650 {strides = array<i32>} : memref<32x1024xf32, #tpu.memory_space<vmem>>, vector<1x16xf32>,
      %get3A_651 = arith.index_cast %scan3A_156 : i32 to index
      %get3A_652 = arith.constant 784 : index
      %get3A_653 = tpu.vector_load %arg8[%get3A_651, %get3A_652] {strides = array<i32>} : memref<32x1024xf32, #tpu.memory_space<vmem>>, vector<1x16xf32>,
      %get3A_654 = vector.shape_cast %get3A_653 : vector<1x16xf32> to vector<16xf32>
      %mul3A_655 = arith.mulf %get3A_654, %get3A_160 : vector<16xf32>
      %swap3A_656 = arith.index_cast %scan3A_156 : i32 to index
      %swap3A_657 = arith.constant 784 : index
      %swap3A_658 = tpu.vector_load %arg8[%swap3A_656, %swap3A_657] {strides = array<i32>} : memref<32x1024xf32, #tpu.memory_space<vmem>>, vector<1x16xf32>,
      %swap3A_659 = vector.shape_cast %swap3A_658 : vector<1x16xf32> to vector<16xf32>
      %swap3A_660 = vector.shape_cast %mul3A_655 : vector<16xf32> to vector<1x16xf32>
      tpu.vector_store %arg8[%swap3A_656, %swap3A_657], %swap3A_660 {strides = array<i32>} : memref<32x1024xf32, #tpu.memory_space<vmem>>, vector<1x16xf32>,
      %get3A_661 = arith.index_cast %scan3A_156 : i32 to index
      %get3A_662 = arith.constant 800 : index
      %get3A_663 = tpu.vector_load %arg8[%get3A_661, %get3A_662] {strides = array<i32>} : memref<32x1024xf32, #tpu.memory_space<vmem>>, vector<1x16xf32>,
      %get3A_664 = vector.shape_cast %get3A_663 : vector<1x16xf32> to vector<16xf32>
      %mul3A_665 = arith.mulf %get3A_664, %get3A_160 : vector<16xf32>
      %swap3A_666 = arith.index_cast %scan3A_156 : i32 to index
      %swap3A_667 = arith.constant 800 : index
      %swap3A_668 = tpu.vector_load %arg8[%swap3A_666, %swap3A_667] {strides = array<i32>} : memref<32x1024xf32, #tpu.memory_space<vmem>>, vector<1x16xf32>,
      %swap3A_669 = vector.shape_cast %swap3A_668 : vector<1x16xf32> to vector<16xf32>
      %swap3A_670 = vector.shape_cast %mul3A_665 : vector<16xf32> to vector<1x16xf32>
      tpu.vector_store %arg8[%swap3A_666, %swap3A_667], %swap3A_670 {strides = array<i32>} : memref<32x1024xf32, #tpu.memory_space<vmem>>, vector<1x16xf32>,
      %get3A_671 = arith.index_cast %scan3A_156 : i32 to index
      %get3A_672 = arith.constant 816 : index
      %get3A_673 = tpu.vector_load %arg8[%get3A_671, %get3A_672] {strides = array<i32>} : memref<32x1024xf32, #tpu.memory_space<vmem>>, vector<1x16xf32>,
      %get3A_674 = vector.shape_cast %get3A_673 : vector<1x16xf32> to vector<16xf32>
      %mul3A_675 = arith.mulf %get3A_674, %get3A_160 : vector<16xf32>
      %swap3A_676 = arith.index_cast %scan3A_156 : i32 to index
      %swap3A_677 = arith.constant 816 : index
      %swap3A_678 = tpu.vector_load %arg8[%swap3A_676, %swap3A_677] {strides = array<i32>} : memref<32x1024xf32, #tpu.memory_space<vmem>>, vector<1x16xf32>,
      %swap3A_679 = vector.shape_cast %swap3A_678 : vector<1x16xf32> to vector<16xf32>
      %swap3A_680 = vector.shape_cast %mul3A_675 : vector<16xf32> to vector<1x16xf32>
      tpu.vector_store %arg8[%swap3A_676, %swap3A_677], %swap3A_680 {strides = array<i32>} : memref<32x1024xf32, #tpu.memory_space<vmem>>, vector<1x16xf32>,
      %get3A_681 = arith.index_cast %scan3A_156 : i32 to index
      %get3A_682 = arith.constant 832 : index
      %get3A_683 = tpu.vector_load %arg8[%get3A_681, %get3A_682] {strides = array<i32>} : memref<32x1024xf32, #tpu.memory_space<vmem>>, vector<1x16xf32>,
      %get3A_684 = vector.shape_cast %get3A_683 : vector<1x16xf32> to vector<16xf32>
      %mul3A_685 = arith.mulf %get3A_684, %get3A_160 : vector<16xf32>
      %swap3A_686 = arith.index_cast %scan3A_156 : i32 to index
      %swap3A_687 = arith.constant 832 : index
      %swap3A_688 = tpu.vector_load %arg8[%swap3A_686, %swap3A_687] {strides = array<i32>} : memref<32x1024xf32, #tpu.memory_space<vmem>>, vector<1x16xf32>,
      %swap3A_689 = vector.shape_cast %swap3A_688 : vector<1x16xf32> to vector<16xf32>
      %swap3A_690 = vector.shape_cast %mul3A_685 : vector<16xf32> to vector<1x16xf32>
      tpu.vector_store %arg8[%swap3A_686, %swap3A_687], %swap3A_690 {strides = array<i32>} : memref<32x1024xf32, #tpu.memory_space<vmem>>, vector<1x16xf32>,
      %get3A_691 = arith.index_cast %scan3A_156 : i32 to index
      %get3A_692 = arith.constant 848 : index
      %get3A_693 = tpu.vector_load %arg8[%get3A_691, %get3A_692] {strides = array<i32>} : memref<32x1024xf32, #tpu.memory_space<vmem>>, vector<1x16xf32>,
      %get3A_694 = vector.shape_cast %get3A_693 : vector<1x16xf32> to vector<16xf32>
      %mul3A_695 = arith.mulf %get3A_694, %get3A_160 : vector<16xf32>
      %swap3A_696 = arith.index_cast %scan3A_156 : i32 to index
      %swap3A_697 = arith.constant 848 : index
      %swap3A_698 = tpu.vector_load %arg8[%swap3A_696, %swap3A_697] {strides = array<i32>} : memref<32x1024xf32, #tpu.memory_space<vmem>>, vector<1x16xf32>,
      %swap3A_699 = vector.shape_cast %swap3A_698 : vector<1x16xf32> to vector<16xf32>
      %swap3A_700 = vector.shape_cast %mul3A_695 : vector<16xf32> to vector<1x16xf32>
      tpu.vector_store %arg8[%swap3A_696, %swap3A_697], %swap3A_700 {strides = array<i32>} : memref<32x1024xf32, #tpu.memory_space<vmem>>, vector<1x16xf32>,
      %get3A_701 = arith.index_cast %scan3A_156 : i32 to index
      %get3A_702 = arith.constant 864 : index
      %get3A_703 = tpu.vector_load %arg8[%get3A_701, %get3A_702] {strides = array<i32>} : memref<32x1024xf32, #tpu.memory_space<vmem>>, vector<1x16xf32>,
      %get3A_704 = vector.shape_cast %get3A_703 : vector<1x16xf32> to vector<16xf32>
      %mul3A_705 = arith.mulf %get3A_704, %get3A_160 : vector<16xf32>
      %swap3A_706 = arith.index_cast %scan3A_156 : i32 to index
      %swap3A_707 = arith.constant 864 : index
      %swap3A_708 = tpu.vector_load %arg8[%swap3A_706, %swap3A_707] {strides = array<i32>} : memref<32x1024xf32, #tpu.memory_space<vmem>>, vector<1x16xf32>,
      %swap3A_709 = vector.shape_cast %swap3A_708 : vector<1x16xf32> to vector<16xf32>
      %swap3A_710 = vector.shape_cast %mul3A_705 : vector<16xf32> to vector<1x16xf32>
      tpu.vector_store %arg8[%swap3A_706, %swap3A_707], %swap3A_710 {strides = array<i32>} : memref<32x1024xf32, #tpu.memory_space<vmem>>, vector<1x16xf32>,
      %get3A_711 = arith.index_cast %scan3A_156 : i32 to index
      %get3A_712 = arith.constant 880 : index
      %get3A_713 = tpu.vector_load %arg8[%get3A_711, %get3A_712] {strides = array<i32>} : memref<32x1024xf32, #tpu.memory_space<vmem>>, vector<1x16xf32>,
      %get3A_714 = vector.shape_cast %get3A_713 : vector<1x16xf32> to vector<16xf32>
      %mul3A_715 = arith.mulf %get3A_714, %get3A_160 : vector<16xf32>
      %swap3A_716 = arith.index_cast %scan3A_156 : i32 to index
      %swap3A_717 = arith.constant 880 : index
      %swap3A_718 = tpu.vector_load %arg8[%swap3A_716, %swap3A_717] {strides = array<i32>} : memref<32x1024xf32, #tpu.memory_space<vmem>>, vector<1x16xf32>,
      %swap3A_719 = vector.shape_cast %swap3A_718 : vector<1x16xf32> to vector<16xf32>
      %swap3A_720 = vector.shape_cast %mul3A_715 : vector<16xf32> to vector<1x16xf32>
      tpu.vector_store %arg8[%swap3A_716, %swap3A_717], %swap3A_720 {strides = array<i32>} : memref<32x1024xf32, #tpu.memory_space<vmem>>, vector<1x16xf32>,
      %get3A_721 = arith.index_cast %scan3A_156 : i32 to index
      %get3A_722 = arith.constant 896 : index
      %get3A_723 = tpu.vector_load %arg8[%get3A_721, %get3A_722] {strides = array<i32>} : memref<32x1024xf32, #tpu.memory_space<vmem>>, vector<1x16xf32>,
      %get3A_724 = vector.shape_cast %get3A_723 : vector<1x16xf32> to vector<16xf32>
      %mul3A_725 = arith.mulf %get3A_724, %get3A_160 : vector<16xf32>
      %swap3A_726 = arith.index_cast %scan3A_156 : i32 to index
      %swap3A_727 = arith.constant 896 : index
      %swap3A_728 = tpu.vector_load %arg8[%swap3A_726, %swap3A_727] {strides = array<i32>} : memref<32x1024xf32, #tpu.memory_space<vmem>>, vector<1x16xf32>,
      %swap3A_729 = vector.shape_cast %swap3A_728 : vector<1x16xf32> to vector<16xf32>
      %swap3A_730 = vector.shape_cast %mul3A_725 : vector<16xf32> to vector<1x16xf32>
      tpu.vector_store %arg8[%swap3A_726, %swap3A_727], %swap3A_730 {strides = array<i32>} : memref<32x1024xf32, #tpu.memory_space<vmem>>, vector<1x16xf32>,
      %get3A_731 = arith.index_cast %scan3A_156 : i32 to index
      %get3A_732 = arith.constant 912 : index
      %get3A_733 = tpu.vector_load %arg8[%get3A_731, %get3A_732] {strides = array<i32>} : memref<32x1024xf32, #tpu.memory_space<vmem>>, vector<1x16xf32>,
      %get3A_734 = vector.shape_cast %get3A_733 : vector<1x16xf32> to vector<16xf32>
      %mul3A_735 = arith.mulf %get3A_734, %get3A_160 : vector<16xf32>
      %swap3A_736 = arith.index_cast %scan3A_156 : i32 to index
      %swap3A_737 = arith.constant 912 : index
      %swap3A_738 = tpu.vector_load %arg8[%swap3A_736, %swap3A_737] {strides = array<i32>} : memref<32x1024xf32, #tpu.memory_space<vmem>>, vector<1x16xf32>,
      %swap3A_739 = vector.shape_cast %swap3A_738 : vector<1x16xf32> to vector<16xf32>
      %swap3A_740 = vector.shape_cast %mul3A_735 : vector<16xf32> to vector<1x16xf32>
      tpu.vector_store %arg8[%swap3A_736, %swap3A_737], %swap3A_740 {strides = array<i32>} : memref<32x1024xf32, #tpu.memory_space<vmem>>, vector<1x16xf32>,
      %get3A_741 = arith.index_cast %scan3A_156 : i32 to index
      %get3A_742 = arith.constant 928 : index
      %get3A_743 = tpu.vector_load %arg8[%get3A_741, %get3A_742] {strides = array<i32>} : memref<32x1024xf32, #tpu.memory_space<vmem>>, vector<1x16xf32>,
      %get3A_744 = vector.shape_cast %get3A_743 : vector<1x16xf32> to vector<16xf32>
      %mul3A_745 = arith.mulf %get3A_744, %get3A_160 : vector<16xf32>
      %swap3A_746 = arith.index_cast %scan3A_156 : i32 to index
      %swap3A_747 = arith.constant 928 : index
      %swap3A_748 = tpu.vector_load %arg8[%swap3A_746, %swap3A_747] {strides = array<i32>} : memref<32x1024xf32, #tpu.memory_space<vmem>>, vector<1x16xf32>,
      %swap3A_749 = vector.shape_cast %swap3A_748 : vector<1x16xf32> to vector<16xf32>
      %swap3A_750 = vector.shape_cast %mul3A_745 : vector<16xf32> to vector<1x16xf32>
      tpu.vector_store %arg8[%swap3A_746, %swap3A_747], %swap3A_750 {strides = array<i32>} : memref<32x1024xf32, #tpu.memory_space<vmem>>, vector<1x16xf32>,
      %get3A_751 = arith.index_cast %scan3A_156 : i32 to index
      %get3A_752 = arith.constant 944 : index
      %get3A_753 = tpu.vector_load %arg8[%get3A_751, %get3A_752] {strides = array<i32>} : memref<32x1024xf32, #tpu.memory_space<vmem>>, vector<1x16xf32>,
      %get3A_754 = vector.shape_cast %get3A_753 : vector<1x16xf32> to vector<16xf32>
      %mul3A_755 = arith.mulf %get3A_754, %get3A_160 : vector<16xf32>
      %swap3A_756 = arith.index_cast %scan3A_156 : i32 to index
      %swap3A_757 = arith.constant 944 : index
      %swap3A_758 = tpu.vector_load %arg8[%swap3A_756, %swap3A_757] {strides = array<i32>} : memref<32x1024xf32, #tpu.memory_space<vmem>>, vector<1x16xf32>,
      %swap3A_759 = vector.shape_cast %swap3A_758 : vector<1x16xf32> to vector<16xf32>
      %swap3A_760 = vector.shape_cast %mul3A_755 : vector<16xf32> to vector<1x16xf32>
      tpu.vector_store %arg8[%swap3A_756, %swap3A_757], %swap3A_760 {strides = array<i32>} : memref<32x1024xf32, #tpu.memory_space<vmem>>, vector<1x16xf32>,
      %get3A_761 = arith.index_cast %scan3A_156 : i32 to index
      %get3A_762 = arith.constant 960 : index
      %get3A_763 = tpu.vector_load %arg8[%get3A_761, %get3A_762] {strides = array<i32>} : memref<32x1024xf32, #tpu.memory_space<vmem>>, vector<1x16xf32>,
      %get3A_764 = vector.shape_cast %get3A_763 : vector<1x16xf32> to vector<16xf32>
      %mul3A_765 = arith.mulf %get3A_764, %get3A_160 : vector<16xf32>
      %swap3A_766 = arith.index_cast %scan3A_156 : i32 to index
      %swap3A_767 = arith.constant 960 : index
      %swap3A_768 = tpu.vector_load %arg8[%swap3A_766, %swap3A_767] {strides = array<i32>} : memref<32x1024xf32, #tpu.memory_space<vmem>>, vector<1x16xf32>,
      %swap3A_769 = vector.shape_cast %swap3A_768 : vector<1x16xf32> to vector<16xf32>
      %swap3A_770 = vector.shape_cast %mul3A_765 : vector<16xf32> to vector<1x16xf32>
      tpu.vector_store %arg8[%swap3A_766, %swap3A_767], %swap3A_770 {strides = array<i32>} : memref<32x1024xf32, #tpu.memory_space<vmem>>, vector<1x16xf32>,
      %get3A_771 = arith.index_cast %scan3A_156 : i32 to index
      %get3A_772 = arith.constant 976 : index
      %get3A_773 = tpu.vector_load %arg8[%get3A_771, %get3A_772] {strides = array<i32>} : memref<32x1024xf32, #tpu.memory_space<vmem>>, vector<1x16xf32>,
      %get3A_774 = vector.shape_cast %get3A_773 : vector<1x16xf32> to vector<16xf32>
      %mul3A_775 = arith.mulf %get3A_774, %get3A_160 : vector<16xf32>
      %swap3A_776 = arith.index_cast %scan3A_156 : i32 to index
      %swap3A_777 = arith.constant 976 : index
      %swap3A_778 = tpu.vector_load %arg8[%swap3A_776, %swap3A_777] {strides = array<i32>} : memref<32x1024xf32, #tpu.memory_space<vmem>>, vector<1x16xf32>,
      %swap3A_779 = vector.shape_cast %swap3A_778 : vector<1x16xf32> to vector<16xf32>
      %swap3A_780 = vector.shape_cast %mul3A_775 : vector<16xf32> to vector<1x16xf32>
      tpu.vector_store %arg8[%swap3A_776, %swap3A_777], %swap3A_780 {strides = array<i32>} : memref<32x1024xf32, #tpu.memory_space<vmem>>, vector<1x16xf32>,
      %get3A_781 = arith.index_cast %scan3A_156 : i32 to index
      %get3A_782 = arith.constant 992 : index
      %get3A_783 = tpu.vector_load %arg8[%get3A_781, %get3A_782] {strides = array<i32>} : memref<32x1024xf32, #tpu.memory_space<vmem>>, vector<1x16xf32>,
      %get3A_784 = vector.shape_cast %get3A_783 : vector<1x16xf32> to vector<16xf32>
      %mul3A_785 = arith.mulf %get3A_784, %get3A_160 : vector<16xf32>
      %swap3A_786 = arith.index_cast %scan3A_156 : i32 to index
      %swap3A_787 = arith.constant 992 : index
      %swap3A_788 = tpu.vector_load %arg8[%swap3A_786, %swap3A_787] {strides = array<i32>} : memref<32x1024xf32, #tpu.memory_space<vmem>>, vector<1x16xf32>,
      %swap3A_789 = vector.shape_cast %swap3A_788 : vector<1x16xf32> to vector<16xf32>
      %swap3A_790 = vector.shape_cast %mul3A_785 : vector<16xf32> to vector<1x16xf32>
      tpu.vector_store %arg8[%swap3A_786, %swap3A_787], %swap3A_790 {strides = array<i32>} : memref<32x1024xf32, #tpu.memory_space<vmem>>, vector<1x16xf32>,
      %get3A_791 = arith.index_cast %scan3A_156 : i32 to index
      %get3A_792 = arith.constant 1008 : index
      %get3A_793 = tpu.vector_load %arg8[%get3A_791, %get3A_792] {strides = array<i32>} : memref<32x1024xf32, #tpu.memory_space<vmem>>, vector<1x16xf32>,
      %get3A_794 = vector.shape_cast %get3A_793 : vector<1x16xf32> to vector<16xf32>
      %mul3A_795 = arith.mulf %get3A_794, %get3A_160 : vector<16xf32>
      %swap3A_796 = arith.index_cast %scan3A_156 : i32 to index
      %swap3A_797 = arith.constant 1008 : index
      %swap3A_798 = tpu.vector_load %arg8[%swap3A_796, %swap3A_797] {strides = array<i32>} : memref<32x1024xf32, #tpu.memory_space<vmem>>, vector<1x16xf32>,
      %swap3A_799 = vector.shape_cast %swap3A_798 : vector<1x16xf32> to vector<16xf32>
      %swap3A_800 = vector.shape_cast %mul3A_795 : vector<16xf32> to vector<1x16xf32>
      tpu.vector_store %arg8[%swap3A_796, %swap3A_797], %swap3A_800 {strides = array<i32>} : memref<32x1024xf32, #tpu.memory_space<vmem>>, vector<1x16xf32>,
    }
    %scan3A_115 = arith.constant 32 : i32
    "tpu.region"() ({
      %run_scoped3A = tpu.sem_alloc : memref<!tpu.dma_semaphore, #tpu.memory_space<semaphore_mem>>
      %dma_start3A_156 = arith.constant 0 : i32
      %dma_start3A_157 = tpu.memref_slice %arg5[%add3A_77, %dma_start3A_156] : memref<4096x1024xf32, #tpu.memory_space<hbm>> -> memref<32x1024xf32, #tpu.memory_space<hbm>>
      %dma_start3A_158 = arith.constant 0 : i32
      %dma_start3A_159 = tpu.memref_slice %arg5[%add3A_77, %dma_start3A_158] : memref<4096x1024xf32, #tpu.memory_space<hbm>> -> memref<32x1024xf32, #tpu.memory_space<hbm>>
      tpu.enqueue_dma source(%arg8 : memref<32x1024xf32, #tpu.memory_space<vmem>>) target(%dma_start3A_159 : memref<32x1024xf32, #tpu.memory_space<hbm>>) target_semaphore(%run_scoped3A : memref<!tpu.dma_semaphore, #tpu.memory_space<semaphore_mem>>)
      %dma_wait3A_160 = arith.constant 0 : i32
      %dma_wait3A_161 = tpu.memref_slice %arg5[%add3A_77, %dma_wait3A_160] : memref<4096x1024xf32, #tpu.memory_space<hbm>> -> memref<32x1024xf32, #tpu.memory_space<hbm>>
      %dma_wait3A_162 = arith.constant 0 : i32
      %dma_wait3A_163 = tpu.memref_slice %arg5[%add3A_77, %dma_wait3A_162] : memref<4096x1024xf32, #tpu.memory_space<hbm>> -> memref<32x1024xf32, #tpu.memory_space<hbm>>
      tpu.wait_dma2 semaphore(%run_scoped3A : memref<!tpu.dma_semaphore, #tpu.memory_space<semaphore_mem>>) src(%arg8 : memref<32x1024xf32, #tpu.memory_space<vmem>>) dst(%dma_wait3A_163 : memref<32x1024xf32, #tpu.memory_space<hbm>>)
      tpu.yield
    }) : () -> ()
    %add3A_116 = arith.constant 96 : i32
    %add3A_117 = arith.addi %mul3A_2, %add3A_116 : i32
    "tpu.region"() ({
      %run_scoped3A = tpu.sem_alloc : memref<!tpu.dma_semaphore, #tpu.memory_space<semaphore_mem>>
      %dma_start3A_156 = tpu.memref_slice %arg3[%add3A_117] : memref<4096xi32, #tpu.memory_space<hbm>> -> memref<32xi32, #tpu.memory_space<hbm>>
      %dma_start3A_157 = tpu.memref_slice %arg3[%add3A_117] : memref<4096xi32, #tpu.memory_space<hbm>> -> memref<32xi32, #tpu.memory_space<hbm>>
      tpu.enqueue_dma source(%dma_start3A_157 : memref<32xi32, #tpu.memory_space<hbm>>) target(%arg6 : memref<32xi32, #tpu.memory_space<vmem>>) target_semaphore(%run_scoped3A : memref<!tpu.dma_semaphore, #tpu.memory_space<semaphore_mem>>)
      %dma_wait3A_158 = tpu.memref_slice %arg3[%add3A_117] : memref<4096xi32, #tpu.memory_space<hbm>> -> memref<32xi32, #tpu.memory_space<hbm>>
      %dma_wait3A_159 = tpu.memref_slice %arg3[%add3A_117] : memref<4096xi32, #tpu.memory_space<hbm>> -> memref<32xi32, #tpu.memory_space<hbm>>
      tpu.wait_dma2 semaphore(%run_scoped3A : memref<!tpu.dma_semaphore, #tpu.memory_space<semaphore_mem>>) src(%dma_wait3A_159 : memref<32xi32, #tpu.memory_space<hbm>>) dst(%arg6 : memref<32xi32, #tpu.memory_space<vmem>>)
      tpu.yield
    }) : () -> ()
    "tpu.region"() ({
      %run_scoped3A = tpu.sem_alloc : memref<!tpu.dma_semaphore, #tpu.memory_space<semaphore_mem>>
      %dma_start3A_156 = arith.constant 0 : i32
      %dma_start3A_157 = tpu.memref_slice %arg4[%add3A_117, %dma_start3A_156] : memref<4096x16xf32, #tpu.memory_space<hbm>> -> memref<32x16xf32, #tpu.memory_space<hbm>>
      %dma_start3A_158 = arith.constant 0 : i32
      %dma_start3A_159 = tpu.memref_slice %arg4[%add3A_117, %dma_start3A_158] : memref<4096x16xf32, #tpu.memory_space<hbm>> -> memref<32x16xf32, #tpu.memory_space<hbm>>
      tpu.enqueue_dma source(%dma_start3A_159 : memref<32x16xf32, #tpu.memory_space<hbm>>) target(%arg7 : memref<32x16xf32, #tpu.memory_space<vmem>>) target_semaphore(%run_scoped3A : memref<!tpu.dma_semaphore, #tpu.memory_space<semaphore_mem>>)
      %dma_wait3A_160 = arith.constant 0 : i32
      %dma_wait3A_161 = tpu.memref_slice %arg4[%add3A_117, %dma_wait3A_160] : memref<4096x16xf32, #tpu.memory_space<hbm>> -> memref<32x16xf32, #tpu.memory_space<hbm>>
      %dma_wait3A_162 = arith.constant 0 : i32
      %dma_wait3A_163 = tpu.memref_slice %arg4[%add3A_117, %dma_wait3A_162] : memref<4096x16xf32, #tpu.memory_space<hbm>> -> memref<32x16xf32, #tpu.memory_space<hbm>>
      tpu.wait_dma2 semaphore(%run_scoped3A : memref<!tpu.dma_semaphore, #tpu.memory_space<semaphore_mem>>) src(%dma_wait3A_163 : memref<32x16xf32, #tpu.memory_space<hbm>>) dst(%arg7 : memref<32x16xf32, #tpu.memory_space<vmem>>)
      tpu.yield
    }) : () -> ()
    %get3A_118 = arith.constant 0 : index
    %get3A_119 = tpu.vector_load %arg6[%get3A_118] {strides = array<i32>} : memref<32xi32, #tpu.memory_space<vmem>>, vector<16xi32>,
    %get3A_120 = vector.shape_cast %get3A_119 : vector<16xi32> to vector<16xi32>
    %max3A_121 = arith.constant 0 : i32
    %max3A_122 = vector.broadcast %max3A_121 : i32 to vector<16xi32>
    %max3A_123 = arith.maxsi %get3A_120, %max3A_122 : vector<16xi32>
    %min3A_124 = arith.constant 16383 : i32
    %min3A_125 = vector.broadcast %min3A_124 : i32 to vector<16xi32>
    %min3A_126 = arith.minsi %max3A_123, %min3A_125 : vector<16xi32>
    %swap3A_127 = arith.constant 0 : index
    %swap3A_128 = tpu.vector_load %arg6[%swap3A_127] {strides = array<i32>} : memref<32xi32, #tpu.memory_space<vmem>>, vector<16xi32>,
    %swap3A_129 = vector.shape_cast %swap3A_128 : vector<16xi32> to vector<16xi32>
    %swap3A_130 = vector.shape_cast %min3A_126 : vector<16xi32> to vector<16xi32>
    tpu.vector_store %arg6[%swap3A_127], %swap3A_130 {strides = array<i32>} : memref<32xi32, #tpu.memory_space<vmem>>, vector<16xi32>,
    %get3A_131 = arith.constant 16 : index
    %get3A_132 = tpu.vector_load %arg6[%get3A_131] {strides = array<i32>} : memref<32xi32, #tpu.memory_space<vmem>>, vector<16xi32>,
    %get3A_133 = vector.shape_cast %get3A_132 : vector<16xi32> to vector<16xi32>
    %max3A_134 = arith.constant 0 : i32
    %max3A_135 = vector.broadcast %max3A_134 : i32 to vector<16xi32>
    %max3A_136 = arith.maxsi %get3A_133, %max3A_135 : vector<16xi32>
    %min3A_137 = arith.constant 16383 : i32
    %min3A_138 = vector.broadcast %min3A_137 : i32 to vector<16xi32>
    %min3A_139 = arith.minsi %max3A_136, %min3A_138 : vector<16xi32>
    %swap3A_140 = arith.constant 16 : index
    %swap3A_141 = tpu.vector_load %arg6[%swap3A_140] {strides = array<i32>} : memref<32xi32, #tpu.memory_space<vmem>>, vector<16xi32>,
    %swap3A_142 = vector.shape_cast %swap3A_141 : vector<16xi32> to vector<16xi32>
    %swap3A_143 = vector.shape_cast %min3A_139 : vector<16xi32> to vector<16xi32>
    tpu.vector_store %arg6[%swap3A_140], %swap3A_143 {strides = array<i32>} : memref<32xi32, #tpu.memory_space<vmem>>, vector<16xi32>,
    %dma_start3A_144 = arith.constant 0 : i32
    %dma_start3A_145 = arith.constant 0 : i32
    %dma_start3A_146 = tpu.memref_slice %arg2[%dma_start3A_144, %dma_start3A_145] : memref<16384x1024xf32, #tpu.memory_space<hbm>> -> memref<16384x1024xf32, #tpu.memory_space<hbm>>
    tpu.enqueue_indirect_dma source(%dma_start3A_146 : memref<16384x1024xf32, #tpu.memory_space<hbm>>) target(%arg8 : memref<32x1024xf32, #tpu.memory_space<vmem>>) offsets(%arg6 : memref<32xi32, #tpu.memory_space<vmem>>) semaphore(%arg9 : memref<!tpu.dma_semaphore, #tpu.memory_space<semaphore_mem>>)
    %dma_wait3A_147 = arith.constant 0 : i32
    %dma_wait3A_148 = arith.constant 0 : i32
    %dma_wait3A_149 = tpu.memref_slice %arg2[%dma_wait3A_147, %dma_wait3A_148] : memref<16384x1024xf32, #tpu.memory_space<hbm>> -> memref<16384x1024xf32, #tpu.memory_space<hbm>>
    tpu.wait_indirect_dma semaphore(%arg9 : memref<!tpu.dma_semaphore, #tpu.memory_space<semaphore_mem>>) src(%dma_wait3A_149 : memref<16384x1024xf32, #tpu.memory_space<hbm>>) dst(%arg8 : memref<32x1024xf32, #tpu.memory_space<vmem>>)
    %scan3A_150 = arith.constant 0 : i32
    %scan3A_151 = arith.constant 0 : i32
    %scan3A_152 = arith.constant 32 : i32
    %scan3A_153 = arith.addi %scan3A_151, %scan3A_152 : i32
    %scan3A_154 = arith.constant 1 : i32
    scf.for %scan3A_156 = %scan3A_151 to %scan3A_153 step %scan3A_154  : i32 {
      %get3A_157 = arith.index_cast %scan3A_156 : i32 to index
      %get3A_158 = arith.constant 0 : index
      %get3A_159 = tpu.vector_load %arg7[%get3A_157, %get3A_158] {strides = array<i32>} : memref<32x16xf32, #tpu.memory_space<vmem>>, vector<1x16xf32>,
      %get3A_160 = vector.shape_cast %get3A_159 : vector<1x16xf32> to vector<16xf32>
      %get3A_161 = arith.index_cast %scan3A_156 : i32 to index
      %get3A_162 = arith.constant 0 : index
      %get3A_163 = tpu.vector_load %arg8[%get3A_161, %get3A_162] {strides = array<i32>} : memref<32x1024xf32, #tpu.memory_space<vmem>>, vector<1x16xf32>,
      %get3A_164 = vector.shape_cast %get3A_163 : vector<1x16xf32> to vector<16xf32>
      %mul3A_165 = arith.mulf %get3A_164, %get3A_160 : vector<16xf32>
      %swap3A_166 = arith.index_cast %scan3A_156 : i32 to index
      %swap3A_167 = arith.constant 0 : index
      %swap3A_168 = tpu.vector_load %arg8[%swap3A_166, %swap3A_167] {strides = array<i32>} : memref<32x1024xf32, #tpu.memory_space<vmem>>, vector<1x16xf32>,
      %swap3A_169 = vector.shape_cast %swap3A_168 : vector<1x16xf32> to vector<16xf32>
      %swap3A_170 = vector.shape_cast %mul3A_165 : vector<16xf32> to vector<1x16xf32>
      tpu.vector_store %arg8[%swap3A_166, %swap3A_167], %swap3A_170 {strides = array<i32>} : memref<32x1024xf32, #tpu.memory_space<vmem>>, vector<1x16xf32>,
      %get3A_171 = arith.index_cast %scan3A_156 : i32 to index
      %get3A_172 = arith.constant 16 : index
      %get3A_173 = tpu.vector_load %arg8[%get3A_171, %get3A_172] {strides = array<i32>} : memref<32x1024xf32, #tpu.memory_space<vmem>>, vector<1x16xf32>,
      %get3A_174 = vector.shape_cast %get3A_173 : vector<1x16xf32> to vector<16xf32>
      %mul3A_175 = arith.mulf %get3A_174, %get3A_160 : vector<16xf32>
      %swap3A_176 = arith.index_cast %scan3A_156 : i32 to index
      %swap3A_177 = arith.constant 16 : index
      %swap3A_178 = tpu.vector_load %arg8[%swap3A_176, %swap3A_177] {strides = array<i32>} : memref<32x1024xf32, #tpu.memory_space<vmem>>, vector<1x16xf32>,
      %swap3A_179 = vector.shape_cast %swap3A_178 : vector<1x16xf32> to vector<16xf32>
      %swap3A_180 = vector.shape_cast %mul3A_175 : vector<16xf32> to vector<1x16xf32>
      tpu.vector_store %arg8[%swap3A_176, %swap3A_177], %swap3A_180 {strides = array<i32>} : memref<32x1024xf32, #tpu.memory_space<vmem>>, vector<1x16xf32>,
      %get3A_181 = arith.index_cast %scan3A_156 : i32 to index
      %get3A_182 = arith.constant 32 : index
      %get3A_183 = tpu.vector_load %arg8[%get3A_181, %get3A_182] {strides = array<i32>} : memref<32x1024xf32, #tpu.memory_space<vmem>>, vector<1x16xf32>,
      %get3A_184 = vector.shape_cast %get3A_183 : vector<1x16xf32> to vector<16xf32>
      %mul3A_185 = arith.mulf %get3A_184, %get3A_160 : vector<16xf32>
      %swap3A_186 = arith.index_cast %scan3A_156 : i32 to index
      %swap3A_187 = arith.constant 32 : index
      %swap3A_188 = tpu.vector_load %arg8[%swap3A_186, %swap3A_187] {strides = array<i32>} : memref<32x1024xf32, #tpu.memory_space<vmem>>, vector<1x16xf32>,
      %swap3A_189 = vector.shape_cast %swap3A_188 : vector<1x16xf32> to vector<16xf32>
      %swap3A_190 = vector.shape_cast %mul3A_185 : vector<16xf32> to vector<1x16xf32>
      tpu.vector_store %arg8[%swap3A_186, %swap3A_187], %swap3A_190 {strides = array<i32>} : memref<32x1024xf32, #tpu.memory_space<vmem>>, vector<1x16xf32>,
      %get3A_191 = arith.index_cast %scan3A_156 : i32 to index
      %get3A_192 = arith.constant 48 : index
      %get3A_193 = tpu.vector_load %arg8[%get3A_191, %get3A_192] {strides = array<i32>} : memref<32x1024xf32, #tpu.memory_space<vmem>>, vector<1x16xf32>,
      %get3A_194 = vector.shape_cast %get3A_193 : vector<1x16xf32> to vector<16xf32>
      %mul3A_195 = arith.mulf %get3A_194, %get3A_160 : vector<16xf32>
      %swap3A_196 = arith.index_cast %scan3A_156 : i32 to index
      %swap3A_197 = arith.constant 48 : index
      %swap3A_198 = tpu.vector_load %arg8[%swap3A_196, %swap3A_197] {strides = array<i32>} : memref<32x1024xf32, #tpu.memory_space<vmem>>, vector<1x16xf32>,
      %swap3A_199 = vector.shape_cast %swap3A_198 : vector<1x16xf32> to vector<16xf32>
      %swap3A_200 = vector.shape_cast %mul3A_195 : vector<16xf32> to vector<1x16xf32>
      tpu.vector_store %arg8[%swap3A_196, %swap3A_197], %swap3A_200 {strides = array<i32>} : memref<32x1024xf32, #tpu.memory_space<vmem>>, vector<1x16xf32>,
      %get3A_201 = arith.index_cast %scan3A_156 : i32 to index
      %get3A_202 = arith.constant 64 : index
      %get3A_203 = tpu.vector_load %arg8[%get3A_201, %get3A_202] {strides = array<i32>} : memref<32x1024xf32, #tpu.memory_space<vmem>>, vector<1x16xf32>,
      %get3A_204 = vector.shape_cast %get3A_203 : vector<1x16xf32> to vector<16xf32>
      %mul3A_205 = arith.mulf %get3A_204, %get3A_160 : vector<16xf32>
      %swap3A_206 = arith.index_cast %scan3A_156 : i32 to index
      %swap3A_207 = arith.constant 64 : index
      %swap3A_208 = tpu.vector_load %arg8[%swap3A_206, %swap3A_207] {strides = array<i32>} : memref<32x1024xf32, #tpu.memory_space<vmem>>, vector<1x16xf32>,
      %swap3A_209 = vector.shape_cast %swap3A_208 : vector<1x16xf32> to vector<16xf32>
      %swap3A_210 = vector.shape_cast %mul3A_205 : vector<16xf32> to vector<1x16xf32>
      tpu.vector_store %arg8[%swap3A_206, %swap3A_207], %swap3A_210 {strides = array<i32>} : memref<32x1024xf32, #tpu.memory_space<vmem>>, vector<1x16xf32>,
      %get3A_211 = arith.index_cast %scan3A_156 : i32 to index
      %get3A_212 = arith.constant 80 : index
      %get3A_213 = tpu.vector_load %arg8[%get3A_211, %get3A_212] {strides = array<i32>} : memref<32x1024xf32, #tpu.memory_space<vmem>>, vector<1x16xf32>,
      %get3A_214 = vector.shape_cast %get3A_213 : vector<1x16xf32> to vector<16xf32>
      %mul3A_215 = arith.mulf %get3A_214, %get3A_160 : vector<16xf32>
      %swap3A_216 = arith.index_cast %scan3A_156 : i32 to index
      %swap3A_217 = arith.constant 80 : index
      %swap3A_218 = tpu.vector_load %arg8[%swap3A_216, %swap3A_217] {strides = array<i32>} : memref<32x1024xf32, #tpu.memory_space<vmem>>, vector<1x16xf32>,
      %swap3A_219 = vector.shape_cast %swap3A_218 : vector<1x16xf32> to vector<16xf32>
      %swap3A_220 = vector.shape_cast %mul3A_215 : vector<16xf32> to vector<1x16xf32>
      tpu.vector_store %arg8[%swap3A_216, %swap3A_217], %swap3A_220 {strides = array<i32>} : memref<32x1024xf32, #tpu.memory_space<vmem>>, vector<1x16xf32>,
      %get3A_221 = arith.index_cast %scan3A_156 : i32 to index
      %get3A_222 = arith.constant 96 : index
      %get3A_223 = tpu.vector_load %arg8[%get3A_221, %get3A_222] {strides = array<i32>} : memref<32x1024xf32, #tpu.memory_space<vmem>>, vector<1x16xf32>,
      %get3A_224 = vector.shape_cast %get3A_223 : vector<1x16xf32> to vector<16xf32>
      %mul3A_225 = arith.mulf %get3A_224, %get3A_160 : vector<16xf32>
      %swap3A_226 = arith.index_cast %scan3A_156 : i32 to index
      %swap3A_227 = arith.constant 96 : index
      %swap3A_228 = tpu.vector_load %arg8[%swap3A_226, %swap3A_227] {strides = array<i32>} : memref<32x1024xf32, #tpu.memory_space<vmem>>, vector<1x16xf32>,
      %swap3A_229 = vector.shape_cast %swap3A_228 : vector<1x16xf32> to vector<16xf32>
      %swap3A_230 = vector.shape_cast %mul3A_225 : vector<16xf32> to vector<1x16xf32>
      tpu.vector_store %arg8[%swap3A_226, %swap3A_227], %swap3A_230 {strides = array<i32>} : memref<32x1024xf32, #tpu.memory_space<vmem>>, vector<1x16xf32>,
      %get3A_231 = arith.index_cast %scan3A_156 : i32 to index
      %get3A_232 = arith.constant 112 : index
      %get3A_233 = tpu.vector_load %arg8[%get3A_231, %get3A_232] {strides = array<i32>} : memref<32x1024xf32, #tpu.memory_space<vmem>>, vector<1x16xf32>,
      %get3A_234 = vector.shape_cast %get3A_233 : vector<1x16xf32> to vector<16xf32>
      %mul3A_235 = arith.mulf %get3A_234, %get3A_160 : vector<16xf32>
      %swap3A_236 = arith.index_cast %scan3A_156 : i32 to index
      %swap3A_237 = arith.constant 112 : index
      %swap3A_238 = tpu.vector_load %arg8[%swap3A_236, %swap3A_237] {strides = array<i32>} : memref<32x1024xf32, #tpu.memory_space<vmem>>, vector<1x16xf32>,
      %swap3A_239 = vector.shape_cast %swap3A_238 : vector<1x16xf32> to vector<16xf32>
      %swap3A_240 = vector.shape_cast %mul3A_235 : vector<16xf32> to vector<1x16xf32>
      tpu.vector_store %arg8[%swap3A_236, %swap3A_237], %swap3A_240 {strides = array<i32>} : memref<32x1024xf32, #tpu.memory_space<vmem>>, vector<1x16xf32>,
      %get3A_241 = arith.index_cast %scan3A_156 : i32 to index
      %get3A_242 = arith.constant 128 : index
      %get3A_243 = tpu.vector_load %arg8[%get3A_241, %get3A_242] {strides = array<i32>} : memref<32x1024xf32, #tpu.memory_space<vmem>>, vector<1x16xf32>,
      %get3A_244 = vector.shape_cast %get3A_243 : vector<1x16xf32> to vector<16xf32>
      %mul3A_245 = arith.mulf %get3A_244, %get3A_160 : vector<16xf32>
      %swap3A_246 = arith.index_cast %scan3A_156 : i32 to index
      %swap3A_247 = arith.constant 128 : index
      %swap3A_248 = tpu.vector_load %arg8[%swap3A_246, %swap3A_247] {strides = array<i32>} : memref<32x1024xf32, #tpu.memory_space<vmem>>, vector<1x16xf32>,
      %swap3A_249 = vector.shape_cast %swap3A_248 : vector<1x16xf32> to vector<16xf32>
      %swap3A_250 = vector.shape_cast %mul3A_245 : vector<16xf32> to vector<1x16xf32>
      tpu.vector_store %arg8[%swap3A_246, %swap3A_247], %swap3A_250 {strides = array<i32>} : memref<32x1024xf32, #tpu.memory_space<vmem>>, vector<1x16xf32>,
      %get3A_251 = arith.index_cast %scan3A_156 : i32 to index
      %get3A_252 = arith.constant 144 : index
      %get3A_253 = tpu.vector_load %arg8[%get3A_251, %get3A_252] {strides = array<i32>} : memref<32x1024xf32, #tpu.memory_space<vmem>>, vector<1x16xf32>,
      %get3A_254 = vector.shape_cast %get3A_253 : vector<1x16xf32> to vector<16xf32>
      %mul3A_255 = arith.mulf %get3A_254, %get3A_160 : vector<16xf32>
      %swap3A_256 = arith.index_cast %scan3A_156 : i32 to index
      %swap3A_257 = arith.constant 144 : index
      %swap3A_258 = tpu.vector_load %arg8[%swap3A_256, %swap3A_257] {strides = array<i32>} : memref<32x1024xf32, #tpu.memory_space<vmem>>, vector<1x16xf32>,
      %swap3A_259 = vector.shape_cast %swap3A_258 : vector<1x16xf32> to vector<16xf32>
      %swap3A_260 = vector.shape_cast %mul3A_255 : vector<16xf32> to vector<1x16xf32>
      tpu.vector_store %arg8[%swap3A_256, %swap3A_257], %swap3A_260 {strides = array<i32>} : memref<32x1024xf32, #tpu.memory_space<vmem>>, vector<1x16xf32>,
      %get3A_261 = arith.index_cast %scan3A_156 : i32 to index
      %get3A_262 = arith.constant 160 : index
      %get3A_263 = tpu.vector_load %arg8[%get3A_261, %get3A_262] {strides = array<i32>} : memref<32x1024xf32, #tpu.memory_space<vmem>>, vector<1x16xf32>,
      %get3A_264 = vector.shape_cast %get3A_263 : vector<1x16xf32> to vector<16xf32>
      %mul3A_265 = arith.mulf %get3A_264, %get3A_160 : vector<16xf32>
      %swap3A_266 = arith.index_cast %scan3A_156 : i32 to index
      %swap3A_267 = arith.constant 160 : index
      %swap3A_268 = tpu.vector_load %arg8[%swap3A_266, %swap3A_267] {strides = array<i32>} : memref<32x1024xf32, #tpu.memory_space<vmem>>, vector<1x16xf32>,
      %swap3A_269 = vector.shape_cast %swap3A_268 : vector<1x16xf32> to vector<16xf32>
      %swap3A_270 = vector.shape_cast %mul3A_265 : vector<16xf32> to vector<1x16xf32>
      tpu.vector_store %arg8[%swap3A_266, %swap3A_267], %swap3A_270 {strides = array<i32>} : memref<32x1024xf32, #tpu.memory_space<vmem>>, vector<1x16xf32>,
      %get3A_271 = arith.index_cast %scan3A_156 : i32 to index
      %get3A_272 = arith.constant 176 : index
      %get3A_273 = tpu.vector_load %arg8[%get3A_271, %get3A_272] {strides = array<i32>} : memref<32x1024xf32, #tpu.memory_space<vmem>>, vector<1x16xf32>,
      %get3A_274 = vector.shape_cast %get3A_273 : vector<1x16xf32> to vector<16xf32>
      %mul3A_275 = arith.mulf %get3A_274, %get3A_160 : vector<16xf32>
      %swap3A_276 = arith.index_cast %scan3A_156 : i32 to index
      %swap3A_277 = arith.constant 176 : index
      %swap3A_278 = tpu.vector_load %arg8[%swap3A_276, %swap3A_277] {strides = array<i32>} : memref<32x1024xf32, #tpu.memory_space<vmem>>, vector<1x16xf32>,
      %swap3A_279 = vector.shape_cast %swap3A_278 : vector<1x16xf32> to vector<16xf32>
      %swap3A_280 = vector.shape_cast %mul3A_275 : vector<16xf32> to vector<1x16xf32>
      tpu.vector_store %arg8[%swap3A_276, %swap3A_277], %swap3A_280 {strides = array<i32>} : memref<32x1024xf32, #tpu.memory_space<vmem>>, vector<1x16xf32>,
      %get3A_281 = arith.index_cast %scan3A_156 : i32 to index
      %get3A_282 = arith.constant 192 : index
      %get3A_283 = tpu.vector_load %arg8[%get3A_281, %get3A_282] {strides = array<i32>} : memref<32x1024xf32, #tpu.memory_space<vmem>>, vector<1x16xf32>,
      %get3A_284 = vector.shape_cast %get3A_283 : vector<1x16xf32> to vector<16xf32>
      %mul3A_285 = arith.mulf %get3A_284, %get3A_160 : vector<16xf32>
      %swap3A_286 = arith.index_cast %scan3A_156 : i32 to index
      %swap3A_287 = arith.constant 192 : index
      %swap3A_288 = tpu.vector_load %arg8[%swap3A_286, %swap3A_287] {strides = array<i32>} : memref<32x1024xf32, #tpu.memory_space<vmem>>, vector<1x16xf32>,
      %swap3A_289 = vector.shape_cast %swap3A_288 : vector<1x16xf32> to vector<16xf32>
      %swap3A_290 = vector.shape_cast %mul3A_285 : vector<16xf32> to vector<1x16xf32>
      tpu.vector_store %arg8[%swap3A_286, %swap3A_287], %swap3A_290 {strides = array<i32>} : memref<32x1024xf32, #tpu.memory_space<vmem>>, vector<1x16xf32>,
      %get3A_291 = arith.index_cast %scan3A_156 : i32 to index
      %get3A_292 = arith.constant 208 : index
      %get3A_293 = tpu.vector_load %arg8[%get3A_291, %get3A_292] {strides = array<i32>} : memref<32x1024xf32, #tpu.memory_space<vmem>>, vector<1x16xf32>,
      %get3A_294 = vector.shape_cast %get3A_293 : vector<1x16xf32> to vector<16xf32>
      %mul3A_295 = arith.mulf %get3A_294, %get3A_160 : vector<16xf32>
      %swap3A_296 = arith.index_cast %scan3A_156 : i32 to index
      %swap3A_297 = arith.constant 208 : index
      %swap3A_298 = tpu.vector_load %arg8[%swap3A_296, %swap3A_297] {strides = array<i32>} : memref<32x1024xf32, #tpu.memory_space<vmem>>, vector<1x16xf32>,
      %swap3A_299 = vector.shape_cast %swap3A_298 : vector<1x16xf32> to vector<16xf32>
      %swap3A_300 = vector.shape_cast %mul3A_295 : vector<16xf32> to vector<1x16xf32>
      tpu.vector_store %arg8[%swap3A_296, %swap3A_297], %swap3A_300 {strides = array<i32>} : memref<32x1024xf32, #tpu.memory_space<vmem>>, vector<1x16xf32>,
      %get3A_301 = arith.index_cast %scan3A_156 : i32 to index
      %get3A_302 = arith.constant 224 : index
      %get3A_303 = tpu.vector_load %arg8[%get3A_301, %get3A_302] {strides = array<i32>} : memref<32x1024xf32, #tpu.memory_space<vmem>>, vector<1x16xf32>,
      %get3A_304 = vector.shape_cast %get3A_303 : vector<1x16xf32> to vector<16xf32>
      %mul3A_305 = arith.mulf %get3A_304, %get3A_160 : vector<16xf32>
      %swap3A_306 = arith.index_cast %scan3A_156 : i32 to index
      %swap3A_307 = arith.constant 224 : index
      %swap3A_308 = tpu.vector_load %arg8[%swap3A_306, %swap3A_307] {strides = array<i32>} : memref<32x1024xf32, #tpu.memory_space<vmem>>, vector<1x16xf32>,
      %swap3A_309 = vector.shape_cast %swap3A_308 : vector<1x16xf32> to vector<16xf32>
      %swap3A_310 = vector.shape_cast %mul3A_305 : vector<16xf32> to vector<1x16xf32>
      tpu.vector_store %arg8[%swap3A_306, %swap3A_307], %swap3A_310 {strides = array<i32>} : memref<32x1024xf32, #tpu.memory_space<vmem>>, vector<1x16xf32>,
      %get3A_311 = arith.index_cast %scan3A_156 : i32 to index
      %get3A_312 = arith.constant 240 : index
      %get3A_313 = tpu.vector_load %arg8[%get3A_311, %get3A_312] {strides = array<i32>} : memref<32x1024xf32, #tpu.memory_space<vmem>>, vector<1x16xf32>,
      %get3A_314 = vector.shape_cast %get3A_313 : vector<1x16xf32> to vector<16xf32>
      %mul3A_315 = arith.mulf %get3A_314, %get3A_160 : vector<16xf32>
      %swap3A_316 = arith.index_cast %scan3A_156 : i32 to index
      %swap3A_317 = arith.constant 240 : index
      %swap3A_318 = tpu.vector_load %arg8[%swap3A_316, %swap3A_317] {strides = array<i32>} : memref<32x1024xf32, #tpu.memory_space<vmem>>, vector<1x16xf32>,
      %swap3A_319 = vector.shape_cast %swap3A_318 : vector<1x16xf32> to vector<16xf32>
      %swap3A_320 = vector.shape_cast %mul3A_315 : vector<16xf32> to vector<1x16xf32>
      tpu.vector_store %arg8[%swap3A_316, %swap3A_317], %swap3A_320 {strides = array<i32>} : memref<32x1024xf32, #tpu.memory_space<vmem>>, vector<1x16xf32>,
      %get3A_321 = arith.index_cast %scan3A_156 : i32 to index
      %get3A_322 = arith.constant 256 : index
      %get3A_323 = tpu.vector_load %arg8[%get3A_321, %get3A_322] {strides = array<i32>} : memref<32x1024xf32, #tpu.memory_space<vmem>>, vector<1x16xf32>,
      %get3A_324 = vector.shape_cast %get3A_323 : vector<1x16xf32> to vector<16xf32>
      %mul3A_325 = arith.mulf %get3A_324, %get3A_160 : vector<16xf32>
      %swap3A_326 = arith.index_cast %scan3A_156 : i32 to index
      %swap3A_327 = arith.constant 256 : index
      %swap3A_328 = tpu.vector_load %arg8[%swap3A_326, %swap3A_327] {strides = array<i32>} : memref<32x1024xf32, #tpu.memory_space<vmem>>, vector<1x16xf32>,
      %swap3A_329 = vector.shape_cast %swap3A_328 : vector<1x16xf32> to vector<16xf32>
      %swap3A_330 = vector.shape_cast %mul3A_325 : vector<16xf32> to vector<1x16xf32>
      tpu.vector_store %arg8[%swap3A_326, %swap3A_327], %swap3A_330 {strides = array<i32>} : memref<32x1024xf32, #tpu.memory_space<vmem>>, vector<1x16xf32>,
      %get3A_331 = arith.index_cast %scan3A_156 : i32 to index
      %get3A_332 = arith.constant 272 : index
      %get3A_333 = tpu.vector_load %arg8[%get3A_331, %get3A_332] {strides = array<i32>} : memref<32x1024xf32, #tpu.memory_space<vmem>>, vector<1x16xf32>,
      %get3A_334 = vector.shape_cast %get3A_333 : vector<1x16xf32> to vector<16xf32>
      %mul3A_335 = arith.mulf %get3A_334, %get3A_160 : vector<16xf32>
      %swap3A_336 = arith.index_cast %scan3A_156 : i32 to index
      %swap3A_337 = arith.constant 272 : index
      %swap3A_338 = tpu.vector_load %arg8[%swap3A_336, %swap3A_337] {strides = array<i32>} : memref<32x1024xf32, #tpu.memory_space<vmem>>, vector<1x16xf32>,
      %swap3A_339 = vector.shape_cast %swap3A_338 : vector<1x16xf32> to vector<16xf32>
      %swap3A_340 = vector.shape_cast %mul3A_335 : vector<16xf32> to vector<1x16xf32>
      tpu.vector_store %arg8[%swap3A_336, %swap3A_337], %swap3A_340 {strides = array<i32>} : memref<32x1024xf32, #tpu.memory_space<vmem>>, vector<1x16xf32>,
      %get3A_341 = arith.index_cast %scan3A_156 : i32 to index
      %get3A_342 = arith.constant 288 : index
      %get3A_343 = tpu.vector_load %arg8[%get3A_341, %get3A_342] {strides = array<i32>} : memref<32x1024xf32, #tpu.memory_space<vmem>>, vector<1x16xf32>,
      %get3A_344 = vector.shape_cast %get3A_343 : vector<1x16xf32> to vector<16xf32>
      %mul3A_345 = arith.mulf %get3A_344, %get3A_160 : vector<16xf32>
      %swap3A_346 = arith.index_cast %scan3A_156 : i32 to index
      %swap3A_347 = arith.constant 288 : index
      %swap3A_348 = tpu.vector_load %arg8[%swap3A_346, %swap3A_347] {strides = array<i32>} : memref<32x1024xf32, #tpu.memory_space<vmem>>, vector<1x16xf32>,
      %swap3A_349 = vector.shape_cast %swap3A_348 : vector<1x16xf32> to vector<16xf32>
      %swap3A_350 = vector.shape_cast %mul3A_345 : vector<16xf32> to vector<1x16xf32>
      tpu.vector_store %arg8[%swap3A_346, %swap3A_347], %swap3A_350 {strides = array<i32>} : memref<32x1024xf32, #tpu.memory_space<vmem>>, vector<1x16xf32>,
      %get3A_351 = arith.index_cast %scan3A_156 : i32 to index
      %get3A_352 = arith.constant 304 : index
      %get3A_353 = tpu.vector_load %arg8[%get3A_351, %get3A_352] {strides = array<i32>} : memref<32x1024xf32, #tpu.memory_space<vmem>>, vector<1x16xf32>,
      %get3A_354 = vector.shape_cast %get3A_353 : vector<1x16xf32> to vector<16xf32>
      %mul3A_355 = arith.mulf %get3A_354, %get3A_160 : vector<16xf32>
      %swap3A_356 = arith.index_cast %scan3A_156 : i32 to index
      %swap3A_357 = arith.constant 304 : index
      %swap3A_358 = tpu.vector_load %arg8[%swap3A_356, %swap3A_357] {strides = array<i32>} : memref<32x1024xf32, #tpu.memory_space<vmem>>, vector<1x16xf32>,
      %swap3A_359 = vector.shape_cast %swap3A_358 : vector<1x16xf32> to vector<16xf32>
      %swap3A_360 = vector.shape_cast %mul3A_355 : vector<16xf32> to vector<1x16xf32>
      tpu.vector_store %arg8[%swap3A_356, %swap3A_357], %swap3A_360 {strides = array<i32>} : memref<32x1024xf32, #tpu.memory_space<vmem>>, vector<1x16xf32>,
      %get3A_361 = arith.index_cast %scan3A_156 : i32 to index
      %get3A_362 = arith.constant 320 : index
      %get3A_363 = tpu.vector_load %arg8[%get3A_361, %get3A_362] {strides = array<i32>} : memref<32x1024xf32, #tpu.memory_space<vmem>>, vector<1x16xf32>,
      %get3A_364 = vector.shape_cast %get3A_363 : vector<1x16xf32> to vector<16xf32>
      %mul3A_365 = arith.mulf %get3A_364, %get3A_160 : vector<16xf32>
      %swap3A_366 = arith.index_cast %scan3A_156 : i32 to index
      %swap3A_367 = arith.constant 320 : index
      %swap3A_368 = tpu.vector_load %arg8[%swap3A_366, %swap3A_367] {strides = array<i32>} : memref<32x1024xf32, #tpu.memory_space<vmem>>, vector<1x16xf32>,
      %swap3A_369 = vector.shape_cast %swap3A_368 : vector<1x16xf32> to vector<16xf32>
      %swap3A_370 = vector.shape_cast %mul3A_365 : vector<16xf32> to vector<1x16xf32>
      tpu.vector_store %arg8[%swap3A_366, %swap3A_367], %swap3A_370 {strides = array<i32>} : memref<32x1024xf32, #tpu.memory_space<vmem>>, vector<1x16xf32>,
      %get3A_371 = arith.index_cast %scan3A_156 : i32 to index
      %get3A_372 = arith.constant 336 : index
      %get3A_373 = tpu.vector_load %arg8[%get3A_371, %get3A_372] {strides = array<i32>} : memref<32x1024xf32, #tpu.memory_space<vmem>>, vector<1x16xf32>,
      %get3A_374 = vector.shape_cast %get3A_373 : vector<1x16xf32> to vector<16xf32>
      %mul3A_375 = arith.mulf %get3A_374, %get3A_160 : vector<16xf32>
      %swap3A_376 = arith.index_cast %scan3A_156 : i32 to index
      %swap3A_377 = arith.constant 336 : index
      %swap3A_378 = tpu.vector_load %arg8[%swap3A_376, %swap3A_377] {strides = array<i32>} : memref<32x1024xf32, #tpu.memory_space<vmem>>, vector<1x16xf32>,
      %swap3A_379 = vector.shape_cast %swap3A_378 : vector<1x16xf32> to vector<16xf32>
      %swap3A_380 = vector.shape_cast %mul3A_375 : vector<16xf32> to vector<1x16xf32>
      tpu.vector_store %arg8[%swap3A_376, %swap3A_377], %swap3A_380 {strides = array<i32>} : memref<32x1024xf32, #tpu.memory_space<vmem>>, vector<1x16xf32>,
      %get3A_381 = arith.index_cast %scan3A_156 : i32 to index
      %get3A_382 = arith.constant 352 : index
      %get3A_383 = tpu.vector_load %arg8[%get3A_381, %get3A_382] {strides = array<i32>} : memref<32x1024xf32, #tpu.memory_space<vmem>>, vector<1x16xf32>,
      %get3A_384 = vector.shape_cast %get3A_383 : vector<1x16xf32> to vector<16xf32>
      %mul3A_385 = arith.mulf %get3A_384, %get3A_160 : vector<16xf32>
      %swap3A_386 = arith.index_cast %scan3A_156 : i32 to index
      %swap3A_387 = arith.constant 352 : index
      %swap3A_388 = tpu.vector_load %arg8[%swap3A_386, %swap3A_387] {strides = array<i32>} : memref<32x1024xf32, #tpu.memory_space<vmem>>, vector<1x16xf32>,
      %swap3A_389 = vector.shape_cast %swap3A_388 : vector<1x16xf32> to vector<16xf32>
      %swap3A_390 = vector.shape_cast %mul3A_385 : vector<16xf32> to vector<1x16xf32>
      tpu.vector_store %arg8[%swap3A_386, %swap3A_387], %swap3A_390 {strides = array<i32>} : memref<32x1024xf32, #tpu.memory_space<vmem>>, vector<1x16xf32>,
      %get3A_391 = arith.index_cast %scan3A_156 : i32 to index
      %get3A_392 = arith.constant 368 : index
      %get3A_393 = tpu.vector_load %arg8[%get3A_391, %get3A_392] {strides = array<i32>} : memref<32x1024xf32, #tpu.memory_space<vmem>>, vector<1x16xf32>,
      %get3A_394 = vector.shape_cast %get3A_393 : vector<1x16xf32> to vector<16xf32>
      %mul3A_395 = arith.mulf %get3A_394, %get3A_160 : vector<16xf32>
      %swap3A_396 = arith.index_cast %scan3A_156 : i32 to index
      %swap3A_397 = arith.constant 368 : index
      %swap3A_398 = tpu.vector_load %arg8[%swap3A_396, %swap3A_397] {strides = array<i32>} : memref<32x1024xf32, #tpu.memory_space<vmem>>, vector<1x16xf32>,
      %swap3A_399 = vector.shape_cast %swap3A_398 : vector<1x16xf32> to vector<16xf32>
      %swap3A_400 = vector.shape_cast %mul3A_395 : vector<16xf32> to vector<1x16xf32>
      tpu.vector_store %arg8[%swap3A_396, %swap3A_397], %swap3A_400 {strides = array<i32>} : memref<32x1024xf32, #tpu.memory_space<vmem>>, vector<1x16xf32>,
      %get3A_401 = arith.index_cast %scan3A_156 : i32 to index
      %get3A_402 = arith.constant 384 : index
      %get3A_403 = tpu.vector_load %arg8[%get3A_401, %get3A_402] {strides = array<i32>} : memref<32x1024xf32, #tpu.memory_space<vmem>>, vector<1x16xf32>,
      %get3A_404 = vector.shape_cast %get3A_403 : vector<1x16xf32> to vector<16xf32>
      %mul3A_405 = arith.mulf %get3A_404, %get3A_160 : vector<16xf32>
      %swap3A_406 = arith.index_cast %scan3A_156 : i32 to index
      %swap3A_407 = arith.constant 384 : index
      %swap3A_408 = tpu.vector_load %arg8[%swap3A_406, %swap3A_407] {strides = array<i32>} : memref<32x1024xf32, #tpu.memory_space<vmem>>, vector<1x16xf32>,
      %swap3A_409 = vector.shape_cast %swap3A_408 : vector<1x16xf32> to vector<16xf32>
      %swap3A_410 = vector.shape_cast %mul3A_405 : vector<16xf32> to vector<1x16xf32>
      tpu.vector_store %arg8[%swap3A_406, %swap3A_407], %swap3A_410 {strides = array<i32>} : memref<32x1024xf32, #tpu.memory_space<vmem>>, vector<1x16xf32>,
      %get3A_411 = arith.index_cast %scan3A_156 : i32 to index
      %get3A_412 = arith.constant 400 : index
      %get3A_413 = tpu.vector_load %arg8[%get3A_411, %get3A_412] {strides = array<i32>} : memref<32x1024xf32, #tpu.memory_space<vmem>>, vector<1x16xf32>,
      %get3A_414 = vector.shape_cast %get3A_413 : vector<1x16xf32> to vector<16xf32>
      %mul3A_415 = arith.mulf %get3A_414, %get3A_160 : vector<16xf32>
      %swap3A_416 = arith.index_cast %scan3A_156 : i32 to index
      %swap3A_417 = arith.constant 400 : index
      %swap3A_418 = tpu.vector_load %arg8[%swap3A_416, %swap3A_417] {strides = array<i32>} : memref<32x1024xf32, #tpu.memory_space<vmem>>, vector<1x16xf32>,
      %swap3A_419 = vector.shape_cast %swap3A_418 : vector<1x16xf32> to vector<16xf32>
      %swap3A_420 = vector.shape_cast %mul3A_415 : vector<16xf32> to vector<1x16xf32>
      tpu.vector_store %arg8[%swap3A_416, %swap3A_417], %swap3A_420 {strides = array<i32>} : memref<32x1024xf32, #tpu.memory_space<vmem>>, vector<1x16xf32>,
      %get3A_421 = arith.index_cast %scan3A_156 : i32 to index
      %get3A_422 = arith.constant 416 : index
      %get3A_423 = tpu.vector_load %arg8[%get3A_421, %get3A_422] {strides = array<i32>} : memref<32x1024xf32, #tpu.memory_space<vmem>>, vector<1x16xf32>,
      %get3A_424 = vector.shape_cast %get3A_423 : vector<1x16xf32> to vector<16xf32>
      %mul3A_425 = arith.mulf %get3A_424, %get3A_160 : vector<16xf32>
      %swap3A_426 = arith.index_cast %scan3A_156 : i32 to index
      %swap3A_427 = arith.constant 416 : index
      %swap3A_428 = tpu.vector_load %arg8[%swap3A_426, %swap3A_427] {strides = array<i32>} : memref<32x1024xf32, #tpu.memory_space<vmem>>, vector<1x16xf32>,
      %swap3A_429 = vector.shape_cast %swap3A_428 : vector<1x16xf32> to vector<16xf32>
      %swap3A_430 = vector.shape_cast %mul3A_425 : vector<16xf32> to vector<1x16xf32>
      tpu.vector_store %arg8[%swap3A_426, %swap3A_427], %swap3A_430 {strides = array<i32>} : memref<32x1024xf32, #tpu.memory_space<vmem>>, vector<1x16xf32>,
      %get3A_431 = arith.index_cast %scan3A_156 : i32 to index
      %get3A_432 = arith.constant 432 : index
      %get3A_433 = tpu.vector_load %arg8[%get3A_431, %get3A_432] {strides = array<i32>} : memref<32x1024xf32, #tpu.memory_space<vmem>>, vector<1x16xf32>,
      %get3A_434 = vector.shape_cast %get3A_433 : vector<1x16xf32> to vector<16xf32>
      %mul3A_435 = arith.mulf %get3A_434, %get3A_160 : vector<16xf32>
      %swap3A_436 = arith.index_cast %scan3A_156 : i32 to index
      %swap3A_437 = arith.constant 432 : index
      %swap3A_438 = tpu.vector_load %arg8[%swap3A_436, %swap3A_437] {strides = array<i32>} : memref<32x1024xf32, #tpu.memory_space<vmem>>, vector<1x16xf32>,
      %swap3A_439 = vector.shape_cast %swap3A_438 : vector<1x16xf32> to vector<16xf32>
      %swap3A_440 = vector.shape_cast %mul3A_435 : vector<16xf32> to vector<1x16xf32>
      tpu.vector_store %arg8[%swap3A_436, %swap3A_437], %swap3A_440 {strides = array<i32>} : memref<32x1024xf32, #tpu.memory_space<vmem>>, vector<1x16xf32>,
      %get3A_441 = arith.index_cast %scan3A_156 : i32 to index
      %get3A_442 = arith.constant 448 : index
      %get3A_443 = tpu.vector_load %arg8[%get3A_441, %get3A_442] {strides = array<i32>} : memref<32x1024xf32, #tpu.memory_space<vmem>>, vector<1x16xf32>,
      %get3A_444 = vector.shape_cast %get3A_443 : vector<1x16xf32> to vector<16xf32>
      %mul3A_445 = arith.mulf %get3A_444, %get3A_160 : vector<16xf32>
      %swap3A_446 = arith.index_cast %scan3A_156 : i32 to index
      %swap3A_447 = arith.constant 448 : index
      %swap3A_448 = tpu.vector_load %arg8[%swap3A_446, %swap3A_447] {strides = array<i32>} : memref<32x1024xf32, #tpu.memory_space<vmem>>, vector<1x16xf32>,
      %swap3A_449 = vector.shape_cast %swap3A_448 : vector<1x16xf32> to vector<16xf32>
      %swap3A_450 = vector.shape_cast %mul3A_445 : vector<16xf32> to vector<1x16xf32>
      tpu.vector_store %arg8[%swap3A_446, %swap3A_447], %swap3A_450 {strides = array<i32>} : memref<32x1024xf32, #tpu.memory_space<vmem>>, vector<1x16xf32>,
      %get3A_451 = arith.index_cast %scan3A_156 : i32 to index
      %get3A_452 = arith.constant 464 : index
      %get3A_453 = tpu.vector_load %arg8[%get3A_451, %get3A_452] {strides = array<i32>} : memref<32x1024xf32, #tpu.memory_space<vmem>>, vector<1x16xf32>,
      %get3A_454 = vector.shape_cast %get3A_453 : vector<1x16xf32> to vector<16xf32>
      %mul3A_455 = arith.mulf %get3A_454, %get3A_160 : vector<16xf32>
      %swap3A_456 = arith.index_cast %scan3A_156 : i32 to index
      %swap3A_457 = arith.constant 464 : index
      %swap3A_458 = tpu.vector_load %arg8[%swap3A_456, %swap3A_457] {strides = array<i32>} : memref<32x1024xf32, #tpu.memory_space<vmem>>, vector<1x16xf32>,
      %swap3A_459 = vector.shape_cast %swap3A_458 : vector<1x16xf32> to vector<16xf32>
      %swap3A_460 = vector.shape_cast %mul3A_455 : vector<16xf32> to vector<1x16xf32>
      tpu.vector_store %arg8[%swap3A_456, %swap3A_457], %swap3A_460 {strides = array<i32>} : memref<32x1024xf32, #tpu.memory_space<vmem>>, vector<1x16xf32>,
      %get3A_461 = arith.index_cast %scan3A_156 : i32 to index
      %get3A_462 = arith.constant 480 : index
      %get3A_463 = tpu.vector_load %arg8[%get3A_461, %get3A_462] {strides = array<i32>} : memref<32x1024xf32, #tpu.memory_space<vmem>>, vector<1x16xf32>,
      %get3A_464 = vector.shape_cast %get3A_463 : vector<1x16xf32> to vector<16xf32>
      %mul3A_465 = arith.mulf %get3A_464, %get3A_160 : vector<16xf32>
      %swap3A_466 = arith.index_cast %scan3A_156 : i32 to index
      %swap3A_467 = arith.constant 480 : index
      %swap3A_468 = tpu.vector_load %arg8[%swap3A_466, %swap3A_467] {strides = array<i32>} : memref<32x1024xf32, #tpu.memory_space<vmem>>, vector<1x16xf32>,
      %swap3A_469 = vector.shape_cast %swap3A_468 : vector<1x16xf32> to vector<16xf32>
      %swap3A_470 = vector.shape_cast %mul3A_465 : vector<16xf32> to vector<1x16xf32>
      tpu.vector_store %arg8[%swap3A_466, %swap3A_467], %swap3A_470 {strides = array<i32>} : memref<32x1024xf32, #tpu.memory_space<vmem>>, vector<1x16xf32>,
      %get3A_471 = arith.index_cast %scan3A_156 : i32 to index
      %get3A_472 = arith.constant 496 : index
      %get3A_473 = tpu.vector_load %arg8[%get3A_471, %get3A_472] {strides = array<i32>} : memref<32x1024xf32, #tpu.memory_space<vmem>>, vector<1x16xf32>,
      %get3A_474 = vector.shape_cast %get3A_473 : vector<1x16xf32> to vector<16xf32>
      %mul3A_475 = arith.mulf %get3A_474, %get3A_160 : vector<16xf32>
      %swap3A_476 = arith.index_cast %scan3A_156 : i32 to index
      %swap3A_477 = arith.constant 496 : index
      %swap3A_478 = tpu.vector_load %arg8[%swap3A_476, %swap3A_477] {strides = array<i32>} : memref<32x1024xf32, #tpu.memory_space<vmem>>, vector<1x16xf32>,
      %swap3A_479 = vector.shape_cast %swap3A_478 : vector<1x16xf32> to vector<16xf32>
      %swap3A_480 = vector.shape_cast %mul3A_475 : vector<16xf32> to vector<1x16xf32>
      tpu.vector_store %arg8[%swap3A_476, %swap3A_477], %swap3A_480 {strides = array<i32>} : memref<32x1024xf32, #tpu.memory_space<vmem>>, vector<1x16xf32>,
      %get3A_481 = arith.index_cast %scan3A_156 : i32 to index
      %get3A_482 = arith.constant 512 : index
      %get3A_483 = tpu.vector_load %arg8[%get3A_481, %get3A_482] {strides = array<i32>} : memref<32x1024xf32, #tpu.memory_space<vmem>>, vector<1x16xf32>,
      %get3A_484 = vector.shape_cast %get3A_483 : vector<1x16xf32> to vector<16xf32>
      %mul3A_485 = arith.mulf %get3A_484, %get3A_160 : vector<16xf32>
      %swap3A_486 = arith.index_cast %scan3A_156 : i32 to index
      %swap3A_487 = arith.constant 512 : index
      %swap3A_488 = tpu.vector_load %arg8[%swap3A_486, %swap3A_487] {strides = array<i32>} : memref<32x1024xf32, #tpu.memory_space<vmem>>, vector<1x16xf32>,
      %swap3A_489 = vector.shape_cast %swap3A_488 : vector<1x16xf32> to vector<16xf32>
      %swap3A_490 = vector.shape_cast %mul3A_485 : vector<16xf32> to vector<1x16xf32>
      tpu.vector_store %arg8[%swap3A_486, %swap3A_487], %swap3A_490 {strides = array<i32>} : memref<32x1024xf32, #tpu.memory_space<vmem>>, vector<1x16xf32>,
      %get3A_491 = arith.index_cast %scan3A_156 : i32 to index
      %get3A_492 = arith.constant 528 : index
      %get3A_493 = tpu.vector_load %arg8[%get3A_491, %get3A_492] {strides = array<i32>} : memref<32x1024xf32, #tpu.memory_space<vmem>>, vector<1x16xf32>,
      %get3A_494 = vector.shape_cast %get3A_493 : vector<1x16xf32> to vector<16xf32>
      %mul3A_495 = arith.mulf %get3A_494, %get3A_160 : vector<16xf32>
      %swap3A_496 = arith.index_cast %scan3A_156 : i32 to index
      %swap3A_497 = arith.constant 528 : index
      %swap3A_498 = tpu.vector_load %arg8[%swap3A_496, %swap3A_497] {strides = array<i32>} : memref<32x1024xf32, #tpu.memory_space<vmem>>, vector<1x16xf32>,
      %swap3A_499 = vector.shape_cast %swap3A_498 : vector<1x16xf32> to vector<16xf32>
      %swap3A_500 = vector.shape_cast %mul3A_495 : vector<16xf32> to vector<1x16xf32>
      tpu.vector_store %arg8[%swap3A_496, %swap3A_497], %swap3A_500 {strides = array<i32>} : memref<32x1024xf32, #tpu.memory_space<vmem>>, vector<1x16xf32>,
      %get3A_501 = arith.index_cast %scan3A_156 : i32 to index
      %get3A_502 = arith.constant 544 : index
      %get3A_503 = tpu.vector_load %arg8[%get3A_501, %get3A_502] {strides = array<i32>} : memref<32x1024xf32, #tpu.memory_space<vmem>>, vector<1x16xf32>,
      %get3A_504 = vector.shape_cast %get3A_503 : vector<1x16xf32> to vector<16xf32>
      %mul3A_505 = arith.mulf %get3A_504, %get3A_160 : vector<16xf32>
      %swap3A_506 = arith.index_cast %scan3A_156 : i32 to index
      %swap3A_507 = arith.constant 544 : index
      %swap3A_508 = tpu.vector_load %arg8[%swap3A_506, %swap3A_507] {strides = array<i32>} : memref<32x1024xf32, #tpu.memory_space<vmem>>, vector<1x16xf32>,
      %swap3A_509 = vector.shape_cast %swap3A_508 : vector<1x16xf32> to vector<16xf32>
      %swap3A_510 = vector.shape_cast %mul3A_505 : vector<16xf32> to vector<1x16xf32>
      tpu.vector_store %arg8[%swap3A_506, %swap3A_507], %swap3A_510 {strides = array<i32>} : memref<32x1024xf32, #tpu.memory_space<vmem>>, vector<1x16xf32>,
      %get3A_511 = arith.index_cast %scan3A_156 : i32 to index
      %get3A_512 = arith.constant 560 : index
      %get3A_513 = tpu.vector_load %arg8[%get3A_511, %get3A_512] {strides = array<i32>} : memref<32x1024xf32, #tpu.memory_space<vmem>>, vector<1x16xf32>,
      %get3A_514 = vector.shape_cast %get3A_513 : vector<1x16xf32> to vector<16xf32>
      %mul3A_515 = arith.mulf %get3A_514, %get3A_160 : vector<16xf32>
      %swap3A_516 = arith.index_cast %scan3A_156 : i32 to index
      %swap3A_517 = arith.constant 560 : index
      %swap3A_518 = tpu.vector_load %arg8[%swap3A_516, %swap3A_517] {strides = array<i32>} : memref<32x1024xf32, #tpu.memory_space<vmem>>, vector<1x16xf32>,
      %swap3A_519 = vector.shape_cast %swap3A_518 : vector<1x16xf32> to vector<16xf32>
      %swap3A_520 = vector.shape_cast %mul3A_515 : vector<16xf32> to vector<1x16xf32>
      tpu.vector_store %arg8[%swap3A_516, %swap3A_517], %swap3A_520 {strides = array<i32>} : memref<32x1024xf32, #tpu.memory_space<vmem>>, vector<1x16xf32>,
      %get3A_521 = arith.index_cast %scan3A_156 : i32 to index
      %get3A_522 = arith.constant 576 : index
      %get3A_523 = tpu.vector_load %arg8[%get3A_521, %get3A_522] {strides = array<i32>} : memref<32x1024xf32, #tpu.memory_space<vmem>>, vector<1x16xf32>,
      %get3A_524 = vector.shape_cast %get3A_523 : vector<1x16xf32> to vector<16xf32>
      %mul3A_525 = arith.mulf %get3A_524, %get3A_160 : vector<16xf32>
      %swap3A_526 = arith.index_cast %scan3A_156 : i32 to index
      %swap3A_527 = arith.constant 576 : index
      %swap3A_528 = tpu.vector_load %arg8[%swap3A_526, %swap3A_527] {strides = array<i32>} : memref<32x1024xf32, #tpu.memory_space<vmem>>, vector<1x16xf32>,
      %swap3A_529 = vector.shape_cast %swap3A_528 : vector<1x16xf32> to vector<16xf32>
      %swap3A_530 = vector.shape_cast %mul3A_525 : vector<16xf32> to vector<1x16xf32>
      tpu.vector_store %arg8[%swap3A_526, %swap3A_527], %swap3A_530 {strides = array<i32>} : memref<32x1024xf32, #tpu.memory_space<vmem>>, vector<1x16xf32>,
      %get3A_531 = arith.index_cast %scan3A_156 : i32 to index
      %get3A_532 = arith.constant 592 : index
      %get3A_533 = tpu.vector_load %arg8[%get3A_531, %get3A_532] {strides = array<i32>} : memref<32x1024xf32, #tpu.memory_space<vmem>>, vector<1x16xf32>,
      %get3A_534 = vector.shape_cast %get3A_533 : vector<1x16xf32> to vector<16xf32>
      %mul3A_535 = arith.mulf %get3A_534, %get3A_160 : vector<16xf32>
      %swap3A_536 = arith.index_cast %scan3A_156 : i32 to index
      %swap3A_537 = arith.constant 592 : index
      %swap3A_538 = tpu.vector_load %arg8[%swap3A_536, %swap3A_537] {strides = array<i32>} : memref<32x1024xf32, #tpu.memory_space<vmem>>, vector<1x16xf32>,
      %swap3A_539 = vector.shape_cast %swap3A_538 : vector<1x16xf32> to vector<16xf32>
      %swap3A_540 = vector.shape_cast %mul3A_535 : vector<16xf32> to vector<1x16xf32>
      tpu.vector_store %arg8[%swap3A_536, %swap3A_537], %swap3A_540 {strides = array<i32>} : memref<32x1024xf32, #tpu.memory_space<vmem>>, vector<1x16xf32>,
      %get3A_541 = arith.index_cast %scan3A_156 : i32 to index
      %get3A_542 = arith.constant 608 : index
      %get3A_543 = tpu.vector_load %arg8[%get3A_541, %get3A_542] {strides = array<i32>} : memref<32x1024xf32, #tpu.memory_space<vmem>>, vector<1x16xf32>,
      %get3A_544 = vector.shape_cast %get3A_543 : vector<1x16xf32> to vector<16xf32>
      %mul3A_545 = arith.mulf %get3A_544, %get3A_160 : vector<16xf32>
      %swap3A_546 = arith.index_cast %scan3A_156 : i32 to index
      %swap3A_547 = arith.constant 608 : index
      %swap3A_548 = tpu.vector_load %arg8[%swap3A_546, %swap3A_547] {strides = array<i32>} : memref<32x1024xf32, #tpu.memory_space<vmem>>, vector<1x16xf32>,
      %swap3A_549 = vector.shape_cast %swap3A_548 : vector<1x16xf32> to vector<16xf32>
      %swap3A_550 = vector.shape_cast %mul3A_545 : vector<16xf32> to vector<1x16xf32>
      tpu.vector_store %arg8[%swap3A_546, %swap3A_547], %swap3A_550 {strides = array<i32>} : memref<32x1024xf32, #tpu.memory_space<vmem>>, vector<1x16xf32>,
      %get3A_551 = arith.index_cast %scan3A_156 : i32 to index
      %get3A_552 = arith.constant 624 : index
      %get3A_553 = tpu.vector_load %arg8[%get3A_551, %get3A_552] {strides = array<i32>} : memref<32x1024xf32, #tpu.memory_space<vmem>>, vector<1x16xf32>,
      %get3A_554 = vector.shape_cast %get3A_553 : vector<1x16xf32> to vector<16xf32>
      %mul3A_555 = arith.mulf %get3A_554, %get3A_160 : vector<16xf32>
      %swap3A_556 = arith.index_cast %scan3A_156 : i32 to index
      %swap3A_557 = arith.constant 624 : index
      %swap3A_558 = tpu.vector_load %arg8[%swap3A_556, %swap3A_557] {strides = array<i32>} : memref<32x1024xf32, #tpu.memory_space<vmem>>, vector<1x16xf32>,
      %swap3A_559 = vector.shape_cast %swap3A_558 : vector<1x16xf32> to vector<16xf32>
      %swap3A_560 = vector.shape_cast %mul3A_555 : vector<16xf32> to vector<1x16xf32>
      tpu.vector_store %arg8[%swap3A_556, %swap3A_557], %swap3A_560 {strides = array<i32>} : memref<32x1024xf32, #tpu.memory_space<vmem>>, vector<1x16xf32>,
      %get3A_561 = arith.index_cast %scan3A_156 : i32 to index
      %get3A_562 = arith.constant 640 : index
      %get3A_563 = tpu.vector_load %arg8[%get3A_561, %get3A_562] {strides = array<i32>} : memref<32x1024xf32, #tpu.memory_space<vmem>>, vector<1x16xf32>,
      %get3A_564 = vector.shape_cast %get3A_563 : vector<1x16xf32> to vector<16xf32>
      %mul3A_565 = arith.mulf %get3A_564, %get3A_160 : vector<16xf32>
      %swap3A_566 = arith.index_cast %scan3A_156 : i32 to index
      %swap3A_567 = arith.constant 640 : index
      %swap3A_568 = tpu.vector_load %arg8[%swap3A_566, %swap3A_567] {strides = array<i32>} : memref<32x1024xf32, #tpu.memory_space<vmem>>, vector<1x16xf32>,
      %swap3A_569 = vector.shape_cast %swap3A_568 : vector<1x16xf32> to vector<16xf32>
      %swap3A_570 = vector.shape_cast %mul3A_565 : vector<16xf32> to vector<1x16xf32>
      tpu.vector_store %arg8[%swap3A_566, %swap3A_567], %swap3A_570 {strides = array<i32>} : memref<32x1024xf32, #tpu.memory_space<vmem>>, vector<1x16xf32>,
      %get3A_571 = arith.index_cast %scan3A_156 : i32 to index
      %get3A_572 = arith.constant 656 : index
      %get3A_573 = tpu.vector_load %arg8[%get3A_571, %get3A_572] {strides = array<i32>} : memref<32x1024xf32, #tpu.memory_space<vmem>>, vector<1x16xf32>,
      %get3A_574 = vector.shape_cast %get3A_573 : vector<1x16xf32> to vector<16xf32>
      %mul3A_575 = arith.mulf %get3A_574, %get3A_160 : vector<16xf32>
      %swap3A_576 = arith.index_cast %scan3A_156 : i32 to index
      %swap3A_577 = arith.constant 656 : index
      %swap3A_578 = tpu.vector_load %arg8[%swap3A_576, %swap3A_577] {strides = array<i32>} : memref<32x1024xf32, #tpu.memory_space<vmem>>, vector<1x16xf32>,
      %swap3A_579 = vector.shape_cast %swap3A_578 : vector<1x16xf32> to vector<16xf32>
      %swap3A_580 = vector.shape_cast %mul3A_575 : vector<16xf32> to vector<1x16xf32>
      tpu.vector_store %arg8[%swap3A_576, %swap3A_577], %swap3A_580 {strides = array<i32>} : memref<32x1024xf32, #tpu.memory_space<vmem>>, vector<1x16xf32>,
      %get3A_581 = arith.index_cast %scan3A_156 : i32 to index
      %get3A_582 = arith.constant 672 : index
      %get3A_583 = tpu.vector_load %arg8[%get3A_581, %get3A_582] {strides = array<i32>} : memref<32x1024xf32, #tpu.memory_space<vmem>>, vector<1x16xf32>,
      %get3A_584 = vector.shape_cast %get3A_583 : vector<1x16xf32> to vector<16xf32>
      %mul3A_585 = arith.mulf %get3A_584, %get3A_160 : vector<16xf32>
      %swap3A_586 = arith.index_cast %scan3A_156 : i32 to index
      %swap3A_587 = arith.constant 672 : index
      %swap3A_588 = tpu.vector_load %arg8[%swap3A_586, %swap3A_587] {strides = array<i32>} : memref<32x1024xf32, #tpu.memory_space<vmem>>, vector<1x16xf32>,
      %swap3A_589 = vector.shape_cast %swap3A_588 : vector<1x16xf32> to vector<16xf32>
      %swap3A_590 = vector.shape_cast %mul3A_585 : vector<16xf32> to vector<1x16xf32>
      tpu.vector_store %arg8[%swap3A_586, %swap3A_587], %swap3A_590 {strides = array<i32>} : memref<32x1024xf32, #tpu.memory_space<vmem>>, vector<1x16xf32>,
      %get3A_591 = arith.index_cast %scan3A_156 : i32 to index
      %get3A_592 = arith.constant 688 : index
      %get3A_593 = tpu.vector_load %arg8[%get3A_591, %get3A_592] {strides = array<i32>} : memref<32x1024xf32, #tpu.memory_space<vmem>>, vector<1x16xf32>,
      %get3A_594 = vector.shape_cast %get3A_593 : vector<1x16xf32> to vector<16xf32>
      %mul3A_595 = arith.mulf %get3A_594, %get3A_160 : vector<16xf32>
      %swap3A_596 = arith.index_cast %scan3A_156 : i32 to index
      %swap3A_597 = arith.constant 688 : index
      %swap3A_598 = tpu.vector_load %arg8[%swap3A_596, %swap3A_597] {strides = array<i32>} : memref<32x1024xf32, #tpu.memory_space<vmem>>, vector<1x16xf32>,
      %swap3A_599 = vector.shape_cast %swap3A_598 : vector<1x16xf32> to vector<16xf32>
      %swap3A_600 = vector.shape_cast %mul3A_595 : vector<16xf32> to vector<1x16xf32>
      tpu.vector_store %arg8[%swap3A_596, %swap3A_597], %swap3A_600 {strides = array<i32>} : memref<32x1024xf32, #tpu.memory_space<vmem>>, vector<1x16xf32>,
      %get3A_601 = arith.index_cast %scan3A_156 : i32 to index
      %get3A_602 = arith.constant 704 : index
      %get3A_603 = tpu.vector_load %arg8[%get3A_601, %get3A_602] {strides = array<i32>} : memref<32x1024xf32, #tpu.memory_space<vmem>>, vector<1x16xf32>,
      %get3A_604 = vector.shape_cast %get3A_603 : vector<1x16xf32> to vector<16xf32>
      %mul3A_605 = arith.mulf %get3A_604, %get3A_160 : vector<16xf32>
      %swap3A_606 = arith.index_cast %scan3A_156 : i32 to index
      %swap3A_607 = arith.constant 704 : index
      %swap3A_608 = tpu.vector_load %arg8[%swap3A_606, %swap3A_607] {strides = array<i32>} : memref<32x1024xf32, #tpu.memory_space<vmem>>, vector<1x16xf32>,
      %swap3A_609 = vector.shape_cast %swap3A_608 : vector<1x16xf32> to vector<16xf32>
      %swap3A_610 = vector.shape_cast %mul3A_605 : vector<16xf32> to vector<1x16xf32>
      tpu.vector_store %arg8[%swap3A_606, %swap3A_607], %swap3A_610 {strides = array<i32>} : memref<32x1024xf32, #tpu.memory_space<vmem>>, vector<1x16xf32>,
      %get3A_611 = arith.index_cast %scan3A_156 : i32 to index
      %get3A_612 = arith.constant 720 : index
      %get3A_613 = tpu.vector_load %arg8[%get3A_611, %get3A_612] {strides = array<i32>} : memref<32x1024xf32, #tpu.memory_space<vmem>>, vector<1x16xf32>,
      %get3A_614 = vector.shape_cast %get3A_613 : vector<1x16xf32> to vector<16xf32>
      %mul3A_615 = arith.mulf %get3A_614, %get3A_160 : vector<16xf32>
      %swap3A_616 = arith.index_cast %scan3A_156 : i32 to index
      %swap3A_617 = arith.constant 720 : index
      %swap3A_618 = tpu.vector_load %arg8[%swap3A_616, %swap3A_617] {strides = array<i32>} : memref<32x1024xf32, #tpu.memory_space<vmem>>, vector<1x16xf32>,
      %swap3A_619 = vector.shape_cast %swap3A_618 : vector<1x16xf32> to vector<16xf32>
      %swap3A_620 = vector.shape_cast %mul3A_615 : vector<16xf32> to vector<1x16xf32>
      tpu.vector_store %arg8[%swap3A_616, %swap3A_617], %swap3A_620 {strides = array<i32>} : memref<32x1024xf32, #tpu.memory_space<vmem>>, vector<1x16xf32>,
      %get3A_621 = arith.index_cast %scan3A_156 : i32 to index
      %get3A_622 = arith.constant 736 : index
      %get3A_623 = tpu.vector_load %arg8[%get3A_621, %get3A_622] {strides = array<i32>} : memref<32x1024xf32, #tpu.memory_space<vmem>>, vector<1x16xf32>,
      %get3A_624 = vector.shape_cast %get3A_623 : vector<1x16xf32> to vector<16xf32>
      %mul3A_625 = arith.mulf %get3A_624, %get3A_160 : vector<16xf32>
      %swap3A_626 = arith.index_cast %scan3A_156 : i32 to index
      %swap3A_627 = arith.constant 736 : index
      %swap3A_628 = tpu.vector_load %arg8[%swap3A_626, %swap3A_627] {strides = array<i32>} : memref<32x1024xf32, #tpu.memory_space<vmem>>, vector<1x16xf32>,
      %swap3A_629 = vector.shape_cast %swap3A_628 : vector<1x16xf32> to vector<16xf32>
      %swap3A_630 = vector.shape_cast %mul3A_625 : vector<16xf32> to vector<1x16xf32>
      tpu.vector_store %arg8[%swap3A_626, %swap3A_627], %swap3A_630 {strides = array<i32>} : memref<32x1024xf32, #tpu.memory_space<vmem>>, vector<1x16xf32>,
      %get3A_631 = arith.index_cast %scan3A_156 : i32 to index
      %get3A_632 = arith.constant 752 : index
      %get3A_633 = tpu.vector_load %arg8[%get3A_631, %get3A_632] {strides = array<i32>} : memref<32x1024xf32, #tpu.memory_space<vmem>>, vector<1x16xf32>,
      %get3A_634 = vector.shape_cast %get3A_633 : vector<1x16xf32> to vector<16xf32>
      %mul3A_635 = arith.mulf %get3A_634, %get3A_160 : vector<16xf32>
      %swap3A_636 = arith.index_cast %scan3A_156 : i32 to index
      %swap3A_637 = arith.constant 752 : index
      %swap3A_638 = tpu.vector_load %arg8[%swap3A_636, %swap3A_637] {strides = array<i32>} : memref<32x1024xf32, #tpu.memory_space<vmem>>, vector<1x16xf32>,
      %swap3A_639 = vector.shape_cast %swap3A_638 : vector<1x16xf32> to vector<16xf32>
      %swap3A_640 = vector.shape_cast %mul3A_635 : vector<16xf32> to vector<1x16xf32>
      tpu.vector_store %arg8[%swap3A_636, %swap3A_637], %swap3A_640 {strides = array<i32>} : memref<32x1024xf32, #tpu.memory_space<vmem>>, vector<1x16xf32>,
      %get3A_641 = arith.index_cast %scan3A_156 : i32 to index
      %get3A_642 = arith.constant 768 : index
      %get3A_643 = tpu.vector_load %arg8[%get3A_641, %get3A_642] {strides = array<i32>} : memref<32x1024xf32, #tpu.memory_space<vmem>>, vector<1x16xf32>,
      %get3A_644 = vector.shape_cast %get3A_643 : vector<1x16xf32> to vector<16xf32>
      %mul3A_645 = arith.mulf %get3A_644, %get3A_160 : vector<16xf32>
      %swap3A_646 = arith.index_cast %scan3A_156 : i32 to index
      %swap3A_647 = arith.constant 768 : index
      %swap3A_648 = tpu.vector_load %arg8[%swap3A_646, %swap3A_647] {strides = array<i32>} : memref<32x1024xf32, #tpu.memory_space<vmem>>, vector<1x16xf32>,
      %swap3A_649 = vector.shape_cast %swap3A_648 : vector<1x16xf32> to vector<16xf32>
      %swap3A_650 = vector.shape_cast %mul3A_645 : vector<16xf32> to vector<1x16xf32>
      tpu.vector_store %arg8[%swap3A_646, %swap3A_647], %swap3A_650 {strides = array<i32>} : memref<32x1024xf32, #tpu.memory_space<vmem>>, vector<1x16xf32>,
      %get3A_651 = arith.index_cast %scan3A_156 : i32 to index
      %get3A_652 = arith.constant 784 : index
      %get3A_653 = tpu.vector_load %arg8[%get3A_651, %get3A_652] {strides = array<i32>} : memref<32x1024xf32, #tpu.memory_space<vmem>>, vector<1x16xf32>,
      %get3A_654 = vector.shape_cast %get3A_653 : vector<1x16xf32> to vector<16xf32>
      %mul3A_655 = arith.mulf %get3A_654, %get3A_160 : vector<16xf32>
      %swap3A_656 = arith.index_cast %scan3A_156 : i32 to index
      %swap3A_657 = arith.constant 784 : index
      %swap3A_658 = tpu.vector_load %arg8[%swap3A_656, %swap3A_657] {strides = array<i32>} : memref<32x1024xf32, #tpu.memory_space<vmem>>, vector<1x16xf32>,
      %swap3A_659 = vector.shape_cast %swap3A_658 : vector<1x16xf32> to vector<16xf32>
      %swap3A_660 = vector.shape_cast %mul3A_655 : vector<16xf32> to vector<1x16xf32>
      tpu.vector_store %arg8[%swap3A_656, %swap3A_657], %swap3A_660 {strides = array<i32>} : memref<32x1024xf32, #tpu.memory_space<vmem>>, vector<1x16xf32>,
      %get3A_661 = arith.index_cast %scan3A_156 : i32 to index
      %get3A_662 = arith.constant 800 : index
      %get3A_663 = tpu.vector_load %arg8[%get3A_661, %get3A_662] {strides = array<i32>} : memref<32x1024xf32, #tpu.memory_space<vmem>>, vector<1x16xf32>,
      %get3A_664 = vector.shape_cast %get3A_663 : vector<1x16xf32> to vector<16xf32>
      %mul3A_665 = arith.mulf %get3A_664, %get3A_160 : vector<16xf32>
      %swap3A_666 = arith.index_cast %scan3A_156 : i32 to index
      %swap3A_667 = arith.constant 800 : index
      %swap3A_668 = tpu.vector_load %arg8[%swap3A_666, %swap3A_667] {strides = array<i32>} : memref<32x1024xf32, #tpu.memory_space<vmem>>, vector<1x16xf32>,
      %swap3A_669 = vector.shape_cast %swap3A_668 : vector<1x16xf32> to vector<16xf32>
      %swap3A_670 = vector.shape_cast %mul3A_665 : vector<16xf32> to vector<1x16xf32>
      tpu.vector_store %arg8[%swap3A_666, %swap3A_667], %swap3A_670 {strides = array<i32>} : memref<32x1024xf32, #tpu.memory_space<vmem>>, vector<1x16xf32>,
      %get3A_671 = arith.index_cast %scan3A_156 : i32 to index
      %get3A_672 = arith.constant 816 : index
      %get3A_673 = tpu.vector_load %arg8[%get3A_671, %get3A_672] {strides = array<i32>} : memref<32x1024xf32, #tpu.memory_space<vmem>>, vector<1x16xf32>,
      %get3A_674 = vector.shape_cast %get3A_673 : vector<1x16xf32> to vector<16xf32>
      %mul3A_675 = arith.mulf %get3A_674, %get3A_160 : vector<16xf32>
      %swap3A_676 = arith.index_cast %scan3A_156 : i32 to index
      %swap3A_677 = arith.constant 816 : index
      %swap3A_678 = tpu.vector_load %arg8[%swap3A_676, %swap3A_677] {strides = array<i32>} : memref<32x1024xf32, #tpu.memory_space<vmem>>, vector<1x16xf32>,
      %swap3A_679 = vector.shape_cast %swap3A_678 : vector<1x16xf32> to vector<16xf32>
      %swap3A_680 = vector.shape_cast %mul3A_675 : vector<16xf32> to vector<1x16xf32>
      tpu.vector_store %arg8[%swap3A_676, %swap3A_677], %swap3A_680 {strides = array<i32>} : memref<32x1024xf32, #tpu.memory_space<vmem>>, vector<1x16xf32>,
      %get3A_681 = arith.index_cast %scan3A_156 : i32 to index
      %get3A_682 = arith.constant 832 : index
      %get3A_683 = tpu.vector_load %arg8[%get3A_681, %get3A_682] {strides = array<i32>} : memref<32x1024xf32, #tpu.memory_space<vmem>>, vector<1x16xf32>,
      %get3A_684 = vector.shape_cast %get3A_683 : vector<1x16xf32> to vector<16xf32>
      %mul3A_685 = arith.mulf %get3A_684, %get3A_160 : vector<16xf32>
      %swap3A_686 = arith.index_cast %scan3A_156 : i32 to index
      %swap3A_687 = arith.constant 832 : index
      %swap3A_688 = tpu.vector_load %arg8[%swap3A_686, %swap3A_687] {strides = array<i32>} : memref<32x1024xf32, #tpu.memory_space<vmem>>, vector<1x16xf32>,
      %swap3A_689 = vector.shape_cast %swap3A_688 : vector<1x16xf32> to vector<16xf32>
      %swap3A_690 = vector.shape_cast %mul3A_685 : vector<16xf32> to vector<1x16xf32>
      tpu.vector_store %arg8[%swap3A_686, %swap3A_687], %swap3A_690 {strides = array<i32>} : memref<32x1024xf32, #tpu.memory_space<vmem>>, vector<1x16xf32>,
      %get3A_691 = arith.index_cast %scan3A_156 : i32 to index
      %get3A_692 = arith.constant 848 : index
      %get3A_693 = tpu.vector_load %arg8[%get3A_691, %get3A_692] {strides = array<i32>} : memref<32x1024xf32, #tpu.memory_space<vmem>>, vector<1x16xf32>,
      %get3A_694 = vector.shape_cast %get3A_693 : vector<1x16xf32> to vector<16xf32>
      %mul3A_695 = arith.mulf %get3A_694, %get3A_160 : vector<16xf32>
      %swap3A_696 = arith.index_cast %scan3A_156 : i32 to index
      %swap3A_697 = arith.constant 848 : index
      %swap3A_698 = tpu.vector_load %arg8[%swap3A_696, %swap3A_697] {strides = array<i32>} : memref<32x1024xf32, #tpu.memory_space<vmem>>, vector<1x16xf32>,
      %swap3A_699 = vector.shape_cast %swap3A_698 : vector<1x16xf32> to vector<16xf32>
      %swap3A_700 = vector.shape_cast %mul3A_695 : vector<16xf32> to vector<1x16xf32>
      tpu.vector_store %arg8[%swap3A_696, %swap3A_697], %swap3A_700 {strides = array<i32>} : memref<32x1024xf32, #tpu.memory_space<vmem>>, vector<1x16xf32>,
      %get3A_701 = arith.index_cast %scan3A_156 : i32 to index
      %get3A_702 = arith.constant 864 : index
      %get3A_703 = tpu.vector_load %arg8[%get3A_701, %get3A_702] {strides = array<i32>} : memref<32x1024xf32, #tpu.memory_space<vmem>>, vector<1x16xf32>,
      %get3A_704 = vector.shape_cast %get3A_703 : vector<1x16xf32> to vector<16xf32>
      %mul3A_705 = arith.mulf %get3A_704, %get3A_160 : vector<16xf32>
      %swap3A_706 = arith.index_cast %scan3A_156 : i32 to index
      %swap3A_707 = arith.constant 864 : index
      %swap3A_708 = tpu.vector_load %arg8[%swap3A_706, %swap3A_707] {strides = array<i32>} : memref<32x1024xf32, #tpu.memory_space<vmem>>, vector<1x16xf32>,
      %swap3A_709 = vector.shape_cast %swap3A_708 : vector<1x16xf32> to vector<16xf32>
      %swap3A_710 = vector.shape_cast %mul3A_705 : vector<16xf32> to vector<1x16xf32>
      tpu.vector_store %arg8[%swap3A_706, %swap3A_707], %swap3A_710 {strides = array<i32>} : memref<32x1024xf32, #tpu.memory_space<vmem>>, vector<1x16xf32>,
      %get3A_711 = arith.index_cast %scan3A_156 : i32 to index
      %get3A_712 = arith.constant 880 : index
      %get3A_713 = tpu.vector_load %arg8[%get3A_711, %get3A_712] {strides = array<i32>} : memref<32x1024xf32, #tpu.memory_space<vmem>>, vector<1x16xf32>,
      %get3A_714 = vector.shape_cast %get3A_713 : vector<1x16xf32> to vector<16xf32>
      %mul3A_715 = arith.mulf %get3A_714, %get3A_160 : vector<16xf32>
      %swap3A_716 = arith.index_cast %scan3A_156 : i32 to index
      %swap3A_717 = arith.constant 880 : index
      %swap3A_718 = tpu.vector_load %arg8[%swap3A_716, %swap3A_717] {strides = array<i32>} : memref<32x1024xf32, #tpu.memory_space<vmem>>, vector<1x16xf32>,
      %swap3A_719 = vector.shape_cast %swap3A_718 : vector<1x16xf32> to vector<16xf32>
      %swap3A_720 = vector.shape_cast %mul3A_715 : vector<16xf32> to vector<1x16xf32>
      tpu.vector_store %arg8[%swap3A_716, %swap3A_717], %swap3A_720 {strides = array<i32>} : memref<32x1024xf32, #tpu.memory_space<vmem>>, vector<1x16xf32>,
      %get3A_721 = arith.index_cast %scan3A_156 : i32 to index
      %get3A_722 = arith.constant 896 : index
      %get3A_723 = tpu.vector_load %arg8[%get3A_721, %get3A_722] {strides = array<i32>} : memref<32x1024xf32, #tpu.memory_space<vmem>>, vector<1x16xf32>,
      %get3A_724 = vector.shape_cast %get3A_723 : vector<1x16xf32> to vector<16xf32>
      %mul3A_725 = arith.mulf %get3A_724, %get3A_160 : vector<16xf32>
      %swap3A_726 = arith.index_cast %scan3A_156 : i32 to index
      %swap3A_727 = arith.constant 896 : index
      %swap3A_728 = tpu.vector_load %arg8[%swap3A_726, %swap3A_727] {strides = array<i32>} : memref<32x1024xf32, #tpu.memory_space<vmem>>, vector<1x16xf32>,
      %swap3A_729 = vector.shape_cast %swap3A_728 : vector<1x16xf32> to vector<16xf32>
      %swap3A_730 = vector.shape_cast %mul3A_725 : vector<16xf32> to vector<1x16xf32>
      tpu.vector_store %arg8[%swap3A_726, %swap3A_727], %swap3A_730 {strides = array<i32>} : memref<32x1024xf32, #tpu.memory_space<vmem>>, vector<1x16xf32>,
      %get3A_731 = arith.index_cast %scan3A_156 : i32 to index
      %get3A_732 = arith.constant 912 : index
      %get3A_733 = tpu.vector_load %arg8[%get3A_731, %get3A_732] {strides = array<i32>} : memref<32x1024xf32, #tpu.memory_space<vmem>>, vector<1x16xf32>,
      %get3A_734 = vector.shape_cast %get3A_733 : vector<1x16xf32> to vector<16xf32>
      %mul3A_735 = arith.mulf %get3A_734, %get3A_160 : vector<16xf32>
      %swap3A_736 = arith.index_cast %scan3A_156 : i32 to index
      %swap3A_737 = arith.constant 912 : index
      %swap3A_738 = tpu.vector_load %arg8[%swap3A_736, %swap3A_737] {strides = array<i32>} : memref<32x1024xf32, #tpu.memory_space<vmem>>, vector<1x16xf32>,
      %swap3A_739 = vector.shape_cast %swap3A_738 : vector<1x16xf32> to vector<16xf32>
      %swap3A_740 = vector.shape_cast %mul3A_735 : vector<16xf32> to vector<1x16xf32>
      tpu.vector_store %arg8[%swap3A_736, %swap3A_737], %swap3A_740 {strides = array<i32>} : memref<32x1024xf32, #tpu.memory_space<vmem>>, vector<1x16xf32>,
      %get3A_741 = arith.index_cast %scan3A_156 : i32 to index
      %get3A_742 = arith.constant 928 : index
      %get3A_743 = tpu.vector_load %arg8[%get3A_741, %get3A_742] {strides = array<i32>} : memref<32x1024xf32, #tpu.memory_space<vmem>>, vector<1x16xf32>,
      %get3A_744 = vector.shape_cast %get3A_743 : vector<1x16xf32> to vector<16xf32>
      %mul3A_745 = arith.mulf %get3A_744, %get3A_160 : vector<16xf32>
      %swap3A_746 = arith.index_cast %scan3A_156 : i32 to index
      %swap3A_747 = arith.constant 928 : index
      %swap3A_748 = tpu.vector_load %arg8[%swap3A_746, %swap3A_747] {strides = array<i32>} : memref<32x1024xf32, #tpu.memory_space<vmem>>, vector<1x16xf32>,
      %swap3A_749 = vector.shape_cast %swap3A_748 : vector<1x16xf32> to vector<16xf32>
      %swap3A_750 = vector.shape_cast %mul3A_745 : vector<16xf32> to vector<1x16xf32>
      tpu.vector_store %arg8[%swap3A_746, %swap3A_747], %swap3A_750 {strides = array<i32>} : memref<32x1024xf32, #tpu.memory_space<vmem>>, vector<1x16xf32>,
      %get3A_751 = arith.index_cast %scan3A_156 : i32 to index
      %get3A_752 = arith.constant 944 : index
      %get3A_753 = tpu.vector_load %arg8[%get3A_751, %get3A_752] {strides = array<i32>} : memref<32x1024xf32, #tpu.memory_space<vmem>>, vector<1x16xf32>,
      %get3A_754 = vector.shape_cast %get3A_753 : vector<1x16xf32> to vector<16xf32>
      %mul3A_755 = arith.mulf %get3A_754, %get3A_160 : vector<16xf32>
      %swap3A_756 = arith.index_cast %scan3A_156 : i32 to index
      %swap3A_757 = arith.constant 944 : index
      %swap3A_758 = tpu.vector_load %arg8[%swap3A_756, %swap3A_757] {strides = array<i32>} : memref<32x1024xf32, #tpu.memory_space<vmem>>, vector<1x16xf32>,
      %swap3A_759 = vector.shape_cast %swap3A_758 : vector<1x16xf32> to vector<16xf32>
      %swap3A_760 = vector.shape_cast %mul3A_755 : vector<16xf32> to vector<1x16xf32>
      tpu.vector_store %arg8[%swap3A_756, %swap3A_757], %swap3A_760 {strides = array<i32>} : memref<32x1024xf32, #tpu.memory_space<vmem>>, vector<1x16xf32>,
      %get3A_761 = arith.index_cast %scan3A_156 : i32 to index
      %get3A_762 = arith.constant 960 : index
      %get3A_763 = tpu.vector_load %arg8[%get3A_761, %get3A_762] {strides = array<i32>} : memref<32x1024xf32, #tpu.memory_space<vmem>>, vector<1x16xf32>,
      %get3A_764 = vector.shape_cast %get3A_763 : vector<1x16xf32> to vector<16xf32>
      %mul3A_765 = arith.mulf %get3A_764, %get3A_160 : vector<16xf32>
      %swap3A_766 = arith.index_cast %scan3A_156 : i32 to index
      %swap3A_767 = arith.constant 960 : index
      %swap3A_768 = tpu.vector_load %arg8[%swap3A_766, %swap3A_767] {strides = array<i32>} : memref<32x1024xf32, #tpu.memory_space<vmem>>, vector<1x16xf32>,
      %swap3A_769 = vector.shape_cast %swap3A_768 : vector<1x16xf32> to vector<16xf32>
      %swap3A_770 = vector.shape_cast %mul3A_765 : vector<16xf32> to vector<1x16xf32>
      tpu.vector_store %arg8[%swap3A_766, %swap3A_767], %swap3A_770 {strides = array<i32>} : memref<32x1024xf32, #tpu.memory_space<vmem>>, vector<1x16xf32>,
      %get3A_771 = arith.index_cast %scan3A_156 : i32 to index
      %get3A_772 = arith.constant 976 : index
      %get3A_773 = tpu.vector_load %arg8[%get3A_771, %get3A_772] {strides = array<i32>} : memref<32x1024xf32, #tpu.memory_space<vmem>>, vector<1x16xf32>,
      %get3A_774 = vector.shape_cast %get3A_773 : vector<1x16xf32> to vector<16xf32>
      %mul3A_775 = arith.mulf %get3A_774, %get3A_160 : vector<16xf32>
      %swap3A_776 = arith.index_cast %scan3A_156 : i32 to index
      %swap3A_777 = arith.constant 976 : index
      %swap3A_778 = tpu.vector_load %arg8[%swap3A_776, %swap3A_777] {strides = array<i32>} : memref<32x1024xf32, #tpu.memory_space<vmem>>, vector<1x16xf32>,
      %swap3A_779 = vector.shape_cast %swap3A_778 : vector<1x16xf32> to vector<16xf32>
      %swap3A_780 = vector.shape_cast %mul3A_775 : vector<16xf32> to vector<1x16xf32>
      tpu.vector_store %arg8[%swap3A_776, %swap3A_777], %swap3A_780 {strides = array<i32>} : memref<32x1024xf32, #tpu.memory_space<vmem>>, vector<1x16xf32>,
      %get3A_781 = arith.index_cast %scan3A_156 : i32 to index
      %get3A_782 = arith.constant 992 : index
      %get3A_783 = tpu.vector_load %arg8[%get3A_781, %get3A_782] {strides = array<i32>} : memref<32x1024xf32, #tpu.memory_space<vmem>>, vector<1x16xf32>,
      %get3A_784 = vector.shape_cast %get3A_783 : vector<1x16xf32> to vector<16xf32>
      %mul3A_785 = arith.mulf %get3A_784, %get3A_160 : vector<16xf32>
      %swap3A_786 = arith.index_cast %scan3A_156 : i32 to index
      %swap3A_787 = arith.constant 992 : index
      %swap3A_788 = tpu.vector_load %arg8[%swap3A_786, %swap3A_787] {strides = array<i32>} : memref<32x1024xf32, #tpu.memory_space<vmem>>, vector<1x16xf32>,
      %swap3A_789 = vector.shape_cast %swap3A_788 : vector<1x16xf32> to vector<16xf32>
      %swap3A_790 = vector.shape_cast %mul3A_785 : vector<16xf32> to vector<1x16xf32>
      tpu.vector_store %arg8[%swap3A_786, %swap3A_787], %swap3A_790 {strides = array<i32>} : memref<32x1024xf32, #tpu.memory_space<vmem>>, vector<1x16xf32>,
      %get3A_791 = arith.index_cast %scan3A_156 : i32 to index
      %get3A_792 = arith.constant 1008 : index
      %get3A_793 = tpu.vector_load %arg8[%get3A_791, %get3A_792] {strides = array<i32>} : memref<32x1024xf32, #tpu.memory_space<vmem>>, vector<1x16xf32>,
      %get3A_794 = vector.shape_cast %get3A_793 : vector<1x16xf32> to vector<16xf32>
      %mul3A_795 = arith.mulf %get3A_794, %get3A_160 : vector<16xf32>
      %swap3A_796 = arith.index_cast %scan3A_156 : i32 to index
      %swap3A_797 = arith.constant 1008 : index
      %swap3A_798 = tpu.vector_load %arg8[%swap3A_796, %swap3A_797] {strides = array<i32>} : memref<32x1024xf32, #tpu.memory_space<vmem>>, vector<1x16xf32>,
      %swap3A_799 = vector.shape_cast %swap3A_798 : vector<1x16xf32> to vector<16xf32>
      %swap3A_800 = vector.shape_cast %mul3A_795 : vector<16xf32> to vector<1x16xf32>
      tpu.vector_store %arg8[%swap3A_796, %swap3A_797], %swap3A_800 {strides = array<i32>} : memref<32x1024xf32, #tpu.memory_space<vmem>>, vector<1x16xf32>,
    }
    %scan3A_155 = arith.constant 32 : i32
    "tpu.region"() ({
      %run_scoped3A = tpu.sem_alloc : memref<!tpu.dma_semaphore, #tpu.memory_space<semaphore_mem>>
      %dma_start3A_156 = arith.constant 0 : i32
      %dma_start3A_157 = tpu.memref_slice %arg5[%add3A_117, %dma_start3A_156] : memref<4096x1024xf32, #tpu.memory_space<hbm>> -> memref<32x1024xf32, #tpu.memory_space<hbm>>
      %dma_start3A_158 = arith.constant 0 : i32
      %dma_start3A_159 = tpu.memref_slice %arg5[%add3A_117, %dma_start3A_158] : memref<4096x1024xf32, #tpu.memory_space<hbm>> -> memref<32x1024xf32, #tpu.memory_space<hbm>>
      tpu.enqueue_dma source(%arg8 : memref<32x1024xf32, #tpu.memory_space<vmem>>) target(%dma_start3A_159 : memref<32x1024xf32, #tpu.memory_space<hbm>>) target_semaphore(%run_scoped3A : memref<!tpu.dma_semaphore, #tpu.memory_space<semaphore_mem>>)
      %dma_wait3A_160 = arith.constant 0 : i32
      %dma_wait3A_161 = tpu.memref_slice %arg5[%add3A_117, %dma_wait3A_160] : memref<4096x1024xf32, #tpu.memory_space<hbm>> -> memref<32x1024xf32, #tpu.memory_space<hbm>>
      %dma_wait3A_162 = arith.constant 0 : i32
      %dma_wait3A_163 = tpu.memref_slice %arg5[%add3A_117, %dma_wait3A_162] : memref<4096x1024xf32, #tpu.memory_space<hbm>> -> memref<32x1024xf32, #tpu.memory_space<hbm>>
      tpu.wait_dma2 semaphore(%run_scoped3A : memref<!tpu.dma_semaphore, #tpu.memory_space<semaphore_mem>>) src(%arg8 : memref<32x1024xf32, #tpu.memory_space<vmem>>) dst(%dma_wait3A_163 : memref<32x1024xf32, #tpu.memory_space<hbm>>)
      tpu.yield
    }) : () -> ()
    return
  }
}

module attributes {stable_mosaic.version = 14 : i64} {
  func.func @_h_body(%arg0: i32, %arg1: i32, %arg2: memref<1x1024x1024xf32, #tpu.memory_space<vmem>>, %arg3: memref<1024x1024xbf16, #tpu.memory_space<vmem>>, %arg4: memref<1x1024xf32, #tpu.memory_space<vmem>>, %arg5: memref<1x1024x1024xf32, #tpu.memory_space<vmem>>) attributes {dimension_semantics = [#tpu.dimension_semantics<arbitrary>, #tpu.dimension_semantics<arbitrary>], iteration_bounds = array<i64: 2, 4>, scalar_prefetch = 0 : i64, scratch_operands = 0 : i64, tpu.core_type = #tpu.core_type<tc>, window_params = [{transform_indices = @transform_0, window_bounds = array<i64: 1, 1024, 1024>}, {pipeline_mode = #tpu.pipeline_mode<synchronous>, transform_indices = @transform_1, window_bounds = array<i64: 1024, 1024>}, {pipeline_mode = #tpu.pipeline_mode<synchronous>, transform_indices = @transform_2, window_bounds = array<i64: 1, 1024>}, {transform_indices = @transform_3, window_bounds = array<i64: 1, 1024, 1024>}]} {
    %get3A = arith.constant 0 : index
    %get3A_0 = arith.constant 0 : index
    %get3A_1 = arith.constant 0 : index
    %get3A_2 = vector.load %arg2[%get3A, %get3A_0, %get3A_1] : memref<1x1024x1024xf32, #tpu.memory_space<vmem>>, vector<1x1024x1024xf32>
    %get3A_3 = vector.shape_cast %get3A_2 : vector<1x1024x1024xf32> to vector<1024x1024xf32>
    %convert_element_type3A = arith.truncf %get3A_3 : vector<1024x1024xf32> to vector<1024x1024xbf16>
    %get3A_4 = arith.constant 0 : index
    %get3A_5 = arith.constant 0 : index
    %get3A_6 = vector.load %arg3[%get3A_4, %get3A_5] : memref<1024x1024xbf16, #tpu.memory_space<vmem>>, vector<1024x1024xbf16>
    %slice3A = vector.extract_strided_slice %convert_element_type3A {offsets = [0, 0], sizes = [1024, 256], strides = [1, 1]} : vector<1024x1024xbf16> to vector<1024x256xbf16>
    %slice3A_7 = vector.extract_strided_slice %get3A_6 {offsets = [0, 0], sizes = [1024, 256], strides = [1, 1]} : vector<1024x1024xbf16> to vector<1024x256xbf16>
    %dot_general3A = arith.constant dense<0.000000e+00> : vector<1024x1024xf32>
    %dot_general3A_8 = tpu.matmul %slice3A, %slice3A_7, %dot_general3A {dimension_numbers = #tpu.dot_dimension_numbers<[1], [1], [0], [0], [0, 0, 1, 0], [], []>, transpose_lhs_hint = false} : vector<1024x256xbf16>, vector<1024x256xbf16>, vector<1024x1024xf32> -> vector<1024x1024xf32>
    %slice3A_9 = vector.extract_strided_slice %convert_element_type3A {offsets = [0, 256], sizes = [1024, 256], strides = [1, 1]} : vector<1024x1024xbf16> to vector<1024x256xbf16>
    %slice3A_10 = vector.extract_strided_slice %get3A_6 {offsets = [0, 256], sizes = [1024, 256], strides = [1, 1]} : vector<1024x1024xbf16> to vector<1024x256xbf16>
    %dot_general3A_11 = arith.constant dense<0.000000e+00> : vector<1024x1024xf32>
    %dot_general3A_12 = tpu.matmul %slice3A_9, %slice3A_10, %dot_general3A_11 {dimension_numbers = #tpu.dot_dimension_numbers<[1], [1], [0], [0], [0, 0, 1, 0], [], []>, transpose_lhs_hint = false} : vector<1024x256xbf16>, vector<1024x256xbf16>, vector<1024x1024xf32> -> vector<1024x1024xf32>
    %add3A = arith.addf %dot_general3A_8, %dot_general3A_12 : vector<1024x1024xf32>
    %slice3A_13 = vector.extract_strided_slice %convert_element_type3A {offsets = [0, 512], sizes = [1024, 256], strides = [1, 1]} : vector<1024x1024xbf16> to vector<1024x256xbf16>
    %slice3A_14 = vector.extract_strided_slice %get3A_6 {offsets = [0, 512], sizes = [1024, 256], strides = [1, 1]} : vector<1024x1024xbf16> to vector<1024x256xbf16>
    %dot_general3A_15 = arith.constant dense<0.000000e+00> : vector<1024x1024xf32>
    %dot_general3A_16 = tpu.matmul %slice3A_13, %slice3A_14, %dot_general3A_15 {dimension_numbers = #tpu.dot_dimension_numbers<[1], [1], [0], [0], [0, 0, 1, 0], [], []>, transpose_lhs_hint = false} : vector<1024x256xbf16>, vector<1024x256xbf16>, vector<1024x1024xf32> -> vector<1024x1024xf32>
    %add3A_17 = arith.addf %add3A, %dot_general3A_16 : vector<1024x1024xf32>
    %slice3A_18 = vector.extract_strided_slice %convert_element_type3A {offsets = [0, 768], sizes = [1024, 256], strides = [1, 1]} : vector<1024x1024xbf16> to vector<1024x256xbf16>
    %slice3A_19 = vector.extract_strided_slice %get3A_6 {offsets = [0, 768], sizes = [1024, 256], strides = [1, 1]} : vector<1024x1024xbf16> to vector<1024x256xbf16>
    %dot_general3A_20 = arith.constant dense<0.000000e+00> : vector<1024x1024xf32>
    %dot_general3A_21 = tpu.matmul %slice3A_18, %slice3A_19, %dot_general3A_20 {dimension_numbers = #tpu.dot_dimension_numbers<[1], [1], [0], [0], [0, 0, 1, 0], [], []>, transpose_lhs_hint = false} : vector<1024x256xbf16>, vector<1024x256xbf16>, vector<1024x1024xf32> -> vector<1024x1024xf32>
    %add3A_22 = arith.addf %add3A_17, %dot_general3A_21 : vector<1024x1024xf32>
    %get3A_23 = arith.constant 0 : index
    %get3A_24 = arith.constant 0 : index
    %get3A_25 = vector.load %arg4[%get3A_23, %get3A_24] : memref<1x1024xf32, #tpu.memory_space<vmem>>, vector<1x1024xf32>
    %add3A_26 = vector.broadcast %get3A_25 : vector<1x1024xf32> to vector<1024x1024xf32>
    %add3A_27 = arith.addf %add3A_22, %add3A_26 : vector<1024x1024xf32>
    %swap3A = arith.constant 0 : index
    %swap3A_28 = arith.constant 0 : index
    %swap3A_29 = arith.constant 0 : index
    %swap3A_30 = vector.load %arg5[%swap3A, %swap3A_28, %swap3A_29] : memref<1x1024x1024xf32, #tpu.memory_space<vmem>>, vector<1x1024x1024xf32>
    %swap3A_31 = vector.shape_cast %swap3A_30 : vector<1x1024x1024xf32> to vector<1024x1024xf32>
    %swap3A_32 = vector.shape_cast %add3A_27 : vector<1024x1024xf32> to vector<1x1024x1024xf32>
    tpu.vector_store %arg5[%swap3A, %swap3A_28, %swap3A_29], %swap3A_32 {strides = array<i32>} : memref<1x1024x1024xf32, #tpu.memory_space<vmem>>, vector<1x1024x1024xf32>,
    return
  }
  func.func @transform_0(%arg0: i32, %arg1: i32) -> (i32, i32, i32) {
    %c0_i32 = arith.constant 0 : i32
    %c0_i32_0 = arith.constant 0 : i32
    return %arg0, %arg1, %c0_i32 : i32, i32, i32
  }
  func.func @transform_1(%arg0: i32, %arg1: i32) -> (i32, i32) {
    %c0_i32 = arith.constant 0 : i32
    %c0_i32_0 = arith.constant 0 : i32
    %c0_i32_1 = arith.constant 0 : i32
    return %c0_i32, %c0_i32_0 : i32, i32
  }
  func.func @transform_2(%arg0: i32, %arg1: i32) -> (i32, i32) {
    %c0_i32 = arith.constant 0 : i32
    %c0_i32_0 = arith.constant 0 : i32
    %c0_i32_1 = arith.constant 0 : i32
    return %c0_i32, %c0_i32_0 : i32, i32
  }
  func.func @transform_3(%arg0: i32, %arg1: i32) -> (i32, i32, i32) {
    %c0_i32 = arith.constant 0 : i32
    %c0_i32_0 = arith.constant 0 : i32
    return %arg0, %arg1, %c0_i32 : i32, i32, i32
  }
}

module attributes {stable_mosaic.version = 14 : i64} {
  func.func @_mv_body(%arg0: i32, %arg1: i32, %arg2: memref<1x1024x1024xf32, #tpu.memory_space<vmem>>, %arg3: memref<8x1024xf32, #tpu.memory_space<vmem>>, %arg4: memref<1x1xf32, #tpu.memory_space<vmem>>, %arg5: memref<1x1024x1xf32, #tpu.memory_space<vmem>>) attributes {dimension_semantics = [#tpu.dimension_semantics<arbitrary>, #tpu.dimension_semantics<arbitrary>], iteration_bounds = array<i64: 2, 4>, scalar_prefetch = 0 : i64, scratch_operands = 0 : i64, tpu.core_type = #tpu.core_type<tc>, window_params = [{transform_indices = @transform_0, window_bounds = array<i64: 1, 1024, 1024>}, {pipeline_mode = #tpu.pipeline_mode<synchronous>, transform_indices = @transform_1, window_bounds = array<i64: 8, 1024>}, {pipeline_mode = #tpu.pipeline_mode<synchronous>, transform_indices = @transform_2, window_bounds = array<i64: 1, 1>}, {transform_indices = @transform_3, window_bounds = array<i64: 1, 1024, 1>}]} {
    %get3A = arith.constant 0 : index
    %get3A_0 = arith.constant 0 : index
    %get3A_1 = arith.constant 0 : index
    %get3A_2 = vector.load %arg2[%get3A, %get3A_0, %get3A_1] : memref<1x1024x1024xf32, #tpu.memory_space<vmem>>, vector<1x1024x1024xf32>
    %get3A_3 = vector.shape_cast %get3A_2 : vector<1x1024x1024xf32> to vector<1024x1024xf32>
    %convert_element_type3A = arith.truncf %get3A_3 : vector<1024x1024xf32> to vector<1024x1024xbf16>
    %get3A_4 = arith.constant 0 : index
    %get3A_5 = arith.constant 0 : index
    %get3A_6 = vector.load %arg3[%get3A_4, %get3A_5] : memref<8x1024xf32, #tpu.memory_space<vmem>>, vector<8x1024xf32>
    %convert_element_type3A_7 = arith.truncf %get3A_6 : vector<8x1024xf32> to vector<8x1024xbf16>
    %dot_general3A = arith.constant dense<0.000000e+00> : vector<1024x8xf32>
    %dot_general3A_8 = tpu.matmul %convert_element_type3A, %convert_element_type3A_7, %dot_general3A {dimension_numbers = #tpu.dot_dimension_numbers<[1], [1], [0], [0], [0, 0, 1, 0], [], []>, transpose_lhs_hint = false} : vector<1024x1024xbf16>, vector<8x1024xbf16>, vector<1024x8xf32> -> vector<1024x8xf32>
    %slice3A = vector.extract_strided_slice %dot_general3A_8 {offsets = [0, 0], sizes = [1024, 1], strides = [1, 1]} : vector<1024x8xf32> to vector<1024x1xf32>
    %get3A_9 = arith.constant 0 : index
    %get3A_10 = arith.constant 0 : index
    %get3A_11 = vector.load %arg4[%get3A_9, %get3A_10] : memref<1x1xf32, #tpu.memory_space<vmem>>, vector<1x1xf32>
    %get3A_12 = vector.extract %get3A_11[0, 0] : f32 from vector<1x1xf32>
    %add3A = vector.broadcast %get3A_12 : f32 to vector<1024x1xf32>
    %add3A_13 = arith.addf %slice3A, %add3A : vector<1024x1xf32>
    %swap3A = arith.constant 0 : index
    %swap3A_14 = arith.constant 0 : index
    %swap3A_15 = arith.constant 0 : index
    %swap3A_16 = vector.load %arg5[%swap3A, %swap3A_14, %swap3A_15] : memref<1x1024x1xf32, #tpu.memory_space<vmem>>, vector<1x1024x1xf32>
    %swap3A_17 = vector.shape_cast %swap3A_16 : vector<1x1024x1xf32> to vector<1024x1xf32>
    %swap3A_18 = vector.shape_cast %add3A_13 : vector<1024x1xf32> to vector<1x1024x1xf32>
    tpu.vector_store %arg5[%swap3A, %swap3A_14, %swap3A_15], %swap3A_18 {strides = array<i32>} : memref<1x1024x1xf32, #tpu.memory_space<vmem>>, vector<1x1024x1xf32>,
    return
  }
  func.func @transform_0(%arg0: i32, %arg1: i32) -> (i32, i32, i32) {
    %c0_i32 = arith.constant 0 : i32
    %c0_i32_0 = arith.constant 0 : i32
    return %arg0, %arg1, %c0_i32 : i32, i32, i32
  }
  func.func @transform_1(%arg0: i32, %arg1: i32) -> (i32, i32) {
    %c0_i32 = arith.constant 0 : i32
    %c0_i32_0 = arith.constant 0 : i32
    %c0_i32_1 = arith.constant 0 : i32
    return %c0_i32, %c0_i32_0 : i32, i32
  }
  func.func @transform_2(%arg0: i32, %arg1: i32) -> (i32, i32) {
    %c0_i32 = arith.constant 0 : i32
    %c0_i32_0 = arith.constant 0 : i32
    %c0_i32_1 = arith.constant 0 : i32
    return %c0_i32, %c0_i32_0 : i32, i32
  }
  func.func @transform_3(%arg0: i32, %arg1: i32) -> (i32, i32, i32) {
    %c0_i32 = arith.constant 0 : i32
    %c0_i32_0 = arith.constant 0 : i32
    return %arg0, %arg1, %c0_i32 : i32, i32, i32
  }
}

module attributes {stable_mosaic.version = 14 : i64} {
  func.func @_rank_body(%arg0: i32, %arg1: i32, %arg2: memref<1x512x1xf32, #tpu.memory_space<vmem>>, %arg3: memref<1x1x4096xf32, #tpu.memory_space<vmem>>, %arg4: memref<1x512x1xf32, #tpu.memory_space<vmem>>) attributes {dimension_semantics = [#tpu.dimension_semantics<arbitrary>, #tpu.dimension_semantics<arbitrary>], iteration_bounds = array<i64: 2, 8>, scalar_prefetch = 0 : i64, scratch_operands = 0 : i64, tpu.core_type = #tpu.core_type<tc>, window_params = [{transform_indices = @transform_0, window_bounds = array<i64: 1, 512, 1>}, {transform_indices = @transform_1, window_bounds = array<i64: 1, 1, 4096>}, {transform_indices = @transform_2, window_bounds = array<i64: 1, 512, 1>}]} {
    %get3A = arith.constant 0 : index
    %get3A_0 = arith.constant 0 : index
    %get3A_1 = arith.constant 0 : index
    %get3A_2 = vector.load %arg2[%get3A, %get3A_0, %get3A_1] : memref<1x512x1xf32, #tpu.memory_space<vmem>>, vector<1x512x1xf32>
    %get3A_3 = vector.shape_cast %get3A_2 : vector<1x512x1xf32> to vector<512x1xf32>
    %mul3A = arith.constant 512 : i32
    %mul3A_4 = arith.muli %arg1, %mul3A : i32
    %iota3A = tpu.iota {dimensions = array<i32: 0>} : vector<512x1xi32>
    %add3A = vector.broadcast %mul3A_4 : i32 to vector<512x1xi32>
    %add3A_5 = arith.addi %iota3A, %add3A : vector<512x1xi32>
    %broadcast_in_dim3A = arith.constant 0.000000e+00 : f32
    %broadcast_in_dim3A_6 = vector.broadcast %broadcast_in_dim3A : f32 to vector<512x1xf32>
    %get3A_7 = arith.constant 0 : index
    %get3A_8 = arith.constant 0 : index
    %get3A_9 = arith.constant 0 : index
    %get3A_10 = vector.load %arg3[%get3A_7, %get3A_8, %get3A_9] : memref<1x1x4096xf32, #tpu.memory_space<vmem>>, vector<1x1x1024xf32>
    %get3A_11 = vector.shape_cast %get3A_10 : vector<1x1x1024xf32> to vector<1x1024xf32>
    %gt3A = vector.broadcast %get3A_11 : vector<1x1024xf32> to vector<512x1024xf32>
    %gt3A_12 = vector.broadcast %get3A_3 : vector<512x1xf32> to vector<512x1024xf32>
    %gt3A_13 = arith.cmpf ogt, %gt3A, %gt3A_12 : vector<512x1024xf32>
    %eq3A = vector.broadcast %get3A_11 : vector<1x1024xf32> to vector<512x1024xf32>
    %eq3A_14 = vector.broadcast %get3A_3 : vector<512x1xf32> to vector<512x1024xf32>
    %eq3A_15 = arith.cmpf oeq, %eq3A, %eq3A_14 : vector<512x1024xf32>
    %iota3A_16 = tpu.iota {dimensions = array<i32: 1>} : vector<512x1024xi32>
    %add3A_17 = arith.constant 0 : i32
    %add3A_18 = vector.broadcast %add3A_17 : i32 to vector<512x1024xi32>
    %add3A_19 = arith.addi %iota3A_16, %add3A_18 : vector<512x1024xi32>
    %lt3A = vector.broadcast %add3A_5 : vector<512x1xi32> to vector<512x1024xi32>
    %lt3A_20 = arith.cmpi slt, %add3A_19, %lt3A : vector<512x1024xi32>
    %and3A = arith.andi %eq3A_15, %lt3A_20 : vector<512x1024xi1>
    %or3A = arith.ori %gt3A_13, %and3A : vector<512x1024xi1>
    %convert_element_type3A = arith.extui %or3A : vector<512x1024xi1> to vector<512x1024xi32>
    %convert_element_type3A_21 = arith.sitofp %convert_element_type3A : vector<512x1024xi32> to vector<512x1024xf32>
    %reduce_sum3A = arith.constant dense<0.000000e+00> : vector<512xf32>
    %reduce_sum3A_22 = vector.multi_reduction <add>, %convert_element_type3A_21, %reduce_sum3A [1] : vector<512x1024xf32> to vector<512xf32>
    %broadcast_in_dim3A_23 = vector.shape_cast %reduce_sum3A_22 : vector<512xf32> to vector<512x1xf32>
    %add3A_24 = arith.addf %broadcast_in_dim3A_6, %broadcast_in_dim3A_23 : vector<512x1xf32>
    %get3A_25 = arith.constant 0 : index
    %get3A_26 = arith.constant 0 : index
    %get3A_27 = arith.constant 1024 : index
    %get3A_28 = vector.load %arg3[%get3A_25, %get3A_26, %get3A_27] : memref<1x1x4096xf32, #tpu.memory_space<vmem>>, vector<1x1x1024xf32>
    %get3A_29 = vector.shape_cast %get3A_28 : vector<1x1x1024xf32> to vector<1x1024xf32>
    %gt3A_30 = vector.broadcast %get3A_29 : vector<1x1024xf32> to vector<512x1024xf32>
    %gt3A_31 = vector.broadcast %get3A_3 : vector<512x1xf32> to vector<512x1024xf32>
    %gt3A_32 = arith.cmpf ogt, %gt3A_30, %gt3A_31 : vector<512x1024xf32>
    %eq3A_33 = vector.broadcast %get3A_29 : vector<1x1024xf32> to vector<512x1024xf32>
    %eq3A_34 = vector.broadcast %get3A_3 : vector<512x1xf32> to vector<512x1024xf32>
    %eq3A_35 = arith.cmpf oeq, %eq3A_33, %eq3A_34 : vector<512x1024xf32>
    %iota3A_36 = tpu.iota {dimensions = array<i32: 1>} : vector<512x1024xi32>
    %add3A_37 = arith.constant 1024 : i32
    %add3A_38 = vector.broadcast %add3A_37 : i32 to vector<512x1024xi32>
    %add3A_39 = arith.addi %iota3A_36, %add3A_38 : vector<512x1024xi32>
    %lt3A_40 = vector.broadcast %add3A_5 : vector<512x1xi32> to vector<512x1024xi32>
    %lt3A_41 = arith.cmpi slt, %add3A_39, %lt3A_40 : vector<512x1024xi32>
    %and3A_42 = arith.andi %eq3A_35, %lt3A_41 : vector<512x1024xi1>
    %or3A_43 = arith.ori %gt3A_32, %and3A_42 : vector<512x1024xi1>
    %convert_element_type3A_44 = arith.extui %or3A_43 : vector<512x1024xi1> to vector<512x1024xi32>
    %convert_element_type3A_45 = arith.sitofp %convert_element_type3A_44 : vector<512x1024xi32> to vector<512x1024xf32>
    %reduce_sum3A_46 = arith.constant dense<0.000000e+00> : vector<512xf32>
    %reduce_sum3A_47 = vector.multi_reduction <add>, %convert_element_type3A_45, %reduce_sum3A_46 [1] : vector<512x1024xf32> to vector<512xf32>
    %broadcast_in_dim3A_48 = vector.shape_cast %reduce_sum3A_47 : vector<512xf32> to vector<512x1xf32>
    %add3A_49 = arith.addf %add3A_24, %broadcast_in_dim3A_48 : vector<512x1xf32>
    %get3A_50 = arith.constant 0 : index
    %get3A_51 = arith.constant 0 : index
    %get3A_52 = arith.constant 2048 : index
    %get3A_53 = vector.load %arg3[%get3A_50, %get3A_51, %get3A_52] : memref<1x1x4096xf32, #tpu.memory_space<vmem>>, vector<1x1x1024xf32>
    %get3A_54 = vector.shape_cast %get3A_53 : vector<1x1x1024xf32> to vector<1x1024xf32>
    %gt3A_55 = vector.broadcast %get3A_54 : vector<1x1024xf32> to vector<512x1024xf32>
    %gt3A_56 = vector.broadcast %get3A_3 : vector<512x1xf32> to vector<512x1024xf32>
    %gt3A_57 = arith.cmpf ogt, %gt3A_55, %gt3A_56 : vector<512x1024xf32>
    %eq3A_58 = vector.broadcast %get3A_54 : vector<1x1024xf32> to vector<512x1024xf32>
    %eq3A_59 = vector.broadcast %get3A_3 : vector<512x1xf32> to vector<512x1024xf32>
    %eq3A_60 = arith.cmpf oeq, %eq3A_58, %eq3A_59 : vector<512x1024xf32>
    %iota3A_61 = tpu.iota {dimensions = array<i32: 1>} : vector<512x1024xi32>
    %add3A_62 = arith.constant 2048 : i32
    %add3A_63 = vector.broadcast %add3A_62 : i32 to vector<512x1024xi32>
    %add3A_64 = arith.addi %iota3A_61, %add3A_63 : vector<512x1024xi32>
    %lt3A_65 = vector.broadcast %add3A_5 : vector<512x1xi32> to vector<512x1024xi32>
    %lt3A_66 = arith.cmpi slt, %add3A_64, %lt3A_65 : vector<512x1024xi32>
    %and3A_67 = arith.andi %eq3A_60, %lt3A_66 : vector<512x1024xi1>
    %or3A_68 = arith.ori %gt3A_57, %and3A_67 : vector<512x1024xi1>
    %convert_element_type3A_69 = arith.extui %or3A_68 : vector<512x1024xi1> to vector<512x1024xi32>
    %convert_element_type3A_70 = arith.sitofp %convert_element_type3A_69 : vector<512x1024xi32> to vector<512x1024xf32>
    %reduce_sum3A_71 = arith.constant dense<0.000000e+00> : vector<512xf32>
    %reduce_sum3A_72 = vector.multi_reduction <add>, %convert_element_type3A_70, %reduce_sum3A_71 [1] : vector<512x1024xf32> to vector<512xf32>
    %broadcast_in_dim3A_73 = vector.shape_cast %reduce_sum3A_72 : vector<512xf32> to vector<512x1xf32>
    %add3A_74 = arith.addf %add3A_49, %broadcast_in_dim3A_73 : vector<512x1xf32>
    %get3A_75 = arith.constant 0 : index
    %get3A_76 = arith.constant 0 : index
    %get3A_77 = arith.constant 3072 : index
    %get3A_78 = vector.load %arg3[%get3A_75, %get3A_76, %get3A_77] : memref<1x1x4096xf32, #tpu.memory_space<vmem>>, vector<1x1x1024xf32>
    %get3A_79 = vector.shape_cast %get3A_78 : vector<1x1x1024xf32> to vector<1x1024xf32>
    %gt3A_80 = vector.broadcast %get3A_79 : vector<1x1024xf32> to vector<512x1024xf32>
    %gt3A_81 = vector.broadcast %get3A_3 : vector<512x1xf32> to vector<512x1024xf32>
    %gt3A_82 = arith.cmpf ogt, %gt3A_80, %gt3A_81 : vector<512x1024xf32>
    %eq3A_83 = vector.broadcast %get3A_79 : vector<1x1024xf32> to vector<512x1024xf32>
    %eq3A_84 = vector.broadcast %get3A_3 : vector<512x1xf32> to vector<512x1024xf32>
    %eq3A_85 = arith.cmpf oeq, %eq3A_83, %eq3A_84 : vector<512x1024xf32>
    %iota3A_86 = tpu.iota {dimensions = array<i32: 1>} : vector<512x1024xi32>
    %add3A_87 = arith.constant 3072 : i32
    %add3A_88 = vector.broadcast %add3A_87 : i32 to vector<512x1024xi32>
    %add3A_89 = arith.addi %iota3A_86, %add3A_88 : vector<512x1024xi32>
    %lt3A_90 = vector.broadcast %add3A_5 : vector<512x1xi32> to vector<512x1024xi32>
    %lt3A_91 = arith.cmpi slt, %add3A_89, %lt3A_90 : vector<512x1024xi32>
    %and3A_92 = arith.andi %eq3A_85, %lt3A_91 : vector<512x1024xi1>
    %or3A_93 = arith.ori %gt3A_82, %and3A_92 : vector<512x1024xi1>
    %convert_element_type3A_94 = arith.extui %or3A_93 : vector<512x1024xi1> to vector<512x1024xi32>
    %convert_element_type3A_95 = arith.sitofp %convert_element_type3A_94 : vector<512x1024xi32> to vector<512x1024xf32>
    %reduce_sum3A_96 = arith.constant dense<0.000000e+00> : vector<512xf32>
    %reduce_sum3A_97 = vector.multi_reduction <add>, %convert_element_type3A_95, %reduce_sum3A_96 [1] : vector<512x1024xf32> to vector<512xf32>
    %broadcast_in_dim3A_98 = vector.shape_cast %reduce_sum3A_97 : vector<512xf32> to vector<512x1xf32>
    %add3A_99 = arith.addf %add3A_74, %broadcast_in_dim3A_98 : vector<512x1xf32>
    %swap3A = arith.constant 0 : index
    %swap3A_100 = arith.constant 0 : index
    %swap3A_101 = arith.constant 0 : index
    %swap3A_102 = vector.load %arg4[%swap3A, %swap3A_100, %swap3A_101] : memref<1x512x1xf32, #tpu.memory_space<vmem>>, vector<1x512x1xf32>
    %swap3A_103 = vector.shape_cast %swap3A_102 : vector<1x512x1xf32> to vector<512x1xf32>
    %swap3A_104 = vector.shape_cast %add3A_99 : vector<512x1xf32> to vector<1x512x1xf32>
    tpu.vector_store %arg4[%swap3A, %swap3A_100, %swap3A_101], %swap3A_104 {strides = array<i32>} : memref<1x512x1xf32, #tpu.memory_space<vmem>>, vector<1x512x1xf32>,
    return
  }
  func.func @transform_0(%arg0: i32, %arg1: i32) -> (i32, i32, i32) {
    %c0_i32 = arith.constant 0 : i32
    %c0_i32_0 = arith.constant 0 : i32
    return %arg0, %arg1, %c0_i32 : i32, i32, i32
  }
  func.func @transform_1(%arg0: i32, %arg1: i32) -> (i32, i32, i32) {
    %c0_i32 = arith.constant 0 : i32
    %c0_i32_0 = arith.constant 0 : i32
    %c0_i32_1 = arith.constant 0 : i32
    return %arg0, %c0_i32, %c0_i32_0 : i32, i32, i32
  }
  func.func @transform_2(%arg0: i32, %arg1: i32) -> (i32, i32, i32) {
    %c0_i32 = arith.constant 0 : i32
    %c0_i32_0 = arith.constant 0 : i32
    return %arg0, %arg1, %c0_i32 : i32, i32, i32
  }
}

module attributes {stable_mosaic.version = 14 : i64} {
  func.func @_extract_body(%arg0: i32, %arg1: i32, %arg2: memref<1x4096x1xf32, #tpu.memory_space<vmem>>, %arg3: memref<1x1x4096xf32, #tpu.memory_space<vmem>>, %arg4: memref<1x2x512xf32, #tpu.memory_space<vmem>>) attributes {dimension_semantics = [#tpu.dimension_semantics<arbitrary>, #tpu.dimension_semantics<arbitrary>], iteration_bounds = array<i64: 2, 2>, scalar_prefetch = 0 : i64, scratch_operands = 0 : i64, tpu.core_type = #tpu.core_type<tc>, window_params = [{transform_indices = @transform_0, window_bounds = array<i64: 1, 4096, 1>}, {transform_indices = @transform_1, window_bounds = array<i64: 1, 1, 4096>}, {transform_indices = @transform_2, window_bounds = array<i64: 1, 2, 512>}]} {
    %get3A = arith.constant 0 : index
    %get3A_0 = arith.constant 0 : index
    %get3A_1 = arith.constant 0 : index
    %get3A_2 = vector.load %arg2[%get3A, %get3A_0, %get3A_1] : memref<1x4096x1xf32, #tpu.memory_space<vmem>>, vector<1x4096x1xf32>
    %get3A_3 = vector.shape_cast %get3A_2 : vector<1x4096x1xf32> to vector<4096x1xf32>
    %mul3A = arith.constant 2 : i32
    %mul3A_4 = arith.muli %arg0, %mul3A : i32
    %add3A = arith.constant 0 : i32
    %add3A_5 = arith.addi %mul3A_4, %add3A : i32
    %mul3A_6 = arith.constant 512 : i32
    %mul3A_7 = arith.muli %arg1, %mul3A_6 : i32
    %iota3A = tpu.iota {dimensions = array<i32: 1>} : vector<4096x512xi32>
    %add3A_8 = vector.broadcast %mul3A_7 : i32 to vector<4096x512xi32>
    %add3A_9 = arith.addi %iota3A, %add3A_8 : vector<4096x512xi32>
    %convert_element_type3A = arith.sitofp %add3A_9 : vector<4096x512xi32> to vector<4096x512xf32>
    %eq3A = vector.broadcast %get3A_3 : vector<4096x1xf32> to vector<4096x512xf32>
    %eq3A_10 = arith.cmpf oeq, %eq3A, %convert_element_type3A : vector<4096x512xf32>
    %convert_element_type3A_11 = arith.extui %eq3A_10 : vector<4096x512xi1> to vector<4096x512xi32>
    %convert_element_type3A_12 = arith.sitofp %convert_element_type3A_11 : vector<4096x512xi32> to vector<4096x512xf32>
    %iota3A_13 = tpu.iota {dimensions = array<i32: 1>} : vector<1x4096xi32>
    %mul3A_14 = arith.constant 4096 : i32
    %mul3A_15 = arith.muli %add3A_5, %mul3A_14 : i32
    %add3A_16 = vector.broadcast %mul3A_15 : i32 to vector<1x4096xi32>
    %add3A_17 = arith.addi %iota3A_13, %add3A_16 : vector<1x4096xi32>
    %convert_element_type3A_18 = arith.sitofp %add3A_17 : vector<1x4096xi32> to vector<1x4096xf32>
    %get3A_19 = arith.constant 0 : index
    %get3A_20 = arith.constant 0 : index
    %get3A_21 = arith.constant 0 : index
    %get3A_22 = vector.load %arg3[%get3A_19, %get3A_20, %get3A_21] : memref<1x1x4096xf32, #tpu.memory_space<vmem>>, vector<1x1x4096xf32>
    %get3A_23 = vector.shape_cast %get3A_22 : vector<1x1x4096xf32> to vector<1x4096xf32>
    %concatenate3A = tpu.concatenate %convert_element_type3A_18, %get3A_23 in 0 : vector<1x4096xf32>, vector<1x4096xf32> -> vector<2x4096xf32>
    %dot_general3A = arith.constant dense<0.000000e+00> : vector<2x512xf32>
    %dot_general3A_24 = tpu.matmul %concatenate3A, %convert_element_type3A_12, %dot_general3A {dimension_numbers = #tpu.dot_dimension_numbers<[1], [0], [0], [1], [0, 0, 1, 1], [], []>, precision = #tpu.contract_precision<fp32>, transpose_lhs_hint = false} : vector<2x4096xf32>, vector<4096x512xf32>, vector<2x512xf32> -> vector<2x512xf32>
    %swap3A = arith.constant 0 : index
    %swap3A_25 = arith.constant 0 : index
    %swap3A_26 = arith.constant 0 : index
    %swap3A_27 = vector.load %arg4[%swap3A, %swap3A_25, %swap3A_26] : memref<1x2x512xf32, #tpu.memory_space<vmem>>, vector<1x2x512xf32>
    %swap3A_28 = vector.shape_cast %swap3A_27 : vector<1x2x512xf32> to vector<2x512xf32>
    %swap3A_29 = vector.shape_cast %dot_general3A_24 : vector<2x512xf32> to vector<1x2x512xf32>
    tpu.vector_store %arg4[%swap3A, %swap3A_25, %swap3A_26], %swap3A_29 {strides = array<i32>} : memref<1x2x512xf32, #tpu.memory_space<vmem>>, vector<1x2x512xf32>,
    return
  }
  func.func @transform_0(%arg0: i32, %arg1: i32) -> (i32, i32, i32) {
    %c0_i32 = arith.constant 0 : i32
    %c0_i32_0 = arith.constant 0 : i32
    %c0_i32_1 = arith.constant 0 : i32
    return %arg0, %c0_i32, %c0_i32_0 : i32, i32, i32
  }
  func.func @transform_1(%arg0: i32, %arg1: i32) -> (i32, i32, i32) {
    %c0_i32 = arith.constant 0 : i32
    %c0_i32_0 = arith.constant 0 : i32
    %c0_i32_1 = arith.constant 0 : i32
    return %arg0, %c0_i32, %c0_i32_0 : i32, i32, i32
  }
  func.func @transform_2(%arg0: i32, %arg1: i32) -> (i32, i32, i32) {
    %c0_i32 = arith.constant 0 : i32
    %c0_i32_0 = arith.constant 0 : i32
    return %arg0, %c0_i32, %arg1 : i32, i32, i32
  }
}

module attributes {stable_mosaic.version = 14 : i64} {
  func.func @_h_body(%arg0: i32, %arg1: i32, %arg2: memref<1x1024x1024xf32, #tpu.memory_space<vmem>>, %arg3: memref<1024x1024xbf16, #tpu.memory_space<vmem>>, %arg4: memref<1x1024xf32, #tpu.memory_space<vmem>>, %arg5: memref<1x1024x1024xf32, #tpu.memory_space<vmem>>) attributes {dimension_semantics = [#tpu.dimension_semantics<arbitrary>, #tpu.dimension_semantics<arbitrary>], iteration_bounds = array<i64: 2, 4>, scalar_prefetch = 0 : i64, scratch_operands = 0 : i64, tpu.core_type = #tpu.core_type<tc>, window_params = [{transform_indices = @transform_0, window_bounds = array<i64: 1, 1024, 1024>}, {pipeline_mode = #tpu.pipeline_mode<synchronous>, transform_indices = @transform_1, window_bounds = array<i64: 1024, 1024>}, {pipeline_mode = #tpu.pipeline_mode<synchronous>, transform_indices = @transform_2, window_bounds = array<i64: 1, 1024>}, {transform_indices = @transform_3, window_bounds = array<i64: 1, 1024, 1024>}]} {
    %get3A = arith.constant 0 : index
    %get3A_0 = arith.constant 0 : index
    %get3A_1 = arith.constant 0 : index
    %get3A_2 = vector.load %arg2[%get3A, %get3A_0, %get3A_1] : memref<1x1024x1024xf32, #tpu.memory_space<vmem>>, vector<1x1024x1024xf32>
    %get3A_3 = vector.shape_cast %get3A_2 : vector<1x1024x1024xf32> to vector<1024x1024xf32>
    %convert_element_type3A = arith.truncf %get3A_3 : vector<1024x1024xf32> to vector<1024x1024xbf16>
    %get3A_4 = arith.constant 0 : index
    %get3A_5 = arith.constant 0 : index
    %get3A_6 = vector.load %arg3[%get3A_4, %get3A_5] : memref<1024x1024xbf16, #tpu.memory_space<vmem>>, vector<1024x1024xbf16>
    %dot_general3A = arith.constant dense<0.000000e+00> : vector<1024x1024xf32>
    %dot_general3A_7 = tpu.matmul %convert_element_type3A, %get3A_6, %dot_general3A {dimension_numbers = #tpu.dot_dimension_numbers<[1], [1], [0], [0], [0, 0, 1, 0], [], []>, transpose_lhs_hint = false} : vector<1024x1024xbf16>, vector<1024x1024xbf16>, vector<1024x1024xf32> -> vector<1024x1024xf32>
    %get3A_8 = arith.constant 0 : index
    %get3A_9 = arith.constant 0 : index
    %get3A_10 = vector.load %arg4[%get3A_8, %get3A_9] : memref<1x1024xf32, #tpu.memory_space<vmem>>, vector<1x1024xf32>
    %add3A = vector.broadcast %get3A_10 : vector<1x1024xf32> to vector<1024x1024xf32>
    %add3A_11 = arith.addf %dot_general3A_7, %add3A : vector<1024x1024xf32>
    %swap3A = arith.constant 0 : index
    %swap3A_12 = arith.constant 0 : index
    %swap3A_13 = arith.constant 0 : index
    %swap3A_14 = vector.load %arg5[%swap3A, %swap3A_12, %swap3A_13] : memref<1x1024x1024xf32, #tpu.memory_space<vmem>>, vector<1x1024x1024xf32>
    %swap3A_15 = vector.shape_cast %swap3A_14 : vector<1x1024x1024xf32> to vector<1024x1024xf32>
    %swap3A_16 = vector.shape_cast %add3A_11 : vector<1024x1024xf32> to vector<1x1024x1024xf32>
    tpu.vector_store %arg5[%swap3A, %swap3A_12, %swap3A_13], %swap3A_16 {strides = array<i32>} : memref<1x1024x1024xf32, #tpu.memory_space<vmem>>, vector<1x1024x1024xf32>,
    return
  }
  func.func @transform_0(%arg0: i32, %arg1: i32) -> (i32, i32, i32) {
    %c0_i32 = arith.constant 0 : i32
    %c0_i32_0 = arith.constant 0 : i32
    return %arg0, %arg1, %c0_i32 : i32, i32, i32
  }
  func.func @transform_1(%arg0: i32, %arg1: i32) -> (i32, i32) {
    %c0_i32 = arith.constant 0 : i32
    %c0_i32_0 = arith.constant 0 : i32
    %c0_i32_1 = arith.constant 0 : i32
    return %c0_i32, %c0_i32_0 : i32, i32
  }
  func.func @transform_2(%arg0: i32, %arg1: i32) -> (i32, i32) {
    %c0_i32 = arith.constant 0 : i32
    %c0_i32_0 = arith.constant 0 : i32
    %c0_i32_1 = arith.constant 0 : i32
    return %c0_i32, %c0_i32_0 : i32, i32
  }
  func.func @transform_3(%arg0: i32, %arg1: i32) -> (i32, i32, i32) {
    %c0_i32 = arith.constant 0 : i32
    %c0_i32_0 = arith.constant 0 : i32
    return %arg0, %arg1, %c0_i32 : i32, i32, i32
  }
}

module attributes {stable_mosaic.version = 14 : i64} {
  func.func @_extract_body(%arg0: i32, %arg1: i32, %arg2: memref<1x4096x1xf32, #tpu.memory_space<vmem>>, %arg3: memref<1x1x4096xf32, #tpu.memory_space<vmem>>, %arg4: memref<1x2x512xf32, #tpu.memory_space<vmem>>) attributes {dimension_semantics = [#tpu.dimension_semantics<arbitrary>, #tpu.dimension_semantics<arbitrary>], iteration_bounds = array<i64: 2, 2>, scalar_prefetch = 0 : i64, scratch_operands = 0 : i64, tpu.core_type = #tpu.core_type<tc>, window_params = [{transform_indices = @transform_0, window_bounds = array<i64: 1, 4096, 1>}, {transform_indices = @transform_1, window_bounds = array<i64: 1, 1, 4096>}, {transform_indices = @transform_2, window_bounds = array<i64: 1, 2, 512>}]} {
    %get3A = arith.constant 0 : index
    %get3A_0 = arith.constant 0 : index
    %get3A_1 = arith.constant 0 : index
    %get3A_2 = vector.load %arg2[%get3A, %get3A_0, %get3A_1] : memref<1x4096x1xf32, #tpu.memory_space<vmem>>, vector<1x4096x1xf32>
    %get3A_3 = vector.shape_cast %get3A_2 : vector<1x4096x1xf32> to vector<4096x1xf32>
    %mul3A = arith.constant 2 : i32
    %mul3A_4 = arith.muli %arg0, %mul3A : i32
    %add3A = arith.constant 1 : i32
    %add3A_5 = arith.addi %mul3A_4, %add3A : i32
    %mul3A_6 = arith.constant 512 : i32
    %mul3A_7 = arith.muli %arg1, %mul3A_6 : i32
    %iota3A = tpu.iota {dimensions = array<i32: 1>} : vector<4096x512xi32>
    %add3A_8 = vector.broadcast %mul3A_7 : i32 to vector<4096x512xi32>
    %add3A_9 = arith.addi %iota3A, %add3A_8 : vector<4096x512xi32>
    %convert_element_type3A = arith.sitofp %add3A_9 : vector<4096x512xi32> to vector<4096x512xf32>
    %eq3A = vector.broadcast %get3A_3 : vector<4096x1xf32> to vector<4096x512xf32>
    %eq3A_10 = arith.cmpf oeq, %eq3A, %convert_element_type3A : vector<4096x512xf32>
    %convert_element_type3A_11 = arith.extui %eq3A_10 : vector<4096x512xi1> to vector<4096x512xi32>
    %convert_element_type3A_12 = arith.sitofp %convert_element_type3A_11 : vector<4096x512xi32> to vector<4096x512xf32>
    %iota3A_13 = tpu.iota {dimensions = array<i32: 1>} : vector<1x4096xi32>
    %mul3A_14 = arith.constant 4096 : i32
    %mul3A_15 = arith.muli %add3A_5, %mul3A_14 : i32
    %add3A_16 = vector.broadcast %mul3A_15 : i32 to vector<1x4096xi32>
    %add3A_17 = arith.addi %iota3A_13, %add3A_16 : vector<1x4096xi32>
    %convert_element_type3A_18 = arith.sitofp %add3A_17 : vector<1x4096xi32> to vector<1x4096xf32>
    %get3A_19 = arith.constant 0 : index
    %get3A_20 = arith.constant 0 : index
    %get3A_21 = arith.constant 0 : index
    %get3A_22 = vector.load %arg3[%get3A_19, %get3A_20, %get3A_21] : memref<1x1x4096xf32, #tpu.memory_space<vmem>>, vector<1x1x4096xf32>
    %get3A_23 = vector.shape_cast %get3A_22 : vector<1x1x4096xf32> to vector<1x4096xf32>
    %concatenate3A = tpu.concatenate %convert_element_type3A_18, %get3A_23 in 0 : vector<1x4096xf32>, vector<1x4096xf32> -> vector<2x4096xf32>
    %dot_general3A = arith.constant dense<0.000000e+00> : vector<2x512xf32>
    %dot_general3A_24 = tpu.matmul %concatenate3A, %convert_element_type3A_12, %dot_general3A {dimension_numbers = #tpu.dot_dimension_numbers<[1], [0], [0], [1], [0, 0, 1, 1], [], []>, precision = #tpu.contract_precision<fp32>, transpose_lhs_hint = false} : vector<2x4096xf32>, vector<4096x512xf32>, vector<2x512xf32> -> vector<2x512xf32>
    %swap3A = arith.constant 0 : index
    %swap3A_25 = arith.constant 0 : index
    %swap3A_26 = arith.constant 0 : index
    %swap3A_27 = vector.load %arg4[%swap3A, %swap3A_25, %swap3A_26] : memref<1x2x512xf32, #tpu.memory_space<vmem>>, vector<1x2x512xf32>
    %swap3A_28 = vector.shape_cast %swap3A_27 : vector<1x2x512xf32> to vector<2x512xf32>
    %swap3A_29 = vector.shape_cast %dot_general3A_24 : vector<2x512xf32> to vector<1x2x512xf32>
    tpu.vector_store %arg4[%swap3A, %swap3A_25, %swap3A_26], %swap3A_29 {strides = array<i32>} : memref<1x2x512xf32, #tpu.memory_space<vmem>>, vector<1x2x512xf32>,
    return
  }
  func.func @transform_0(%arg0: i32, %arg1: i32) -> (i32, i32, i32) {
    %c0_i32 = arith.constant 0 : i32
    %c0_i32_0 = arith.constant 0 : i32
    %c0_i32_1 = arith.constant 0 : i32
    return %arg0, %c0_i32, %c0_i32_0 : i32, i32, i32
  }
  func.func @transform_1(%arg0: i32, %arg1: i32) -> (i32, i32, i32) {
    %c0_i32 = arith.constant 0 : i32
    %c0_i32_0 = arith.constant 0 : i32
    %c0_i32_1 = arith.constant 0 : i32
    return %arg0, %c0_i32, %c0_i32_0 : i32, i32, i32
  }
  func.func @transform_2(%arg0: i32, %arg1: i32) -> (i32, i32, i32) {
    %c0_i32 = arith.constant 0 : i32
    %c0_i32_0 = arith.constant 0 : i32
    return %arg0, %c0_i32, %arg1 : i32, i32, i32
  }
}

</mosaic_0001>

<sc_bundles>
// kernel: kernel.11.cloned.1.call-start
scs
__scs_entry_jumppad:
0x0: {  	(pc) =	sbr.rel $0x88, $3  }
0x1: {  	(tag) =	ssettag $0x0;
	lr =	simm.s32 $0x1  }
0x2: {  	[smem:$0x3F9C] =	sst lr;
	_ =	strace $0xD0000000  }
0x3: {  	_ = 	snop  }
0x4: {  	_ = 	snop  }
0x5: {  	_ = 	snop  }
0x6: {  	_ = 	snop  }
0x7: {  	_ = 	snop  }
__scs_overlays_trampoline_lowered:
0x8: {  	[smem:$0x3FAB] =	sst s0  }
0x9: {  	[smem:$0x3FAC] =	sst s1  }
0xa: {  	[smem:$0x3FAD] =	sst s2  }
0xb: {  	[smem:$0x3FAE] =	sst s3  }
0xc: {  	[smem:$0x3FAF] =	sst s4  }
0xd: {  	[smem:$0x3FB0] =	sst s5  }
0xe: {  	[smem:$0x3FB1] =	sst s6  }
0xf: {  	[smem:$0x3FB2] =	sst s7  }
0x10: {  	[smem:$0x3FB3] =	sst s8  }
0x11: {  	[smem:$0x3FB4] =	sst s9;
	s0 =	simm.s32 @!p0 $0x0  }
0x12: {  	s1 =	sld [smem:$0x3F9A];
	s0 =	simm.s32 @p0 $0x1  }
0x13: {  	[smem:$0x3FB5] =	sst s0;
	s0 =	simm.s32 @!p1 $0x0  }
0x14: {  	s2 =	sld [smem:$0x3F99];
	s0 =	simm.s32 @p1 $0x1  }
0x15: {  	[smem:$0x3FB6] =	sst s0;
	s0 =	simm.s32 @!p2 $0x0  }
0x16: {  	s3 =	sld [smem:$0x3FDB];
	s0 =	simm.s32 @p2 $0x1  }
0x17: {  	s4 =	simm.s32 $0x1BF5;
	[smem:$0x3FB8] =	sst s0  }
0x18: {  	s0 =	sld [smem:$0x3F9B];
	_ =	swait.ge [sflag:s4], $0x0  }
0x19: {  	s7 =	sld [smem:$0x3F9C]  }
0x1a: {  	s8 =	sadd.s32 $0xFFFFE003, lr  }
0x1b: {  	s9 =	sadd.s32 $0xFFFFFEF7, lr;
	s5 =	simm.s32 $0xFFFFFFFF;
	p2 =	slt.u32 s8, $0xFFFFF086  }
0x1c: {  	p1 =	slt.u32 s9, $0xF7A;
	s5 =	simm.s32 @!p2 $0x0  }
0x1d: {  	s5 =	simm.s32 @p1 $0x1;
	p0 =	seq.s32 s7, s2  }
0x1e: {  	s7 =	smul.u32 @!p0 $0xF7A, s2;
	p2 =	seq.s32 @!p0 s5, $0x0  }
0x1f: {  	s9 =	smul.u32 $0xF7A, s1;
	s8 =	simm.s32 @!p0 $0x1BF5;
	p2 =	por !p2, p0  }
0x20: {  	[sflag:s8] =	ssyncset.s32 @!p0 $0xFFFFF086;
	s6 =	sadd.s32 @!p0 s3, s7;
	s7 =	simm.s32 @!p0 $0x108  }
0x21: {  	s3 =	sadd.s32 s3, s9;
	s6 =	sadd.s32 @!p0 $0x88, s6;
	s7 =	simm.s32 @p2 $0x1082  }
0x22: {  	[simem:s7], [sflag:s8] =	dma.local @!p0 [hbm:s6], $0xF7A  }
0x23: {  	s9 =	sor.u32 $0xD0000000, s2;
	s6 =	simm.s32 $0x108;
	_ =	swait.ge @!p0 [sflag:s8], $0x0  }
0x24: {  	s3 =	sadd.s32 $0x88, s3;
	s6 =	simm.s32 @!p1 $0x1082;
	[sflag:s4] =	ssyncset.s32 $0xFFFFF086  }
0x25: {  	[simem:s6], [sflag:s4] =	dma.local [hbm:s3], $0xF7A  }
0x26: {  	[smem:$0x3F9C] =	sst s1;
	(tag) =	ssettag s2;
	_ =	strace s9  }
0x27: {  	s1 =	sld [smem:$0x3FAC]  }
0x28: {  	s2 =	sld [smem:$0x3FAD]  }
0x29: {  	s4 =	sld [smem:$0x3FAF]  }
0x2a: {  	p0 =	seq.s32 s5, $0x0;
	s5 =	sld [smem:$0x3FB0]  }
0x2b: {  	s6 =	sld [smem:$0x3FB1]  }
0x2c: {  	s7 =	sld [smem:$0x3FB2]  }
0x2d: {  	s3 =	simm.s32 $0x108;
	s8 =	sld [smem:$0x3FB3]  }
0x2e: {  	s3 =	simm.s32 @!p0 $0x1082;
	s9 =	sld [smem:$0x3FB4]  }
0x2f: {  	lr =	sadd.s32 s0, s3;
	s0 =	sld [smem:$0x3FAB]  }
0x30: {  	s3 =	sld [smem:$0x3FAE]  }
0x31: {  	[smem:$0x3FB7] =	sst s10  }
0x32: {  	s10 =	sld [smem:$0x3FB5];
	_ =	sdelay $0x3  }
0x33: {  	p0 =	seq.s32 s10, $0x1;
	s10 =	sld [smem:$0x3FB7];
	_ =	sdelay $0x3  }
0x34: {  	[smem:$0x3FB7] =	sst s10  }
0x35: {  	s10 =	sld [smem:$0x3FB6];
	_ =	sdelay $0x3  }
0x36: {  	p1 =	seq.s32 s10, $0x1;
	s10 =	sld [smem:$0x3FB7];
	_ =	sdelay $0x3  }
0x37: {  	[smem:$0x3FB7] =	sst s10  }
0x38: {  	s10 =	sld [smem:$0x3FB8]  }
0x39: {  	_ = 	snop;
	(pc) =	sbr.ind lr, $3  }
0x3a: {  	_ = 	snop  }
0x3b: {  	_ = 	snop  }
0x3c: {  	p2 =	seq.s32 s10, $0x1;
	s10 =	sld [smem:$0x3FB7]  }
0x3d: {  	_ =	shalt  }
0x3e: {  	_ =	shalt  }
0x3f: {  	_ =	shalt  }
0x40: {  	_ =	shalt  }
0x41: {  	_ =	shalt  }
0x42: {  	_ =	shalt  }
0x43: {  	_ =	shalt  }
0x44: {  	_ =	shalt  }
0x45: {  	_ =	shalt  }
0x46: {  	_ =	shalt  }
0x47: {  	_ =	shalt  }
0x48: {  	_ =	shalt  }
0x49: {  	_ =	shalt  }
0x4a: {  	_ =	shalt  }
0x4b: {  	_ =	shalt  }
0x4c: {  	_ =	shalt  }
0x4d: {  	_ =	shalt  }
0x4e: {  	_ =	shalt  }
0x4f: {  	_ =	shalt  }
0x50: {  	_ =	shalt  }
0x51: {  	_ =	shalt  }
0x52: {  	_ =	shalt  }
0x53: {  	_ =	shalt  }
0x54: {  	_ =	shalt  }
0x55: {  	_ =	shalt  }
0x56: {  	_ =	shalt  }
0x57: {  	_ =	shalt  }
0x58: {  	_ =	shalt  }
0x59: {  	_ =	shalt  }
0x5a: {  	_ =	shalt  }
0x5b: {  	_ =	shalt  }
0x5c: {  	_ =	shalt  }
0x5d: {  	_ =	shalt  }
0x5e: {  	_ =	shalt  }
0x5f: {  	_ =	shalt  }
0x60: {  	_ =	shalt  }
0x61: {  	_ =	shalt  }
0x62: {  	_ =	shalt  }
0x63: {  	_ =	shalt  }
0x64: {  	_ =	shalt  }
0x65: {  	_ =	shalt  }
0x66: {  	_ =	shalt  }
0x67: {  	_ =	shalt  }
0x68: {  	_ =	shalt  }
0x69: {  	_ =	shalt  }
0x6a: {  	_ =	shalt  }
0x6b: {  	_ =	shalt  }
0x6c: {  	_ =	shalt  }
0x6d: {  	_ =	shalt  }
0x6e: {  	_ =	shalt  }
0x6f: {  	_ =	shalt  }
0x70: {  	_ =	shalt  }
0x71: {  	_ =	shalt  }
0x72: {  	_ =	shalt  }
0x73: {  	_ =	shalt  }
0x74: {  	_ =	shalt  }
0x75: {  	_ =	shalt  }
0x76: {  	_ =	shalt  }
0x77: {  	_ =	shalt  }
0x78: {  	_ =	shalt  }
0x79: {  	_ =	shalt  }
0x7a: {  	_ =	shalt  }
0x7b: {  	_ =	shalt  }
0x7c: {  	_ =	shalt  }
0x7d: {  	_ =	shalt  }
0x7e: {  	_ =	shalt  }
0x7f: {  	_ =	shalt  }
0x80: {  	_ =	shalt  }
0x81: {  	_ =	shalt  }
0x82: {  	_ =	shalt  }
0x83: {  	_ =	shalt  }
0x84: {  	_ =	shalt  }
0x85: {  	_ =	shalt  }
0x86: {  	_ =	shalt  }
0x87: {  	_ =	shalt  }
.Lfunc_end0:
.L_simem_size_0:
called_computation_lowered:
.L_overlay_start_0:
0x88: {  	s2 =	sld [smem:$0x3FD9]  }
0x89: {  	s3 =	sld [smem:$0x3FFE];
	_ =	sdelay $0x1  }
0x8a: {  	s1 =	srdreg.scid  }
0x8b: {  	s0 =	sand.u32 $0x1, s1  }
0x8c: {  	s17 =	sshll.u32 s0, $0xA;
	s2 =	sadd.s32 s3, s2  }
0x8d: {  	s2 =	sadd.s32 s2, s17  }
0x8e: {  	[smem:$0x3FC3] =	sst s2  }
0x8f: {  	_ = 	snop  }
0x90: {  	s2 =	sld [smem:$0x3FC9]  }
0x91: {  	s18 =	sld [smem:$0x3FD0];
	(tm) =	ssettm $0x1  }
0x92: {  	s4 =	sld [smem:$0x3FFB];
	_ =	sdelay $0x3  }
0x93: {  	_ =	strace s4  }
0x94: {  	s4 =	sld [smem:$0x3FFC];
	_ =	sdelay $0x3  }
0x95: {  	_ =	strace s4  }
0x96: {  	s4 =	sld [smem:$0x3FFD];
	_ =	sdelay $0x3  }
0x97: {  	_ =	strace s4  }
0x98: {  	_ =	strace $0x8FFFFFFF  }
0x99: {  	s19 =	sld [smem:$0x3FDB];
	_ =	sdelay $0x1  }
0x9a: {  	s5 =	simm.s32 $_scs_section_size  }
0x9b: {  	s6 =	simm.s32 $_size__tile_overlayer_lowered;
	s7 =	simm.s32 $_tile_overlayer_lowered  }
0x9c: {  	s22 =	simm.s32 $0x1BFF;
	s21 =	sshll.u32 s7, $0x1;
	s4 =	sadd.s32 s5, s19  }
0x9d: {  	s8 =	simm.s32 $0x0;
	s20 =	sshll.u32 s6, $0x1;
	s6 =	sadd.s32 s21, s4  }
0x9e: {  	[timem:s8], [sflag:s22] =	dma.local [hbm:s6], s20  }
0x9f: {  	_ =	swait.ge [sflag:s22], s20  }
0xa0: {  	s5 =	ssub.s32 $0x0, s20;
	[sflag:s22] =	ssyncset.done $0x0  }
0xa1: {  	[sflag:s22] =	ssyncadd.s32 s5;
	_ =	sdelay $0x1  }
0xa2: {  	s23 =	simm.s32 $0x1B8B  }
0xa3: {  	_ =	swait.ge [sflag:s23], $0x1  }
0xa4: {  	[sflag:s23] =	ssyncset.done $0x0  }
0xa5: {  	s25 =	simm.s32 $0x1B8E;
	s24 =	sld [smem:$0x3FFE];
	[sflag:s23] =	ssyncadd.s32 $0xFFFFFFFF  }
0xa6: {  	s26 =	simm.s32 $execute0_lowered;
	[smem:$0x3FD2] =	sst s25  }
0xa7: {  	s6 =	sshll.u32 s26, $0x1;
	_ =	strace $0x80000046;
	[dreg:$0x1] =	wrdreg $0xFFFFFFFF  }
0xa8: {  	s28 =	simm.s32 $_size_execute0_lowered;
	s4 =	sadd.s32 s4, s6;
	[dreg:$0x0] =	wrdreg $0x0  }
0xa9: {  	s6 =	sshll.u32 s28, $0x1;
	[dreg:$0x2] =	wrdreg s4  }
0xaa: {  	[dreg:$0x3] =	wrdreg s6  }
0xab: {  	[dreg:$0x4] =	wrdreg $0xC0  }
0xac: {  	_ =	task [dreg:s8], $0x5FFFF  }
0xad: {  	[dreg:$0x1] =	wrdreg $0xFFFFFFFF  }
0xae: {  	[dreg:$0x0] =	wrdreg $0x60  }
0xaf: {  	[dreg:$0x2] =	wrdreg s2  }
0xb0: {  	[dreg:$0x3] =	wrdreg s24  }
0xb1: {  	[dreg:$0x4] =	wrdreg s18  }
0xb2: {  	[dreg:$0x5] =	wrdreg $0x9  }
0xb3: {  	_ =	task.clear_ibuf [dreg:s8], $0x6FFFF;
	_ =	strace $0x90000046  }
0xb4: {  	s29 =	simm.s32 $0x9;
	_ =	strace $0x80000048  }
0xb5: {  	_ =	swait.ge [sflag:s29], $0x1  }
0xb6: {  	[sflag:s29] =	ssyncadd.s32 $0xFFFFFFFF  }
0xb7: {  	_ =	strace $0x90000048  }
0xb8: {  	_ =	sfence  }
0xb9: {  	s30 =	sld [smem:$0x0];
	_ =	sdelay $0x2  }
0xba: {  	s31 =	sshll.u32 s1, $0xD;
	s1 =	sshrl.u32 s1, $0x2  }
0xbb: {  	s3 =	sand.u32 $0x4000, s31;
	s1 =	sadd.s32 s1, s30  }
0xbc: {  	s0 =	sor.u32 s3, s0;
	s1 =	sshll.u32 s1, $0x11  }
0xbd: {  	s0 =	sor.u32 s1, s0  }
0xbe: {  	s0 =	sadd.s32 $0x8F2B, s0  }
0xbf: {  	[sflag:s0] =	ssyncadd.remote.s32 $0x1  }
0xc0: {  	_ =	sfence.sel $0xFFFF  }
0xc1: {  	[dreg:$0x0] =	wrdreg $0xFFFFFFFF;
	(pc) =	sbr.abs _section_cstart, $3  }
0xc2: {  	[dreg:$0x1] =	wrdreg $0xFFFFFFFF  }
0xc3: {  	_ =	task.clear_ibuf [dreg:s8], $0x2FFFF;
	_ =	strace $0x9FFFFFFF  }
0xc4: {  	(tm) =	ssettm $0x7FFFFFFF  }
0xc5: {  	_ =	shalt  }
tec
execute0_lowered:
.L_overlay_start_1:
0x0: {  	(tag) =	ssettag $0x1  }
0x1: {  	s1 =	rddreg [dreg:$0x0]  }
0x2: {  	s0 =	rddreg [dreg:$0x1]  }
0x3: {  	s3 =	rddreg [dreg:$0x2];
	s2 =	simm.s32 $0x0  }
0x4: {  	s4 =	srdreg.scid;
	s7 =	stileid.u32;
	s28 =	simm.s32 $0x4080  }
0x5: {  	s29 =	simm.s32 $0x4880;
	s30 =	simm.s32 $0x5080;
	s31 =	simm.s32 $0x5880  }
0x6: {  	[smem:$0x7FF] =	sst s2;
	s5 =	sadd.s32 $0x400, s0;
	s4 =	sand.u32 $0x1, s4  }
0x7: {  	s7 =	sshll.u32 s7, $0x8;
	s6 =	ssub.s32 $0x2, s4;
	s4 =	sshll.u32 s4, $0x7  }
0x8: {  	s0 =	sadd.s32 $0x600, s0;
	s8 =	sshrl.u32 s6, $0x1;
	s4 =	sor.u32 s4, s7  }
0x9: {  	_ =	strace $0x80000047;
	s9 =	ssub.s32 s6, s8;
	s14 =	sshrl.u32 s4, $0x3  }
0xa: {  	s7 =	sshll.u32 s4, $0x4;
	s10 =	sshll.u32 s4, $0x7;
	s11 =	sor.u32 $0x20, s4  }
0xb: {  	s8 =	sadd.s32 $0x300, s1;
	s12 =	sor.u32 $0x40, s4;
	s4 =	sor.u32 $0x60, s4  }
0xc: {  	s6 =	sadd.s32 s5, s14;
	s15 =	sadd.s32 s0, s7;
	s7 =	sadd.s32 $0x200, s1  }
0xd: {  	s10 =	sadd.s32 s3, s10;
	s16 =	sshrl.u32 s11, $0x3;
	s17 =	sshll.u32 s11, $0x4  }
0xe: {  	s18 =	sshll.u32 s11, $0x7;
	s19 =	sshrl.u32 s12, $0x3;
	s21 =	sshll.u32 s12, $0x4  }
0xf: {  	s22 =	sshll.u32 s12, $0x7;
	s23 =	sshrl.u32 s4, $0x3;
	s24 =	sshll.u32 s4, $0x4  }
0x10: {  	s25 =	sshll.u32 s4, $0x7;
	s26 =	smax.u32 s9, $0x1;
	[dreg:$0x4] =	wrdreg s6  }
0x11: {  	s4 =	simm.s32 $0x7080;
	s9 =	simm.s32 $0x8080;
	[dreg:$0x5] =	wrdreg s15  }
0x12: {  	s11 =	simm.s32 $0x1;
	s12 =	simm.s32 $0x0;
	[dreg:$0x6] =	wrdreg s10  }
0x13: {  	s6 =	sadd.s32 $0x100, s1;
	s10 =	sadd.s32 s5, s16;
	[dreg:$0x10] =	wrdreg s26  }
0x14: {  	s20 =	sadd.s32 s5, s19;
	s5 =	sadd.s32 s5, s23;
	[dreg:$0x7] =	wrdreg s10  }
0x15: {  	s23 =	simm.s32 $0x2080;
	s26 =	simm.s32 $0x3880;
	[dreg:$0xa] =	wrdreg s20  }
0x16: {  	s10 =	sadd.s32 s0, s17;
	[dreg:$0xd] =	wrdreg s5;
	s20 =	simm.s32 $0x2  }
0x17: {  	s5 =	simm.s32 $0x7880;
	[dreg:$0x8] =	wrdreg s10;
	s10 =	sadd.s32 s3, s18  }
0x18: {  	[dreg:$0x9] =	wrdreg s10;
	s10 =	sadd.s32 s0, s21;
	s0 =	sadd.s32 s0, s24  }
0x19: {  	s21 =	simm.s32 $0x1080;
	s24 =	simm.s32 $0x2880;
	[dreg:$0xb] =	wrdreg s10  }
0x1a: {  	v2 =	vlaneseq.u32;
	s10 =	sadd.s32 s3, s22;
	[dreg:$0xe] =	wrdreg s0;
	s0 =	sadd.s32 s3, s25  }
0x1b: {  	vm0 =	vmmov $0xffff;
	v1 =	vshrl.u32 v2, $0x3;
	s25 =	simm.s32 $0x3080;
	s3 =	simm.s32 $0x6880;
	[dreg:$0xc] =	wrdreg s10  }
0x1c: {  	v0 =	vand.u32 $0x7, v2;
	v2 =	vor.u32 $0x8, v2;
	v1 =	vmul.u32 $0x8, v1;
	[dreg:$0xf] =	wrdreg s0;
	s0 =	simm.s32 $0x6080;
	s10 =	simm.s32 $0x8880  }
.LBB2_1:
0x1d: {  	s13 =	rddreg [dreg:$0x4]  }
0x1e: {  	[tilespmem:s2], [sflag:$0x2] =	stream.linear.gather [hbm4b:s13+s2], $0x20, $0x38;
	[tilespmem:$0x9080] =	vst v63  }
0x1f: {  	_ =	swait.ge [sflag:s20], $0x20  }
0x20: {  	[sflag:s20] =	ssyncset.done $0x0  }
0x21: {  	s13 =	simm.s32 $0x80;
	s14 =	rddreg [dreg:$0x5];
	[sflag:s20] =	ssyncadd.s32 $0xFFFFFFE0  }
0x22: {  	[tilespmem:s13], [sflag:$0x2] =	stream.linear.gather [hbm4b:s14+s2], $0x1000, $0x38;
	[tilespmem:$0x9080] =	vst v63  }
0x23: {  	_ =	swait.ge [sflag:s20], $0x1000  }
0x24: {  	[sflag:s20] =	ssyncset.done $0x0  }
0x25: {  	[sflag:s20] =	ssyncadd.s32 $0xFFFFF000  }
0x26: {  	v3 =	vld [tilespmem:$0x0];
	_ =	sdelay $0x4  }
0x27: {  	vm1 =	vgt.s32 v3, $0x0  }
0x28: {  	v3 =	vnsel vm1, $0x0, v3  }
0x29: {  	v3 =	vmin.u32 v3, $0x3FFF  }
0x2a: {  	v4 =	vshll.u32 v3, $0x3  }
0x2b: {  	v5 =	vld [tilespmem:$0x10];
	v6 =	vand.u32 $0x7, v3;
	v4 =	vand.u32 $0x1FFC0, v4  }
0x2c: {  	v4 =	vor.u32 v6, v4  }
0x2d: {  	v6 =	vperm.xlane v4, v0;
	_ =	sdelay $0x1  }
0x2e: {  	v6 =	vadd.s32 v1, v6  }
0x2f: {  	vm1 =	vgt.s32 v5, $0x0  }
0x30: {  	v5 =	vnsel vm1, $0x0, v5  }
0x31: {  	[tilespmem:$0x0] =	vst v3;
	v3 =	vmin.u32 v5, $0x3FFF  }
0x32: {  	[tilespmem:$0x10] =	vst v3  }
0x33: {  	[tilespmem:s21], [sflag:$0x1] =	stream.indirect_vreg.gather [hbm4b:s1+s2], $0x80, v6, vm0, $0xb8;
	[tilespmem:$0x9080] =	vst v63  }
0x34: {  	s22 =	simm.s32 $0x1880;
	v3 =	vperm.xlane v4, v2  }
0x35: {  	[tilespmem:s22], [sflag:$0x1] =	stream.indirect_vreg.gather [hbm4b:s6+s2], $0x80, v6, vm0, $0xb8;
	[tilespmem:$0x9080] =	vst v63  }
0x36: {  	v3 =	vadd.s32 v1, v3  }
0x37: {  	[tilespmem:s23], [sflag:$0x1] =	stream.indirect_vreg.gather [hbm4b:s7+s2], $0x80, v6, vm0, $0xb8;
	[tilespmem:$0x9080] =	vst v63  }
0x38: {  	_ = 	snop  }
0x39: {  	[tilespmem:s24], [sflag:$0x1] =	stream.indirect_vreg.gather [hbm4b:s8+s2], $0x80, v6, vm0, $0xb8;
	[tilespmem:$0x9080] =	vst v63  }
0x3a: {  	_ = 	snop  }
0x3b: {  	[tilespmem:s25], [sflag:$0x1] =	stream.indirect_vreg.gather [hbm4b:s1+s2], $0x80, v3, vm0, $0xb8;
	[tilespmem:$0x9080] =	vst v63  }
0x3c: {  	_ = 	snop  }
0x3d: {  	[tilespmem:s26], [sflag:$0x1] =	stream.indirect_vreg.gather [hbm4b:s6+s2], $0x80, v3, vm0, $0xb8;
	[tilespmem:$0x9080] =	vst v63  }
0x3e: {  	_ = 	snop  }
0x3f: {  	[tilespmem:s28], [sflag:$0x1] =	stream.indirect_vreg.gather [hbm4b:s7+s2], $0x80, v3, vm0, $0xb8;
	[tilespmem:$0x9080] =	vst v63  }
0x40: {  	_ = 	snop  }
0x41: {  	[tilespmem:s29], [sflag:$0x1] =	stream.indirect_vreg.gather [hbm4b:s8+s2], $0x80, v3, vm0, $0xb8;
	[tilespmem:$0x9080] =	vst v63  }
0x42: {  	v3 =	vld [tilespmem:$0x10];
	_ =	sdelay $0x4  }
0x43: {  	v63 =	vshll.u32 v3, $0x3  }
0x44: {  	v3 =	vand.u32 $0x7, v3;
	v4 =	vand.u32 $0xFFFFFFC0, v63  }
0x45: {  	v3 =	vor.u32 v3, v4  }
0x46: {  	v4 =	vperm.xlane v3, v0;
	_ =	sdelay $0x1  }
0x47: {  	v4 =	vadd.s32 v1, v4;
	_ =	sdelay $0x4  }
0x48: {  	[tilespmem:s30], [sflag:$0x1] =	stream.indirect_vreg.gather [hbm4b:s1+s2], $0x80, v4, vm0, $0xb8;
	[tilespmem:$0x9080] =	vst v63  }
0x49: {  	v3 =	vperm.xlane v3, v2  }
0x4a: {  	[tilespmem:s31], [sflag:$0x1] =	stream.indirect_vreg.gather [hbm4b:s6+s2], $0x80, v4, vm0, $0xb8;
	[tilespmem:$0x9080] =	vst v63  }
0x4b: {  	v3 =	vadd.s32 v1, v3  }
0x4c: {  	[tilespmem:s0], [sflag:$0x1] =	stream.indirect_vreg.gather [hbm4b:s7+s2], $0x80, v4, vm0, $0xb8;
	[tilespmem:$0x9080] =	vst v63  }
0x4d: {  	_ = 	snop  }
0x4e: {  	[tilespmem:s3], [sflag:$0x1] =	stream.indirect_vreg.gather [hbm4b:s8+s2], $0x80, v4, vm0, $0xb8;
	[tilespmem:$0x9080] =	vst v63  }
0x4f: {  	_ = 	snop  }
0x50: {  	[tilespmem:s4], [sflag:$0x1] =	stream.indirect_vreg.gather [hbm4b:s1+s2], $0x80, v3, vm0, $0xb8;
	[tilespmem:$0x9080] =	vst v63  }
0x51: {  	_ = 	snop  }
0x52: {  	[tilespmem:s5], [sflag:$0x1] =	stream.indirect_vreg.gather [hbm4b:s6+s2], $0x80, v3, vm0, $0xb8;
	[tilespmem:$0x9080] =	vst v63  }
0x53: {  	_ = 	snop  }
0x54: {  	[tilespmem:s9], [sflag:$0x1] =	stream.indirect_vreg.gather [hbm4b:s7+s2], $0x80, v3, vm0, $0xb8;
	[tilespmem:$0x9080] =	vst v63  }
0x55: {  	_ = 	snop  }
0x56: {  	[tilespmem:s10], [sflag:$0x1] =	stream.indirect_vreg.gather [hbm4b:s8+s2], $0x80, v3, vm0, $0xb8;
	[tilespmem:$0x9080] =	vst v63  }
0x57: {  	_ =	swait.ge [sflag:s11], $0x8000  }
0x58: {  	s15 =	simm.s32 $0x0;
	s16 =	simm.s32 $0x0;
	[sflag:s11] =	ssyncset.done $0x0  }
0x59: {  	s17 =	simm.s32 $0x0;
	s14 =	simm.s32 $0xFFFF8000;
	[sflag:s11] =	ssyncadd.s32 $0xFFFF8000  }
.LBB2_2:
0x5a: {  	s18 =	sadd.s32 $0x8000, s14  }
0x5b: {  	s19 =	sand.u32 $0x380, s17;
	s18 =	sand.u32 $0x6000, s18  }
0x5c: {  	v3 =	vld [tilespmem:s13+$0x0];
	s18 =	sor.u32 s19, s18  }
0x5d: {  	v4 =	vld [tilespmem:s18+$0x1080]  }
0x5e: {  	v5 =	vld [tilespmem:s18+$0x1090]  }
0x5f: {  	v6 =	vld [tilespmem:s18+$0x10A0]  }
0x60: {  	v7 =	vld [tilespmem:s18+$0x10B0]  }
0x61: {  	v8 =	vld [tilespmem:s18+$0x10D0]  }
0x62: {  	v9 =	vld [tilespmem:s18+$0x10E0];
	v4 =	vmul.f32 v4, v3  }
0x63: {  	v10 =	vld [tilespmem:s18+$0x10F0];
	v5 =	vmul.f32 v5, v3  }
0x64: {  	v19 =	vld [tilespmem:s18+$0x1480];
	v18 =	vmul.f32 v6, v3;
	[tilespmem:s18+$0x1080] =	vst v4  }
0x65: {  	v21 =	vld [tilespmem:s18+$0x1490];
	v20 =	vmul.f32 v7, v3;
	[tilespmem:s18+$0x1090] =	vst v5  }
0x66: {  	v23 =	vld [tilespmem:s18+$0x14A0];
	v22 =	vmul.f32 v8, v3;
	[tilespmem:s18+$0x10A0] =	vst v18  }
0x67: {  	v25 =	vld [tilespmem:s18+$0x14B0];
	v24 =	vmul.f32 v9, v3;
	[tilespmem:s18+$0x10B0] =	vst v20  }
0x68: {  	v27 =	vld [tilespmem:s18+$0x14D0];
	v26 =	vmul.f32 v10, v3;
	[tilespmem:s18+$0x10D0] =	vst v22  }
0x69: {  	v29 =	vld [tilespmem:s18+$0x14E0];
	v28 =	vmul.f32 v19, v3;
	[tilespmem:s18+$0x10E0] =	vst v24  }
0x6a: {  	v31 =	vld [tilespmem:s18+$0x14F0];
	v30 =	vmul.f32 v21, v3;
	[tilespmem:s18+$0x10F0] =	vst v26  }
0x6b: {  	v33 =	vld [tilespmem:s18+$0x1880];
	v32 =	vmul.f32 v23, v3;
	[tilespmem:s18+$0x1480] =	vst v28  }
0x6c: {  	v35 =	vld [tilespmem:s18+$0x1890];
	v34 =	vmul.f32 v25, v3;
	[tilespmem:s18+$0x1490] =	vst v30  }
0x6d: {  	v37 =	vld [tilespmem:s18+$0x18A0];
	v36 =	vmul.f32 v27, v3;
	[tilespmem:s18+$0x14A0] =	vst v32  }
0x6e: {  	v39 =	vld [tilespmem:s18+$0x18B0];
	v38 =	vmul.f32 v29, v3;
	[tilespmem:s18+$0x14B0] =	vst v34  }
0x6f: {  	v41 =	vld [tilespmem:s18+$0x18D0];
	v40 =	vmul.f32 v31, v3;
	[tilespmem:s18+$0x14D0] =	vst v36  }
0x70: {  	v43 =	vld [tilespmem:s18+$0x18E0];
	v42 =	vmul.f32 v33, v3;
	[tilespmem:s18+$0x14E0] =	vst v38  }
0x71: {  	v45 =	vld [tilespmem:s18+$0x18F0];
	v44 =	vmul.f32 v35, v3;
	[tilespmem:s18+$0x14F0] =	vst v40  }
0x72: {  	v47 =	vld [tilespmem:s18+$0x1C80];
	v46 =	vmul.f32 v37, v3;
	[tilespmem:s18+$0x1880] =	vst v42  }
0x73: {  	v49 =	vld [tilespmem:s18+$0x1C90];
	v48 =	vmul.f32 v39, v3;
	[tilespmem:s18+$0x1890] =	vst v44  }
0x74: {  	v51 =	vld [tilespmem:s18+$0x1CA0];
	v50 =	vmul.f32 v41, v3;
	[tilespmem:s18+$0x18A0] =	vst v46  }
0x75: {  	v53 =	vld [tilespmem:s18+$0x1CB0];
	v52 =	vmul.f32 v43, v3;
	[tilespmem:s18+$0x18B0] =	vst v48  }
0x76: {  	v55 =	vld [tilespmem:s18+$0x1CD0];
	v54 =	vmul.f32 v45, v3;
	[tilespmem:s18+$0x18D0] =	vst v50  }
0x77: {  	v57 =	vld [tilespmem:s18+$0x1CE0];
	v56 =	vmul.f32 v47, v3;
	[tilespmem:s18+$0x18E0] =	vst v52  }
0x78: {  	v59 =	vld [tilespmem:s18+$0x1CF0];
	v58 =	vmul.f32 v49, v3;
	[tilespmem:s18+$0x18F0] =	vst v54  }
0x79: {  	v61 =	vld [tilespmem:s18+$0x2080];
	v60 =	vmul.f32 v51, v3;
	[tilespmem:s18+$0x1C80] =	vst v56  }
0x7a: {  	v63 =	vld [tilespmem:s18+$0x2090];
	v62 =	vmul.f32 v53, v3;
	[tilespmem:s18+$0x1C90] =	vst v58  }
0x7b: {  	v13 =	vld [tilespmem:s18+$0x20A0];
	v12 =	vmul.f32 v55, v3;
	[tilespmem:s18+$0x1CA0] =	vst v60  }
0x7c: {  	v15 =	vld [tilespmem:s18+$0x20B0];
	v14 =	vmul.f32 v57, v3;
	[tilespmem:s18+$0x1CB0] =	vst v62  }
0x7d: {  	v17 =	vld [tilespmem:s18+$0x20D0];
	v16 =	vmul.f32 v59, v3;
	[tilespmem:s18+$0x1CD0] =	vst v12  }
0x7e: {  	v19 =	vld [tilespmem:s18+$0x20E0];
	[tilespmem:s18+$0x1CE0] =	vst v14;
	v18 =	vmul.f32 v61, v3  }
0x7f: {  	v21 =	vld [tilespmem:s18+$0x20F0];
	[tilespmem:s18+$0x1CF0] =	vst v16;
	v20 =	vmul.f32 v63, v3  }
0x80: {  	v23 =	vld [tilespmem:s18+$0x2480];
	v22 =	vmul.f32 v13, v3;
	[tilespmem:s18+$0x2080] =	vst v18  }
0x81: {  	v25 =	vld [tilespmem:s18+$0x2490];
	v24 =	vmul.f32 v15, v3;
	[tilespmem:s18+$0x2090] =	vst v20  }
0x82: {  	v27 =	vld [tilespmem:s18+$0x24A0];
	v26 =	vmul.f32 v17, v3;
	[tilespmem:s18+$0x20A0] =	vst v22  }
0x83: {  	v29 =	vld [tilespmem:s18+$0x24B0];
	[tilespmem:s18+$0x20B0] =	vst v24;
	v28 =	vmul.f32 v19, v3  }
0x84: {  	v31 =	vld [tilespmem:s18+$0x24D0];
	[tilespmem:s18+$0x20D0] =	vst v26;
	v30 =	vmul.f32 v21, v3  }
0x85: {  	v33 =	vld [tilespmem:s18+$0x24E0];
	v32 =	vmul.f32 v23, v3;
	[tilespmem:s18+$0x20E0] =	vst v28  }
0x86: {  	v35 =	vld [tilespmem:s18+$0x24F0];
	v34 =	vmul.f32 v25, v3;
	[tilespmem:s18+$0x20F0] =	vst v30  }
0x87: {  	v37 =	vld [tilespmem:s18+$0x2880];
	v36 =	vmul.f32 v27, v3;
	[tilespmem:s18+$0x2480] =	vst v32  }
0x88: {  	v39 =	vld [tilespmem:s18+$0x2890];
	v38 =	vmul.f32 v29, v3;
	[tilespmem:s18+$0x2490] =	vst v34  }
0x89: {  	v41 =	vld [tilespmem:s18+$0x28A0];
	v40 =	vmul.f32 v31, v3;
	[tilespmem:s18+$0x24A0] =	vst v36  }
0x8a: {  	v43 =	vld [tilespmem:s18+$0x28B0];
	v42 =	vmul.f32 v33, v3;
	[tilespmem:s18+$0x24B0] =	vst v38  }
0x8b: {  	v45 =	vld [tilespmem:s18+$0x28D0];
	v44 =	vmul.f32 v35, v3;
	[tilespmem:s18+$0x24D0] =	vst v40  }
0x8c: {  	v47 =	vld [tilespmem:s18+$0x28E0];
	v46 =	vmul.f32 v37, v3;
	[tilespmem:s18+$0x24E0] =	vst v42  }
0x8d: {  	v49 =	vld [tilespmem:s18+$0x28F0];
	v48 =	vmul.f32 v39, v3;
	[tilespmem:s18+$0x24F0] =	vst v44  }
0x8e: {  	v51 =	vld [tilespmem:s18+$0x14C0];
	v8 =	vmul.f32 v41, v3;
	[tilespmem:s18+$0x2880] =	vst v46  }
0x8f: {  	v53 =	vld [tilespmem:s18+$0x1CC0];
	v9 =	vmul.f32 v43, v3;
	[tilespmem:s18+$0x2890] =	vst v48  }
0x90: {  	v55 =	vld [tilespmem:s18+$0x24C0];
	v10 =	vmul.f32 v45, v3;
	[tilespmem:s18+$0x28A0] =	vst v8  }
0x91: {  	s22 =	sand.u32 $0x7, s15;
	v50 =	vld [tilespmem:s18+$0x10C0];
	v6 =	vmul.f32 v47, v3;
	[tilespmem:s18+$0x28B0] =	vst v9  }
0x92: {  	s19 =	sshll.u32 s22, $0x7;
	v52 =	vld [tilespmem:s18+$0x18C0];
	v7 =	vmul.f32 v49, v3;
	[tilespmem:s18+$0x28D0] =	vst v10  }
0x93: {  	s19 =	sadd.s32 s19, s16;
	v54 =	vld [tilespmem:s18+$0x20C0];
	v5 =	vmul.f32 v51, v3;
	[tilespmem:s18+$0x28E0] =	vst v6  }
0x94: {  	s22 =	sor.u32 $0x1C00, s19;
	v56 =	vld [tilespmem:s18+$0x28C0];
	v59 =	vmul.f32 v53, v3;
	[tilespmem:s18+$0x28F0] =	vst v7  }
0x95: {  	v61 =	vmul.f32 v55, v3;
	[tilespmem:s18+$0x14C0] =	vst v5;
	v58 =	vld [tilespmem:s22+$0x1080]  }
0x96: {  	v4 =	vmul.f32 v50, v3;
	[tilespmem:s18+$0x1CC0] =	vst v59  }
0x97: {  	v57 =	vmul.f32 v52, v3;
	[tilespmem:s18+$0x24C0] =	vst v61  }
0x98: {  	v60 =	vmul.f32 v54, v3;
	[tilespmem:s18+$0x10C0] =	vst v4  }
0x99: {  	v62 =	vmul.f32 v56, v3;
	[tilespmem:s18+$0x18C0] =	vst v57  }
0x9a: {  	[tilespmem:s18+$0x20C0] =	vst v60;
	v63 =	vmul.f32 v58, v3  }
0x9b: {  	[tilespmem:s18+$0x28C0] =	vst v62  }
0x9c: {  	[tilespmem:s22+$0x1080] =	vst v63;
	s22 =	sor.u32 $0x1C10, s19  }
0x9d: {  	v4 =	vld [tilespmem:s22+$0x1080];
	_ =	sdelay $0x4  }
0x9e: {  	v4 =	vmul.f32 v4, v3;
	_ =	sdelay $0x1  }
0x9f: {  	[tilespmem:s22+$0x1080] =	vst v4;
	s22 =	sor.u32 $0x1C20, s19  }
0xa0: {  	v4 =	vld [tilespmem:s22+$0x1080];
	_ =	sdelay $0x4  }
0xa1: {  	v4 =	vmul.f32 v4, v3;
	_ =	sdelay $0x1  }
0xa2: {  	[tilespmem:s22+$0x1080] =	vst v4;
	s22 =	sor.u32 $0x1C30, s19  }
0xa3: {  	v4 =	vld [tilespmem:s22+$0x1080];
	_ =	sdelay $0x4  }
0xa4: {  	v4 =	vmul.f32 v4, v3;
	_ =	sdelay $0x1  }
0xa5: {  	[tilespmem:s22+$0x1080] =	vst v4;
	s22 =	sor.u32 $0x1C40, s19  }
0xa6: {  	v4 =	vld [tilespmem:s22+$0x1080];
	_ =	sdelay $0x4  }
0xa7: {  	v4 =	vmul.f32 v4, v3;
	_ =	sdelay $0x1  }
0xa8: {  	[tilespmem:s22+$0x1080] =	vst v4;
	s22 =	sor.u32 $0x1C50, s19  }
0xa9: {  	v4 =	vld [tilespmem:s22+$0x1080];
	_ =	sdelay $0x4  }
0xaa: {  	v4 =	vmul.f32 v4, v3;
	_ =	sdelay $0x1  }
0xab: {  	[tilespmem:s22+$0x1080] =	vst v4;
	s22 =	sor.u32 $0x1C60, s19  }
0xac: {  	v4 =	vld [tilespmem:s22+$0x1080];
	_ =	sdelay $0x4  }
0xad: {  	v4 =	vmul.f32 v4, v3;
	_ =	sdelay $0x1  }
0xae: {  	[tilespmem:s22+$0x1080] =	vst v4;
	s22 =	sor.u32 $0x1C70, s19  }
0xaf: {  	v4 =	vld [tilespmem:s22+$0x1080];
	_ =	sdelay $0x1  }
0xb0: {  	p0 =	sne.s32 s17, $0xF80  }
.Ltmp0:
0xb1: {  	_ = 	snop;
	(pc) =	sbr.rel @p0 .LBB2_2-.Ltmp0, $4  }
0xb2: {  	_ = 	snop  }
0xb3: {  	v3 =	vmul.f32 v4, v3  }
0xb4: {  	s15 =	sadd.s32 $0x1, s15;
	s14 =	sadd.s32 $0x400, s14  }
0xb5: {  	s13 =	sadd.s32 $0x80, s13;
	s17 =	sadd.s32 $0x80, s17;
	s16 =	sadd.s32 $0x400, s16;
	[tilespmem:s22+$0x1080] =	vst v3  }
0xb6: {  	s13 =	simm.s32 $0x0;
	s14 =	rddreg [dreg:$0x6]  }
0xb7: {  	[hbm4b:s14+s13] =	stream.linear.scatter [tilespmem:s21], [sflag:$0x2], $0x8000, $0x38;
	[tilespmem:$0x9080] =	vst v63  }
0xb8: {  	_ =	swait.ge [sflag:s20], $0x8000  }
0xb9: {  	[sflag:s20] =	ssyncset.done $0x0  }
0xba: {  	s19 =	rddreg [dreg:$0x7];
	[sflag:s20] =	ssyncadd.s32 $0xFFFF8000  }
0xbb: {  	[tilespmem:s13], [sflag:$0x2] =	stream.linear.gather [hbm4b:s19+s13], $0x20, $0x38;
	[tilespmem:$0x9080] =	vst v63  }
0xbc: {  	_ =	swait.ge [sflag:s20], $0x20  }
0xbd: {  	[sflag:s20] =	ssyncset.done $0x0  }
0xbe: {  	s14 =	simm.s32 $0x80;
	s15 =	rddreg [dreg:$0x8];
	[sflag:s20] =	ssyncadd.s32 $0xFFFFFFE0  }
0xbf: {  	[tilespmem:s14], [sflag:$0x2] =	stream.linear.gather [hbm4b:s15+s13], $0x1000, $0x38;
	[tilespmem:$0x9080] =	vst v63  }
0xc0: {  	_ =	swait.ge [sflag:s20], $0x1000  }
0xc1: {  	[sflag:s20] =	ssyncset.done $0x0  }
0xc2: {  	[sflag:s20] =	ssyncadd.s32 $0xFFFFF000  }
0xc3: {  	v3 =	vld [tilespmem:$0x0];
	_ =	sdelay $0x4  }
0xc4: {  	vm1 =	vgt.s32 v3, $0x0  }
0xc5: {  	v3 =	vnsel vm1, $0x0, v3  }
0xc6: {  	v3 =	vmin.u32 v3, $0x3FFF  }
0xc7: {  	v4 =	vshll.u32 v3, $0x3  }
0xc8: {  	v5 =	vld [tilespmem:$0x10];
	v6 =	vand.u32 $0x7, v3;
	v4 =	vand.u32 $0x1FFC0, v4  }
0xc9: {  	v4 =	vor.u32 v6, v4  }
0xca: {  	v6 =	vperm.xlane v4, v0;
	_ =	sdelay $0x1  }
0xcb: {  	v6 =	vadd.s32 v1, v6  }
0xcc: {  	vm1 =	vgt.s32 v5, $0x0  }
0xcd: {  	v5 =	vnsel vm1, $0x0, v5  }
0xce: {  	[tilespmem:$0x0] =	vst v3;
	v3 =	vmin.u32 v5, $0x3FFF  }
0xcf: {  	[tilespmem:$0x10] =	vst v3  }
0xd0: {  	[tilespmem:s21], [sflag:$0x1] =	stream.indirect_vreg.gather [hbm4b:s1+s13], $0x80, v6, vm0, $0xb8;
	[tilespmem:$0x9080] =	vst v63  }
0xd1: {  	s22 =	simm.s32 $0x1880;
	v3 =	vperm.xlane v4, v2  }
0xd2: {  	[tilespmem:s22], [sflag:$0x1] =	stream.indirect_vreg.gather [hbm4b:s6+s13], $0x80, v6, vm0, $0xb8;
	[tilespmem:$0x9080] =	vst v63  }
0xd3: {  	v3 =	vadd.s32 v1, v3  }
0xd4: {  	[tilespmem:s23], [sflag:$0x1] =	stream.indirect_vreg.gather [hbm4b:s7+s13], $0x80, v6, vm0, $0xb8;
	[tilespmem:$0x9080] =	vst v63  }
0xd5: {  	_ = 	snop  }
0xd6: {  	[tilespmem:s24], [sflag:$0x1] =	stream.indirect_vreg.gather [hbm4b:s8+s13], $0x80, v6, vm0, $0xb8;
	[tilespmem:$0x9080] =	vst v63  }
0xd7: {  	_ = 	snop  }
0xd8: {  	[tilespmem:s25], [sflag:$0x1] =	stream.indirect_vreg.gather [hbm4b:s1+s13], $0x80, v3, vm0, $0xb8;
	[tilespmem:$0x9080] =	vst v63  }
0xd9: {  	_ = 	snop  }
0xda: {  	[tilespmem:s26], [sflag:$0x1] =	stream.indirect_vreg.gather [hbm4b:s6+s13], $0x80, v3, vm0, $0xb8;
	[tilespmem:$0x9080] =	vst v63  }
0xdb: {  	_ = 	snop  }
0xdc: {  	[tilespmem:s28], [sflag:$0x1] =	stream.indirect_vreg.gather [hbm4b:s7+s13], $0x80, v3, vm0, $0xb8;
	[tilespmem:$0x9080] =	vst v63  }
0xdd: {  	_ = 	snop  }
0xde: {  	[tilespmem:s29], [sflag:$0x1] =	stream.indirect_vreg.gather [hbm4b:s8+s13], $0x80, v3, vm0, $0xb8;
	[tilespmem:$0x9080] =	vst v63  }
0xdf: {  	v3 =	vld [tilespmem:$0x10];
	_ =	sdelay $0x4  }
0xe0: {  	v63 =	vshll.u32 v3, $0x3  }
0xe1: {  	v3 =	vand.u32 $0x7, v3;
	v4 =	vand.u32 $0xFFFFFFC0, v63  }
0xe2: {  	v3 =	vor.u32 v3, v4  }
0xe3: {  	v4 =	vperm.xlane v3, v0;
	_ =	sdelay $0x1  }
0xe4: {  	v4 =	vadd.s32 v1, v4;
	_ =	sdelay $0x4  }
0xe5: {  	[tilespmem:s30], [sflag:$0x1] =	stream.indirect_vreg.gather [hbm4b:s1+s13], $0x80, v4, vm0, $0xb8;
	[tilespmem:$0x9080] =	vst v63  }
0xe6: {  	v3 =	vperm.xlane v3, v2  }
0xe7: {  	[tilespmem:s31], [sflag:$0x1] =	stream.indirect_vreg.gather [hbm4b:s6+s13], $0x80, v4, vm0, $0xb8;
	[tilespmem:$0x9080] =	vst v63  }
0xe8: {  	v3 =	vadd.s32 v1, v3  }
0xe9: {  	[tilespmem:s0], [sflag:$0x1] =	stream.indirect_vreg.gather [hbm4b:s7+s13], $0x80, v4, vm0, $0xb8;
	[tilespmem:$0x9080] =	vst v63  }
0xea: {  	_ = 	snop  }
0xeb: {  	[tilespmem:s3], [sflag:$0x1] =	stream.indirect_vreg.gather [hbm4b:s8+s13], $0x80, v4, vm0, $0xb8;
	[tilespmem:$0x9080] =	vst v63  }
0xec: {  	_ = 	snop  }
0xed: {  	[tilespmem:s4], [sflag:$0x1] =	stream.indirect_vreg.gather [hbm4b:s1+s13], $0x80, v3, vm0, $0xb8;
	[tilespmem:$0x9080] =	vst v63  }
0xee: {  	_ = 	snop  }
0xef: {  	[tilespmem:s5], [sflag:$0x1] =	stream.indirect_vreg.gather [hbm4b:s6+s13], $0x80, v3, vm0, $0xb8;
	[tilespmem:$0x9080] =	vst v63  }
0xf0: {  	_ = 	snop  }
0xf1: {  	[tilespmem:s9], [sflag:$0x1] =	stream.indirect_vreg.gather [hbm4b:s7+s13], $0x80, v3, vm0, $0xb8;
	[tilespmem:$0x9080] =	vst v63  }
0xf2: {  	_ = 	snop  }
0xf3: {  	[tilespmem:s10], [sflag:$0x1] =	stream.indirect_vreg.gather [hbm4b:s8+s13], $0x80, v3, vm0, $0xb8;
	[tilespmem:$0x9080] =	vst v63  }
0xf4: {  	_ =	swait.ge [sflag:s11], $0x8000  }
0xf5: {  	s16 =	simm.s32 $0x0;
	[sflag:s11] =	ssyncset.done $0x0  }
0xf6: {  	s17 =	simm.s32 $0x0;
	s15 =	simm.s32 $0xFFFF8000;
	[sflag:s11] =	ssyncadd.s32 $0xFFFF8000  }
.LBB2_4:
0xf7: {  	s18 =	sadd.s32 $0x8000, s15  }
0xf8: {  	s19 =	sand.u32 $0x380, s17;
	s18 =	sand.u32 $0x6000, s18  }
0xf9: {  	v3 =	vld [tilespmem:s14+$0x0];
	s18 =	sor.u32 s19, s18  }
0xfa: {  	v4 =	vld [tilespmem:s18+$0x1080]  }
0xfb: {  	v5 =	vld [tilespmem:s18+$0x1090]  }
0xfc: {  	v6 =	vld [tilespmem:s18+$0x10A0]  }
0xfd: {  	v7 =	vld [tilespmem:s18+$0x10B0]  }
0xfe: {  	v8 =	vld [tilespmem:s18+$0x10D0]  }
0xff: {  	v9 =	vld [tilespmem:s18+$0x10E0];
	v4 =	vmul.f32 v4, v3  }
0x100: {  	v10 =	vld [tilespmem:s18+$0x10F0];
	v5 =	vmul.f32 v5, v3  }
0x101: {  	v19 =	vld [tilespmem:s18+$0x1480];
	v18 =	vmul.f32 v6, v3;
	[tilespmem:s18+$0x1080] =	vst v4  }
0x102: {  	v21 =	vld [tilespmem:s18+$0x1490];
	v20 =	vmul.f32 v7, v3;
	[tilespmem:s18+$0x1090] =	vst v5  }
0x103: {  	v23 =	vld [tilespmem:s18+$0x14A0];
	v22 =	vmul.f32 v8, v3;
	[tilespmem:s18+$0x10A0] =	vst v18  }
0x104: {  	v25 =	vld [tilespmem:s18+$0x14B0];
	v24 =	vmul.f32 v9, v3;
	[tilespmem:s18+$0x10B0] =	vst v20  }
0x105: {  	v27 =	vld [tilespmem:s18+$0x14D0];
	v26 =	vmul.f32 v10, v3;
	[tilespmem:s18+$0x10D0] =	vst v22  }
0x106: {  	v29 =	vld [tilespmem:s18+$0x14E0];
	v28 =	vmul.f32 v19, v3;
	[tilespmem:s18+$0x10E0] =	vst v24  }
0x107: {  	v31 =	vld [tilespmem:s18+$0x14F0];
	v30 =	vmul.f32 v21, v3;
	[tilespmem:s18+$0x10F0] =	vst v26  }
0x108: {  	v33 =	vld [tilespmem:s18+$0x1880];
	v32 =	vmul.f32 v23, v3;
	[tilespmem:s18+$0x1480] =	vst v28  }
0x109: {  	v35 =	vld [tilespmem:s18+$0x1890];
	v34 =	vmul.f32 v25, v3;
	[tilespmem:s18+$0x1490] =	vst v30  }
0x10a: {  	v37 =	vld [tilespmem:s18+$0x18A0];
	v36 =	vmul.f32 v27, v3;
	[tilespmem:s18+$0x14A0] =	vst v32  }
0x10b: {  	v39 =	vld [tilespmem:s18+$0x18B0];
	v38 =	vmul.f32 v29, v3;
	[tilespmem:s18+$0x14B0] =	vst v34  }
0x10c: {  	v41 =	vld [tilespmem:s18+$0x18D0];
	v40 =	vmul.f32 v31, v3;
	[tilespmem:s18+$0x14D0] =	vst v36  }
0x10d: {  	v43 =	vld [tilespmem:s18+$0x18E0];
	v42 =	vmul.f32 v33, v3;
	[tilespmem:s18+$0x14E0] =	vst v38  }
0x10e: {  	v45 =	vld [tilespmem:s18+$0x18F0];
	v44 =	vmul.f32 v35, v3;
	[tilespmem:s18+$0x14F0] =	vst v40  }
0x10f: {  	v47 =	vld [tilespmem:s18+$0x1C80];
	v46 =	vmul.f32 v37, v3;
	[tilespmem:s18+$0x1880] =	vst v42  }
0x110: {  	v49 =	vld [tilespmem:s18+$0x1C90];
	v48 =	vmul.f32 v39, v3;
	[tilespmem:s18+$0x1890] =	vst v44  }
0x111: {  	v51 =	vld [tilespmem:s18+$0x1CA0];
	v50 =	vmul.f32 v41, v3;
	[tilespmem:s18+$0x18A0] =	vst v46  }
0x112: {  	v53 =	vld [tilespmem:s18+$0x1CB0];
	v52 =	vmul.f32 v43, v3;
	[tilespmem:s18+$0x18B0] =	vst v48  }
0x113: {  	v55 =	vld [tilespmem:s18+$0x1CD0];
	v54 =	vmul.f32 v45, v3;
	[tilespmem:s18+$0x18D0] =	vst v50  }
0x114: {  	v57 =	vld [tilespmem:s18+$0x1CE0];
	v56 =	vmul.f32 v47, v3;
	[tilespmem:s18+$0x18E0] =	vst v52  }
0x115: {  	v59 =	vld [tilespmem:s18+$0x1CF0];
	v58 =	vmul.f32 v49, v3;
	[tilespmem:s18+$0x18F0] =	vst v54  }
0x116: {  	v61 =	vld [tilespmem:s18+$0x2080];
	v60 =	vmul.f32 v51, v3;
	[tilespmem:s18+$0x1C80] =	vst v56  }
0x117: {  	v63 =	vld [tilespmem:s18+$0x2090];
	v62 =	vmul.f32 v53, v3;
	[tilespmem:s18+$0x1C90] =	vst v58  }
0x118: {  	v13 =	vld [tilespmem:s18+$0x20A0];
	v12 =	vmul.f32 v55, v3;
	[tilespmem:s18+$0x1CA0] =	vst v60  }
0x119: {  	v15 =	vld [tilespmem:s18+$0x20B0];
	v14 =	vmul.f32 v57, v3;
	[tilespmem:s18+$0x1CB0] =	vst v62  }
0x11a: {  	v17 =	vld [tilespmem:s18+$0x20D0];
	v16 =	vmul.f32 v59, v3;
	[tilespmem:s18+$0x1CD0] =	vst v12  }
0x11b: {  	v19 =	vld [tilespmem:s18+$0x20E0];
	[tilespmem:s18+$0x1CE0] =	vst v14;
	v18 =	vmul.f32 v61, v3  }
0x11c: {  	v21 =	vld [tilespmem:s18+$0x20F0];
	[tilespmem:s18+$0x1CF0] =	vst v16;
	v20 =	vmul.f32 v63, v3  }
0x11d: {  	v23 =	vld [tilespmem:s18+$0x2480];
	v22 =	vmul.f32 v13, v3;
	[tilespmem:s18+$0x2080] =	vst v18  }
0x11e: {  	v25 =	vld [tilespmem:s18+$0x2490];
	v24 =	vmul.f32 v15, v3;
	[tilespmem:s18+$0x2090] =	vst v20  }
0x11f: {  	v27 =	vld [tilespmem:s18+$0x24A0];
	v26 =	vmul.f32 v17, v3;
	[tilespmem:s18+$0x20A0] =	vst v22  }
0x120: {  	v29 =	vld [tilespmem:s18+$0x24B0];
	[tilespmem:s18+$0x20B0] =	vst v24;
	v28 =	vmul.f32 v19, v3  }
0x121: {  	v31 =	vld [tilespmem:s18+$0x24D0];
	[tilespmem:s18+$0x20D0] =	vst v26;
	v30 =	vmul.f32 v21, v3  }
0x122: {  	v33 =	vld [tilespmem:s18+$0x24E0];
	v32 =	vmul.f32 v23, v3;
	[tilespmem:s18+$0x20E0] =	vst v28  }
0x123: {  	v35 =	vld [tilespmem:s18+$0x24F0];
	v34 =	vmul.f32 v25, v3;
	[tilespmem:s18+$0x20F0] =	vst v30  }
0x124: {  	v37 =	vld [tilespmem:s18+$0x2880];
	v36 =	vmul.f32 v27, v3;
	[tilespmem:s18+$0x2480] =	vst v32  }
0x125: {  	v39 =	vld [tilespmem:s18+$0x2890];
	v38 =	vmul.f32 v29, v3;
	[tilespmem:s18+$0x2490] =	vst v34  }
0x126: {  	v41 =	vld [tilespmem:s18+$0x28A0];
	v40 =	vmul.f32 v31, v3;
	[tilespmem:s18+$0x24A0] =	vst v36  }
0x127: {  	v43 =	vld [tilespmem:s18+$0x28B0];
	v42 =	vmul.f32 v33, v3;
	[tilespmem:s18+$0x24B0] =	vst v38  }
0x128: {  	v45 =	vld [tilespmem:s18+$0x28D0];
	v44 =	vmul.f32 v35, v3;
	[tilespmem:s18+$0x24D0] =	vst v40  }
0x129: {  	v47 =	vld [tilespmem:s18+$0x28E0];
	v46 =	vmul.f32 v37, v3;
	[tilespmem:s18+$0x24E0] =	vst v42  }
0x12a: {  	v49 =	vld [tilespmem:s18+$0x28F0];
	v48 =	vmul.f32 v39, v3;
	[tilespmem:s18+$0x24F0] =	vst v44  }
0x12b: {  	v51 =	vld [tilespmem:s18+$0x14C0];
	v8 =	vmul.f32 v41, v3;
	[tilespmem:s18+$0x2880] =	vst v46  }
0x12c: {  	v53 =	vld [tilespmem:s18+$0x1CC0];
	v9 =	vmul.f32 v43, v3;
	[tilespmem:s18+$0x2890] =	vst v48  }
0x12d: {  	v55 =	vld [tilespmem:s18+$0x24C0];
	v10 =	vmul.f32 v45, v3;
	[tilespmem:s18+$0x28A0] =	vst v8  }
0x12e: {  	s22 =	sand.u32 $0x7, s13;
	v50 =	vld [tilespmem:s18+$0x10C0];
	v6 =	vmul.f32 v47, v3;
	[tilespmem:s18+$0x28B0] =	vst v9  }
0x12f: {  	s19 =	sshll.u32 s22, $0x7;
	v52 =	vld [tilespmem:s18+$0x18C0];
	v7 =	vmul.f32 v49, v3;
	[tilespmem:s18+$0x28D0] =	vst v10  }
0x130: {  	s19 =	sadd.s32 s19, s16;
	v54 =	vld [tilespmem:s18+$0x20C0];
	v5 =	vmul.f32 v51, v3;
	[tilespmem:s18+$0x28E0] =	vst v6  }
0x131: {  	s22 =	sor.u32 $0x1C00, s19;
	v56 =	vld [tilespmem:s18+$0x28C0];
	v59 =	vmul.f32 v53, v3;
	[tilespmem:s18+$0x28F0] =	vst v7  }
0x132: {  	v61 =	vmul.f32 v55, v3;
	[tilespmem:s18+$0x14C0] =	vst v5;
	v58 =	vld [tilespmem:s22+$0x1080]  }
0x133: {  	v4 =	vmul.f32 v50, v3;
	[tilespmem:s18+$0x1CC0] =	vst v59  }
0x134: {  	v57 =	vmul.f32 v52, v3;
	[tilespmem:s18+$0x24C0] =	vst v61  }
0x135: {  	v60 =	vmul.f32 v54, v3;
	[tilespmem:s18+$0x10C0] =	vst v4  }
0x136: {  	v62 =	vmul.f32 v56, v3;
	[tilespmem:s18+$0x18C0] =	vst v57  }
0x137: {  	[tilespmem:s18+$0x20C0] =	vst v60;
	v63 =	vmul.f32 v58, v3  }
0x138: {  	[tilespmem:s18+$0x28C0] =	vst v62  }
0x139: {  	[tilespmem:s22+$0x1080] =	vst v63;
	s22 =	sor.u32 $0x1C10, s19  }
0x13a: {  	v4 =	vld [tilespmem:s22+$0x1080];
	_ =	sdelay $0x4  }
0x13b: {  	v4 =	vmul.f32 v4, v3;
	_ =	sdelay $0x1  }
0x13c: {  	[tilespmem:s22+$0x1080] =	vst v4;
	s22 =	sor.u32 $0x1C20, s19  }
0x13d: {  	v4 =	vld [tilespmem:s22+$0x1080];
	_ =	sdelay $0x4  }
0x13e: {  	v4 =	vmul.f32 v4, v3;
	_ =	sdelay $0x1  }
0x13f: {  	[tilespmem:s22+$0x1080] =	vst v4;
	s22 =	sor.u32 $0x1C30, s19  }
0x140: {  	v4 =	vld [tilespmem:s22+$0x1080];
	_ =	sdelay $0x4  }
0x141: {  	v4 =	vmul.f32 v4, v3;
	_ =	sdelay $0x1  }
0x142: {  	[tilespmem:s22+$0x1080] =	vst v4;
	s22 =	sor.u32 $0x1C40, s19  }
0x143: {  	v4 =	vld [tilespmem:s22+$0x1080];
	_ =	sdelay $0x4  }
0x144: {  	v4 =	vmul.f32 v4, v3;
	_ =	sdelay $0x1  }
0x145: {  	[tilespmem:s22+$0x1080] =	vst v4;
	s22 =	sor.u32 $0x1C50, s19  }
0x146: {  	v4 =	vld [tilespmem:s22+$0x1080];
	_ =	sdelay $0x4  }
0x147: {  	v4 =	vmul.f32 v4, v3;
	_ =	sdelay $0x1  }
0x148: {  	[tilespmem:s22+$0x1080] =	vst v4;
	s22 =	sor.u32 $0x1C60, s19  }
0x149: {  	v4 =	vld [tilespmem:s22+$0x1080];
	_ =	sdelay $0x4  }
0x14a: {  	v4 =	vmul.f32 v4, v3;
	_ =	sdelay $0x1  }
0x14b: {  	[tilespmem:s22+$0x1080] =	vst v4;
	s22 =	sor.u32 $0x1C70, s19  }
0x14c: {  	v4 =	vld [tilespmem:s22+$0x1080];
	_ =	sdelay $0x1  }
0x14d: {  	p0 =	sne.s32 s17, $0xF80  }
.Ltmp1:
0x14e: {  	_ = 	snop;
	(pc) =	sbr.rel @p0 .LBB2_4-.Ltmp1, $4  }
0x14f: {  	_ = 	snop  }
0x150: {  	v3 =	vmul.f32 v4, v3  }
0x151: {  	s13 =	sadd.s32 $0x1, s13;
	s15 =	sadd.s32 $0x400, s15  }
0x152: {  	s14 =	sadd.s32 $0x80, s14;
	s17 =	sadd.s32 $0x80, s17;
	s16 =	sadd.s32 $0x400, s16;
	[tilespmem:s22+$0x1080] =	vst v3  }
0x153: {  	s13 =	simm.s32 $0x0;
	s14 =	rddreg [dreg:$0x9]  }
0x154: {  	[hbm4b:s14+s13] =	stream.linear.scatter [tilespmem:s21], [sflag:$0x2], $0x8000, $0x38;
	[tilespmem:$0x9080] =	vst v63  }
0x155: {  	_ =	swait.ge [sflag:s20], $0x8000  }
0x156: {  	[sflag:s20] =	ssyncset.done $0x0  }
0x157: {  	s19 =	rddreg [dreg:$0xa];
	[sflag:s20] =	ssyncadd.s32 $0xFFFF8000  }
0x158: {  	[tilespmem:s13], [sflag:$0x2] =	stream.linear.gather [hbm4b:s19+s13], $0x20, $0x38;
	[tilespmem:$0x9080] =	vst v63  }
0x159: {  	_ =	swait.ge [sflag:s20], $0x20  }
0x15a: {  	[sflag:s20] =	ssyncset.done $0x0  }
0x15b: {  	s14 =	simm.s32 $0x80;
	s15 =	rddreg [dreg:$0xb];
	[sflag:s20] =	ssyncadd.s32 $0xFFFFFFE0  }
0x15c: {  	[tilespmem:s14], [sflag:$0x2] =	stream.linear.gather [hbm4b:s15+s13], $0x1000, $0x38;
	[tilespmem:$0x9080] =	vst v63  }
0x15d: {  	_ =	swait.ge [sflag:s20], $0x1000  }
0x15e: {  	[sflag:s20] =	ssyncset.done $0x0  }
0x15f: {  	[sflag:s20] =	ssyncadd.s32 $0xFFFFF000  }
0x160: {  	v3 =	vld [tilespmem:$0x0];
	_ =	sdelay $0x4  }
0x161: {  	vm1 =	vgt.s32 v3, $0x0  }
0x162: {  	v3 =	vnsel vm1, $0x0, v3  }
0x163: {  	v3 =	vmin.u32 v3, $0x3FFF  }
0x164: {  	v4 =	vshll.u32 v3, $0x3  }
0x165: {  	v5 =	vld [tilespmem:$0x10];
	v6 =	vand.u32 $0x7, v3;
	v4 =	vand.u32 $0x1FFC0, v4  }
0x166: {  	v4 =	vor.u32 v6, v4  }
0x167: {  	v6 =	vperm.xlane v4, v0;
	_ =	sdelay $0x1  }
0x168: {  	v6 =	vadd.s32 v1, v6  }
0x169: {  	vm1 =	vgt.s32 v5, $0x0  }
0x16a: {  	v5 =	vnsel vm1, $0x0, v5  }
0x16b: {  	[tilespmem:$0x0] =	vst v3;
	v3 =	vmin.u32 v5, $0x3FFF  }
0x16c: {  	[tilespmem:$0x10] =	vst v3  }
0x16d: {  	[tilespmem:s21], [sflag:$0x1] =	stream.indirect_vreg.gather [hbm4b:s1+s13], $0x80, v6, vm0, $0xb8;
	[tilespmem:$0x9080] =	vst v63  }
0x16e: {  	s22 =	simm.s32 $0x1880;
	v3 =	vperm.xlane v4, v2  }
0x16f: {  	[tilespmem:s22], [sflag:$0x1] =	stream.indirect_vreg.gather [hbm4b:s6+s13], $0x80, v6, vm0, $0xb8;
	[tilespmem:$0x9080] =	vst v63  }
0x170: {  	v3 =	vadd.s32 v1, v3  }
0x171: {  	[tilespmem:s23], [sflag:$0x1] =	stream.indirect_vreg.gather [hbm4b:s7+s13], $0x80, v6, vm0, $0xb8;
	[tilespmem:$0x9080] =	vst v63  }
0x172: {  	_ = 	snop  }
0x173: {  	[tilespmem:s24], [sflag:$0x1] =	stream.indirect_vreg.gather [hbm4b:s8+s13], $0x80, v6, vm0, $0xb8;
	[tilespmem:$0x9080] =	vst v63  }
0x174: {  	_ = 	snop  }
0x175: {  	[tilespmem:s25], [sflag:$0x1] =	stream.indirect_vreg.gather [hbm4b:s1+s13], $0x80, v3, vm0, $0xb8;
	[tilespmem:$0x9080] =	vst v63  }
0x176: {  	_ = 	snop  }
0x177: {  	[tilespmem:s26], [sflag:$0x1] =	stream.indirect_vreg.gather [hbm4b:s6+s13], $0x80, v3, vm0, $0xb8;
	[tilespmem:$0x9080] =	vst v63  }
0x178: {  	_ = 	snop  }
0x179: {  	[tilespmem:s28], [sflag:$0x1] =	stream.indirect_vreg.gather [hbm4b:s7+s13], $0x80, v3, vm0, $0xb8;
	[tilespmem:$0x9080] =	vst v63  }
0x17a: {  	_ = 	snop  }
0x17b: {  	[tilespmem:s29], [sflag:$0x1] =	stream.indirect_vreg.gather [hbm4b:s8+s13], $0x80, v3, vm0, $0xb8;
	[tilespmem:$0x9080] =	vst v63  }
0x17c: {  	v3 =	vld [tilespmem:$0x10];
	_ =	sdelay $0x4  }
0x17d: {  	v63 =	vshll.u32 v3, $0x3  }
0x17e: {  	v3 =	vand.u32 $0x7, v3;
	v4 =	vand.u32 $0xFFFFFFC0, v63  }
0x17f: {  	v3 =	vor.u32 v3, v4  }
0x180: {  	v4 =	vperm.xlane v3, v0;
	_ =	sdelay $0x1  }
0x181: {  	v4 =	vadd.s32 v1, v4;
	_ =	sdelay $0x4  }
0x182: {  	[tilespmem:s30], [sflag:$0x1] =	stream.indirect_vreg.gather [hbm4b:s1+s13], $0x80, v4, vm0, $0xb8;
	[tilespmem:$0x9080] =	vst v63  }
0x183: {  	v3 =	vperm.xlane v3, v2  }
0x184: {  	[tilespmem:s31], [sflag:$0x1] =	stream.indirect_vreg.gather [hbm4b:s6+s13], $0x80, v4, vm0, $0xb8;
	[tilespmem:$0x9080] =	vst v63  }
0x185: {  	v3 =	vadd.s32 v1, v3  }
0x186: {  	[tilespmem:s0], [sflag:$0x1] =	stream.indirect_vreg.gather [hbm4b:s7+s13], $0x80, v4, vm0, $0xb8;
	[tilespmem:$0x9080] =	vst v63  }
0x187: {  	_ = 	snop  }
0x188: {  	[tilespmem:s3], [sflag:$0x1] =	stream.indirect_vreg.gather [hbm4b:s8+s13], $0x80, v4, vm0, $0xb8;
	[tilespmem:$0x9080] =	vst v63  }
0x189: {  	_ = 	snop  }
0x18a: {  	[tilespmem:s4], [sflag:$0x1] =	stream.indirect_vreg.gather [hbm4b:s1+s13], $0x80, v3, vm0, $0xb8;
	[tilespmem:$0x9080] =	vst v63  }
0x18b: {  	_ = 	snop  }
0x18c: {  	[tilespmem:s5], [sflag:$0x1] =	stream.indirect_vreg.gather [hbm4b:s6+s13], $0x80, v3, vm0, $0xb8;
	[tilespmem:$0x9080] =	vst v63  }
0x18d: {  	_ = 	snop  }
0x18e: {  	[tilespmem:s9], [sflag:$0x1] =	stream.indirect_vreg.gather [hbm4b:s7+s13], $0x80, v3, vm0, $0xb8;
	[tilespmem:$0x9080] =	vst v63  }
0x18f: {  	_ = 	snop  }
0x190: {  	[tilespmem:s10], [sflag:$0x1] =	stream.indirect_vreg.gather [hbm4b:s8+s13], $0x80, v3, vm0, $0xb8;
	[tilespmem:$0x9080] =	vst v63  }
0x191: {  	_ =	swait.ge [sflag:s11], $0x8000  }
0x192: {  	s16 =	simm.s32 $0x0;
	[sflag:s11] =	ssyncset.done $0x0  }
0x193: {  	s17 =	simm.s32 $0x0;
	s15 =	simm.s32 $0xFFFF8000;
	[sflag:s11] =	ssyncadd.s32 $0xFFFF8000  }
.LBB2_6:
0x194: {  	s18 =	sadd.s32 $0x8000, s15  }
0x195: {  	s19 =	sand.u32 $0x380, s17;
	s18 =	sand.u32 $0x6000, s18  }
0x196: {  	v3 =	vld [tilespmem:s14+$0x0];
	s18 =	sor.u32 s19, s18  }
0x197: {  	v4 =	vld [tilespmem:s18+$0x1080]  }
0x198: {  	v5 =	vld [tilespmem:s18+$0x1090]  }
0x199: {  	v6 =	vld [tilespmem:s18+$0x10A0]  }
0x19a: {  	v7 =	vld [tilespmem:s18+$0x10B0]  }
0x19b: {  	v8 =	vld [tilespmem:s18+$0x10D0]  }
0x19c: {  	v9 =	vld [tilespmem:s18+$0x10E0];
	v4 =	vmul.f32 v4, v3  }
0x19d: {  	v10 =	vld [tilespmem:s18+$0x10F0];
	v5 =	vmul.f32 v5, v3  }
0x19e: {  	v19 =	vld [tilespmem:s18+$0x1480];
	v18 =	vmul.f32 v6, v3;
	[tilespmem:s18+$0x1080] =	vst v4  }
0x19f: {  	v21 =	vld [tilespmem:s18+$0x1490];
	v20 =	vmul.f32 v7, v3;
	[tilespmem:s18+$0x1090] =	vst v5  }
0x1a0: {  	v23 =	vld [tilespmem:s18+$0x14A0];
	v22 =	vmul.f32 v8, v3;
	[tilespmem:s18+$0x10A0] =	vst v18  }
0x1a1: {  	v25 =	vld [tilespmem:s18+$0x14B0];
	v24 =	vmul.f32 v9, v3;
	[tilespmem:s18+$0x10B0] =	vst v20  }
0x1a2: {  	v27 =	vld [tilespmem:s18+$0x14D0];
	v26 =	vmul.f32 v10, v3;
	[tilespmem:s18+$0x10D0] =	vst v22  }
0x1a3: {  	v29 =	vld [tilespmem:s18+$0x14E0];
	v28 =	vmul.f32 v19, v3;
	[tilespmem:s18+$0x10E0] =	vst v24  }
0x1a4: {  	v31 =	vld [tilespmem:s18+$0x14F0];
	v30 =	vmul.f32 v21, v3;
	[tilespmem:s18+$0x10F0] =	vst v26  }
0x1a5: {  	v33 =	vld [tilespmem:s18+$0x1880];
	v32 =	vmul.f32 v23, v3;
	[tilespmem:s18+$0x1480] =	vst v28  }
0x1a6: {  	v35 =	vld [tilespmem:s18+$0x1890];
	v34 =	vmul.f32 v25, v3;
	[tilespmem:s18+$0x1490] =	vst v30  }
0x1a7: {  	v37 =	vld [tilespmem:s18+$0x18A0];
	v36 =	vmul.f32 v27, v3;
	[tilespmem:s18+$0x14A0] =	vst v32  }
0x1a8: {  	v39 =	vld [tilespmem:s18+$0x18B0];
	v38 =	vmul.f32 v29, v3;
	[tilespmem:s18+$0x14B0] =	vst v34  }
0x1a9: {  	v41 =	vld [tilespmem:s18+$0x18D0];
	v40 =	vmul.f32 v31, v3;
	[tilespmem:s18+$0x14D0] =	vst v36  }
0x1aa: {  	v43 =	vld [tilespmem:s18+$0x18E0];
	v42 =	vmul.f32 v33, v3;
	[tilespmem:s18+$0x14E0] =	vst v38  }
0x1ab: {  	v45 =	vld [tilespmem:s18+$0x18F0];
	v44 =	vmul.f32 v35, v3;
	[tilespmem:s18+$0x14F0] =	vst v40  }
0x1ac: {  	v47 =	vld [tilespmem:s18+$0x1C80];
	v46 =	vmul.f32 v37, v3;
	[tilespmem:s18+$0x1880] =	vst v42  }
0x1ad: {  	v49 =	vld [tilespmem:s18+$0x1C90];
	v48 =	vmul.f32 v39, v3;
	[tilespmem:s18+$0x1890] =	vst v44  }
0x1ae: {  	v51 =	vld [tilespmem:s18+$0x1CA0];
	v50 =	vmul.f32 v41, v3;
	[tilespmem:s18+$0x18A0] =	vst v46  }
0x1af: {  	v53 =	vld [tilespmem:s18+$0x1CB0];
	v52 =	vmul.f32 v43, v3;
	[tilespmem:s18+$0x18B0] =	vst v48  }
0x1b0: {  	v55 =	vld [tilespmem:s18+$0x1CD0];
	v54 =	vmul.f32 v45, v3;
	[tilespmem:s18+$0x18D0] =	vst v50  }
0x1b1: {  	v57 =	vld [tilespmem:s18+$0x1CE0];
	v56 =	vmul.f32 v47, v3;
	[tilespmem:s18+$0x18E0] =	vst v52  }
0x1b2: {  	v59 =	vld [tilespmem:s18+$0x1CF0];
	v58 =	vmul.f32 v49, v3;
	[tilespmem:s18+$0x18F0] =	vst v54  }
0x1b3: {  	v61 =	vld [tilespmem:s18+$0x2080];
	v60 =	vmul.f32 v51, v3;
	[tilespmem:s18+$0x1C80] =	vst v56  }
0x1b4: {  	v63 =	vld [tilespmem:s18+$0x2090];
	v62 =	vmul.f32 v53, v3;
	[tilespmem:s18+$0x1C90] =	vst v58  }
0x1b5: {  	v13 =	vld [tilespmem:s18+$0x20A0];
	v12 =	vmul.f32 v55, v3;
	[tilespmem:s18+$0x1CA0] =	vst v60  }
0x1b6: {  	v15 =	vld [tilespmem:s18+$0x20B0];
	v14 =	vmul.f32 v57, v3;
	[tilespmem:s18+$0x1CB0] =	vst v62  }
0x1b7: {  	v17 =	vld [tilespmem:s18+$0x20D0];
	v16 =	vmul.f32 v59, v3;
	[tilespmem:s18+$0x1CD0] =	vst v12  }
0x1b8: {  	v19 =	vld [tilespmem:s18+$0x20E0];
	[tilespmem:s18+$0x1CE0] =	vst v14;
	v18 =	vmul.f32 v61, v3  }
0x1b9: {  	v21 =	vld [tilespmem:s18+$0x20F0];
	[tilespmem:s18+$0x1CF0] =	vst v16;
	v20 =	vmul.f32 v63, v3  }
0x1ba: {  	v23 =	vld [tilespmem:s18+$0x2480];
	v22 =	vmul.f32 v13, v3;
	[tilespmem:s18+$0x2080] =	vst v18  }
0x1bb: {  	v25 =	vld [tilespmem:s18+$0x2490];
	v24 =	vmul.f32 v15, v3;
	[tilespmem:s18+$0x2090] =	vst v20  }
0x1bc: {  	v27 =	vld [tilespmem:s18+$0x24A0];
	v26 =	vmul.f32 v17, v3;
	[tilespmem:s18+$0x20A0] =	vst v22  }
0x1bd: {  	v29 =	vld [tilespmem:s18+$0x24B0];
	[tilespmem:s18+$0x20B0] =	vst v24;
	v28 =	vmul.f32 v19, v3  }
0x1be: {  	v31 =	vld [tilespmem:s18+$0x24D0];
	[tilespmem:s18+$0x20D0] =	vst v26;
	v30 =	vmul.f32 v21, v3  }
0x1bf: {  	v33 =	vld [tilespmem:s18+$0x24E0];
	v32 =	vmul.f32 v23, v3;
	[tilespmem:s18+$0x20E0] =	vst v28  }
0x1c0: {  	v35 =	vld [tilespmem:s18+$0x24F0];
	v34 =	vmul.f32 v25, v3;
	[tilespmem:s18+$0x20F0] =	vst v30  }
0x1c1: {  	v37 =	vld [tilespmem:s18+$0x2880];
	v36 =	vmul.f32 v27, v3;
	[tilespmem:s18+$0x2480] =	vst v32  }
0x1c2: {  	v39 =	vld [tilespmem:s18+$0x2890];
	v38 =	vmul.f32 v29, v3;
	[tilespmem:s18+$0x2490] =	vst v34  }
0x1c3: {  	v41 =	vld [tilespmem:s18+$0x28A0];
	v40 =	vmul.f32 v31, v3;
	[tilespmem:s18+$0x24A0] =	vst v36  }
0x1c4: {  	v43 =	vld [tilespmem:s18+$0x28B0];
	v42 =	vmul.f32 v33, v3;
	[tilespmem:s18+$0x24B0] =	vst v38  }
0x1c5: {  	v45 =	vld [tilespmem:s18+$0x28D0];
	v44 =	vmul.f32 v35, v3;
	[tilespmem:s18+$0x24D0] =	vst v40  }
0x1c6: {  	v47 =	vld [tilespmem:s18+$0x28E0];
	v46 =	vmul.f32 v37, v3;
	[tilespmem:s18+$0x24E0] =	vst v42  }
0x1c7: {  	v49 =	vld [tilespmem:s18+$0x28F0];
	v48 =	vmul.f32 v39, v3;
	[tilespmem:s18+$0x24F0] =	vst v44  }
0x1c8: {  	v51 =	vld [tilespmem:s18+$0x14C0];
	v8 =	vmul.f32 v41, v3;
	[tilespmem:s18+$0x2880] =	vst v46  }
0x1c9: {  	v53 =	vld [tilespmem:s18+$0x1CC0];
	v9 =	vmul.f32 v43, v3;
	[tilespmem:s18+$0x2890] =	vst v48  }
0x1ca: {  	v55 =	vld [tilespmem:s18+$0x24C0];
	v10 =	vmul.f32 v45, v3;
	[tilespmem:s18+$0x28A0] =	vst v8  }
0x1cb: {  	s22 =	sand.u32 $0x7, s13;
	v50 =	vld [tilespmem:s18+$0x10C0];
	v6 =	vmul.f32 v47, v3;
	[tilespmem:s18+$0x28B0] =	vst v9  }
0x1cc: {  	s19 =	sshll.u32 s22, $0x7;
	v52 =	vld [tilespmem:s18+$0x18C0];
	v7 =	vmul.f32 v49, v3;
	[tilespmem:s18+$0x28D0] =	vst v10  }
0x1cd: {  	s19 =	sadd.s32 s19, s16;
	v54 =	vld [tilespmem:s18+$0x20C0];
	v5 =	vmul.f32 v51, v3;
	[tilespmem:s18+$0x28E0] =	vst v6  }
0x1ce: {  	s22 =	sor.u32 $0x1C00, s19;
	v56 =	vld [tilespmem:s18+$0x28C0];
	v59 =	vmul.f32 v53, v3;
	[tilespmem:s18+$0x28F0] =	vst v7  }
0x1cf: {  	v61 =	vmul.f32 v55, v3;
	[tilespmem:s18+$0x14C0] =	vst v5;
	v58 =	vld [tilespmem:s22+$0x1080]  }
0x1d0: {  	v4 =	vmul.f32 v50, v3;
	[tilespmem:s18+$0x1CC0] =	vst v59  }
0x1d1: {  	v57 =	vmul.f32 v52, v3;
	[tilespmem:s18+$0x24C0] =	vst v61  }
0x1d2: {  	v60 =	vmul.f32 v54, v3;
	[tilespmem:s18+$0x10C0] =	vst v4  }
0x1d3: {  	v62 =	vmul.f32 v56, v3;
	[tilespmem:s18+$0x18C0] =	vst v57  }
0x1d4: {  	[tilespmem:s18+$0x20C0] =	vst v60;
	v63 =	vmul.f32 v58, v3  }
0x1d5: {  	[tilespmem:s18+$0x28C0] =	vst v62  }
0x1d6: {  	[tilespmem:s22+$0x1080] =	vst v63;
	s22 =	sor.u32 $0x1C10, s19  }
0x1d7: {  	v4 =	vld [tilespmem:s22+$0x1080];
	_ =	sdelay $0x4  }
0x1d8: {  	v4 =	vmul.f32 v4, v3;
	_ =	sdelay $0x1  }
0x1d9: {  	[tilespmem:s22+$0x1080] =	vst v4;
	s22 =	sor.u32 $0x1C20, s19  }
0x1da: {  	v4 =	vld [tilespmem:s22+$0x1080];
	_ =	sdelay $0x4  }
0x1db: {  	v4 =	vmul.f32 v4, v3;
	_ =	sdelay $0x1  }
0x1dc: {  	[tilespmem:s22+$0x1080] =	vst v4;
	s22 =	sor.u32 $0x1C30, s19  }
0x1dd: {  	v4 =	vld [tilespmem:s22+$0x1080];
	_ =	sdelay $0x4  }
0x1de: {  	v4 =	vmul.f32 v4, v3;
	_ =	sdelay $0x1  }
0x1df: {  	[tilespmem:s22+$0x1080] =	vst v4;
	s22 =	sor.u32 $0x1C40, s19  }
0x1e0: {  	v4 =	vld [tilespmem:s22+$0x1080];
	_ =	sdelay $0x4  }
0x1e1: {  	v4 =	vmul.f32 v4, v3;
	_ =	sdelay $0x1  }
0x1e2: {  	[tilespmem:s22+$0x1080] =	vst v4;
	s22 =	sor.u32 $0x1C50, s19  }
0x1e3: {  	v4 =	vld [tilespmem:s22+$0x1080];
	_ =	sdelay $0x4  }
0x1e4: {  	v4 =	vmul.f32 v4, v3;
	_ =	sdelay $0x1  }
0x1e5: {  	[tilespmem:s22+$0x1080] =	vst v4;
	s22 =	sor.u32 $0x1C60, s19  }
0x1e6: {  	v4 =	vld [tilespmem:s22+$0x1080];
	_ =	sdelay $0x4  }
0x1e7: {  	v4 =	vmul.f32 v4, v3;
	_ =	sdelay $0x1  }
0x1e8: {  	[tilespmem:s22+$0x1080] =	vst v4;
	s22 =	sor.u32 $0x1C70, s19  }
0x1e9: {  	v4 =	vld [tilespmem:s22+$0x1080];
	_ =	sdelay $0x1  }
0x1ea: {  	p0 =	sne.s32 s17, $0xF80  }
.Ltmp2:
0x1eb: {  	_ = 	snop;
	(pc) =	sbr.rel @p0 .LBB2_6-.Ltmp2, $4  }
0x1ec: {  	_ = 	snop  }
0x1ed: {  	v3 =	vmul.f32 v4, v3  }
0x1ee: {  	s13 =	sadd.s32 $0x1, s13;
	s15 =	sadd.s32 $0x400, s15  }
0x1ef: {  	s14 =	sadd.s32 $0x80, s14;
	s17 =	sadd.s32 $0x80, s17;
	s16 =	sadd.s32 $0x400, s16;
	[tilespmem:s22+$0x1080] =	vst v3  }
0x1f0: {  	s13 =	simm.s32 $0x0;
	s14 =	rddreg [dreg:$0xc]  }
0x1f1: {  	[hbm4b:s14+s13] =	stream.linear.scatter [tilespmem:s21], [sflag:$0x2], $0x8000, $0x38;
	[tilespmem:$0x9080] =	vst v63  }
0x1f2: {  	_ =	swait.ge [sflag:s20], $0x8000  }
0x1f3: {  	[sflag:s20] =	ssyncset.done $0x0  }
0x1f4: {  	s19 =	rddreg [dreg:$0xd];
	[sflag:s20] =	ssyncadd.s32 $0xFFFF8000  }
0x1f5: {  	[tilespmem:s13], [sflag:$0x2] =	stream.linear.gather [hbm4b:s19+s13], $0x20, $0x38;
	[tilespmem:$0x9080] =	vst v63  }
0x1f6: {  	_ =	swait.ge [sflag:s20], $0x20  }
0x1f7: {  	[sflag:s20] =	ssyncset.done $0x0  }
0x1f8: {  	s14 =	simm.s32 $0x80;
	s15 =	rddreg [dreg:$0xe];
	[sflag:s20] =	ssyncadd.s32 $0xFFFFFFE0  }
0x1f9: {  	[tilespmem:s14], [sflag:$0x2] =	stream.linear.gather [hbm4b:s15+s13], $0x1000, $0x38;
	[tilespmem:$0x9080] =	vst v63  }
0x1fa: {  	_ =	swait.ge [sflag:s20], $0x1000  }
0x1fb: {  	[sflag:s20] =	ssyncset.done $0x0  }
0x1fc: {  	[sflag:s20] =	ssyncadd.s32 $0xFFFFF000  }
0x1fd: {  	v3 =	vld [tilespmem:$0x0];
	_ =	sdelay $0x4  }
0x1fe: {  	vm1 =	vgt.s32 v3, $0x0  }
0x1ff: {  	v3 =	vnsel vm1, $0x0, v3  }
0x200: {  	v3 =	vmin.u32 v3, $0x3FFF  }
0x201: {  	v4 =	vshll.u32 v3, $0x3  }
0x202: {  	v5 =	vld [tilespmem:$0x10];
	v6 =	vand.u32 $0x7, v3;
	v4 =	vand.u32 $0x1FFC0, v4  }
0x203: {  	v4 =	vor.u32 v6, v4  }
0x204: {  	v6 =	vperm.xlane v4, v0;
	_ =	sdelay $0x1  }
0x205: {  	v6 =	vadd.s32 v1, v6  }
0x206: {  	vm1 =	vgt.s32 v5, $0x0  }
0x207: {  	v5 =	vnsel vm1, $0x0, v5  }
0x208: {  	[tilespmem:$0x0] =	vst v3;
	v3 =	vmin.u32 v5, $0x3FFF  }
0x209: {  	[tilespmem:$0x10] =	vst v3  }
0x20a: {  	[tilespmem:s21], [sflag:$0x1] =	stream.indirect_vreg.gather [hbm4b:s1+s13], $0x80, v6, vm0, $0xb8;
	[tilespmem:$0x9080] =	vst v63  }
0x20b: {  	s22 =	simm.s32 $0x1880;
	v3 =	vperm.xlane v4, v2  }
0x20c: {  	[tilespmem:s22], [sflag:$0x1] =	stream.indirect_vreg.gather [hbm4b:s6+s13], $0x80, v6, vm0, $0xb8;
	[tilespmem:$0x9080] =	vst v63  }
0x20d: {  	v3 =	vadd.s32 v1, v3  }
0x20e: {  	[tilespmem:s23], [sflag:$0x1] =	stream.indirect_vreg.gather [hbm4b:s7+s13], $0x80, v6, vm0, $0xb8;
	[tilespmem:$0x9080] =	vst v63  }
0x20f: {  	_ = 	snop  }
0x210: {  	[tilespmem:s24], [sflag:$0x1] =	stream.indirect_vreg.gather [hbm4b:s8+s13], $0x80, v6, vm0, $0xb8;
	[tilespmem:$0x9080] =	vst v63  }
0x211: {  	_ = 	snop  }
0x212: {  	[tilespmem:s25], [sflag:$0x1] =	stream.indirect_vreg.gather [hbm4b:s1+s13], $0x80, v3, vm0, $0xb8;
	[tilespmem:$0x9080] =	vst v63  }
0x213: {  	_ = 	snop  }
0x214: {  	[tilespmem:s26], [sflag:$0x1] =	stream.indirect_vreg.gather [hbm4b:s6+s13], $0x80, v3, vm0, $0xb8;
	[tilespmem:$0x9080] =	vst v63  }
0x215: {  	_ = 	snop  }
0x216: {  	[tilespmem:s28], [sflag:$0x1] =	stream.indirect_vreg.gather [hbm4b:s7+s13], $0x80, v3, vm0, $0xb8;
	[tilespmem:$0x9080] =	vst v63  }
0x217: {  	_ = 	snop  }
0x218: {  	[tilespmem:s29], [sflag:$0x1] =	stream.indirect_vreg.gather [hbm4b:s8+s13], $0x80, v3, vm0, $0xb8;
	[tilespmem:$0x9080] =	vst v63  }
0x219: {  	v3 =	vld [tilespmem:$0x10];
	_ =	sdelay $0x4  }
0x21a: {  	v63 =	vshll.u32 v3, $0x3  }
0x21b: {  	v3 =	vand.u32 $0x7, v3;
	v4 =	vand.u32 $0xFFFFFFC0, v63  }
0x21c: {  	v3 =	vor.u32 v3, v4  }
0x21d: {  	v4 =	vperm.xlane v3, v0;
	_ =	sdelay $0x1  }
0x21e: {  	v4 =	vadd.s32 v1, v4;
	_ =	sdelay $0x4  }
0x21f: {  	[tilespmem:s30], [sflag:$0x1] =	stream.indirect_vreg.gather [hbm4b:s1+s13], $0x80, v4, vm0, $0xb8;
	[tilespmem:$0x9080] =	vst v63  }
0x220: {  	v3 =	vperm.xlane v3, v2  }
0x221: {  	[tilespmem:s31], [sflag:$0x1] =	stream.indirect_vreg.gather [hbm4b:s6+s13], $0x80, v4, vm0, $0xb8;
	[tilespmem:$0x9080] =	vst v63  }
0x222: {  	v3 =	vadd.s32 v1, v3  }
0x223: {  	[tilespmem:s0], [sflag:$0x1] =	stream.indirect_vreg.gather [hbm4b:s7+s13], $0x80, v4, vm0, $0xb8;
	[tilespmem:$0x9080] =	vst v63  }
0x224: {  	_ = 	snop  }
0x225: {  	[tilespmem:s3], [sflag:$0x1] =	stream.indirect_vreg.gather [hbm4b:s8+s13], $0x80, v4, vm0, $0xb8;
	[tilespmem:$0x9080] =	vst v63  }
0x226: {  	_ = 	snop  }
0x227: {  	[tilespmem:s4], [sflag:$0x1] =	stream.indirect_vreg.gather [hbm4b:s1+s13], $0x80, v3, vm0, $0xb8;
	[tilespmem:$0x9080] =	vst v63  }
0x228: {  	_ = 	snop  }
0x229: {  	[tilespmem:s5], [sflag:$0x1] =	stream.indirect_vreg.gather [hbm4b:s6+s13], $0x80, v3, vm0, $0xb8;
	[tilespmem:$0x9080] =	vst v63  }
0x22a: {  	_ = 	snop  }
0x22b: {  	[tilespmem:s9], [sflag:$0x1] =	stream.indirect_vreg.gather [hbm4b:s7+s13], $0x80, v3, vm0, $0xb8;
	[tilespmem:$0x9080] =	vst v63  }
0x22c: {  	_ = 	snop  }
0x22d: {  	[tilespmem:s10], [sflag:$0x1] =	stream.indirect_vreg.gather [hbm4b:s8+s13], $0x80, v3, vm0, $0xb8;
	[tilespmem:$0x9080] =	vst v63  }
0x22e: {  	_ =	swait.ge [sflag:s11], $0x8000  }
0x22f: {  	s16 =	simm.s32 $0x0;
	[sflag:s11] =	ssyncset.done $0x0  }
0x230: {  	s17 =	simm.s32 $0x0;
	s15 =	simm.s32 $0xFFFF8000;
	[sflag:s11] =	ssyncadd.s32 $0xFFFF8000  }
.LBB2_8:
0x231: {  	s18 =	sadd.s32 $0x8000, s15  }
0x232: {  	s19 =	sand.u32 $0x380, s17;
	s18 =	sand.u32 $0x6000, s18  }
0x233: {  	v3 =	vld [tilespmem:s14+$0x0];
	s18 =	sor.u32 s19, s18  }
0x234: {  	v4 =	vld [tilespmem:s18+$0x1080]  }
0x235: {  	v5 =	vld [tilespmem:s18+$0x1090]  }
0x236: {  	v6 =	vld [tilespmem:s18+$0x10A0]  }
0x237: {  	v7 =	vld [tilespmem:s18+$0x10B0]  }
0x238: {  	v8 =	vld [tilespmem:s18+$0x10D0]  }
0x239: {  	v9 =	vld [tilespmem:s18+$0x10E0];
	v4 =	vmul.f32 v4, v3  }
0x23a: {  	v10 =	vld [tilespmem:s18+$0x10F0];
	v5 =	vmul.f32 v5, v3  }
0x23b: {  	v19 =	vld [tilespmem:s18+$0x1480];
	v18 =	vmul.f32 v6, v3;
	[tilespmem:s18+$0x1080] =	vst v4  }
0x23c: {  	v21 =	vld [tilespmem:s18+$0x1490];
	v20 =	vmul.f32 v7, v3;
	[tilespmem:s18+$0x1090] =	vst v5  }
0x23d: {  	v23 =	vld [tilespmem:s18+$0x14A0];
	v22 =	vmul.f32 v8, v3;
	[tilespmem:s18+$0x10A0] =	vst v18  }
0x23e: {  	v25 =	vld [tilespmem:s18+$0x14B0];
	v24 =	vmul.f32 v9, v3;
	[tilespmem:s18+$0x10B0] =	vst v20  }
0x23f: {  	v27 =	vld [tilespmem:s18+$0x14D0];
	v26 =	vmul.f32 v10, v3;
	[tilespmem:s18+$0x10D0] =	vst v22  }
0x240: {  	v29 =	vld [tilespmem:s18+$0x14E0];
	v28 =	vmul.f32 v19, v3;
	[tilespmem:s18+$0x10E0] =	vst v24  }
0x241: {  	v31 =	vld [tilespmem:s18+$0x14F0];
	v30 =	vmul.f32 v21, v3;
	[tilespmem:s18+$0x10F0] =	vst v26  }
0x242: {  	v33 =	vld [tilespmem:s18+$0x1880];
	v32 =	vmul.f32 v23, v3;
	[tilespmem:s18+$0x1480] =	vst v28  }
0x243: {  	v35 =	vld [tilespmem:s18+$0x1890];
	v34 =	vmul.f32 v25, v3;
	[tilespmem:s18+$0x1490] =	vst v30  }
0x244: {  	v37 =	vld [tilespmem:s18+$0x18A0];
	v36 =	vmul.f32 v27, v3;
	[tilespmem:s18+$0x14A0] =	vst v32  }
0x245: {  	v39 =	vld [tilespmem:s18+$0x18B0];
	v38 =	vmul.f32 v29, v3;
	[tilespmem:s18+$0x14B0] =	vst v34  }
0x246: {  	v41 =	vld [tilespmem:s18+$0x18D0];
	v40 =	vmul.f32 v31, v3;
	[tilespmem:s18+$0x14D0] =	vst v36  }
0x247: {  	v43 =	vld [tilespmem:s18+$0x18E0];
	v42 =	vmul.f32 v33, v3;
	[tilespmem:s18+$0x14E0] =	vst v38  }
0x248: {  	v45 =	vld [tilespmem:s18+$0x18F0];
	v44 =	vmul.f32 v35, v3;
	[tilespmem:s18+$0x14F0] =	vst v40  }
0x249: {  	v47 =	vld [tilespmem:s18+$0x1C80];
	v46 =	vmul.f32 v37, v3;
	[tilespmem:s18+$0x1880] =	vst v42  }
0x24a: {  	v49 =	vld [tilespmem:s18+$0x1C90];
	v48 =	vmul.f32 v39, v3;
	[tilespmem:s18+$0x1890] =	vst v44  }
0x24b: {  	v51 =	vld [tilespmem:s18+$0x1CA0];
	v50 =	vmul.f32 v41, v3;
	[tilespmem:s18+$0x18A0] =	vst v46  }
0x24c: {  	v53 =	vld [tilespmem:s18+$0x1CB0];
	v52 =	vmul.f32 v43, v3;
	[tilespmem:s18+$0x18B0] =	vst v48  }
0x24d: {  	v55 =	vld [tilespmem:s18+$0x1CD0];
	v54 =	vmul.f32 v45, v3;
	[tilespmem:s18+$0x18D0] =	vst v50  }
0x24e: {  	v57 =	vld [tilespmem:s18+$0x1CE0];
	v56 =	vmul.f32 v47, v3;
	[tilespmem:s18+$0x18E0] =	vst v52  }
0x24f: {  	v59 =	vld [tilespmem:s18+$0x1CF0];
	v58 =	vmul.f32 v49, v3;
	[tilespmem:s18+$0x18F0] =	vst v54  }
0x250: {  	v61 =	vld [tilespmem:s18+$0x2080];
	v60 =	vmul.f32 v51, v3;
	[tilespmem:s18+$0x1C80] =	vst v56  }
0x251: {  	v63 =	vld [tilespmem:s18+$0x2090];
	v62 =	vmul.f32 v53, v3;
	[tilespmem:s18+$0x1C90] =	vst v58  }
0x252: {  	v13 =	vld [tilespmem:s18+$0x20A0];
	v12 =	vmul.f32 v55, v3;
	[tilespmem:s18+$0x1CA0] =	vst v60  }
0x253: {  	v15 =	vld [tilespmem:s18+$0x20B0];
	v14 =	vmul.f32 v57, v3;
	[tilespmem:s18+$0x1CB0] =	vst v62  }
0x254: {  	v17 =	vld [tilespmem:s18+$0x20D0];
	v16 =	vmul.f32 v59, v3;
	[tilespmem:s18+$0x1CD0] =	vst v12  }
0x255: {  	v19 =	vld [tilespmem:s18+$0x20E0];
	[tilespmem:s18+$0x1CE0] =	vst v14;
	v18 =	vmul.f32 v61, v3  }
0x256: {  	v21 =	vld [tilespmem:s18+$0x20F0];
	[tilespmem:s18+$0x1CF0] =	vst v16;
	v20 =	vmul.f32 v63, v3  }
0x257: {  	v23 =	vld [tilespmem:s18+$0x2480];
	v22 =	vmul.f32 v13, v3;
	[tilespmem:s18+$0x2080] =	vst v18  }
0x258: {  	v25 =	vld [tilespmem:s18+$0x2490];
	v24 =	vmul.f32 v15, v3;
	[tilespmem:s18+$0x2090] =	vst v20  }
0x259: {  	v27 =	vld [tilespmem:s18+$0x24A0];
	v26 =	vmul.f32 v17, v3;
	[tilespmem:s18+$0x20A0] =	vst v22  }
0x25a: {  	v29 =	vld [tilespmem:s18+$0x24B0];
	[tilespmem:s18+$0x20B0] =	vst v24;
	v28 =	vmul.f32 v19, v3  }
0x25b: {  	v31 =	vld [tilespmem:s18+$0x24D0];
	[tilespmem:s18+$0x20D0] =	vst v26;
	v30 =	vmul.f32 v21, v3  }
0x25c: {  	v33 =	vld [tilespmem:s18+$0x24E0];
	v32 =	vmul.f32 v23, v3;
	[tilespmem:s18+$0x20E0] =	vst v28  }
0x25d: {  	v35 =	vld [tilespmem:s18+$0x24F0];
	v34 =	vmul.f32 v25, v3;
	[tilespmem:s18+$0x20F0] =	vst v30  }
0x25e: {  	v37 =	vld [tilespmem:s18+$0x2880];
	v36 =	vmul.f32 v27, v3;
	[tilespmem:s18+$0x2480] =	vst v32  }
0x25f: {  	v39 =	vld [tilespmem:s18+$0x2890];
	v38 =	vmul.f32 v29, v3;
	[tilespmem:s18+$0x2490] =	vst v34  }
0x260: {  	v41 =	vld [tilespmem:s18+$0x28A0];
	v40 =	vmul.f32 v31, v3;
	[tilespmem:s18+$0x24A0] =	vst v36  }
0x261: {  	v43 =	vld [tilespmem:s18+$0x28B0];
	v42 =	vmul.f32 v33, v3;
	[tilespmem:s18+$0x24B0] =	vst v38  }
0x262: {  	v45 =	vld [tilespmem:s18+$0x28D0];
	v44 =	vmul.f32 v35, v3;
	[tilespmem:s18+$0x24D0] =	vst v40  }
0x263: {  	v47 =	vld [tilespmem:s18+$0x28E0];
	v46 =	vmul.f32 v37, v3;
	[tilespmem:s18+$0x24E0] =	vst v42  }
0x264: {  	v49 =	vld [tilespmem:s18+$0x28F0];
	v48 =	vmul.f32 v39, v3;
	[tilespmem:s18+$0x24F0] =	vst v44  }
0x265: {  	v51 =	vld [tilespmem:s18+$0x14C0];
	v8 =	vmul.f32 v41, v3;
	[tilespmem:s18+$0x2880] =	vst v46  }
0x266: {  	v53 =	vld [tilespmem:s18+$0x1CC0];
	v9 =	vmul.f32 v43, v3;
	[tilespmem:s18+$0x2890] =	vst v48  }
0x267: {  	v55 =	vld [tilespmem:s18+$0x24C0];
	v10 =	vmul.f32 v45, v3;
	[tilespmem:s18+$0x28A0] =	vst v8  }
0x268: {  	s22 =	sand.u32 $0x7, s13;
	v50 =	vld [tilespmem:s18+$0x10C0];
	v6 =	vmul.f32 v47, v3;
	[tilespmem:s18+$0x28B0] =	vst v9  }
0x269: {  	s19 =	sshll.u32 s22, $0x7;
	v52 =	vld [tilespmem:s18+$0x18C0];
	v7 =	vmul.f32 v49, v3;
	[tilespmem:s18+$0x28D0] =	vst v10  }
0x26a: {  	s19 =	sadd.s32 s19, s16;
	v54 =	vld [tilespmem:s18+$0x20C0];
	v5 =	vmul.f32 v51, v3;
	[tilespmem:s18+$0x28E0] =	vst v6  }
0x26b: {  	s22 =	sor.u32 $0x1C00, s19;
	v56 =	vld [tilespmem:s18+$0x28C0];
	v59 =	vmul.f32 v53, v3;
	[tilespmem:s18+$0x28F0] =	vst v7  }
0x26c: {  	v61 =	vmul.f32 v55, v3;
	[tilespmem:s18+$0x14C0] =	vst v5;
	v58 =	vld [tilespmem:s22+$0x1080]  }
0x26d: {  	v4 =	vmul.f32 v50, v3;
	[tilespmem:s18+$0x1CC0] =	vst v59  }
0x26e: {  	v57 =	vmul.f32 v52, v3;
	[tilespmem:s18+$0x24C0] =	vst v61  }
0x26f: {  	v60 =	vmul.f32 v54, v3;
	[tilespmem:s18+$0x10C0] =	vst v4  }
0x270: {  	v62 =	vmul.f32 v56, v3;
	[tilespmem:s18+$0x18C0] =	vst v57  }
0x271: {  	[tilespmem:s18+$0x20C0] =	vst v60;
	v63 =	vmul.f32 v58, v3  }
0x272: {  	[tilespmem:s18+$0x28C0] =	vst v62  }
0x273: {  	[tilespmem:s22+$0x1080] =	vst v63;
	s22 =	sor.u32 $0x1C10, s19  }
0x274: {  	v4 =	vld [tilespmem:s22+$0x1080];
	_ =	sdelay $0x4  }
0x275: {  	v4 =	vmul.f32 v4, v3;
	_ =	sdelay $0x1  }
0x276: {  	[tilespmem:s22+$0x1080] =	vst v4;
	s22 =	sor.u32 $0x1C20, s19  }
0x277: {  	v4 =	vld [tilespmem:s22+$0x1080];
	_ =	sdelay $0x4  }
0x278: {  	v4 =	vmul.f32 v4, v3;
	_ =	sdelay $0x1  }
0x279: {  	[tilespmem:s22+$0x1080] =	vst v4;
	s22 =	sor.u32 $0x1C30, s19  }
0x27a: {  	v4 =	vld [tilespmem:s22+$0x1080];
	_ =	sdelay $0x4  }
0x27b: {  	v4 =	vmul.f32 v4, v3;
	_ =	sdelay $0x1  }
0x27c: {  	[tilespmem:s22+$0x1080] =	vst v4;
	s22 =	sor.u32 $0x1C40, s19  }
0x27d: {  	v4 =	vld [tilespmem:s22+$0x1080];
	_ =	sdelay $0x4  }
0x27e: {  	v4 =	vmul.f32 v4, v3;
	_ =	sdelay $0x1  }
0x27f: {  	[tilespmem:s22+$0x1080] =	vst v4;
	s22 =	sor.u32 $0x1C50, s19  }
0x280: {  	v4 =	vld [tilespmem:s22+$0x1080];
	_ =	sdelay $0x4  }
0x281: {  	v4 =	vmul.f32 v4, v3;
	_ =	sdelay $0x1  }
0x282: {  	[tilespmem:s22+$0x1080] =	vst v4;
	s22 =	sor.u32 $0x1C60, s19  }
0x283: {  	v4 =	vld [tilespmem:s22+$0x1080];
	_ =	sdelay $0x4  }
0x284: {  	v4 =	vmul.f32 v4, v3;
	_ =	sdelay $0x1  }
0x285: {  	[tilespmem:s22+$0x1080] =	vst v4;
	s22 =	sor.u32 $0x1C70, s19  }
0x286: {  	v4 =	vld [tilespmem:s22+$0x1080];
	_ =	sdelay $0x1  }
0x287: {  	p0 =	sne.s32 s17, $0xF80  }
.Ltmp3:
0x288: {  	_ = 	snop;
	(pc) =	sbr.rel @p0 .LBB2_8-.Ltmp3, $4  }
0x289: {  	_ = 	snop  }
0x28a: {  	v3 =	vmul.f32 v4, v3  }
0x28b: {  	s13 =	sadd.s32 $0x1, s13;
	s15 =	sadd.s32 $0x400, s15  }
0x28c: {  	s14 =	sadd.s32 $0x80, s14;
	s17 =	sadd.s32 $0x80, s17;
	s16 =	sadd.s32 $0x400, s16;
	[tilespmem:s22+$0x1080] =	vst v3  }
0x28d: {  	s13 =	rddreg [dreg:$0xf]  }
0x28e: {  	[hbm4b:s13+s2] =	stream.linear.scatter [tilespmem:s21], [sflag:$0x2], $0x8000, $0x38;
	[tilespmem:$0x9080] =	vst v63  }
0x28f: {  	_ =	swait.ge [sflag:s20], $0x8000  }
0x290: {  	s12 =	sadd.s32 $0x1, s12;
	s22 =	rddreg [dreg:$0x10]  }
0x291: {  	p0 =	sne.s32 s12, s22  }
.Ltmp4:
0x292: {  	_ = 	snop;
	(pc) =	sbr.rel @p0 .LBB2_1-.Ltmp4, $3  }
0x293: {  	_ =	sdelay $0x1  }
0x294: {  	[sflag:s20] =	ssyncset.done $0x0  }
0x295: {  	[sflag:s20] =	ssyncadd.s32 $0xFFFF8000  }
0x296: {  	_ =	sfence.sel $0x180000  }
0x297: {  	[bflag:$0x0] =	sbarrier.arrive $0xFFFF  }
0x298: {  	_ =	strace $0x90000047  }
0x299: {  	s0 =	stileid.u32;
	[bflag:$0x2] =	sbarrier.arrive $0xFFFF  }
0x29a: {  	p0 =	sne.s32 s0, $0x0;
	s0 =	rddreg [dreg:$0x3]  }
0x29b: {  	s0 =	sadd.s32 @!p0 $0x100000, s0  }
0x29c: {  	[sflag:s0] =	ssyncadd.tile.s32 @!p0 $0x1;
	_ =	shalt  }
.Lfunc_end2:
_tile_overlayer_lowered:
.L_overlay_start_2:
0x29d: {  	(tag) =	ssettag $0x2  }
0x29e: {  	s0 =	rddreg [dreg:$0x0];
	s2 =	stileid.u32  }
0x29f: {  	s1 =	rddreg [dreg:$0x1];
	p0 =	sne.s32 s2, $0x0  }
0x2a0: {  	s3 =	rddreg [dreg:$0x2];
	[bflag:$0x3] =	sbarrier.arrive $0xFFFF;
	s2 =	simm.s32 @!p0 $0x1C02  }
0x2a1: {  	[timem:s3], [sflag:s2] =	dma.local @!p0 [hbm:s0], s1  }
0x2a2: {  	s0 =	simm.s32 @!p0 $0x2  }
0x2a3: {  	_ =	swait.ge @!p0 [sflag:s0], s1  }
0x2a4: {  	s1 =	ssub.s32 @!p0 $0x0, s1;
	[sflag:s0] =	ssyncset.done @!p0 $0x0  }
0x2a5: {  	[sflag:s0] =	ssyncadd.s32 @!p0 s1  }
0x2a6: {  	[bflag:$0x3] =	sbarrier.arrive $0xFFFF  }
0x2a7: {  	_ =	shalt  }

</sc_bundles>
